<compile_context>
chip_gen: v7x
topology: tpu7x:2x2x1
jax: 0.10.2.dev20260603
libtpu: 0.0.44.dev20260713+nightly
codegen_flags: <defaults>
</compile_context>

<pallas_src>
import jax
import jax.numpy as jnp
from jax import lax
from jax.experimental import pallas as pl
from jax.experimental.pallas import tpu as pltpu
from jax.experimental.pallas import tpu_sc as plsc

BATCH = 16384
EMBED = 64
LANES = 16
N_PER = BATCH // 32
WAVE = 16
N_WAVES = N_PER // WAVE
BCHUNK = 128


def _sc_body(uidx_hbm, iidx_hbm, emb_hbm, ubias_hbm, ibias_hbm, ob_hbm,
             out_hbm,
             uidx_v, iidx_v, u_blk, v_blk,
             ub_v, ib_v, ob_v, out_v, bias_sem, usems, vsems):
  nc = 2
  wid = lax.axis_index("s") * nc + lax.axis_index("c")
  base = wid * N_PER

  pltpu.sync_copy(uidx_hbm.at[pl.ds(base, N_PER)], uidx_v)
  pltpu.sync_copy(iidx_hbm.at[pl.ds(base, N_PER)], iidx_v)
  pltpu.sync_copy(ob_hbm, ob_v)

  for c in range(N_PER // BCHUNK):
    sl = pl.ds(c * BCHUNK, BCHUNK)
    pltpu.make_async_copy(ubias_hbm.at[0].at[uidx_v.at[sl]], ub_v.at[sl],
                          bias_sem).start()
    pltpu.make_async_copy(ibias_hbm.at[0].at[iidx_v.at[sl]], ib_v.at[sl],
                          bias_sem).start()

  def fire(w, buf):
    sl = pl.ds(w * WAVE, WAVE)
    uq = lax.shift_right_logical(uidx_v[sl], 3) * 8
    iq = lax.shift_right_logical(iidx_v[sl], 3) * 8
    for j in range(WAVE):
      rqu = pl.multiple_of(uq[j], 8)
      rqi = pl.multiple_of(iq[j], 8)
      pltpu.make_async_copy(emb_hbm.at[pl.ds(rqu, 8)], u_blk.at[buf, j],
                            usems.at[buf]).start()
      pltpu.make_async_copy(emb_hbm.at[pl.ds(rqi, 8)], v_blk.at[buf, j],
                            vsems.at[buf]).start()

  def wait(buf):
    def lp(j, _):
      pltpu.make_async_copy(emb_hbm.at[pl.ds(0, 8)], u_blk.at[buf, j],
                            usems.at[buf]).wait()
      pltpu.make_async_copy(emb_hbm.at[pl.ds(0, 8)], v_blk.at[buf, j],
                            vsems.at[buf]).wait()
      return 0

    lax.fori_loop(0, WAVE, lp, 0)

  lane = lax.iota(jnp.int32, LANES)

  def compute(w, buf):
    def group_body(g, _):
      sl = pl.ds(w * WAVE + g * LANES, LANES)
      blk = g * LANES + lane
      usub = uidx_v[sl] & 7
      isub = iidx_v[sl] & 7
      acc = jnp.zeros((LANES,), jnp.float32)

      def f_body(f, acc):
        cols = jnp.zeros((LANES,), jnp.int32) + f
        u = plsc.load_gather(u_blk.at[buf], [blk, usub, cols])
        v = plsc.load_gather(v_blk.at[buf], [blk, isub, cols])
        return acc + u * v

      acc = lax.fori_loop(0, EMBED, f_body, acc, unroll=8)
      out_v[sl] = acc
      return 0

    lax.fori_loop(0, WAVE // LANES, group_body, 0)

  fire(0, 0)
  fire(1, 1)

  def wave_body(w, _):
    @pl.when(w + 2 < N_WAVES)
    def _():
      fire(w + 2, (w + 2) % 3)
    wait(w % 3)
    compute(w, w % 3)
    return 0

  lax.fori_loop(0, N_WAVES, wave_body, 0)

  for c in range(N_PER // BCHUNK):
    sl = pl.ds(c * BCHUNK, BCHUNK)
    pltpu.make_async_copy(ubias_hbm.at[0].at[uidx_v.at[sl]], ub_v.at[sl],
                          bias_sem).wait()
    pltpu.make_async_copy(ibias_hbm.at[0].at[iidx_v.at[sl]], ib_v.at[sl],
                          bias_sem).wait()
  ob = ob_v[...]

  def bias_body(j, _):
    sl = pl.ds(j * LANES, LANES)
    out_v[sl] = out_v[sl] + ub_v[sl] + ib_v[sl] + ob
    return 0

  lax.fori_loop(0, N_PER // LANES, bias_body, 0)

  pltpu.sync_copy(out_v, out_hbm.at[pl.ds(base, N_PER)])


@jax.jit
def _run(uidx, iidx, emb, ubias2, ibias2, ob16):
  mesh = plsc.VectorSubcoreMesh(core_axis_name="c", subcore_axis_name="s")
  f = pl.kernel(
      _sc_body,
      out_type=jax.ShapeDtypeStruct((BATCH,), jnp.float32),
      mesh=mesh,
      scratch_types=[
          pltpu.VMEM((N_PER,), jnp.int32),
          pltpu.VMEM((N_PER,), jnp.int32),
          pltpu.VMEM((3, WAVE, 8, EMBED), jnp.float32),
          pltpu.VMEM((3, WAVE, 8, EMBED), jnp.float32),
          pltpu.VMEM((N_PER,), jnp.float32),
          pltpu.VMEM((N_PER,), jnp.float32),
          pltpu.VMEM((LANES,), jnp.float32),
          pltpu.VMEM((N_PER,), jnp.float32),
          pltpu.SemaphoreType.DMA,
          pltpu.SemaphoreType.DMA((3,)),
          pltpu.SemaphoreType.DMA((3,)),
      ],
      compiler_params=pltpu.CompilerParams(
          needs_layout_passes=False, use_tc_tiling_on_sc=True),
  )
  return f(uidx, iidx, emb, ubias2, ibias2, ob16)


def kernel(user_idx, item_idx, userEmbd, userBias, itemBias, overall_bias):
  uidx = user_idx.astype(jnp.int32)
  iidx = item_idx.astype(jnp.int32)
  ubias2 = userBias.T
  ibias2 = itemBias.T
  ob16 = jnp.broadcast_to(overall_bias.astype(jnp.float32), (LANES,))
  return _run(uidx, iidx, userEmbd, ubias2, ibias2, ob16)

# --- scband reference (transcript-rebuilt; emitter-appended) ---
"""Pipeline reference for scband-bias-svd-28260884808395 (READ-ONLY COPY).

The authoritative reference and input builder live on the scoring server;
editing this copy changes nothing except your own understanding.
"""

import jax, jax.numpy as jnp
import numpy as np

USER_NUM = 1000000
ITEM_NUM = 1000000
EMBED_SIZE = 64
BATCH = 16384

def setup_inputs(seed: int = 0) -> dict:
    key = jax.random.key(seed)
    k1, k2, k3, k4, k5, k6 = jax.random.split(key, 6)
    user_idx = jax.random.randint(k1, (BATCH,), 0, USER_NUM, dtype=jnp.int64) if jax.config.jax_enable_x64 else jax.random.randint(k1, (BATCH,), 0, USER_NUM, dtype=jnp.int32)
    item_idx = jax.random.randint(k2, (BATCH,), 0, ITEM_NUM, dtype=user_idx.dtype)
    userEmbd = jax.random.normal(k3, (USER_NUM, EMBED_SIZE), dtype=jnp.float32)
    userBias = jax.random.normal(k4, (USER_NUM, 1), dtype=jnp.float32)
    itemBias = jax.random.normal(k5, (ITEM_NUM, 1), dtype=jnp.float32)
    overall_bias = jnp.zeros((1,), dtype=jnp.float32)
    return {"user_idx": user_idx, "item_idx": item_idx, "userEmbd": userEmbd, "userBias": userBias, "itemBias": itemBias, "overall_bias": overall_bias}

def reference(user_idx, item_idx, userEmbd, userBias, itemBias, overall_bias):
    # Faithful to original: item embedding is looked up from userEmbd (as in source code)
    user_embedding = jnp.take(userEmbd, user_idx, axis=0)
    item_embedding = jnp.take(userEmbd, item_idx, axis=0)
    user_bias = jnp.take(userBias, user_idx, axis=0)
    item_bias = jnp.take(itemBias, item_idx, axis=0)
    bias = user_bias + item_bias + overall_bias
    predictions = jnp.sum(user_embedding * item_embedding, axis=1) + bias.reshape(-1)
    return predictions

if __name__ == "__main__":
    import jax
    _d = setup_inputs()
    print(jax.jit(kernel)(*tuple(_d.values())))

</pallas_src>

<mosaic_0001>
#map = affine_map<(d0, d1) -> (0)>
#map1 = affine_map<(d0, d1) -> (0, 0)>
module attributes {stable_mosaic.version = 14 : i64} {
  func.func @_sc_body(%arg0: i32, %arg1: i32, %arg2: memref<16384xi32, #tpu.memory_space<hbm>>, %arg3: memref<16384xi32, #tpu.memory_space<hbm>>, %arg4: memref<1000000x64xf32, #tpu.memory_space<hbm>>, %arg5: memref<1x1000000xf32, #tpu.memory_space<hbm>>, %arg6: memref<1x1000000xf32, #tpu.memory_space<hbm>>, %arg7: memref<16xf32, #tpu.memory_space<hbm>>, %arg8: memref<16384xf32, #tpu.memory_space<hbm>>, %arg9: memref<512xi32, #tpu.memory_space<vmem>>, %arg10: memref<512xi32, #tpu.memory_space<vmem>>, %arg11: memref<3x16x8x64xf32, #tpu.memory_space<vmem>>, %arg12: memref<3x16x8x64xf32, #tpu.memory_space<vmem>>, %arg13: memref<512xf32, #tpu.memory_space<vmem>>, %arg14: memref<512xf32, #tpu.memory_space<vmem>>, %arg15: memref<16xf32, #tpu.memory_space<vmem>>, %arg16: memref<512xf32, #tpu.memory_space<vmem>>, %arg17: memref<!tpu.dma_semaphore, #tpu.memory_space<semaphore_mem>>, %arg18: memref<3x!tpu.dma_semaphore, #tpu.memory_space<semaphore_mem>>, %arg19: memref<3x!tpu.dma_semaphore, #tpu.memory_space<semaphore_mem>>) attributes {dimension_semantics = [#tpu.dimension_semantics<core_parallel>, #tpu.dimension_semantics<subcore_parallel>], iteration_bounds = array<i64: 2, 16>, scalar_prefetch = 0 : i64, scratch_operands = 11 : i64, tpu.core_type = #tpu.core_type<sc_vector_subcore>, window_params = [{transform_indices = #map}, {transform_indices = #map}, {transform_indices = #map1}, {transform_indices = #map1}, {transform_indices = #map1}, {transform_indices = #map}, {transform_indices = #map}]} {
    %mul3A = arith.constant 2 : i32
    %mul3A_0 = arith.muli %arg1, %mul3A : i32
    %add3A = arith.addi %mul3A_0, %arg0 : i32
    %mul3A_1 = arith.constant 512 : i32
    %mul3A_2 = arith.muli %add3A, %mul3A_1 : i32
    "tpu.region"() ({
      %run_scoped3A = tpu.sem_alloc : memref<!tpu.dma_semaphore, #tpu.memory_space<semaphore_mem>>
      %dma_start3A_1483 = tpu.memref_slice %arg2[%mul3A_2] : memref<16384xi32, #tpu.memory_space<hbm>> -> memref<512xi32, #tpu.memory_space<hbm>>
      %dma_start3A_1484 = tpu.memref_slice %arg2[%mul3A_2] : memref<16384xi32, #tpu.memory_space<hbm>> -> memref<512xi32, #tpu.memory_space<hbm>>
      tpu.enqueue_dma source(%dma_start3A_1484 : memref<512xi32, #tpu.memory_space<hbm>>) target(%arg9 : memref<512xi32, #tpu.memory_space<vmem>>) target_semaphore(%run_scoped3A : memref<!tpu.dma_semaphore, #tpu.memory_space<semaphore_mem>>)
      %dma_wait3A_1485 = tpu.memref_slice %arg2[%mul3A_2] : memref<16384xi32, #tpu.memory_space<hbm>> -> memref<512xi32, #tpu.memory_space<hbm>>
      %dma_wait3A_1486 = tpu.memref_slice %arg2[%mul3A_2] : memref<16384xi32, #tpu.memory_space<hbm>> -> memref<512xi32, #tpu.memory_space<hbm>>
      tpu.wait_dma2 semaphore(%run_scoped3A : memref<!tpu.dma_semaphore, #tpu.memory_space<semaphore_mem>>) src(%dma_wait3A_1486 : memref<512xi32, #tpu.memory_space<hbm>>) dst(%arg9 : memref<512xi32, #tpu.memory_space<vmem>>)
      tpu.yield
    }) : () -> ()
    "tpu.region"() ({
      %run_scoped3A = tpu.sem_alloc : memref<!tpu.dma_semaphore, #tpu.memory_space<semaphore_mem>>
      %dma_start3A_1483 = tpu.memref_slice %arg3[%mul3A_2] : memref<16384xi32, #tpu.memory_space<hbm>> -> memref<512xi32, #tpu.memory_space<hbm>>
      %dma_start3A_1484 = tpu.memref_slice %arg3[%mul3A_2] : memref<16384xi32, #tpu.memory_space<hbm>> -> memref<512xi32, #tpu.memory_space<hbm>>
      tpu.enqueue_dma source(%dma_start3A_1484 : memref<512xi32, #tpu.memory_space<hbm>>) target(%arg10 : memref<512xi32, #tpu.memory_space<vmem>>) target_semaphore(%run_scoped3A : memref<!tpu.dma_semaphore, #tpu.memory_space<semaphore_mem>>)
      %dma_wait3A_1485 = tpu.memref_slice %arg3[%mul3A_2] : memref<16384xi32, #tpu.memory_space<hbm>> -> memref<512xi32, #tpu.memory_space<hbm>>
      %dma_wait3A_1486 = tpu.memref_slice %arg3[%mul3A_2] : memref<16384xi32, #tpu.memory_space<hbm>> -> memref<512xi32, #tpu.memory_space<hbm>>
      tpu.wait_dma2 semaphore(%run_scoped3A : memref<!tpu.dma_semaphore, #tpu.memory_space<semaphore_mem>>) src(%dma_wait3A_1486 : memref<512xi32, #tpu.memory_space<hbm>>) dst(%arg10 : memref<512xi32, #tpu.memory_space<vmem>>)
      tpu.yield
    }) : () -> ()
    "tpu.region"() ({
      %run_scoped3A = tpu.sem_alloc : memref<!tpu.dma_semaphore, #tpu.memory_space<semaphore_mem>>
      tpu.enqueue_dma source(%arg7 : memref<16xf32, #tpu.memory_space<hbm>>) target(%arg15 : memref<16xf32, #tpu.memory_space<vmem>>) target_semaphore(%run_scoped3A : memref<!tpu.dma_semaphore, #tpu.memory_space<semaphore_mem>>)
      tpu.wait_dma2 semaphore(%run_scoped3A : memref<!tpu.dma_semaphore, #tpu.memory_space<semaphore_mem>>) src(%arg7 : memref<16xf32, #tpu.memory_space<hbm>>) dst(%arg15 : memref<16xf32, #tpu.memory_space<vmem>>)
      tpu.yield
    }) : () -> ()
    %dma_start3A = arith.constant 0 : i32
    %dma_start3A_3 = arith.constant 0 : i32
    %dma_start3A_4 = tpu.memref_slice %arg13[%dma_start3A_3] : memref<512xf32, #tpu.memory_space<vmem>> -> memref<128xf32, #tpu.memory_space<vmem>>
    %dma_start3A_5 = arith.constant 0 : i32
    %dma_start3A_6 = tpu.memref_slice %arg9[%dma_start3A_5] : memref<512xi32, #tpu.memory_space<vmem>> -> memref<128xi32, #tpu.memory_space<vmem>>
    %dma_start3A_7 = arith.constant 0 : i32
    %dma_start3A_8 = tpu.memref_slice %arg5[%dma_start3A, %dma_start3A_7] : memref<1x1000000xf32, #tpu.memory_space<hbm>> -> memref<1x1000000xf32, #tpu.memory_space<hbm>>
    %dma_start3A_9 = tpu.memref_squeeze %dma_start3A_8 : memref<1x1000000xf32, #tpu.memory_space<hbm>> -> memref<1000000xf32, #tpu.memory_space<hbm>>
    %dma_start3A_10 = arith.constant 0 : i32
    %dma_start3A_11 = tpu.memref_slice %dma_start3A_9[%dma_start3A_10] : memref<1000000xf32, #tpu.memory_space<hbm>> -> memref<1000000xf32, #tpu.memory_space<hbm>>
    tpu.enqueue_indirect_dma source(%dma_start3A_11 : memref<1000000xf32, #tpu.memory_space<hbm>>) target(%dma_start3A_4 : memref<128xf32, #tpu.memory_space<vmem>>) offsets(%dma_start3A_6 : memref<128xi32, #tpu.memory_space<vmem>>) semaphore(%arg17 : memref<!tpu.dma_semaphore, #tpu.memory_space<semaphore_mem>>)
    %dma_start3A_12 = arith.constant 0 : i32
    %dma_start3A_13 = arith.constant 0 : i32
    %dma_start3A_14 = tpu.memref_slice %arg14[%dma_start3A_13] : memref<512xf32, #tpu.memory_space<vmem>> -> memref<128xf32, #tpu.memory_space<vmem>>
    %dma_start3A_15 = arith.constant 0 : i32
    %dma_start3A_16 = tpu.memref_slice %arg10[%dma_start3A_15] : memref<512xi32, #tpu.memory_space<vmem>> -> memref<128xi32, #tpu.memory_space<vmem>>
    %dma_start3A_17 = arith.constant 0 : i32
    %dma_start3A_18 = tpu.memref_slice %arg6[%dma_start3A_12, %dma_start3A_17] : memref<1x1000000xf32, #tpu.memory_space<hbm>> -> memref<1x1000000xf32, #tpu.memory_space<hbm>>
    %dma_start3A_19 = tpu.memref_squeeze %dma_start3A_18 : memref<1x1000000xf32, #tpu.memory_space<hbm>> -> memref<1000000xf32, #tpu.memory_space<hbm>>
    %dma_start3A_20 = arith.constant 0 : i32
    %dma_start3A_21 = tpu.memref_slice %dma_start3A_19[%dma_start3A_20] : memref<1000000xf32, #tpu.memory_space<hbm>> -> memref<1000000xf32, #tpu.memory_space<hbm>>
    tpu.enqueue_indirect_dma source(%dma_start3A_21 : memref<1000000xf32, #tpu.memory_space<hbm>>) target(%dma_start3A_14 : memref<128xf32, #tpu.memory_space<vmem>>) offsets(%dma_start3A_16 : memref<128xi32, #tpu.memory_space<vmem>>) semaphore(%arg17 : memref<!tpu.dma_semaphore, #tpu.memory_space<semaphore_mem>>)
    %dma_start3A_22 = arith.constant 0 : i32
    %dma_start3A_23 = arith.constant 128 : i32
    %dma_start3A_24 = tpu.memref_slice %arg13[%dma_start3A_23] : memref<512xf32, #tpu.memory_space<vmem>> -> memref<128xf32, #tpu.memory_space<vmem>>
    %dma_start3A_25 = arith.constant 128 : i32
    %dma_start3A_26 = tpu.memref_slice %arg9[%dma_start3A_25] : memref<512xi32, #tpu.memory_space<vmem>> -> memref<128xi32, #tpu.memory_space<vmem>>
    %dma_start3A_27 = arith.constant 0 : i32
    %dma_start3A_28 = tpu.memref_slice %arg5[%dma_start3A_22, %dma_start3A_27] : memref<1x1000000xf32, #tpu.memory_space<hbm>> -> memref<1x1000000xf32, #tpu.memory_space<hbm>>
    %dma_start3A_29 = tpu.memref_squeeze %dma_start3A_28 : memref<1x1000000xf32, #tpu.memory_space<hbm>> -> memref<1000000xf32, #tpu.memory_space<hbm>>
    %dma_start3A_30 = arith.constant 0 : i32
    %dma_start3A_31 = tpu.memref_slice %dma_start3A_29[%dma_start3A_30] : memref<1000000xf32, #tpu.memory_space<hbm>> -> memref<1000000xf32, #tpu.memory_space<hbm>>
    tpu.enqueue_indirect_dma source(%dma_start3A_31 : memref<1000000xf32, #tpu.memory_space<hbm>>) target(%dma_start3A_24 : memref<128xf32, #tpu.memory_space<vmem>>) offsets(%dma_start3A_26 : memref<128xi32, #tpu.memory_space<vmem>>) semaphore(%arg17 : memref<!tpu.dma_semaphore, #tpu.memory_space<semaphore_mem>>)
    %dma_start3A_32 = arith.constant 0 : i32
    %dma_start3A_33 = arith.constant 128 : i32
    %dma_start3A_34 = tpu.memref_slice %arg14[%dma_start3A_33] : memref<512xf32, #tpu.memory_space<vmem>> -> memref<128xf32, #tpu.memory_space<vmem>>
    %dma_start3A_35 = arith.constant 128 : i32
    %dma_start3A_36 = tpu.memref_slice %arg10[%dma_start3A_35] : memref<512xi32, #tpu.memory_space<vmem>> -> memref<128xi32, #tpu.memory_space<vmem>>
    %dma_start3A_37 = arith.constant 0 : i32
    %dma_start3A_38 = tpu.memref_slice %arg6[%dma_start3A_32, %dma_start3A_37] : memref<1x1000000xf32, #tpu.memory_space<hbm>> -> memref<1x1000000xf32, #tpu.memory_space<hbm>>
    %dma_start3A_39 = tpu.memref_squeeze %dma_start3A_38 : memref<1x1000000xf32, #tpu.memory_space<hbm>> -> memref<1000000xf32, #tpu.memory_space<hbm>>
    %dma_start3A_40 = arith.constant 0 : i32
    %dma_start3A_41 = tpu.memref_slice %dma_start3A_39[%dma_start3A_40] : memref<1000000xf32, #tpu.memory_space<hbm>> -> memref<1000000xf32, #tpu.memory_space<hbm>>
    tpu.enqueue_indirect_dma source(%dma_start3A_41 : memref<1000000xf32, #tpu.memory_space<hbm>>) target(%dma_start3A_34 : memref<128xf32, #tpu.memory_space<vmem>>) offsets(%dma_start3A_36 : memref<128xi32, #tpu.memory_space<vmem>>) semaphore(%arg17 : memref<!tpu.dma_semaphore, #tpu.memory_space<semaphore_mem>>)
    %dma_start3A_42 = arith.constant 0 : i32
    %dma_start3A_43 = arith.constant 256 : i32
    %dma_start3A_44 = tpu.memref_slice %arg13[%dma_start3A_43] : memref<512xf32, #tpu.memory_space<vmem>> -> memref<128xf32, #tpu.memory_space<vmem>>
    %dma_start3A_45 = arith.constant 256 : i32
    %dma_start3A_46 = tpu.memref_slice %arg9[%dma_start3A_45] : memref<512xi32, #tpu.memory_space<vmem>> -> memref<128xi32, #tpu.memory_space<vmem>>
    %dma_start3A_47 = arith.constant 0 : i32
    %dma_start3A_48 = tpu.memref_slice %arg5[%dma_start3A_42, %dma_start3A_47] : memref<1x1000000xf32, #tpu.memory_space<hbm>> -> memref<1x1000000xf32, #tpu.memory_space<hbm>>
    %dma_start3A_49 = tpu.memref_squeeze %dma_start3A_48 : memref<1x1000000xf32, #tpu.memory_space<hbm>> -> memref<1000000xf32, #tpu.memory_space<hbm>>
    %dma_start3A_50 = arith.constant 0 : i32
    %dma_start3A_51 = tpu.memref_slice %dma_start3A_49[%dma_start3A_50] : memref<1000000xf32, #tpu.memory_space<hbm>> -> memref<1000000xf32, #tpu.memory_space<hbm>>
    tpu.enqueue_indirect_dma source(%dma_start3A_51 : memref<1000000xf32, #tpu.memory_space<hbm>>) target(%dma_start3A_44 : memref<128xf32, #tpu.memory_space<vmem>>) offsets(%dma_start3A_46 : memref<128xi32, #tpu.memory_space<vmem>>) semaphore(%arg17 : memref<!tpu.dma_semaphore, #tpu.memory_space<semaphore_mem>>)
    %dma_start3A_52 = arith.constant 0 : i32
    %dma_start3A_53 = arith.constant 256 : i32
    %dma_start3A_54 = tpu.memref_slice %arg14[%dma_start3A_53] : memref<512xf32, #tpu.memory_space<vmem>> -> memref<128xf32, #tpu.memory_space<vmem>>
    %dma_start3A_55 = arith.constant 256 : i32
    %dma_start3A_56 = tpu.memref_slice %arg10[%dma_start3A_55] : memref<512xi32, #tpu.memory_space<vmem>> -> memref<128xi32, #tpu.memory_space<vmem>>
    %dma_start3A_57 = arith.constant 0 : i32
    %dma_start3A_58 = tpu.memref_slice %arg6[%dma_start3A_52, %dma_start3A_57] : memref<1x1000000xf32, #tpu.memory_space<hbm>> -> memref<1x1000000xf32, #tpu.memory_space<hbm>>
    %dma_start3A_59 = tpu.memref_squeeze %dma_start3A_58 : memref<1x1000000xf32, #tpu.memory_space<hbm>> -> memref<1000000xf32, #tpu.memory_space<hbm>>
    %dma_start3A_60 = arith.constant 0 : i32
    %dma_start3A_61 = tpu.memref_slice %dma_start3A_59[%dma_start3A_60] : memref<1000000xf32, #tpu.memory_space<hbm>> -> memref<1000000xf32, #tpu.memory_space<hbm>>
    tpu.enqueue_indirect_dma source(%dma_start3A_61 : memref<1000000xf32, #tpu.memory_space<hbm>>) target(%dma_start3A_54 : memref<128xf32, #tpu.memory_space<vmem>>) offsets(%dma_start3A_56 : memref<128xi32, #tpu.memory_space<vmem>>) semaphore(%arg17 : memref<!tpu.dma_semaphore, #tpu.memory_space<semaphore_mem>>)
    %dma_start3A_62 = arith.constant 0 : i32
    %dma_start3A_63 = arith.constant 384 : i32
    %dma_start3A_64 = tpu.memref_slice %arg13[%dma_start3A_63] : memref<512xf32, #tpu.memory_space<vmem>> -> memref<128xf32, #tpu.memory_space<vmem>>
    %dma_start3A_65 = arith.constant 384 : i32
    %dma_start3A_66 = tpu.memref_slice %arg9[%dma_start3A_65] : memref<512xi32, #tpu.memory_space<vmem>> -> memref<128xi32, #tpu.memory_space<vmem>>
    %dma_start3A_67 = arith.constant 0 : i32
    %dma_start3A_68 = tpu.memref_slice %arg5[%dma_start3A_62, %dma_start3A_67] : memref<1x1000000xf32, #tpu.memory_space<hbm>> -> memref<1x1000000xf32, #tpu.memory_space<hbm>>
    %dma_start3A_69 = tpu.memref_squeeze %dma_start3A_68 : memref<1x1000000xf32, #tpu.memory_space<hbm>> -> memref<1000000xf32, #tpu.memory_space<hbm>>
    %dma_start3A_70 = arith.constant 0 : i32
    %dma_start3A_71 = tpu.memref_slice %dma_start3A_69[%dma_start3A_70] : memref<1000000xf32, #tpu.memory_space<hbm>> -> memref<1000000xf32, #tpu.memory_space<hbm>>
    tpu.enqueue_indirect_dma source(%dma_start3A_71 : memref<1000000xf32, #tpu.memory_space<hbm>>) target(%dma_start3A_64 : memref<128xf32, #tpu.memory_space<vmem>>) offsets(%dma_start3A_66 : memref<128xi32, #tpu.memory_space<vmem>>) semaphore(%arg17 : memref<!tpu.dma_semaphore, #tpu.memory_space<semaphore_mem>>)
    %dma_start3A_72 = arith.constant 0 : i32
    %dma_start3A_73 = arith.constant 384 : i32
    %dma_start3A_74 = tpu.memref_slice %arg14[%dma_start3A_73] : memref<512xf32, #tpu.memory_space<vmem>> -> memref<128xf32, #tpu.memory_space<vmem>>
    %dma_start3A_75 = arith.constant 384 : i32
    %dma_start3A_76 = tpu.memref_slice %arg10[%dma_start3A_75] : memref<512xi32, #tpu.memory_space<vmem>> -> memref<128xi32, #tpu.memory_space<vmem>>
    %dma_start3A_77 = arith.constant 0 : i32
    %dma_start3A_78 = tpu.memref_slice %arg6[%dma_start3A_72, %dma_start3A_77] : memref<1x1000000xf32, #tpu.memory_space<hbm>> -> memref<1x1000000xf32, #tpu.memory_space<hbm>>
    %dma_start3A_79 = tpu.memref_squeeze %dma_start3A_78 : memref<1x1000000xf32, #tpu.memory_space<hbm>> -> memref<1000000xf32, #tpu.memory_space<hbm>>
    %dma_start3A_80 = arith.constant 0 : i32
    %dma_start3A_81 = tpu.memref_slice %dma_start3A_79[%dma_start3A_80] : memref<1000000xf32, #tpu.memory_space<hbm>> -> memref<1000000xf32, #tpu.memory_space<hbm>>
    tpu.enqueue_indirect_dma source(%dma_start3A_81 : memref<1000000xf32, #tpu.memory_space<hbm>>) target(%dma_start3A_74 : memref<128xf32, #tpu.memory_space<vmem>>) offsets(%dma_start3A_76 : memref<128xi32, #tpu.memory_space<vmem>>) semaphore(%arg17 : memref<!tpu.dma_semaphore, #tpu.memory_space<semaphore_mem>>)
    %iota3A = tpu.iota {dimensions = array<i32: 0>} : vector<16xi32>
    %get3A = arith.constant 0 : index
    %get3A_82 = tpu.vector_load %arg9[%get3A] {strides = array<i32>} : memref<512xi32, #tpu.memory_space<vmem>>, vector<16xi32>,
    %shift_right_logical3A = arith.constant 3 : i32
    %shift_right_logical3A_83 = vector.broadcast %shift_right_logical3A : i32 to vector<16xi32>
    %shift_right_logical3A_84 = arith.shrui %get3A_82, %shift_right_logical3A_83 : vector<16xi32>
    %mul3A_85 = arith.constant 8 : i32
    %mul3A_86 = vector.broadcast %mul3A_85 : i32 to vector<16xi32>
    %mul3A_87 = arith.muli %shift_right_logical3A_84, %mul3A_86 : vector<16xi32>
    %get3A_88 = arith.constant 0 : index
    %get3A_89 = tpu.vector_load %arg10[%get3A_88] {strides = array<i32>} : memref<512xi32, #tpu.memory_space<vmem>>, vector<16xi32>,
    %shift_right_logical3A_90 = arith.constant 3 : i32
    %shift_right_logical3A_91 = vector.broadcast %shift_right_logical3A_90 : i32 to vector<16xi32>
    %shift_right_logical3A_92 = arith.shrui %get3A_89, %shift_right_logical3A_91 : vector<16xi32>
    %mul3A_93 = arith.constant 8 : i32
    %mul3A_94 = vector.broadcast %mul3A_93 : i32 to vector<16xi32>
    %mul3A_95 = arith.muli %shift_right_logical3A_92, %mul3A_94 : vector<16xi32>
    %slice3A = vector.extract_strided_slice %mul3A_87 {offsets = [0], sizes = [1], strides = [1]} : vector<16xi32> to vector<1xi32>
    %squeeze3A = vector.extract %slice3A[0] : i32 from vector<1xi32>
    %multiple_of3A = tpu.assume_multiple %squeeze3A, 8 : i32
    %slice3A_96 = vector.extract_strided_slice %mul3A_95 {offsets = [0], sizes = [1], strides = [1]} : vector<16xi32> to vector<1xi32>
    %squeeze3A_97 = vector.extract %slice3A_96[0] : i32 from vector<1xi32>
    %multiple_of3A_98 = tpu.assume_multiple %squeeze3A_97, 8 : i32
    %dma_start3A_99 = arith.constant 0 : i32
    %dma_start3A_100 = arith.constant 0 : i32
    %dma_start3A_101 = arith.constant 0 : i32
    %dma_start3A_102 = arith.constant 0 : i32
    %dma_start3A_103 = arith.constant 0 : i32
    %dma_start3A_104 = tpu.memref_slice %arg11[%dma_start3A_99, %dma_start3A_100, %dma_start3A_102, %dma_start3A_103] : memref<3x16x8x64xf32, #tpu.memory_space<vmem>> -> memref<1x1x8x64xf32, #tpu.memory_space<vmem>>
    %dma_start3A_105 = tpu.memref_squeeze %dma_start3A_104 : memref<1x1x8x64xf32, #tpu.memory_space<vmem>> -> memref<8x64xf32, #tpu.memory_space<vmem>>
    %dma_start3A_106 = arith.constant 0 : i32
    %dma_start3A_107 = tpu.memref_slice %arg4[%multiple_of3A, %dma_start3A_106] : memref<1000000x64xf32, #tpu.memory_space<hbm>> -> memref<8x64xf32, #tpu.memory_space<hbm>>
    %dma_start3A_108 = tpu.memref_slice %arg18[%dma_start3A_101] : memref<3x!tpu.dma_semaphore, #tpu.memory_space<semaphore_mem>> -> memref<1x!tpu.dma_semaphore, #tpu.memory_space<semaphore_mem>>
    %dma_start3A_109 = tpu.memref_squeeze %dma_start3A_108 : memref<1x!tpu.dma_semaphore, #tpu.memory_space<semaphore_mem>> -> memref<!tpu.dma_semaphore, #tpu.memory_space<semaphore_mem>>
    %dma_start3A_110 = arith.constant 0 : i32
    %dma_start3A_111 = arith.constant 0 : i32
    %dma_start3A_112 = tpu.memref_slice %arg11[%dma_start3A_99, %dma_start3A_100, %dma_start3A_110, %dma_start3A_111] : memref<3x16x8x64xf32, #tpu.memory_space<vmem>> -> memref<1x1x8x64xf32, #tpu.memory_space<vmem>>
    %dma_start3A_113 = tpu.memref_squeeze %dma_start3A_112 : memref<1x1x8x64xf32, #tpu.memory_space<vmem>> -> memref<8x64xf32, #tpu.memory_space<vmem>>
    %dma_start3A_114 = arith.constant 0 : i32
    %dma_start3A_115 = tpu.memref_slice %arg4[%multiple_of3A, %dma_start3A_114] : memref<1000000x64xf32, #tpu.memory_space<hbm>> -> memref<8x64xf32, #tpu.memory_space<hbm>>
    tpu.enqueue_dma source(%dma_start3A_115 : memref<8x64xf32, #tpu.memory_space<hbm>>) target(%dma_start3A_113 : memref<8x64xf32, #tpu.memory_space<vmem>>) target_semaphore(%dma_start3A_109 : memref<!tpu.dma_semaphore, #tpu.memory_space<semaphore_mem>>)
    %dma_start3A_116 = arith.constant 0 : i32
    %dma_start3A_117 = arith.constant 0 : i32
    %dma_start3A_118 = arith.constant 0 : i32
    %dma_start3A_119 = arith.constant 0 : i32
    %dma_start3A_120 = arith.constant 0 : i32
    %dma_start3A_121 = tpu.memref_slice %arg12[%dma_start3A_116, %dma_start3A_117, %dma_start3A_119, %dma_start3A_120] : memref<3x16x8x64xf32, #tpu.memory_space<vmem>> -> memref<1x1x8x64xf32, #tpu.memory_space<vmem>>
    %dma_start3A_122 = tpu.memref_squeeze %dma_start3A_121 : memref<1x1x8x64xf32, #tpu.memory_space<vmem>> -> memref<8x64xf32, #tpu.memory_space<vmem>>
    %dma_start3A_123 = arith.constant 0 : i32
    %dma_start3A_124 = tpu.memref_slice %arg4[%multiple_of3A_98, %dma_start3A_123] : memref<1000000x64xf32, #tpu.memory_space<hbm>> -> memref<8x64xf32, #tpu.memory_space<hbm>>
    %dma_start3A_125 = tpu.memref_slice %arg19[%dma_start3A_118] : memref<3x!tpu.dma_semaphore, #tpu.memory_space<semaphore_mem>> -> memref<1x!tpu.dma_semaphore, #tpu.memory_space<semaphore_mem>>
    %dma_start3A_126 = tpu.memref_squeeze %dma_start3A_125 : memref<1x!tpu.dma_semaphore, #tpu.memory_space<semaphore_mem>> -> memref<!tpu.dma_semaphore, #tpu.memory_space<semaphore_mem>>
    %dma_start3A_127 = arith.constant 0 : i32
    %dma_start3A_128 = arith.constant 0 : i32
    %dma_start3A_129 = tpu.memref_slice %arg12[%dma_start3A_116, %dma_start3A_117, %dma_start3A_127, %dma_start3A_128] : memref<3x16x8x64xf32, #tpu.memory_space<vmem>> -> memref<1x1x8x64xf32, #tpu.memory_space<vmem>>
    %dma_start3A_130 = tpu.memref_squeeze %dma_start3A_129 : memref<1x1x8x64xf32, #tpu.memory_space<vmem>> -> memref<8x64xf32, #tpu.memory_space<vmem>>
    %dma_start3A_131 = arith.constant 0 : i32
    %dma_start3A_132 = tpu.memref_slice %arg4[%multiple_of3A_98, %dma_start3A_131] : memref<1000000x64xf32, #tpu.memory_space<hbm>> -> memref<8x64xf32, #tpu.memory_space<hbm>>
    tpu.enqueue_dma source(%dma_start3A_132 : memref<8x64xf32, #tpu.memory_space<hbm>>) target(%dma_start3A_130 : memref<8x64xf32, #tpu.memory_space<vmem>>) target_semaphore(%dma_start3A_126 : memref<!tpu.dma_semaphore, #tpu.memory_space<semaphore_mem>>)
    %slice3A_133 = vector.extract_strided_slice %mul3A_87 {offsets = [1], sizes = [1], strides = [1]} : vector<16xi32> to vector<1xi32>
    %squeeze3A_134 = vector.extract %slice3A_133[0] : i32 from vector<1xi32>
    %multiple_of3A_135 = tpu.assume_multiple %squeeze3A_134, 8 : i32
    %slice3A_136 = vector.extract_strided_slice %mul3A_95 {offsets = [1], sizes = [1], strides = [1]} : vector<16xi32> to vector<1xi32>
    %squeeze3A_137 = vector.extract %slice3A_136[0] : i32 from vector<1xi32>
    %multiple_of3A_138 = tpu.assume_multiple %squeeze3A_137, 8 : i32
    %dma_start3A_139 = arith.constant 0 : i32
    %dma_start3A_140 = arith.constant 1 : i32
    %dma_start3A_141 = arith.constant 0 : i32
    %dma_start3A_142 = arith.constant 0 : i32
    %dma_start3A_143 = arith.constant 0 : i32
    %dma_start3A_144 = tpu.memref_slice %arg11[%dma_start3A_139, %dma_start3A_140, %dma_start3A_142, %dma_start3A_143] : memref<3x16x8x64xf32, #tpu.memory_space<vmem>> -> memref<1x1x8x64xf32, #tpu.memory_space<vmem>>
    %dma_start3A_145 = tpu.memref_squeeze %dma_start3A_144 : memref<1x1x8x64xf32, #tpu.memory_space<vmem>> -> memref<8x64xf32, #tpu.memory_space<vmem>>
    %dma_start3A_146 = arith.constant 0 : i32
    %dma_start3A_147 = tpu.memref_slice %arg4[%multiple_of3A_135, %dma_start3A_146] : memref<1000000x64xf32, #tpu.memory_space<hbm>> -> memref<8x64xf32, #tpu.memory_space<hbm>>
    %dma_start3A_148 = tpu.memref_slice %arg18[%dma_start3A_141] : memref<3x!tpu.dma_semaphore, #tpu.memory_space<semaphore_mem>> -> memref<1x!tpu.dma_semaphore, #tpu.memory_space<semaphore_mem>>
    %dma_start3A_149 = tpu.memref_squeeze %dma_start3A_148 : memref<1x!tpu.dma_semaphore, #tpu.memory_space<semaphore_mem>> -> memref<!tpu.dma_semaphore, #tpu.memory_space<semaphore_mem>>
    %dma_start3A_150 = arith.constant 0 : i32
    %dma_start3A_151 = arith.constant 0 : i32
    %dma_start3A_152 = tpu.memref_slice %arg11[%dma_start3A_139, %dma_start3A_140, %dma_start3A_150, %dma_start3A_151] : memref<3x16x8x64xf32, #tpu.memory_space<vmem>> -> memref<1x1x8x64xf32, #tpu.memory_space<vmem>>
    %dma_start3A_153 = tpu.memref_squeeze %dma_start3A_152 : memref<1x1x8x64xf32, #tpu.memory_space<vmem>> -> memref<8x64xf32, #tpu.memory_space<vmem>>
    %dma_start3A_154 = arith.constant 0 : i32
    %dma_start3A_155 = tpu.memref_slice %arg4[%multiple_of3A_135, %dma_start3A_154] : memref<1000000x64xf32, #tpu.memory_space<hbm>> -> memref<8x64xf32, #tpu.memory_space<hbm>>
    tpu.enqueue_dma source(%dma_start3A_155 : memref<8x64xf32, #tpu.memory_space<hbm>>) target(%dma_start3A_153 : memref<8x64xf32, #tpu.memory_space<vmem>>) target_semaphore(%dma_start3A_149 : memref<!tpu.dma_semaphore, #tpu.memory_space<semaphore_mem>>)
    %dma_start3A_156 = arith.constant 0 : i32
    %dma_start3A_157 = arith.constant 1 : i32
    %dma_start3A_158 = arith.constant 0 : i32
    %dma_start3A_159 = arith.constant 0 : i32
    %dma_start3A_160 = arith.constant 0 : i32
    %dma_start3A_161 = tpu.memref_slice %arg12[%dma_start3A_156, %dma_start3A_157, %dma_start3A_159, %dma_start3A_160] : memref<3x16x8x64xf32, #tpu.memory_space<vmem>> -> memref<1x1x8x64xf32, #tpu.memory_space<vmem>>
    %dma_start3A_162 = tpu.memref_squeeze %dma_start3A_161 : memref<1x1x8x64xf32, #tpu.memory_space<vmem>> -> memref<8x64xf32, #tpu.memory_space<vmem>>
    %dma_start3A_163 = arith.constant 0 : i32
    %dma_start3A_164 = tpu.memref_slice %arg4[%multiple_of3A_138, %dma_start3A_163] : memref<1000000x64xf32, #tpu.memory_space<hbm>> -> memref<8x64xf32, #tpu.memory_space<hbm>>
    %dma_start3A_165 = tpu.memref_slice %arg19[%dma_start3A_158] : memref<3x!tpu.dma_semaphore, #tpu.memory_space<semaphore_mem>> -> memref<1x!tpu.dma_semaphore, #tpu.memory_space<semaphore_mem>>
    %dma_start3A_166 = tpu.memref_squeeze %dma_start3A_165 : memref<1x!tpu.dma_semaphore, #tpu.memory_space<semaphore_mem>> -> memref<!tpu.dma_semaphore, #tpu.memory_space<semaphore_mem>>
    %dma_start3A_167 = arith.constant 0 : i32
    %dma_start3A_168 = arith.constant 0 : i32
    %dma_start3A_169 = tpu.memref_slice %arg12[%dma_start3A_156, %dma_start3A_157, %dma_start3A_167, %dma_start3A_168] : memref<3x16x8x64xf32, #tpu.memory_space<vmem>> -> memref<1x1x8x64xf32, #tpu.memory_space<vmem>>
    %dma_start3A_170 = tpu.memref_squeeze %dma_start3A_169 : memref<1x1x8x64xf32, #tpu.memory_space<vmem>> -> memref<8x64xf32, #tpu.memory_space<vmem>>
    %dma_start3A_171 = arith.constant 0 : i32
    %dma_start3A_172 = tpu.memref_slice %arg4[%multiple_of3A_138, %dma_start3A_171] : memref<1000000x64xf32, #tpu.memory_space<hbm>> -> memref<8x64xf32, #tpu.memory_space<hbm>>
    tpu.enqueue_dma source(%dma_start3A_172 : memref<8x64xf32, #tpu.memory_space<hbm>>) target(%dma_start3A_170 : memref<8x64xf32, #tpu.memory_space<vmem>>) target_semaphore(%dma_start3A_166 : memref<!tpu.dma_semaphore, #tpu.memory_space<semaphore_mem>>)
    %slice3A_173 = vector.extract_strided_slice %mul3A_87 {offsets = [2], sizes = [1], strides = [1]} : vector<16xi32> to vector<1xi32>
    %squeeze3A_174 = vector.extract %slice3A_173[0] : i32 from vector<1xi32>
    %multiple_of3A_175 = tpu.assume_multiple %squeeze3A_174, 8 : i32
    %slice3A_176 = vector.extract_strided_slice %mul3A_95 {offsets = [2], sizes = [1], strides = [1]} : vector<16xi32> to vector<1xi32>
    %squeeze3A_177 = vector.extract %slice3A_176[0] : i32 from vector<1xi32>
    %multiple_of3A_178 = tpu.assume_multiple %squeeze3A_177, 8 : i32
    %dma_start3A_179 = arith.constant 0 : i32
    %dma_start3A_180 = arith.constant 2 : i32
    %dma_start3A_181 = arith.constant 0 : i32
    %dma_start3A_182 = arith.constant 0 : i32
    %dma_start3A_183 = arith.constant 0 : i32
    %dma_start3A_184 = tpu.memref_slice %arg11[%dma_start3A_179, %dma_start3A_180, %dma_start3A_182, %dma_start3A_183] : memref<3x16x8x64xf32, #tpu.memory_space<vmem>> -> memref<1x1x8x64xf32, #tpu.memory_space<vmem>>
    %dma_start3A_185 = tpu.memref_squeeze %dma_start3A_184 : memref<1x1x8x64xf32, #tpu.memory_space<vmem>> -> memref<8x64xf32, #tpu.memory_space<vmem>>
    %dma_start3A_186 = arith.constant 0 : i32
    %dma_start3A_187 = tpu.memref_slice %arg4[%multiple_of3A_175, %dma_start3A_186] : memref<1000000x64xf32, #tpu.memory_space<hbm>> -> memref<8x64xf32, #tpu.memory_space<hbm>>
    %dma_start3A_188 = tpu.memref_slice %arg18[%dma_start3A_181] : memref<3x!tpu.dma_semaphore, #tpu.memory_space<semaphore_mem>> -> memref<1x!tpu.dma_semaphore, #tpu.memory_space<semaphore_mem>>
    %dma_start3A_189 = tpu.memref_squeeze %dma_start3A_188 : memref<1x!tpu.dma_semaphore, #tpu.memory_space<semaphore_mem>> -> memref<!tpu.dma_semaphore, #tpu.memory_space<semaphore_mem>>
    %dma_start3A_190 = arith.constant 0 : i32
    %dma_start3A_191 = arith.constant 0 : i32
    %dma_start3A_192 = tpu.memref_slice %arg11[%dma_start3A_179, %dma_start3A_180, %dma_start3A_190, %dma_start3A_191] : memref<3x16x8x64xf32, #tpu.memory_space<vmem>> -> memref<1x1x8x64xf32, #tpu.memory_space<vmem>>
    %dma_start3A_193 = tpu.memref_squeeze %dma_start3A_192 : memref<1x1x8x64xf32, #tpu.memory_space<vmem>> -> memref<8x64xf32, #tpu.memory_space<vmem>>
    %dma_start3A_194 = arith.constant 0 : i32
    %dma_start3A_195 = tpu.memref_slice %arg4[%multiple_of3A_175, %dma_start3A_194] : memref<1000000x64xf32, #tpu.memory_space<hbm>> -> memref<8x64xf32, #tpu.memory_space<hbm>>
    tpu.enqueue_dma source(%dma_start3A_195 : memref<8x64xf32, #tpu.memory_space<hbm>>) target(%dma_start3A_193 : memref<8x64xf32, #tpu.memory_space<vmem>>) target_semaphore(%dma_start3A_189 : memref<!tpu.dma_semaphore, #tpu.memory_space<semaphore_mem>>)
    %dma_start3A_196 = arith.constant 0 : i32
    %dma_start3A_197 = arith.constant 2 : i32
    %dma_start3A_198 = arith.constant 0 : i32
    %dma_start3A_199 = arith.constant 0 : i32
    %dma_start3A_200 = arith.constant 0 : i32
    %dma_start3A_201 = tpu.memref_slice %arg12[%dma_start3A_196, %dma_start3A_197, %dma_start3A_199, %dma_start3A_200] : memref<3x16x8x64xf32, #tpu.memory_space<vmem>> -> memref<1x1x8x64xf32, #tpu.memory_space<vmem>>
    %dma_start3A_202 = tpu.memref_squeeze %dma_start3A_201 : memref<1x1x8x64xf32, #tpu.memory_space<vmem>> -> memref<8x64xf32, #tpu.memory_space<vmem>>
    %dma_start3A_203 = arith.constant 0 : i32
    %dma_start3A_204 = tpu.memref_slice %arg4[%multiple_of3A_178, %dma_start3A_203] : memref<1000000x64xf32, #tpu.memory_space<hbm>> -> memref<8x64xf32, #tpu.memory_space<hbm>>
    %dma_start3A_205 = tpu.memref_slice %arg19[%dma_start3A_198] : memref<3x!tpu.dma_semaphore, #tpu.memory_space<semaphore_mem>> -> memref<1x!tpu.dma_semaphore, #tpu.memory_space<semaphore_mem>>
    %dma_start3A_206 = tpu.memref_squeeze %dma_start3A_205 : memref<1x!tpu.dma_semaphore, #tpu.memory_space<semaphore_mem>> -> memref<!tpu.dma_semaphore, #tpu.memory_space<semaphore_mem>>
    %dma_start3A_207 = arith.constant 0 : i32
    %dma_start3A_208 = arith.constant 0 : i32
    %dma_start3A_209 = tpu.memref_slice %arg12[%dma_start3A_196, %dma_start3A_197, %dma_start3A_207, %dma_start3A_208] : memref<3x16x8x64xf32, #tpu.memory_space<vmem>> -> memref<1x1x8x64xf32, #tpu.memory_space<vmem>>
    %dma_start3A_210 = tpu.memref_squeeze %dma_start3A_209 : memref<1x1x8x64xf32, #tpu.memory_space<vmem>> -> memref<8x64xf32, #tpu.memory_space<vmem>>
    %dma_start3A_211 = arith.constant 0 : i32
    %dma_start3A_212 = tpu.memref_slice %arg4[%multiple_of3A_178, %dma_start3A_211] : memref<1000000x64xf32, #tpu.memory_space<hbm>> -> memref<8x64xf32, #tpu.memory_space<hbm>>
    tpu.enqueue_dma source(%dma_start3A_212 : memref<8x64xf32, #tpu.memory_space<hbm>>) target(%dma_start3A_210 : memref<8x64xf32, #tpu.memory_space<vmem>>) target_semaphore(%dma_start3A_206 : memref<!tpu.dma_semaphore, #tpu.memory_space<semaphore_mem>>)
    %slice3A_213 = vector.extract_strided_slice %mul3A_87 {offsets = [3], sizes = [1], strides = [1]} : vector<16xi32> to vector<1xi32>
    %squeeze3A_214 = vector.extract %slice3A_213[0] : i32 from vector<1xi32>
    %multiple_of3A_215 = tpu.assume_multiple %squeeze3A_214, 8 : i32
    %slice3A_216 = vector.extract_strided_slice %mul3A_95 {offsets = [3], sizes = [1], strides = [1]} : vector<16xi32> to vector<1xi32>
    %squeeze3A_217 = vector.extract %slice3A_216[0] : i32 from vector<1xi32>
    %multiple_of3A_218 = tpu.assume_multiple %squeeze3A_217, 8 : i32
    %dma_start3A_219 = arith.constant 0 : i32
    %dma_start3A_220 = arith.constant 3 : i32
    %dma_start3A_221 = arith.constant 0 : i32
    %dma_start3A_222 = arith.constant 0 : i32
    %dma_start3A_223 = arith.constant 0 : i32
    %dma_start3A_224 = tpu.memref_slice %arg11[%dma_start3A_219, %dma_start3A_220, %dma_start3A_222, %dma_start3A_223] : memref<3x16x8x64xf32, #tpu.memory_space<vmem>> -> memref<1x1x8x64xf32, #tpu.memory_space<vmem>>
    %dma_start3A_225 = tpu.memref_squeeze %dma_start3A_224 : memref<1x1x8x64xf32, #tpu.memory_space<vmem>> -> memref<8x64xf32, #tpu.memory_space<vmem>>
    %dma_start3A_226 = arith.constant 0 : i32
    %dma_start3A_227 = tpu.memref_slice %arg4[%multiple_of3A_215, %dma_start3A_226] : memref<1000000x64xf32, #tpu.memory_space<hbm>> -> memref<8x64xf32, #tpu.memory_space<hbm>>
    %dma_start3A_228 = tpu.memref_slice %arg18[%dma_start3A_221] : memref<3x!tpu.dma_semaphore, #tpu.memory_space<semaphore_mem>> -> memref<1x!tpu.dma_semaphore, #tpu.memory_space<semaphore_mem>>
    %dma_start3A_229 = tpu.memref_squeeze %dma_start3A_228 : memref<1x!tpu.dma_semaphore, #tpu.memory_space<semaphore_mem>> -> memref<!tpu.dma_semaphore, #tpu.memory_space<semaphore_mem>>
    %dma_start3A_230 = arith.constant 0 : i32
    %dma_start3A_231 = arith.constant 0 : i32
    %dma_start3A_232 = tpu.memref_slice %arg11[%dma_start3A_219, %dma_start3A_220, %dma_start3A_230, %dma_start3A_231] : memref<3x16x8x64xf32, #tpu.memory_space<vmem>> -> memref<1x1x8x64xf32, #tpu.memory_space<vmem>>
    %dma_start3A_233 = tpu.memref_squeeze %dma_start3A_232 : memref<1x1x8x64xf32, #tpu.memory_space<vmem>> -> memref<8x64xf32, #tpu.memory_space<vmem>>
    %dma_start3A_234 = arith.constant 0 : i32
    %dma_start3A_235 = tpu.memref_slice %arg4[%multiple_of3A_215, %dma_start3A_234] : memref<1000000x64xf32, #tpu.memory_space<hbm>> -> memref<8x64xf32, #tpu.memory_space<hbm>>
    tpu.enqueue_dma source(%dma_start3A_235 : memref<8x64xf32, #tpu.memory_space<hbm>>) target(%dma_start3A_233 : memref<8x64xf32, #tpu.memory_space<vmem>>) target_semaphore(%dma_start3A_229 : memref<!tpu.dma_semaphore, #tpu.memory_space<semaphore_mem>>)
    %dma_start3A_236 = arith.constant 0 : i32
    %dma_start3A_237 = arith.constant 3 : i32
    %dma_start3A_238 = arith.constant 0 : i32
    %dma_start3A_239 = arith.constant 0 : i32
    %dma_start3A_240 = arith.constant 0 : i32
    %dma_start3A_241 = tpu.memref_slice %arg12[%dma_start3A_236, %dma_start3A_237, %dma_start3A_239, %dma_start3A_240] : memref<3x16x8x64xf32, #tpu.memory_space<vmem>> -> memref<1x1x8x64xf32, #tpu.memory_space<vmem>>
    %dma_start3A_242 = tpu.memref_squeeze %dma_start3A_241 : memref<1x1x8x64xf32, #tpu.memory_space<vmem>> -> memref<8x64xf32, #tpu.memory_space<vmem>>
    %dma_start3A_243 = arith.constant 0 : i32
    %dma_start3A_244 = tpu.memref_slice %arg4[%multiple_of3A_218, %dma_start3A_243] : memref<1000000x64xf32, #tpu.memory_space<hbm>> -> memref<8x64xf32, #tpu.memory_space<hbm>>
    %dma_start3A_245 = tpu.memref_slice %arg19[%dma_start3A_238] : memref<3x!tpu.dma_semaphore, #tpu.memory_space<semaphore_mem>> -> memref<1x!tpu.dma_semaphore, #tpu.memory_space<semaphore_mem>>
    %dma_start3A_246 = tpu.memref_squeeze %dma_start3A_245 : memref<1x!tpu.dma_semaphore, #tpu.memory_space<semaphore_mem>> -> memref<!tpu.dma_semaphore, #tpu.memory_space<semaphore_mem>>
    %dma_start3A_247 = arith.constant 0 : i32
    %dma_start3A_248 = arith.constant 0 : i32
    %dma_start3A_249 = tpu.memref_slice %arg12[%dma_start3A_236, %dma_start3A_237, %dma_start3A_247, %dma_start3A_248] : memref<3x16x8x64xf32, #tpu.memory_space<vmem>> -> memref<1x1x8x64xf32, #tpu.memory_space<vmem>>
    %dma_start3A_250 = tpu.memref_squeeze %dma_start3A_249 : memref<1x1x8x64xf32, #tpu.memory_space<vmem>> -> memref<8x64xf32, #tpu.memory_space<vmem>>
    %dma_start3A_251 = arith.constant 0 : i32
    %dma_start3A_252 = tpu.memref_slice %arg4[%multiple_of3A_218, %dma_start3A_251] : memref<1000000x64xf32, #tpu.memory_space<hbm>> -> memref<8x64xf32, #tpu.memory_space<hbm>>
    tpu.enqueue_dma source(%dma_start3A_252 : memref<8x64xf32, #tpu.memory_space<hbm>>) target(%dma_start3A_250 : memref<8x64xf32, #tpu.memory_space<vmem>>) target_semaphore(%dma_start3A_246 : memref<!tpu.dma_semaphore, #tpu.memory_space<semaphore_mem>>)
    %slice3A_253 = vector.extract_strided_slice %mul3A_87 {offsets = [4], sizes = [1], strides = [1]} : vector<16xi32> to vector<1xi32>
    %squeeze3A_254 = vector.extract %slice3A_253[0] : i32 from vector<1xi32>
    %multiple_of3A_255 = tpu.assume_multiple %squeeze3A_254, 8 : i32
    %slice3A_256 = vector.extract_strided_slice %mul3A_95 {offsets = [4], sizes = [1], strides = [1]} : vector<16xi32> to vector<1xi32>
    %squeeze3A_257 = vector.extract %slice3A_256[0] : i32 from vector<1xi32>
    %multiple_of3A_258 = tpu.assume_multiple %squeeze3A_257, 8 : i32
    %dma_start3A_259 = arith.constant 0 : i32
    %dma_start3A_260 = arith.constant 4 : i32
    %dma_start3A_261 = arith.constant 0 : i32
    %dma_start3A_262 = arith.constant 0 : i32
    %dma_start3A_263 = arith.constant 0 : i32
    %dma_start3A_264 = tpu.memref_slice %arg11[%dma_start3A_259, %dma_start3A_260, %dma_start3A_262, %dma_start3A_263] : memref<3x16x8x64xf32, #tpu.memory_space<vmem>> -> memref<1x1x8x64xf32, #tpu.memory_space<vmem>>
    %dma_start3A_265 = tpu.memref_squeeze %dma_start3A_264 : memref<1x1x8x64xf32, #tpu.memory_space<vmem>> -> memref<8x64xf32, #tpu.memory_space<vmem>>
    %dma_start3A_266 = arith.constant 0 : i32
    %dma_start3A_267 = tpu.memref_slice %arg4[%multiple_of3A_255, %dma_start3A_266] : memref<1000000x64xf32, #tpu.memory_space<hbm>> -> memref<8x64xf32, #tpu.memory_space<hbm>>
    %dma_start3A_268 = tpu.memref_slice %arg18[%dma_start3A_261] : memref<3x!tpu.dma_semaphore, #tpu.memory_space<semaphore_mem>> -> memref<1x!tpu.dma_semaphore, #tpu.memory_space<semaphore_mem>>
    %dma_start3A_269 = tpu.memref_squeeze %dma_start3A_268 : memref<1x!tpu.dma_semaphore, #tpu.memory_space<semaphore_mem>> -> memref<!tpu.dma_semaphore, #tpu.memory_space<semaphore_mem>>
    %dma_start3A_270 = arith.constant 0 : i32
    %dma_start3A_271 = arith.constant 0 : i32
    %dma_start3A_272 = tpu.memref_slice %arg11[%dma_start3A_259, %dma_start3A_260, %dma_start3A_270, %dma_start3A_271] : memref<3x16x8x64xf32, #tpu.memory_space<vmem>> -> memref<1x1x8x64xf32, #tpu.memory_space<vmem>>
    %dma_start3A_273 = tpu.memref_squeeze %dma_start3A_272 : memref<1x1x8x64xf32, #tpu.memory_space<vmem>> -> memref<8x64xf32, #tpu.memory_space<vmem>>
    %dma_start3A_274 = arith.constant 0 : i32
    %dma_start3A_275 = tpu.memref_slice %arg4[%multiple_of3A_255, %dma_start3A_274] : memref<1000000x64xf32, #tpu.memory_space<hbm>> -> memref<8x64xf32, #tpu.memory_space<hbm>>
    tpu.enqueue_dma source(%dma_start3A_275 : memref<8x64xf32, #tpu.memory_space<hbm>>) target(%dma_start3A_273 : memref<8x64xf32, #tpu.memory_space<vmem>>) target_semaphore(%dma_start3A_269 : memref<!tpu.dma_semaphore, #tpu.memory_space<semaphore_mem>>)
    %dma_start3A_276 = arith.constant 0 : i32
    %dma_start3A_277 = arith.constant 4 : i32
    %dma_start3A_278 = arith.constant 0 : i32
    %dma_start3A_279 = arith.constant 0 : i32
    %dma_start3A_280 = arith.constant 0 : i32
    %dma_start3A_281 = tpu.memref_slice %arg12[%dma_start3A_276, %dma_start3A_277, %dma_start3A_279, %dma_start3A_280] : memref<3x16x8x64xf32, #tpu.memory_space<vmem>> -> memref<1x1x8x64xf32, #tpu.memory_space<vmem>>
    %dma_start3A_282 = tpu.memref_squeeze %dma_start3A_281 : memref<1x1x8x64xf32, #tpu.memory_space<vmem>> -> memref<8x64xf32, #tpu.memory_space<vmem>>
    %dma_start3A_283 = arith.constant 0 : i32
    %dma_start3A_284 = tpu.memref_slice %arg4[%multiple_of3A_258, %dma_start3A_283] : memref<1000000x64xf32, #tpu.memory_space<hbm>> -> memref<8x64xf32, #tpu.memory_space<hbm>>
    %dma_start3A_285 = tpu.memref_slice %arg19[%dma_start3A_278] : memref<3x!tpu.dma_semaphore, #tpu.memory_space<semaphore_mem>> -> memref<1x!tpu.dma_semaphore, #tpu.memory_space<semaphore_mem>>
    %dma_start3A_286 = tpu.memref_squeeze %dma_start3A_285 : memref<1x!tpu.dma_semaphore, #tpu.memory_space<semaphore_mem>> -> memref<!tpu.dma_semaphore, #tpu.memory_space<semaphore_mem>>
    %dma_start3A_287 = arith.constant 0 : i32
    %dma_start3A_288 = arith.constant 0 : i32
    %dma_start3A_289 = tpu.memref_slice %arg12[%dma_start3A_276, %dma_start3A_277, %dma_start3A_287, %dma_start3A_288] : memref<3x16x8x64xf32, #tpu.memory_space<vmem>> -> memref<1x1x8x64xf32, #tpu.memory_space<vmem>>
    %dma_start3A_290 = tpu.memref_squeeze %dma_start3A_289 : memref<1x1x8x64xf32, #tpu.memory_space<vmem>> -> memref<8x64xf32, #tpu.memory_space<vmem>>
    %dma_start3A_291 = arith.constant 0 : i32
    %dma_start3A_292 = tpu.memref_slice %arg4[%multiple_of3A_258, %dma_start3A_291] : memref<1000000x64xf32, #tpu.memory_space<hbm>> -> memref<8x64xf32, #tpu.memory_space<hbm>>
    tpu.enqueue_dma source(%dma_start3A_292 : memref<8x64xf32, #tpu.memory_space<hbm>>) target(%dma_start3A_290 : memref<8x64xf32, #tpu.memory_space<vmem>>) target_semaphore(%dma_start3A_286 : memref<!tpu.dma_semaphore, #tpu.memory_space<semaphore_mem>>)
    %slice3A_293 = vector.extract_strided_slice %mul3A_87 {offsets = [5], sizes = [1], strides = [1]} : vector<16xi32> to vector<1xi32>
    %squeeze3A_294 = vector.extract %slice3A_293[0] : i32 from vector<1xi32>
    %multiple_of3A_295 = tpu.assume_multiple %squeeze3A_294, 8 : i32
    %slice3A_296 = vector.extract_strided_slice %mul3A_95 {offsets = [5], sizes = [1], strides = [1]} : vector<16xi32> to vector<1xi32>
    %squeeze3A_297 = vector.extract %slice3A_296[0] : i32 from vector<1xi32>
    %multiple_of3A_298 = tpu.assume_multiple %squeeze3A_297, 8 : i32
    %dma_start3A_299 = arith.constant 0 : i32
    %dma_start3A_300 = arith.constant 5 : i32
    %dma_start3A_301 = arith.constant 0 : i32
    %dma_start3A_302 = arith.constant 0 : i32
    %dma_start3A_303 = arith.constant 0 : i32
    %dma_start3A_304 = tpu.memref_slice %arg11[%dma_start3A_299, %dma_start3A_300, %dma_start3A_302, %dma_start3A_303] : memref<3x16x8x64xf32, #tpu.memory_space<vmem>> -> memref<1x1x8x64xf32, #tpu.memory_space<vmem>>
    %dma_start3A_305 = tpu.memref_squeeze %dma_start3A_304 : memref<1x1x8x64xf32, #tpu.memory_space<vmem>> -> memref<8x64xf32, #tpu.memory_space<vmem>>
    %dma_start3A_306 = arith.constant 0 : i32
    %dma_start3A_307 = tpu.memref_slice %arg4[%multiple_of3A_295, %dma_start3A_306] : memref<1000000x64xf32, #tpu.memory_space<hbm>> -> memref<8x64xf32, #tpu.memory_space<hbm>>
    %dma_start3A_308 = tpu.memref_slice %arg18[%dma_start3A_301] : memref<3x!tpu.dma_semaphore, #tpu.memory_space<semaphore_mem>> -> memref<1x!tpu.dma_semaphore, #tpu.memory_space<semaphore_mem>>
    %dma_start3A_309 = tpu.memref_squeeze %dma_start3A_308 : memref<1x!tpu.dma_semaphore, #tpu.memory_space<semaphore_mem>> -> memref<!tpu.dma_semaphore, #tpu.memory_space<semaphore_mem>>
    %dma_start3A_310 = arith.constant 0 : i32
    %dma_start3A_311 = arith.constant 0 : i32
    %dma_start3A_312 = tpu.memref_slice %arg11[%dma_start3A_299, %dma_start3A_300, %dma_start3A_310, %dma_start3A_311] : memref<3x16x8x64xf32, #tpu.memory_space<vmem>> -> memref<1x1x8x64xf32, #tpu.memory_space<vmem>>
    %dma_start3A_313 = tpu.memref_squeeze %dma_start3A_312 : memref<1x1x8x64xf32, #tpu.memory_space<vmem>> -> memref<8x64xf32, #tpu.memory_space<vmem>>
    %dma_start3A_314 = arith.constant 0 : i32
    %dma_start3A_315 = tpu.memref_slice %arg4[%multiple_of3A_295, %dma_start3A_314] : memref<1000000x64xf32, #tpu.memory_space<hbm>> -> memref<8x64xf32, #tpu.memory_space<hbm>>
    tpu.enqueue_dma source(%dma_start3A_315 : memref<8x64xf32, #tpu.memory_space<hbm>>) target(%dma_start3A_313 : memref<8x64xf32, #tpu.memory_space<vmem>>) target_semaphore(%dma_start3A_309 : memref<!tpu.dma_semaphore, #tpu.memory_space<semaphore_mem>>)
    %dma_start3A_316 = arith.constant 0 : i32
    %dma_start3A_317 = arith.constant 5 : i32
    %dma_start3A_318 = arith.constant 0 : i32
    %dma_start3A_319 = arith.constant 0 : i32
    %dma_start3A_320 = arith.constant 0 : i32
    %dma_start3A_321 = tpu.memref_slice %arg12[%dma_start3A_316, %dma_start3A_317, %dma_start3A_319, %dma_start3A_320] : memref<3x16x8x64xf32, #tpu.memory_space<vmem>> -> memref<1x1x8x64xf32, #tpu.memory_space<vmem>>
    %dma_start3A_322 = tpu.memref_squeeze %dma_start3A_321 : memref<1x1x8x64xf32, #tpu.memory_space<vmem>> -> memref<8x64xf32, #tpu.memory_space<vmem>>
    %dma_start3A_323 = arith.constant 0 : i32
    %dma_start3A_324 = tpu.memref_slice %arg4[%multiple_of3A_298, %dma_start3A_323] : memref<1000000x64xf32, #tpu.memory_space<hbm>> -> memref<8x64xf32, #tpu.memory_space<hbm>>
    %dma_start3A_325 = tpu.memref_slice %arg19[%dma_start3A_318] : memref<3x!tpu.dma_semaphore, #tpu.memory_space<semaphore_mem>> -> memref<1x!tpu.dma_semaphore, #tpu.memory_space<semaphore_mem>>
    %dma_start3A_326 = tpu.memref_squeeze %dma_start3A_325 : memref<1x!tpu.dma_semaphore, #tpu.memory_space<semaphore_mem>> -> memref<!tpu.dma_semaphore, #tpu.memory_space<semaphore_mem>>
    %dma_start3A_327 = arith.constant 0 : i32
    %dma_start3A_328 = arith.constant 0 : i32
    %dma_start3A_329 = tpu.memref_slice %arg12[%dma_start3A_316, %dma_start3A_317, %dma_start3A_327, %dma_start3A_328] : memref<3x16x8x64xf32, #tpu.memory_space<vmem>> -> memref<1x1x8x64xf32, #tpu.memory_space<vmem>>
    %dma_start3A_330 = tpu.memref_squeeze %dma_start3A_329 : memref<1x1x8x64xf32, #tpu.memory_space<vmem>> -> memref<8x64xf32, #tpu.memory_space<vmem>>
    %dma_start3A_331 = arith.constant 0 : i32
    %dma_start3A_332 = tpu.memref_slice %arg4[%multiple_of3A_298, %dma_start3A_331] : memref<1000000x64xf32, #tpu.memory_space<hbm>> -> memref<8x64xf32, #tpu.memory_space<hbm>>
    tpu.enqueue_dma source(%dma_start3A_332 : memref<8x64xf32, #tpu.memory_space<hbm>>) target(%dma_start3A_330 : memref<8x64xf32, #tpu.memory_space<vmem>>) target_semaphore(%dma_start3A_326 : memref<!tpu.dma_semaphore, #tpu.memory_space<semaphore_mem>>)
    %slice3A_333 = vector.extract_strided_slice %mul3A_87 {offsets = [6], sizes = [1], strides = [1]} : vector<16xi32> to vector<1xi32>
    %squeeze3A_334 = vector.extract %slice3A_333[0] : i32 from vector<1xi32>
    %multiple_of3A_335 = tpu.assume_multiple %squeeze3A_334, 8 : i32
    %slice3A_336 = vector.extract_strided_slice %mul3A_95 {offsets = [6], sizes = [1], strides = [1]} : vector<16xi32> to vector<1xi32>
    %squeeze3A_337 = vector.extract %slice3A_336[0] : i32 from vector<1xi32>
    %multiple_of3A_338 = tpu.assume_multiple %squeeze3A_337, 8 : i32
    %dma_start3A_339 = arith.constant 0 : i32
    %dma_start3A_340 = arith.constant 6 : i32
    %dma_start3A_341 = arith.constant 0 : i32
    %dma_start3A_342 = arith.constant 0 : i32
    %dma_start3A_343 = arith.constant 0 : i32
    %dma_start3A_344 = tpu.memref_slice %arg11[%dma_start3A_339, %dma_start3A_340, %dma_start3A_342, %dma_start3A_343] : memref<3x16x8x64xf32, #tpu.memory_space<vmem>> -> memref<1x1x8x64xf32, #tpu.memory_space<vmem>>
    %dma_start3A_345 = tpu.memref_squeeze %dma_start3A_344 : memref<1x1x8x64xf32, #tpu.memory_space<vmem>> -> memref<8x64xf32, #tpu.memory_space<vmem>>
    %dma_start3A_346 = arith.constant 0 : i32
    %dma_start3A_347 = tpu.memref_slice %arg4[%multiple_of3A_335, %dma_start3A_346] : memref<1000000x64xf32, #tpu.memory_space<hbm>> -> memref<8x64xf32, #tpu.memory_space<hbm>>
    %dma_start3A_348 = tpu.memref_slice %arg18[%dma_start3A_341] : memref<3x!tpu.dma_semaphore, #tpu.memory_space<semaphore_mem>> -> memref<1x!tpu.dma_semaphore, #tpu.memory_space<semaphore_mem>>
    %dma_start3A_349 = tpu.memref_squeeze %dma_start3A_348 : memref<1x!tpu.dma_semaphore, #tpu.memory_space<semaphore_mem>> -> memref<!tpu.dma_semaphore, #tpu.memory_space<semaphore_mem>>
    %dma_start3A_350 = arith.constant 0 : i32
    %dma_start3A_351 = arith.constant 0 : i32
    %dma_start3A_352 = tpu.memref_slice %arg11[%dma_start3A_339, %dma_start3A_340, %dma_start3A_350, %dma_start3A_351] : memref<3x16x8x64xf32, #tpu.memory_space<vmem>> -> memref<1x1x8x64xf32, #tpu.memory_space<vmem>>
    %dma_start3A_353 = tpu.memref_squeeze %dma_start3A_352 : memref<1x1x8x64xf32, #tpu.memory_space<vmem>> -> memref<8x64xf32, #tpu.memory_space<vmem>>
    %dma_start3A_354 = arith.constant 0 : i32
    %dma_start3A_355 = tpu.memref_slice %arg4[%multiple_of3A_335, %dma_start3A_354] : memref<1000000x64xf32, #tpu.memory_space<hbm>> -> memref<8x64xf32, #tpu.memory_space<hbm>>
    tpu.enqueue_dma source(%dma_start3A_355 : memref<8x64xf32, #tpu.memory_space<hbm>>) target(%dma_start3A_353 : memref<8x64xf32, #tpu.memory_space<vmem>>) target_semaphore(%dma_start3A_349 : memref<!tpu.dma_semaphore, #tpu.memory_space<semaphore_mem>>)
    %dma_start3A_356 = arith.constant 0 : i32
    %dma_start3A_357 = arith.constant 6 : i32
    %dma_start3A_358 = arith.constant 0 : i32
    %dma_start3A_359 = arith.constant 0 : i32
    %dma_start3A_360 = arith.constant 0 : i32
    %dma_start3A_361 = tpu.memref_slice %arg12[%dma_start3A_356, %dma_start3A_357, %dma_start3A_359, %dma_start3A_360] : memref<3x16x8x64xf32, #tpu.memory_space<vmem>> -> memref<1x1x8x64xf32, #tpu.memory_space<vmem>>
    %dma_start3A_362 = tpu.memref_squeeze %dma_start3A_361 : memref<1x1x8x64xf32, #tpu.memory_space<vmem>> -> memref<8x64xf32, #tpu.memory_space<vmem>>
    %dma_start3A_363 = arith.constant 0 : i32
    %dma_start3A_364 = tpu.memref_slice %arg4[%multiple_of3A_338, %dma_start3A_363] : memref<1000000x64xf32, #tpu.memory_space<hbm>> -> memref<8x64xf32, #tpu.memory_space<hbm>>
    %dma_start3A_365 = tpu.memref_slice %arg19[%dma_start3A_358] : memref<3x!tpu.dma_semaphore, #tpu.memory_space<semaphore_mem>> -> memref<1x!tpu.dma_semaphore, #tpu.memory_space<semaphore_mem>>
    %dma_start3A_366 = tpu.memref_squeeze %dma_start3A_365 : memref<1x!tpu.dma_semaphore, #tpu.memory_space<semaphore_mem>> -> memref<!tpu.dma_semaphore, #tpu.memory_space<semaphore_mem>>
    %dma_start3A_367 = arith.constant 0 : i32
    %dma_start3A_368 = arith.constant 0 : i32
    %dma_start3A_369 = tpu.memref_slice %arg12[%dma_start3A_356, %dma_start3A_357, %dma_start3A_367, %dma_start3A_368] : memref<3x16x8x64xf32, #tpu.memory_space<vmem>> -> memref<1x1x8x64xf32, #tpu.memory_space<vmem>>
    %dma_start3A_370 = tpu.memref_squeeze %dma_start3A_369 : memref<1x1x8x64xf32, #tpu.memory_space<vmem>> -> memref<8x64xf32, #tpu.memory_space<vmem>>
    %dma_start3A_371 = arith.constant 0 : i32
    %dma_start3A_372 = tpu.memref_slice %arg4[%multiple_of3A_338, %dma_start3A_371] : memref<1000000x64xf32, #tpu.memory_space<hbm>> -> memref<8x64xf32, #tpu.memory_space<hbm>>
    tpu.enqueue_dma source(%dma_start3A_372 : memref<8x64xf32, #tpu.memory_space<hbm>>) target(%dma_start3A_370 : memref<8x64xf32, #tpu.memory_space<vmem>>) target_semaphore(%dma_start3A_366 : memref<!tpu.dma_semaphore, #tpu.memory_space<semaphore_mem>>)
    %slice3A_373 = vector.extract_strided_slice %mul3A_87 {offsets = [7], sizes = [1], strides = [1]} : vector<16xi32> to vector<1xi32>
    %squeeze3A_374 = vector.extract %slice3A_373[0] : i32 from vector<1xi32>
    %multiple_of3A_375 = tpu.assume_multiple %squeeze3A_374, 8 : i32
    %slice3A_376 = vector.extract_strided_slice %mul3A_95 {offsets = [7], sizes = [1], strides = [1]} : vector<16xi32> to vector<1xi32>
    %squeeze3A_377 = vector.extract %slice3A_376[0] : i32 from vector<1xi32>
    %multiple_of3A_378 = tpu.assume_multiple %squeeze3A_377, 8 : i32
    %dma_start3A_379 = arith.constant 0 : i32
    %dma_start3A_380 = arith.constant 7 : i32
    %dma_start3A_381 = arith.constant 0 : i32
    %dma_start3A_382 = arith.constant 0 : i32
    %dma_start3A_383 = arith.constant 0 : i32
    %dma_start3A_384 = tpu.memref_slice %arg11[%dma_start3A_379, %dma_start3A_380, %dma_start3A_382, %dma_start3A_383] : memref<3x16x8x64xf32, #tpu.memory_space<vmem>> -> memref<1x1x8x64xf32, #tpu.memory_space<vmem>>
    %dma_start3A_385 = tpu.memref_squeeze %dma_start3A_384 : memref<1x1x8x64xf32, #tpu.memory_space<vmem>> -> memref<8x64xf32, #tpu.memory_space<vmem>>
    %dma_start3A_386 = arith.constant 0 : i32
    %dma_start3A_387 = tpu.memref_slice %arg4[%multiple_of3A_375, %dma_start3A_386] : memref<1000000x64xf32, #tpu.memory_space<hbm>> -> memref<8x64xf32, #tpu.memory_space<hbm>>
    %dma_start3A_388 = tpu.memref_slice %arg18[%dma_start3A_381] : memref<3x!tpu.dma_semaphore, #tpu.memory_space<semaphore_mem>> -> memref<1x!tpu.dma_semaphore, #tpu.memory_space<semaphore_mem>>
    %dma_start3A_389 = tpu.memref_squeeze %dma_start3A_388 : memref<1x!tpu.dma_semaphore, #tpu.memory_space<semaphore_mem>> -> memref<!tpu.dma_semaphore, #tpu.memory_space<semaphore_mem>>
    %dma_start3A_390 = arith.constant 0 : i32
    %dma_start3A_391 = arith.constant 0 : i32
    %dma_start3A_392 = tpu.memref_slice %arg11[%dma_start3A_379, %dma_start3A_380, %dma_start3A_390, %dma_start3A_391] : memref<3x16x8x64xf32, #tpu.memory_space<vmem>> -> memref<1x1x8x64xf32, #tpu.memory_space<vmem>>
    %dma_start3A_393 = tpu.memref_squeeze %dma_start3A_392 : memref<1x1x8x64xf32, #tpu.memory_space<vmem>> -> memref<8x64xf32, #tpu.memory_space<vmem>>
    %dma_start3A_394 = arith.constant 0 : i32
    %dma_start3A_395 = tpu.memref_slice %arg4[%multiple_of3A_375, %dma_start3A_394] : memref<1000000x64xf32, #tpu.memory_space<hbm>> -> memref<8x64xf32, #tpu.memory_space<hbm>>
    tpu.enqueue_dma source(%dma_start3A_395 : memref<8x64xf32, #tpu.memory_space<hbm>>) target(%dma_start3A_393 : memref<8x64xf32, #tpu.memory_space<vmem>>) target_semaphore(%dma_start3A_389 : memref<!tpu.dma_semaphore, #tpu.memory_space<semaphore_mem>>)
    %dma_start3A_396 = arith.constant 0 : i32
    %dma_start3A_397 = arith.constant 7 : i32
    %dma_start3A_398 = arith.constant 0 : i32
    %dma_start3A_399 = arith.constant 0 : i32
    %dma_start3A_400 = arith.constant 0 : i32
    %dma_start3A_401 = tpu.memref_slice %arg12[%dma_start3A_396, %dma_start3A_397, %dma_start3A_399, %dma_start3A_400] : memref<3x16x8x64xf32, #tpu.memory_space<vmem>> -> memref<1x1x8x64xf32, #tpu.memory_space<vmem>>
    %dma_start3A_402 = tpu.memref_squeeze %dma_start3A_401 : memref<1x1x8x64xf32, #tpu.memory_space<vmem>> -> memref<8x64xf32, #tpu.memory_space<vmem>>
    %dma_start3A_403 = arith.constant 0 : i32
    %dma_start3A_404 = tpu.memref_slice %arg4[%multiple_of3A_378, %dma_start3A_403] : memref<1000000x64xf32, #tpu.memory_space<hbm>> -> memref<8x64xf32, #tpu.memory_space<hbm>>
    %dma_start3A_405 = tpu.memref_slice %arg19[%dma_start3A_398] : memref<3x!tpu.dma_semaphore, #tpu.memory_space<semaphore_mem>> -> memref<1x!tpu.dma_semaphore, #tpu.memory_space<semaphore_mem>>
    %dma_start3A_406 = tpu.memref_squeeze %dma_start3A_405 : memref<1x!tpu.dma_semaphore, #tpu.memory_space<semaphore_mem>> -> memref<!tpu.dma_semaphore, #tpu.memory_space<semaphore_mem>>
    %dma_start3A_407 = arith.constant 0 : i32
    %dma_start3A_408 = arith.constant 0 : i32
    %dma_start3A_409 = tpu.memref_slice %arg12[%dma_start3A_396, %dma_start3A_397, %dma_start3A_407, %dma_start3A_408] : memref<3x16x8x64xf32, #tpu.memory_space<vmem>> -> memref<1x1x8x64xf32, #tpu.memory_space<vmem>>
    %dma_start3A_410 = tpu.memref_squeeze %dma_start3A_409 : memref<1x1x8x64xf32, #tpu.memory_space<vmem>> -> memref<8x64xf32, #tpu.memory_space<vmem>>
    %dma_start3A_411 = arith.constant 0 : i32
    %dma_start3A_412 = tpu.memref_slice %arg4[%multiple_of3A_378, %dma_start3A_411] : memref<1000000x64xf32, #tpu.memory_space<hbm>> -> memref<8x64xf32, #tpu.memory_space<hbm>>
    tpu.enqueue_dma source(%dma_start3A_412 : memref<8x64xf32, #tpu.memory_space<hbm>>) target(%dma_start3A_410 : memref<8x64xf32, #tpu.memory_space<vmem>>) target_semaphore(%dma_start3A_406 : memref<!tpu.dma_semaphore, #tpu.memory_space<semaphore_mem>>)
    %slice3A_413 = vector.extract_strided_slice %mul3A_87 {offsets = [8], sizes = [1], strides = [1]} : vector<16xi32> to vector<1xi32>
    %squeeze3A_414 = vector.extract %slice3A_413[0] : i32 from vector<1xi32>
    %multiple_of3A_415 = tpu.assume_multiple %squeeze3A_414, 8 : i32
    %slice3A_416 = vector.extract_strided_slice %mul3A_95 {offsets = [8], sizes = [1], strides = [1]} : vector<16xi32> to vector<1xi32>
    %squeeze3A_417 = vector.extract %slice3A_416[0] : i32 from vector<1xi32>
    %multiple_of3A_418 = tpu.assume_multiple %squeeze3A_417, 8 : i32
    %dma_start3A_419 = arith.constant 0 : i32
    %dma_start3A_420 = arith.constant 8 : i32
    %dma_start3A_421 = arith.constant 0 : i32
    %dma_start3A_422 = arith.constant 0 : i32
    %dma_start3A_423 = arith.constant 0 : i32
    %dma_start3A_424 = tpu.memref_slice %arg11[%dma_start3A_419, %dma_start3A_420, %dma_start3A_422, %dma_start3A_423] : memref<3x16x8x64xf32, #tpu.memory_space<vmem>> -> memref<1x1x8x64xf32, #tpu.memory_space<vmem>>
    %dma_start3A_425 = tpu.memref_squeeze %dma_start3A_424 : memref<1x1x8x64xf32, #tpu.memory_space<vmem>> -> memref<8x64xf32, #tpu.memory_space<vmem>>
    %dma_start3A_426 = arith.constant 0 : i32
    %dma_start3A_427 = tpu.memref_slice %arg4[%multiple_of3A_415, %dma_start3A_426] : memref<1000000x64xf32, #tpu.memory_space<hbm>> -> memref<8x64xf32, #tpu.memory_space<hbm>>
    %dma_start3A_428 = tpu.memref_slice %arg18[%dma_start3A_421] : memref<3x!tpu.dma_semaphore, #tpu.memory_space<semaphore_mem>> -> memref<1x!tpu.dma_semaphore, #tpu.memory_space<semaphore_mem>>
    %dma_start3A_429 = tpu.memref_squeeze %dma_start3A_428 : memref<1x!tpu.dma_semaphore, #tpu.memory_space<semaphore_mem>> -> memref<!tpu.dma_semaphore, #tpu.memory_space<semaphore_mem>>
    %dma_start3A_430 = arith.constant 0 : i32
    %dma_start3A_431 = arith.constant 0 : i32
    %dma_start3A_432 = tpu.memref_slice %arg11[%dma_start3A_419, %dma_start3A_420, %dma_start3A_430, %dma_start3A_431] : memref<3x16x8x64xf32, #tpu.memory_space<vmem>> -> memref<1x1x8x64xf32, #tpu.memory_space<vmem>>
    %dma_start3A_433 = tpu.memref_squeeze %dma_start3A_432 : memref<1x1x8x64xf32, #tpu.memory_space<vmem>> -> memref<8x64xf32, #tpu.memory_space<vmem>>
    %dma_start3A_434 = arith.constant 0 : i32
    %dma_start3A_435 = tpu.memref_slice %arg4[%multiple_of3A_415, %dma_start3A_434] : memref<1000000x64xf32, #tpu.memory_space<hbm>> -> memref<8x64xf32, #tpu.memory_space<hbm>>
    tpu.enqueue_dma source(%dma_start3A_435 : memref<8x64xf32, #tpu.memory_space<hbm>>) target(%dma_start3A_433 : memref<8x64xf32, #tpu.memory_space<vmem>>) target_semaphore(%dma_start3A_429 : memref<!tpu.dma_semaphore, #tpu.memory_space<semaphore_mem>>)
    %dma_start3A_436 = arith.constant 0 : i32
    %dma_start3A_437 = arith.constant 8 : i32
    %dma_start3A_438 = arith.constant 0 : i32
    %dma_start3A_439 = arith.constant 0 : i32
    %dma_start3A_440 = arith.constant 0 : i32
    %dma_start3A_441 = tpu.memref_slice %arg12[%dma_start3A_436, %dma_start3A_437, %dma_start3A_439, %dma_start3A_440] : memref<3x16x8x64xf32, #tpu.memory_space<vmem>> -> memref<1x1x8x64xf32, #tpu.memory_space<vmem>>
    %dma_start3A_442 = tpu.memref_squeeze %dma_start3A_441 : memref<1x1x8x64xf32, #tpu.memory_space<vmem>> -> memref<8x64xf32, #tpu.memory_space<vmem>>
    %dma_start3A_443 = arith.constant 0 : i32
    %dma_start3A_444 = tpu.memref_slice %arg4[%multiple_of3A_418, %dma_start3A_443] : memref<1000000x64xf32, #tpu.memory_space<hbm>> -> memref<8x64xf32, #tpu.memory_space<hbm>>
    %dma_start3A_445 = tpu.memref_slice %arg19[%dma_start3A_438] : memref<3x!tpu.dma_semaphore, #tpu.memory_space<semaphore_mem>> -> memref<1x!tpu.dma_semaphore, #tpu.memory_space<semaphore_mem>>
    %dma_start3A_446 = tpu.memref_squeeze %dma_start3A_445 : memref<1x!tpu.dma_semaphore, #tpu.memory_space<semaphore_mem>> -> memref<!tpu.dma_semaphore, #tpu.memory_space<semaphore_mem>>
    %dma_start3A_447 = arith.constant 0 : i32
    %dma_start3A_448 = arith.constant 0 : i32
    %dma_start3A_449 = tpu.memref_slice %arg12[%dma_start3A_436, %dma_start3A_437, %dma_start3A_447, %dma_start3A_448] : memref<3x16x8x64xf32, #tpu.memory_space<vmem>> -> memref<1x1x8x64xf32, #tpu.memory_space<vmem>>
    %dma_start3A_450 = tpu.memref_squeeze %dma_start3A_449 : memref<1x1x8x64xf32, #tpu.memory_space<vmem>> -> memref<8x64xf32, #tpu.memory_space<vmem>>
    %dma_start3A_451 = arith.constant 0 : i32
    %dma_start3A_452 = tpu.memref_slice %arg4[%multiple_of3A_418, %dma_start3A_451] : memref<1000000x64xf32, #tpu.memory_space<hbm>> -> memref<8x64xf32, #tpu.memory_space<hbm>>
    tpu.enqueue_dma source(%dma_start3A_452 : memref<8x64xf32, #tpu.memory_space<hbm>>) target(%dma_start3A_450 : memref<8x64xf32, #tpu.memory_space<vmem>>) target_semaphore(%dma_start3A_446 : memref<!tpu.dma_semaphore, #tpu.memory_space<semaphore_mem>>)
    %slice3A_453 = vector.extract_strided_slice %mul3A_87 {offsets = [9], sizes = [1], strides = [1]} : vector<16xi32> to vector<1xi32>
    %squeeze3A_454 = vector.extract %slice3A_453[0] : i32 from vector<1xi32>
    %multiple_of3A_455 = tpu.assume_multiple %squeeze3A_454, 8 : i32
    %slice3A_456 = vector.extract_strided_slice %mul3A_95 {offsets = [9], sizes = [1], strides = [1]} : vector<16xi32> to vector<1xi32>
    %squeeze3A_457 = vector.extract %slice3A_456[0] : i32 from vector<1xi32>
    %multiple_of3A_458 = tpu.assume_multiple %squeeze3A_457, 8 : i32
    %dma_start3A_459 = arith.constant 0 : i32
    %dma_start3A_460 = arith.constant 9 : i32
    %dma_start3A_461 = arith.constant 0 : i32
    %dma_start3A_462 = arith.constant 0 : i32
    %dma_start3A_463 = arith.constant 0 : i32
    %dma_start3A_464 = tpu.memref_slice %arg11[%dma_start3A_459, %dma_start3A_460, %dma_start3A_462, %dma_start3A_463] : memref<3x16x8x64xf32, #tpu.memory_space<vmem>> -> memref<1x1x8x64xf32, #tpu.memory_space<vmem>>
    %dma_start3A_465 = tpu.memref_squeeze %dma_start3A_464 : memref<1x1x8x64xf32, #tpu.memory_space<vmem>> -> memref<8x64xf32, #tpu.memory_space<vmem>>
    %dma_start3A_466 = arith.constant 0 : i32
    %dma_start3A_467 = tpu.memref_slice %arg4[%multiple_of3A_455, %dma_start3A_466] : memref<1000000x64xf32, #tpu.memory_space<hbm>> -> memref<8x64xf32, #tpu.memory_space<hbm>>
    %dma_start3A_468 = tpu.memref_slice %arg18[%dma_start3A_461] : memref<3x!tpu.dma_semaphore, #tpu.memory_space<semaphore_mem>> -> memref<1x!tpu.dma_semaphore, #tpu.memory_space<semaphore_mem>>
    %dma_start3A_469 = tpu.memref_squeeze %dma_start3A_468 : memref<1x!tpu.dma_semaphore, #tpu.memory_space<semaphore_mem>> -> memref<!tpu.dma_semaphore, #tpu.memory_space<semaphore_mem>>
    %dma_start3A_470 = arith.constant 0 : i32
    %dma_start3A_471 = arith.constant 0 : i32
    %dma_start3A_472 = tpu.memref_slice %arg11[%dma_start3A_459, %dma_start3A_460, %dma_start3A_470, %dma_start3A_471] : memref<3x16x8x64xf32, #tpu.memory_space<vmem>> -> memref<1x1x8x64xf32, #tpu.memory_space<vmem>>
    %dma_start3A_473 = tpu.memref_squeeze %dma_start3A_472 : memref<1x1x8x64xf32, #tpu.memory_space<vmem>> -> memref<8x64xf32, #tpu.memory_space<vmem>>
    %dma_start3A_474 = arith.constant 0 : i32
    %dma_start3A_475 = tpu.memref_slice %arg4[%multiple_of3A_455, %dma_start3A_474] : memref<1000000x64xf32, #tpu.memory_space<hbm>> -> memref<8x64xf32, #tpu.memory_space<hbm>>
    tpu.enqueue_dma source(%dma_start3A_475 : memref<8x64xf32, #tpu.memory_space<hbm>>) target(%dma_start3A_473 : memref<8x64xf32, #tpu.memory_space<vmem>>) target_semaphore(%dma_start3A_469 : memref<!tpu.dma_semaphore, #tpu.memory_space<semaphore_mem>>)
    %dma_start3A_476 = arith.constant 0 : i32
    %dma_start3A_477 = arith.constant 9 : i32
    %dma_start3A_478 = arith.constant 0 : i32
    %dma_start3A_479 = arith.constant 0 : i32
    %dma_start3A_480 = arith.constant 0 : i32
    %dma_start3A_481 = tpu.memref_slice %arg12[%dma_start3A_476, %dma_start3A_477, %dma_start3A_479, %dma_start3A_480] : memref<3x16x8x64xf32, #tpu.memory_space<vmem>> -> memref<1x1x8x64xf32, #tpu.memory_space<vmem>>
    %dma_start3A_482 = tpu.memref_squeeze %dma_start3A_481 : memref<1x1x8x64xf32, #tpu.memory_space<vmem>> -> memref<8x64xf32, #tpu.memory_space<vmem>>
    %dma_start3A_483 = arith.constant 0 : i32
    %dma_start3A_484 = tpu.memref_slice %arg4[%multiple_of3A_458, %dma_start3A_483] : memref<1000000x64xf32, #tpu.memory_space<hbm>> -> memref<8x64xf32, #tpu.memory_space<hbm>>
    %dma_start3A_485 = tpu.memref_slice %arg19[%dma_start3A_478] : memref<3x!tpu.dma_semaphore, #tpu.memory_space<semaphore_mem>> -> memref<1x!tpu.dma_semaphore, #tpu.memory_space<semaphore_mem>>
    %dma_start3A_486 = tpu.memref_squeeze %dma_start3A_485 : memref<1x!tpu.dma_semaphore, #tpu.memory_space<semaphore_mem>> -> memref<!tpu.dma_semaphore, #tpu.memory_space<semaphore_mem>>
    %dma_start3A_487 = arith.constant 0 : i32
    %dma_start3A_488 = arith.constant 0 : i32
    %dma_start3A_489 = tpu.memref_slice %arg12[%dma_start3A_476, %dma_start3A_477, %dma_start3A_487, %dma_start3A_488] : memref<3x16x8x64xf32, #tpu.memory_space<vmem>> -> memref<1x1x8x64xf32, #tpu.memory_space<vmem>>
    %dma_start3A_490 = tpu.memref_squeeze %dma_start3A_489 : memref<1x1x8x64xf32, #tpu.memory_space<vmem>> -> memref<8x64xf32, #tpu.memory_space<vmem>>
    %dma_start3A_491 = arith.constant 0 : i32
    %dma_start3A_492 = tpu.memref_slice %arg4[%multiple_of3A_458, %dma_start3A_491] : memref<1000000x64xf32, #tpu.memory_space<hbm>> -> memref<8x64xf32, #tpu.memory_space<hbm>>
    tpu.enqueue_dma source(%dma_start3A_492 : memref<8x64xf32, #tpu.memory_space<hbm>>) target(%dma_start3A_490 : memref<8x64xf32, #tpu.memory_space<vmem>>) target_semaphore(%dma_start3A_486 : memref<!tpu.dma_semaphore, #tpu.memory_space<semaphore_mem>>)
    %slice3A_493 = vector.extract_strided_slice %mul3A_87 {offsets = [10], sizes = [1], strides = [1]} : vector<16xi32> to vector<1xi32>
    %squeeze3A_494 = vector.extract %slice3A_493[0] : i32 from vector<1xi32>
    %multiple_of3A_495 = tpu.assume_multiple %squeeze3A_494, 8 : i32
    %slice3A_496 = vector.extract_strided_slice %mul3A_95 {offsets = [10], sizes = [1], strides = [1]} : vector<16xi32> to vector<1xi32>
    %squeeze3A_497 = vector.extract %slice3A_496[0] : i32 from vector<1xi32>
    %multiple_of3A_498 = tpu.assume_multiple %squeeze3A_497, 8 : i32
    %dma_start3A_499 = arith.constant 0 : i32
    %dma_start3A_500 = arith.constant 10 : i32
    %dma_start3A_501 = arith.constant 0 : i32
    %dma_start3A_502 = arith.constant 0 : i32
    %dma_start3A_503 = arith.constant 0 : i32
    %dma_start3A_504 = tpu.memref_slice %arg11[%dma_start3A_499, %dma_start3A_500, %dma_start3A_502, %dma_start3A_503] : memref<3x16x8x64xf32, #tpu.memory_space<vmem>> -> memref<1x1x8x64xf32, #tpu.memory_space<vmem>>
    %dma_start3A_505 = tpu.memref_squeeze %dma_start3A_504 : memref<1x1x8x64xf32, #tpu.memory_space<vmem>> -> memref<8x64xf32, #tpu.memory_space<vmem>>
    %dma_start3A_506 = arith.constant 0 : i32
    %dma_start3A_507 = tpu.memref_slice %arg4[%multiple_of3A_495, %dma_start3A_506] : memref<1000000x64xf32, #tpu.memory_space<hbm>> -> memref<8x64xf32, #tpu.memory_space<hbm>>
    %dma_start3A_508 = tpu.memref_slice %arg18[%dma_start3A_501] : memref<3x!tpu.dma_semaphore, #tpu.memory_space<semaphore_mem>> -> memref<1x!tpu.dma_semaphore, #tpu.memory_space<semaphore_mem>>
    %dma_start3A_509 = tpu.memref_squeeze %dma_start3A_508 : memref<1x!tpu.dma_semaphore, #tpu.memory_space<semaphore_mem>> -> memref<!tpu.dma_semaphore, #tpu.memory_space<semaphore_mem>>
    %dma_start3A_510 = arith.constant 0 : i32
    %dma_start3A_511 = arith.constant 0 : i32
    %dma_start3A_512 = tpu.memref_slice %arg11[%dma_start3A_499, %dma_start3A_500, %dma_start3A_510, %dma_start3A_511] : memref<3x16x8x64xf32, #tpu.memory_space<vmem>> -> memref<1x1x8x64xf32, #tpu.memory_space<vmem>>
    %dma_start3A_513 = tpu.memref_squeeze %dma_start3A_512 : memref<1x1x8x64xf32, #tpu.memory_space<vmem>> -> memref<8x64xf32, #tpu.memory_space<vmem>>
    %dma_start3A_514 = arith.constant 0 : i32
    %dma_start3A_515 = tpu.memref_slice %arg4[%multiple_of3A_495, %dma_start3A_514] : memref<1000000x64xf32, #tpu.memory_space<hbm>> -> memref<8x64xf32, #tpu.memory_space<hbm>>
    tpu.enqueue_dma source(%dma_start3A_515 : memref<8x64xf32, #tpu.memory_space<hbm>>) target(%dma_start3A_513 : memref<8x64xf32, #tpu.memory_space<vmem>>) target_semaphore(%dma_start3A_509 : memref<!tpu.dma_semaphore, #tpu.memory_space<semaphore_mem>>)
    %dma_start3A_516 = arith.constant 0 : i32
    %dma_start3A_517 = arith.constant 10 : i32
    %dma_start3A_518 = arith.constant 0 : i32
    %dma_start3A_519 = arith.constant 0 : i32
    %dma_start3A_520 = arith.constant 0 : i32
    %dma_start3A_521 = tpu.memref_slice %arg12[%dma_start3A_516, %dma_start3A_517, %dma_start3A_519, %dma_start3A_520] : memref<3x16x8x64xf32, #tpu.memory_space<vmem>> -> memref<1x1x8x64xf32, #tpu.memory_space<vmem>>
    %dma_start3A_522 = tpu.memref_squeeze %dma_start3A_521 : memref<1x1x8x64xf32, #tpu.memory_space<vmem>> -> memref<8x64xf32, #tpu.memory_space<vmem>>
    %dma_start3A_523 = arith.constant 0 : i32
    %dma_start3A_524 = tpu.memref_slice %arg4[%multiple_of3A_498, %dma_start3A_523] : memref<1000000x64xf32, #tpu.memory_space<hbm>> -> memref<8x64xf32, #tpu.memory_space<hbm>>
    %dma_start3A_525 = tpu.memref_slice %arg19[%dma_start3A_518] : memref<3x!tpu.dma_semaphore, #tpu.memory_space<semaphore_mem>> -> memref<1x!tpu.dma_semaphore, #tpu.memory_space<semaphore_mem>>
    %dma_start3A_526 = tpu.memref_squeeze %dma_start3A_525 : memref<1x!tpu.dma_semaphore, #tpu.memory_space<semaphore_mem>> -> memref<!tpu.dma_semaphore, #tpu.memory_space<semaphore_mem>>
    %dma_start3A_527 = arith.constant 0 : i32
    %dma_start3A_528 = arith.constant 0 : i32
    %dma_start3A_529 = tpu.memref_slice %arg12[%dma_start3A_516, %dma_start3A_517, %dma_start3A_527, %dma_start3A_528] : memref<3x16x8x64xf32, #tpu.memory_space<vmem>> -> memref<1x1x8x64xf32, #tpu.memory_space<vmem>>
    %dma_start3A_530 = tpu.memref_squeeze %dma_start3A_529 : memref<1x1x8x64xf32, #tpu.memory_space<vmem>> -> memref<8x64xf32, #tpu.memory_space<vmem>>
    %dma_start3A_531 = arith.constant 0 : i32
    %dma_start3A_532 = tpu.memref_slice %arg4[%multiple_of3A_498, %dma_start3A_531] : memref<1000000x64xf32, #tpu.memory_space<hbm>> -> memref<8x64xf32, #tpu.memory_space<hbm>>
    tpu.enqueue_dma source(%dma_start3A_532 : memref<8x64xf32, #tpu.memory_space<hbm>>) target(%dma_start3A_530 : memref<8x64xf32, #tpu.memory_space<vmem>>) target_semaphore(%dma_start3A_526 : memref<!tpu.dma_semaphore, #tpu.memory_space<semaphore_mem>>)
    %slice3A_533 = vector.extract_strided_slice %mul3A_87 {offsets = [11], sizes = [1], strides = [1]} : vector<16xi32> to vector<1xi32>
    %squeeze3A_534 = vector.extract %slice3A_533[0] : i32 from vector<1xi32>
    %multiple_of3A_535 = tpu.assume_multiple %squeeze3A_534, 8 : i32
    %slice3A_536 = vector.extract_strided_slice %mul3A_95 {offsets = [11], sizes = [1], strides = [1]} : vector<16xi32> to vector<1xi32>
    %squeeze3A_537 = vector.extract %slice3A_536[0] : i32 from vector<1xi32>
    %multiple_of3A_538 = tpu.assume_multiple %squeeze3A_537, 8 : i32
    %dma_start3A_539 = arith.constant 0 : i32
    %dma_start3A_540 = arith.constant 11 : i32
    %dma_start3A_541 = arith.constant 0 : i32
    %dma_start3A_542 = arith.constant 0 : i32
    %dma_start3A_543 = arith.constant 0 : i32
    %dma_start3A_544 = tpu.memref_slice %arg11[%dma_start3A_539, %dma_start3A_540, %dma_start3A_542, %dma_start3A_543] : memref<3x16x8x64xf32, #tpu.memory_space<vmem>> -> memref<1x1x8x64xf32, #tpu.memory_space<vmem>>
    %dma_start3A_545 = tpu.memref_squeeze %dma_start3A_544 : memref<1x1x8x64xf32, #tpu.memory_space<vmem>> -> memref<8x64xf32, #tpu.memory_space<vmem>>
    %dma_start3A_546 = arith.constant 0 : i32
    %dma_start3A_547 = tpu.memref_slice %arg4[%multiple_of3A_535, %dma_start3A_546] : memref<1000000x64xf32, #tpu.memory_space<hbm>> -> memref<8x64xf32, #tpu.memory_space<hbm>>
    %dma_start3A_548 = tpu.memref_slice %arg18[%dma_start3A_541] : memref<3x!tpu.dma_semaphore, #tpu.memory_space<semaphore_mem>> -> memref<1x!tpu.dma_semaphore, #tpu.memory_space<semaphore_mem>>
    %dma_start3A_549 = tpu.memref_squeeze %dma_start3A_548 : memref<1x!tpu.dma_semaphore, #tpu.memory_space<semaphore_mem>> -> memref<!tpu.dma_semaphore, #tpu.memory_space<semaphore_mem>>
    %dma_start3A_550 = arith.constant 0 : i32
    %dma_start3A_551 = arith.constant 0 : i32
    %dma_start3A_552 = tpu.memref_slice %arg11[%dma_start3A_539, %dma_start3A_540, %dma_start3A_550, %dma_start3A_551] : memref<3x16x8x64xf32, #tpu.memory_space<vmem>> -> memref<1x1x8x64xf32, #tpu.memory_space<vmem>>
    %dma_start3A_553 = tpu.memref_squeeze %dma_start3A_552 : memref<1x1x8x64xf32, #tpu.memory_space<vmem>> -> memref<8x64xf32, #tpu.memory_space<vmem>>
    %dma_start3A_554 = arith.constant 0 : i32
    %dma_start3A_555 = tpu.memref_slice %arg4[%multiple_of3A_535, %dma_start3A_554] : memref<1000000x64xf32, #tpu.memory_space<hbm>> -> memref<8x64xf32, #tpu.memory_space<hbm>>
    tpu.enqueue_dma source(%dma_start3A_555 : memref<8x64xf32, #tpu.memory_space<hbm>>) target(%dma_start3A_553 : memref<8x64xf32, #tpu.memory_space<vmem>>) target_semaphore(%dma_start3A_549 : memref<!tpu.dma_semaphore, #tpu.memory_space<semaphore_mem>>)
    %dma_start3A_556 = arith.constant 0 : i32
    %dma_start3A_557 = arith.constant 11 : i32
    %dma_start3A_558 = arith.constant 0 : i32
    %dma_start3A_559 = arith.constant 0 : i32
    %dma_start3A_560 = arith.constant 0 : i32
    %dma_start3A_561 = tpu.memref_slice %arg12[%dma_start3A_556, %dma_start3A_557, %dma_start3A_559, %dma_start3A_560] : memref<3x16x8x64xf32, #tpu.memory_space<vmem>> -> memref<1x1x8x64xf32, #tpu.memory_space<vmem>>
    %dma_start3A_562 = tpu.memref_squeeze %dma_start3A_561 : memref<1x1x8x64xf32, #tpu.memory_space<vmem>> -> memref<8x64xf32, #tpu.memory_space<vmem>>
    %dma_start3A_563 = arith.constant 0 : i32
    %dma_start3A_564 = tpu.memref_slice %arg4[%multiple_of3A_538, %dma_start3A_563] : memref<1000000x64xf32, #tpu.memory_space<hbm>> -> memref<8x64xf32, #tpu.memory_space<hbm>>
    %dma_start3A_565 = tpu.memref_slice %arg19[%dma_start3A_558] : memref<3x!tpu.dma_semaphore, #tpu.memory_space<semaphore_mem>> -> memref<1x!tpu.dma_semaphore, #tpu.memory_space<semaphore_mem>>
    %dma_start3A_566 = tpu.memref_squeeze %dma_start3A_565 : memref<1x!tpu.dma_semaphore, #tpu.memory_space<semaphore_mem>> -> memref<!tpu.dma_semaphore, #tpu.memory_space<semaphore_mem>>
    %dma_start3A_567 = arith.constant 0 : i32
    %dma_start3A_568 = arith.constant 0 : i32
    %dma_start3A_569 = tpu.memref_slice %arg12[%dma_start3A_556, %dma_start3A_557, %dma_start3A_567, %dma_start3A_568] : memref<3x16x8x64xf32, #tpu.memory_space<vmem>> -> memref<1x1x8x64xf32, #tpu.memory_space<vmem>>
    %dma_start3A_570 = tpu.memref_squeeze %dma_start3A_569 : memref<1x1x8x64xf32, #tpu.memory_space<vmem>> -> memref<8x64xf32, #tpu.memory_space<vmem>>
    %dma_start3A_571 = arith.constant 0 : i32
    %dma_start3A_572 = tpu.memref_slice %arg4[%multiple_of3A_538, %dma_start3A_571] : memref<1000000x64xf32, #tpu.memory_space<hbm>> -> memref<8x64xf32, #tpu.memory_space<hbm>>
    tpu.enqueue_dma source(%dma_start3A_572 : memref<8x64xf32, #tpu.memory_space<hbm>>) target(%dma_start3A_570 : memref<8x64xf32, #tpu.memory_space<vmem>>) target_semaphore(%dma_start3A_566 : memref<!tpu.dma_semaphore, #tpu.memory_space<semaphore_mem>>)
    %slice3A_573 = vector.extract_strided_slice %mul3A_87 {offsets = [12], sizes = [1], strides = [1]} : vector<16xi32> to vector<1xi32>
    %squeeze3A_574 = vector.extract %slice3A_573[0] : i32 from vector<1xi32>
    %multiple_of3A_575 = tpu.assume_multiple %squeeze3A_574, 8 : i32
    %slice3A_576 = vector.extract_strided_slice %mul3A_95 {offsets = [12], sizes = [1], strides = [1]} : vector<16xi32> to vector<1xi32>
    %squeeze3A_577 = vector.extract %slice3A_576[0] : i32 from vector<1xi32>
    %multiple_of3A_578 = tpu.assume_multiple %squeeze3A_577, 8 : i32
    %dma_start3A_579 = arith.constant 0 : i32
    %dma_start3A_580 = arith.constant 12 : i32
    %dma_start3A_581 = arith.constant 0 : i32
    %dma_start3A_582 = arith.constant 0 : i32
    %dma_start3A_583 = arith.constant 0 : i32
    %dma_start3A_584 = tpu.memref_slice %arg11[%dma_start3A_579, %dma_start3A_580, %dma_start3A_582, %dma_start3A_583] : memref<3x16x8x64xf32, #tpu.memory_space<vmem>> -> memref<1x1x8x64xf32, #tpu.memory_space<vmem>>
    %dma_start3A_585 = tpu.memref_squeeze %dma_start3A_584 : memref<1x1x8x64xf32, #tpu.memory_space<vmem>> -> memref<8x64xf32, #tpu.memory_space<vmem>>
    %dma_start3A_586 = arith.constant 0 : i32
    %dma_start3A_587 = tpu.memref_slice %arg4[%multiple_of3A_575, %dma_start3A_586] : memref<1000000x64xf32, #tpu.memory_space<hbm>> -> memref<8x64xf32, #tpu.memory_space<hbm>>
    %dma_start3A_588 = tpu.memref_slice %arg18[%dma_start3A_581] : memref<3x!tpu.dma_semaphore, #tpu.memory_space<semaphore_mem>> -> memref<1x!tpu.dma_semaphore, #tpu.memory_space<semaphore_mem>>
    %dma_start3A_589 = tpu.memref_squeeze %dma_start3A_588 : memref<1x!tpu.dma_semaphore, #tpu.memory_space<semaphore_mem>> -> memref<!tpu.dma_semaphore, #tpu.memory_space<semaphore_mem>>
    %dma_start3A_590 = arith.constant 0 : i32
    %dma_start3A_591 = arith.constant 0 : i32
    %dma_start3A_592 = tpu.memref_slice %arg11[%dma_start3A_579, %dma_start3A_580, %dma_start3A_590, %dma_start3A_591] : memref<3x16x8x64xf32, #tpu.memory_space<vmem>> -> memref<1x1x8x64xf32, #tpu.memory_space<vmem>>
    %dma_start3A_593 = tpu.memref_squeeze %dma_start3A_592 : memref<1x1x8x64xf32, #tpu.memory_space<vmem>> -> memref<8x64xf32, #tpu.memory_space<vmem>>
    %dma_start3A_594 = arith.constant 0 : i32
    %dma_start3A_595 = tpu.memref_slice %arg4[%multiple_of3A_575, %dma_start3A_594] : memref<1000000x64xf32, #tpu.memory_space<hbm>> -> memref<8x64xf32, #tpu.memory_space<hbm>>
    tpu.enqueue_dma source(%dma_start3A_595 : memref<8x64xf32, #tpu.memory_space<hbm>>) target(%dma_start3A_593 : memref<8x64xf32, #tpu.memory_space<vmem>>) target_semaphore(%dma_start3A_589 : memref<!tpu.dma_semaphore, #tpu.memory_space<semaphore_mem>>)
    %dma_start3A_596 = arith.constant 0 : i32
    %dma_start3A_597 = arith.constant 12 : i32
    %dma_start3A_598 = arith.constant 0 : i32
    %dma_start3A_599 = arith.constant 0 : i32
    %dma_start3A_600 = arith.constant 0 : i32
    %dma_start3A_601 = tpu.memref_slice %arg12[%dma_start3A_596, %dma_start3A_597, %dma_start3A_599, %dma_start3A_600] : memref<3x16x8x64xf32, #tpu.memory_space<vmem>> -> memref<1x1x8x64xf32, #tpu.memory_space<vmem>>
    %dma_start3A_602 = tpu.memref_squeeze %dma_start3A_601 : memref<1x1x8x64xf32, #tpu.memory_space<vmem>> -> memref<8x64xf32, #tpu.memory_space<vmem>>
    %dma_start3A_603 = arith.constant 0 : i32
    %dma_start3A_604 = tpu.memref_slice %arg4[%multiple_of3A_578, %dma_start3A_603] : memref<1000000x64xf32, #tpu.memory_space<hbm>> -> memref<8x64xf32, #tpu.memory_space<hbm>>
    %dma_start3A_605 = tpu.memref_slice %arg19[%dma_start3A_598] : memref<3x!tpu.dma_semaphore, #tpu.memory_space<semaphore_mem>> -> memref<1x!tpu.dma_semaphore, #tpu.memory_space<semaphore_mem>>
    %dma_start3A_606 = tpu.memref_squeeze %dma_start3A_605 : memref<1x!tpu.dma_semaphore, #tpu.memory_space<semaphore_mem>> -> memref<!tpu.dma_semaphore, #tpu.memory_space<semaphore_mem>>
    %dma_start3A_607 = arith.constant 0 : i32
    %dma_start3A_608 = arith.constant 0 : i32
    %dma_start3A_609 = tpu.memref_slice %arg12[%dma_start3A_596, %dma_start3A_597, %dma_start3A_607, %dma_start3A_608] : memref<3x16x8x64xf32, #tpu.memory_space<vmem>> -> memref<1x1x8x64xf32, #tpu.memory_space<vmem>>
    %dma_start3A_610 = tpu.memref_squeeze %dma_start3A_609 : memref<1x1x8x64xf32, #tpu.memory_space<vmem>> -> memref<8x64xf32, #tpu.memory_space<vmem>>
    %dma_start3A_611 = arith.constant 0 : i32
    %dma_start3A_612 = tpu.memref_slice %arg4[%multiple_of3A_578, %dma_start3A_611] : memref<1000000x64xf32, #tpu.memory_space<hbm>> -> memref<8x64xf32, #tpu.memory_space<hbm>>
    tpu.enqueue_dma source(%dma_start3A_612 : memref<8x64xf32, #tpu.memory_space<hbm>>) target(%dma_start3A_610 : memref<8x64xf32, #tpu.memory_space<vmem>>) target_semaphore(%dma_start3A_606 : memref<!tpu.dma_semaphore, #tpu.memory_space<semaphore_mem>>)
    %slice3A_613 = vector.extract_strided_slice %mul3A_87 {offsets = [13], sizes = [1], strides = [1]} : vector<16xi32> to vector<1xi32>
    %squeeze3A_614 = vector.extract %slice3A_613[0] : i32 from vector<1xi32>
    %multiple_of3A_615 = tpu.assume_multiple %squeeze3A_614, 8 : i32
    %slice3A_616 = vector.extract_strided_slice %mul3A_95 {offsets = [13], sizes = [1], strides = [1]} : vector<16xi32> to vector<1xi32>
    %squeeze3A_617 = vector.extract %slice3A_616[0] : i32 from vector<1xi32>
    %multiple_of3A_618 = tpu.assume_multiple %squeeze3A_617, 8 : i32
    %dma_start3A_619 = arith.constant 0 : i32
    %dma_start3A_620 = arith.constant 13 : i32
    %dma_start3A_621 = arith.constant 0 : i32
    %dma_start3A_622 = arith.constant 0 : i32
    %dma_start3A_623 = arith.constant 0 : i32
    %dma_start3A_624 = tpu.memref_slice %arg11[%dma_start3A_619, %dma_start3A_620, %dma_start3A_622, %dma_start3A_623] : memref<3x16x8x64xf32, #tpu.memory_space<vmem>> -> memref<1x1x8x64xf32, #tpu.memory_space<vmem>>
    %dma_start3A_625 = tpu.memref_squeeze %dma_start3A_624 : memref<1x1x8x64xf32, #tpu.memory_space<vmem>> -> memref<8x64xf32, #tpu.memory_space<vmem>>
    %dma_start3A_626 = arith.constant 0 : i32
    %dma_start3A_627 = tpu.memref_slice %arg4[%multiple_of3A_615, %dma_start3A_626] : memref<1000000x64xf32, #tpu.memory_space<hbm>> -> memref<8x64xf32, #tpu.memory_space<hbm>>
    %dma_start3A_628 = tpu.memref_slice %arg18[%dma_start3A_621] : memref<3x!tpu.dma_semaphore, #tpu.memory_space<semaphore_mem>> -> memref<1x!tpu.dma_semaphore, #tpu.memory_space<semaphore_mem>>
    %dma_start3A_629 = tpu.memref_squeeze %dma_start3A_628 : memref<1x!tpu.dma_semaphore, #tpu.memory_space<semaphore_mem>> -> memref<!tpu.dma_semaphore, #tpu.memory_space<semaphore_mem>>
    %dma_start3A_630 = arith.constant 0 : i32
    %dma_start3A_631 = arith.constant 0 : i32
    %dma_start3A_632 = tpu.memref_slice %arg11[%dma_start3A_619, %dma_start3A_620, %dma_start3A_630, %dma_start3A_631] : memref<3x16x8x64xf32, #tpu.memory_space<vmem>> -> memref<1x1x8x64xf32, #tpu.memory_space<vmem>>
    %dma_start3A_633 = tpu.memref_squeeze %dma_start3A_632 : memref<1x1x8x64xf32, #tpu.memory_space<vmem>> -> memref<8x64xf32, #tpu.memory_space<vmem>>
    %dma_start3A_634 = arith.constant 0 : i32
    %dma_start3A_635 = tpu.memref_slice %arg4[%multiple_of3A_615, %dma_start3A_634] : memref<1000000x64xf32, #tpu.memory_space<hbm>> -> memref<8x64xf32, #tpu.memory_space<hbm>>
    tpu.enqueue_dma source(%dma_start3A_635 : memref<8x64xf32, #tpu.memory_space<hbm>>) target(%dma_start3A_633 : memref<8x64xf32, #tpu.memory_space<vmem>>) target_semaphore(%dma_start3A_629 : memref<!tpu.dma_semaphore, #tpu.memory_space<semaphore_mem>>)
    %dma_start3A_636 = arith.constant 0 : i32
    %dma_start3A_637 = arith.constant 13 : i32
    %dma_start3A_638 = arith.constant 0 : i32
    %dma_start3A_639 = arith.constant 0 : i32
    %dma_start3A_640 = arith.constant 0 : i32
    %dma_start3A_641 = tpu.memref_slice %arg12[%dma_start3A_636, %dma_start3A_637, %dma_start3A_639, %dma_start3A_640] : memref<3x16x8x64xf32, #tpu.memory_space<vmem>> -> memref<1x1x8x64xf32, #tpu.memory_space<vmem>>
    %dma_start3A_642 = tpu.memref_squeeze %dma_start3A_641 : memref<1x1x8x64xf32, #tpu.memory_space<vmem>> -> memref<8x64xf32, #tpu.memory_space<vmem>>
    %dma_start3A_643 = arith.constant 0 : i32
    %dma_start3A_644 = tpu.memref_slice %arg4[%multiple_of3A_618, %dma_start3A_643] : memref<1000000x64xf32, #tpu.memory_space<hbm>> -> memref<8x64xf32, #tpu.memory_space<hbm>>
    %dma_start3A_645 = tpu.memref_slice %arg19[%dma_start3A_638] : memref<3x!tpu.dma_semaphore, #tpu.memory_space<semaphore_mem>> -> memref<1x!tpu.dma_semaphore, #tpu.memory_space<semaphore_mem>>
    %dma_start3A_646 = tpu.memref_squeeze %dma_start3A_645 : memref<1x!tpu.dma_semaphore, #tpu.memory_space<semaphore_mem>> -> memref<!tpu.dma_semaphore, #tpu.memory_space<semaphore_mem>>
    %dma_start3A_647 = arith.constant 0 : i32
    %dma_start3A_648 = arith.constant 0 : i32
    %dma_start3A_649 = tpu.memref_slice %arg12[%dma_start3A_636, %dma_start3A_637, %dma_start3A_647, %dma_start3A_648] : memref<3x16x8x64xf32, #tpu.memory_space<vmem>> -> memref<1x1x8x64xf32, #tpu.memory_space<vmem>>
    %dma_start3A_650 = tpu.memref_squeeze %dma_start3A_649 : memref<1x1x8x64xf32, #tpu.memory_space<vmem>> -> memref<8x64xf32, #tpu.memory_space<vmem>>
    %dma_start3A_651 = arith.constant 0 : i32
    %dma_start3A_652 = tpu.memref_slice %arg4[%multiple_of3A_618, %dma_start3A_651] : memref<1000000x64xf32, #tpu.memory_space<hbm>> -> memref<8x64xf32, #tpu.memory_space<hbm>>
    tpu.enqueue_dma source(%dma_start3A_652 : memref<8x64xf32, #tpu.memory_space<hbm>>) target(%dma_start3A_650 : memref<8x64xf32, #tpu.memory_space<vmem>>) target_semaphore(%dma_start3A_646 : memref<!tpu.dma_semaphore, #tpu.memory_space<semaphore_mem>>)
    %slice3A_653 = vector.extract_strided_slice %mul3A_87 {offsets = [14], sizes = [1], strides = [1]} : vector<16xi32> to vector<1xi32>
    %squeeze3A_654 = vector.extract %slice3A_653[0] : i32 from vector<1xi32>
    %multiple_of3A_655 = tpu.assume_multiple %squeeze3A_654, 8 : i32
    %slice3A_656 = vector.extract_strided_slice %mul3A_95 {offsets = [14], sizes = [1], strides = [1]} : vector<16xi32> to vector<1xi32>
    %squeeze3A_657 = vector.extract %slice3A_656[0] : i32 from vector<1xi32>
    %multiple_of3A_658 = tpu.assume_multiple %squeeze3A_657, 8 : i32
    %dma_start3A_659 = arith.constant 0 : i32
    %dma_start3A_660 = arith.constant 14 : i32
    %dma_start3A_661 = arith.constant 0 : i32
    %dma_start3A_662 = arith.constant 0 : i32
    %dma_start3A_663 = arith.constant 0 : i32
    %dma_start3A_664 = tpu.memref_slice %arg11[%dma_start3A_659, %dma_start3A_660, %dma_start3A_662, %dma_start3A_663] : memref<3x16x8x64xf32, #tpu.memory_space<vmem>> -> memref<1x1x8x64xf32, #tpu.memory_space<vmem>>
    %dma_start3A_665 = tpu.memref_squeeze %dma_start3A_664 : memref<1x1x8x64xf32, #tpu.memory_space<vmem>> -> memref<8x64xf32, #tpu.memory_space<vmem>>
    %dma_start3A_666 = arith.constant 0 : i32
    %dma_start3A_667 = tpu.memref_slice %arg4[%multiple_of3A_655, %dma_start3A_666] : memref<1000000x64xf32, #tpu.memory_space<hbm>> -> memref<8x64xf32, #tpu.memory_space<hbm>>
    %dma_start3A_668 = tpu.memref_slice %arg18[%dma_start3A_661] : memref<3x!tpu.dma_semaphore, #tpu.memory_space<semaphore_mem>> -> memref<1x!tpu.dma_semaphore, #tpu.memory_space<semaphore_mem>>
    %dma_start3A_669 = tpu.memref_squeeze %dma_start3A_668 : memref<1x!tpu.dma_semaphore, #tpu.memory_space<semaphore_mem>> -> memref<!tpu.dma_semaphore, #tpu.memory_space<semaphore_mem>>
    %dma_start3A_670 = arith.constant 0 : i32
    %dma_start3A_671 = arith.constant 0 : i32
    %dma_start3A_672 = tpu.memref_slice %arg11[%dma_start3A_659, %dma_start3A_660, %dma_start3A_670, %dma_start3A_671] : memref<3x16x8x64xf32, #tpu.memory_space<vmem>> -> memref<1x1x8x64xf32, #tpu.memory_space<vmem>>
    %dma_start3A_673 = tpu.memref_squeeze %dma_start3A_672 : memref<1x1x8x64xf32, #tpu.memory_space<vmem>> -> memref<8x64xf32, #tpu.memory_space<vmem>>
    %dma_start3A_674 = arith.constant 0 : i32
    %dma_start3A_675 = tpu.memref_slice %arg4[%multiple_of3A_655, %dma_start3A_674] : memref<1000000x64xf32, #tpu.memory_space<hbm>> -> memref<8x64xf32, #tpu.memory_space<hbm>>
    tpu.enqueue_dma source(%dma_start3A_675 : memref<8x64xf32, #tpu.memory_space<hbm>>) target(%dma_start3A_673 : memref<8x64xf32, #tpu.memory_space<vmem>>) target_semaphore(%dma_start3A_669 : memref<!tpu.dma_semaphore, #tpu.memory_space<semaphore_mem>>)
    %dma_start3A_676 = arith.constant 0 : i32
    %dma_start3A_677 = arith.constant 14 : i32
    %dma_start3A_678 = arith.constant 0 : i32
    %dma_start3A_679 = arith.constant 0 : i32
    %dma_start3A_680 = arith.constant 0 : i32
    %dma_start3A_681 = tpu.memref_slice %arg12[%dma_start3A_676, %dma_start3A_677, %dma_start3A_679, %dma_start3A_680] : memref<3x16x8x64xf32, #tpu.memory_space<vmem>> -> memref<1x1x8x64xf32, #tpu.memory_space<vmem>>
    %dma_start3A_682 = tpu.memref_squeeze %dma_start3A_681 : memref<1x1x8x64xf32, #tpu.memory_space<vmem>> -> memref<8x64xf32, #tpu.memory_space<vmem>>
    %dma_start3A_683 = arith.constant 0 : i32
    %dma_start3A_684 = tpu.memref_slice %arg4[%multiple_of3A_658, %dma_start3A_683] : memref<1000000x64xf32, #tpu.memory_space<hbm>> -> memref<8x64xf32, #tpu.memory_space<hbm>>
    %dma_start3A_685 = tpu.memref_slice %arg19[%dma_start3A_678] : memref<3x!tpu.dma_semaphore, #tpu.memory_space<semaphore_mem>> -> memref<1x!tpu.dma_semaphore, #tpu.memory_space<semaphore_mem>>
    %dma_start3A_686 = tpu.memref_squeeze %dma_start3A_685 : memref<1x!tpu.dma_semaphore, #tpu.memory_space<semaphore_mem>> -> memref<!tpu.dma_semaphore, #tpu.memory_space<semaphore_mem>>
    %dma_start3A_687 = arith.constant 0 : i32
    %dma_start3A_688 = arith.constant 0 : i32
    %dma_start3A_689 = tpu.memref_slice %arg12[%dma_start3A_676, %dma_start3A_677, %dma_start3A_687, %dma_start3A_688] : memref<3x16x8x64xf32, #tpu.memory_space<vmem>> -> memref<1x1x8x64xf32, #tpu.memory_space<vmem>>
    %dma_start3A_690 = tpu.memref_squeeze %dma_start3A_689 : memref<1x1x8x64xf32, #tpu.memory_space<vmem>> -> memref<8x64xf32, #tpu.memory_space<vmem>>
    %dma_start3A_691 = arith.constant 0 : i32
    %dma_start3A_692 = tpu.memref_slice %arg4[%multiple_of3A_658, %dma_start3A_691] : memref<1000000x64xf32, #tpu.memory_space<hbm>> -> memref<8x64xf32, #tpu.memory_space<hbm>>
    tpu.enqueue_dma source(%dma_start3A_692 : memref<8x64xf32, #tpu.memory_space<hbm>>) target(%dma_start3A_690 : memref<8x64xf32, #tpu.memory_space<vmem>>) target_semaphore(%dma_start3A_686 : memref<!tpu.dma_semaphore, #tpu.memory_space<semaphore_mem>>)
    %slice3A_693 = vector.extract_strided_slice %mul3A_87 {offsets = [15], sizes = [1], strides = [1]} : vector<16xi32> to vector<1xi32>
    %squeeze3A_694 = vector.extract %slice3A_693[0] : i32 from vector<1xi32>
    %multiple_of3A_695 = tpu.assume_multiple %squeeze3A_694, 8 : i32
    %slice3A_696 = vector.extract_strided_slice %mul3A_95 {offsets = [15], sizes = [1], strides = [1]} : vector<16xi32> to vector<1xi32>
    %squeeze3A_697 = vector.extract %slice3A_696[0] : i32 from vector<1xi32>
    %multiple_of3A_698 = tpu.assume_multiple %squeeze3A_697, 8 : i32
    %dma_start3A_699 = arith.constant 0 : i32
    %dma_start3A_700 = arith.constant 15 : i32
    %dma_start3A_701 = arith.constant 0 : i32
    %dma_start3A_702 = arith.constant 0 : i32
    %dma_start3A_703 = arith.constant 0 : i32
    %dma_start3A_704 = tpu.memref_slice %arg11[%dma_start3A_699, %dma_start3A_700, %dma_start3A_702, %dma_start3A_703] : memref<3x16x8x64xf32, #tpu.memory_space<vmem>> -> memref<1x1x8x64xf32, #tpu.memory_space<vmem>>
    %dma_start3A_705 = tpu.memref_squeeze %dma_start3A_704 : memref<1x1x8x64xf32, #tpu.memory_space<vmem>> -> memref<8x64xf32, #tpu.memory_space<vmem>>
    %dma_start3A_706 = arith.constant 0 : i32
    %dma_start3A_707 = tpu.memref_slice %arg4[%multiple_of3A_695, %dma_start3A_706] : memref<1000000x64xf32, #tpu.memory_space<hbm>> -> memref<8x64xf32, #tpu.memory_space<hbm>>
    %dma_start3A_708 = tpu.memref_slice %arg18[%dma_start3A_701] : memref<3x!tpu.dma_semaphore, #tpu.memory_space<semaphore_mem>> -> memref<1x!tpu.dma_semaphore, #tpu.memory_space<semaphore_mem>>
    %dma_start3A_709 = tpu.memref_squeeze %dma_start3A_708 : memref<1x!tpu.dma_semaphore, #tpu.memory_space<semaphore_mem>> -> memref<!tpu.dma_semaphore, #tpu.memory_space<semaphore_mem>>
    %dma_start3A_710 = arith.constant 0 : i32
    %dma_start3A_711 = arith.constant 0 : i32
    %dma_start3A_712 = tpu.memref_slice %arg11[%dma_start3A_699, %dma_start3A_700, %dma_start3A_710, %dma_start3A_711] : memref<3x16x8x64xf32, #tpu.memory_space<vmem>> -> memref<1x1x8x64xf32, #tpu.memory_space<vmem>>
    %dma_start3A_713 = tpu.memref_squeeze %dma_start3A_712 : memref<1x1x8x64xf32, #tpu.memory_space<vmem>> -> memref<8x64xf32, #tpu.memory_space<vmem>>
    %dma_start3A_714 = arith.constant 0 : i32
    %dma_start3A_715 = tpu.memref_slice %arg4[%multiple_of3A_695, %dma_start3A_714] : memref<1000000x64xf32, #tpu.memory_space<hbm>> -> memref<8x64xf32, #tpu.memory_space<hbm>>
    tpu.enqueue_dma source(%dma_start3A_715 : memref<8x64xf32, #tpu.memory_space<hbm>>) target(%dma_start3A_713 : memref<8x64xf32, #tpu.memory_space<vmem>>) target_semaphore(%dma_start3A_709 : memref<!tpu.dma_semaphore, #tpu.memory_space<semaphore_mem>>)
    %dma_start3A_716 = arith.constant 0 : i32
    %dma_start3A_717 = arith.constant 15 : i32
    %dma_start3A_718 = arith.constant 0 : i32
    %dma_start3A_719 = arith.constant 0 : i32
    %dma_start3A_720 = arith.constant 0 : i32
    %dma_start3A_721 = tpu.memref_slice %arg12[%dma_start3A_716, %dma_start3A_717, %dma_start3A_719, %dma_start3A_720] : memref<3x16x8x64xf32, #tpu.memory_space<vmem>> -> memref<1x1x8x64xf32, #tpu.memory_space<vmem>>
    %dma_start3A_722 = tpu.memref_squeeze %dma_start3A_721 : memref<1x1x8x64xf32, #tpu.memory_space<vmem>> -> memref<8x64xf32, #tpu.memory_space<vmem>>
    %dma_start3A_723 = arith.constant 0 : i32
    %dma_start3A_724 = tpu.memref_slice %arg4[%multiple_of3A_698, %dma_start3A_723] : memref<1000000x64xf32, #tpu.memory_space<hbm>> -> memref<8x64xf32, #tpu.memory_space<hbm>>
    %dma_start3A_725 = tpu.memref_slice %arg19[%dma_start3A_718] : memref<3x!tpu.dma_semaphore, #tpu.memory_space<semaphore_mem>> -> memref<1x!tpu.dma_semaphore, #tpu.memory_space<semaphore_mem>>
    %dma_start3A_726 = tpu.memref_squeeze %dma_start3A_725 : memref<1x!tpu.dma_semaphore, #tpu.memory_space<semaphore_mem>> -> memref<!tpu.dma_semaphore, #tpu.memory_space<semaphore_mem>>
    %dma_start3A_727 = arith.constant 0 : i32
    %dma_start3A_728 = arith.constant 0 : i32
    %dma_start3A_729 = tpu.memref_slice %arg12[%dma_start3A_716, %dma_start3A_717, %dma_start3A_727, %dma_start3A_728] : memref<3x16x8x64xf32, #tpu.memory_space<vmem>> -> memref<1x1x8x64xf32, #tpu.memory_space<vmem>>
    %dma_start3A_730 = tpu.memref_squeeze %dma_start3A_729 : memref<1x1x8x64xf32, #tpu.memory_space<vmem>> -> memref<8x64xf32, #tpu.memory_space<vmem>>
    %dma_start3A_731 = arith.constant 0 : i32
    %dma_start3A_732 = tpu.memref_slice %arg4[%multiple_of3A_698, %dma_start3A_731] : memref<1000000x64xf32, #tpu.memory_space<hbm>> -> memref<8x64xf32, #tpu.memory_space<hbm>>
    tpu.enqueue_dma source(%dma_start3A_732 : memref<8x64xf32, #tpu.memory_space<hbm>>) target(%dma_start3A_730 : memref<8x64xf32, #tpu.memory_space<vmem>>) target_semaphore(%dma_start3A_726 : memref<!tpu.dma_semaphore, #tpu.memory_space<semaphore_mem>>)
    %get3A_733 = arith.constant 16 : index
    %get3A_734 = tpu.vector_load %arg9[%get3A_733] {strides = array<i32>} : memref<512xi32, #tpu.memory_space<vmem>>, vector<16xi32>,
    %shift_right_logical3A_735 = arith.constant 3 : i32
    %shift_right_logical3A_736 = vector.broadcast %shift_right_logical3A_735 : i32 to vector<16xi32>
    %shift_right_logical3A_737 = arith.shrui %get3A_734, %shift_right_logical3A_736 : vector<16xi32>
    %mul3A_738 = arith.constant 8 : i32
    %mul3A_739 = vector.broadcast %mul3A_738 : i32 to vector<16xi32>
    %mul3A_740 = arith.muli %shift_right_logical3A_737, %mul3A_739 : vector<16xi32>
    %get3A_741 = arith.constant 16 : index
    %get3A_742 = tpu.vector_load %arg10[%get3A_741] {strides = array<i32>} : memref<512xi32, #tpu.memory_space<vmem>>, vector<16xi32>,
    %shift_right_logical3A_743 = arith.constant 3 : i32
    %shift_right_logical3A_744 = vector.broadcast %shift_right_logical3A_743 : i32 to vector<16xi32>
    %shift_right_logical3A_745 = arith.shrui %get3A_742, %shift_right_logical3A_744 : vector<16xi32>
    %mul3A_746 = arith.constant 8 : i32
    %mul3A_747 = vector.broadcast %mul3A_746 : i32 to vector<16xi32>
    %mul3A_748 = arith.muli %shift_right_logical3A_745, %mul3A_747 : vector<16xi32>
    %slice3A_749 = vector.extract_strided_slice %mul3A_740 {offsets = [0], sizes = [1], strides = [1]} : vector<16xi32> to vector<1xi32>
    %squeeze3A_750 = vector.extract %slice3A_749[0] : i32 from vector<1xi32>
    %multiple_of3A_751 = tpu.assume_multiple %squeeze3A_750, 8 : i32
    %slice3A_752 = vector.extract_strided_slice %mul3A_748 {offsets = [0], sizes = [1], strides = [1]} : vector<16xi32> to vector<1xi32>
    %squeeze3A_753 = vector.extract %slice3A_752[0] : i32 from vector<1xi32>
    %multiple_of3A_754 = tpu.assume_multiple %squeeze3A_753, 8 : i32
    %dma_start3A_755 = arith.constant 1 : i32
    %dma_start3A_756 = arith.constant 0 : i32
    %dma_start3A_757 = arith.constant 1 : i32
    %dma_start3A_758 = arith.constant 0 : i32
    %dma_start3A_759 = arith.constant 0 : i32
    %dma_start3A_760 = tpu.memref_slice %arg11[%dma_start3A_755, %dma_start3A_756, %dma_start3A_758, %dma_start3A_759] : memref<3x16x8x64xf32, #tpu.memory_space<vmem>> -> memref<1x1x8x64xf32, #tpu.memory_space<vmem>>
    %dma_start3A_761 = tpu.memref_squeeze %dma_start3A_760 : memref<1x1x8x64xf32, #tpu.memory_space<vmem>> -> memref<8x64xf32, #tpu.memory_space<vmem>>
    %dma_start3A_762 = arith.constant 0 : i32
    %dma_start3A_763 = tpu.memref_slice %arg4[%multiple_of3A_751, %dma_start3A_762] : memref<1000000x64xf32, #tpu.memory_space<hbm>> -> memref<8x64xf32, #tpu.memory_space<hbm>>
    %dma_start3A_764 = tpu.memref_slice %arg18[%dma_start3A_757] : memref<3x!tpu.dma_semaphore, #tpu.memory_space<semaphore_mem>> -> memref<1x!tpu.dma_semaphore, #tpu.memory_space<semaphore_mem>>
    %dma_start3A_765 = tpu.memref_squeeze %dma_start3A_764 : memref<1x!tpu.dma_semaphore, #tpu.memory_space<semaphore_mem>> -> memref<!tpu.dma_semaphore, #tpu.memory_space<semaphore_mem>>
    %dma_start3A_766 = arith.constant 0 : i32
    %dma_start3A_767 = arith.constant 0 : i32
    %dma_start3A_768 = tpu.memref_slice %arg11[%dma_start3A_755, %dma_start3A_756, %dma_start3A_766, %dma_start3A_767] : memref<3x16x8x64xf32, #tpu.memory_space<vmem>> -> memref<1x1x8x64xf32, #tpu.memory_space<vmem>>
    %dma_start3A_769 = tpu.memref_squeeze %dma_start3A_768 : memref<1x1x8x64xf32, #tpu.memory_space<vmem>> -> memref<8x64xf32, #tpu.memory_space<vmem>>
    %dma_start3A_770 = arith.constant 0 : i32
    %dma_start3A_771 = tpu.memref_slice %arg4[%multiple_of3A_751, %dma_start3A_770] : memref<1000000x64xf32, #tpu.memory_space<hbm>> -> memref<8x64xf32, #tpu.memory_space<hbm>>
    tpu.enqueue_dma source(%dma_start3A_771 : memref<8x64xf32, #tpu.memory_space<hbm>>) target(%dma_start3A_769 : memref<8x64xf32, #tpu.memory_space<vmem>>) target_semaphore(%dma_start3A_765 : memref<!tpu.dma_semaphore, #tpu.memory_space<semaphore_mem>>)
    %dma_start3A_772 = arith.constant 1 : i32
    %dma_start3A_773 = arith.constant 0 : i32
    %dma_start3A_774 = arith.constant 1 : i32
    %dma_start3A_775 = arith.constant 0 : i32
    %dma_start3A_776 = arith.constant 0 : i32
    %dma_start3A_777 = tpu.memref_slice %arg12[%dma_start3A_772, %dma_start3A_773, %dma_start3A_775, %dma_start3A_776] : memref<3x16x8x64xf32, #tpu.memory_space<vmem>> -> memref<1x1x8x64xf32, #tpu.memory_space<vmem>>
    %dma_start3A_778 = tpu.memref_squeeze %dma_start3A_777 : memref<1x1x8x64xf32, #tpu.memory_space<vmem>> -> memref<8x64xf32, #tpu.memory_space<vmem>>
    %dma_start3A_779 = arith.constant 0 : i32
    %dma_start3A_780 = tpu.memref_slice %arg4[%multiple_of3A_754, %dma_start3A_779] : memref<1000000x64xf32, #tpu.memory_space<hbm>> -> memref<8x64xf32, #tpu.memory_space<hbm>>
    %dma_start3A_781 = tpu.memref_slice %arg19[%dma_start3A_774] : memref<3x!tpu.dma_semaphore, #tpu.memory_space<semaphore_mem>> -> memref<1x!tpu.dma_semaphore, #tpu.memory_space<semaphore_mem>>
    %dma_start3A_782 = tpu.memref_squeeze %dma_start3A_781 : memref<1x!tpu.dma_semaphore, #tpu.memory_space<semaphore_mem>> -> memref<!tpu.dma_semaphore, #tpu.memory_space<semaphore_mem>>
    %dma_start3A_783 = arith.constant 0 : i32
    %dma_start3A_784 = arith.constant 0 : i32
    %dma_start3A_785 = tpu.memref_slice %arg12[%dma_start3A_772, %dma_start3A_773, %dma_start3A_783, %dma_start3A_784] : memref<3x16x8x64xf32, #tpu.memory_space<vmem>> -> memref<1x1x8x64xf32, #tpu.memory_space<vmem>>
    %dma_start3A_786 = tpu.memref_squeeze %dma_start3A_785 : memref<1x1x8x64xf32, #tpu.memory_space<vmem>> -> memref<8x64xf32, #tpu.memory_space<vmem>>
    %dma_start3A_787 = arith.constant 0 : i32
    %dma_start3A_788 = tpu.memref_slice %arg4[%multiple_of3A_754, %dma_start3A_787] : memref<1000000x64xf32, #tpu.memory_space<hbm>> -> memref<8x64xf32, #tpu.memory_space<hbm>>
    tpu.enqueue_dma source(%dma_start3A_788 : memref<8x64xf32, #tpu.memory_space<hbm>>) target(%dma_start3A_786 : memref<8x64xf32, #tpu.memory_space<vmem>>) target_semaphore(%dma_start3A_782 : memref<!tpu.dma_semaphore, #tpu.memory_space<semaphore_mem>>)
    %slice3A_789 = vector.extract_strided_slice %mul3A_740 {offsets = [1], sizes = [1], strides = [1]} : vector<16xi32> to vector<1xi32>
    %squeeze3A_790 = vector.extract %slice3A_789[0] : i32 from vector<1xi32>
    %multiple_of3A_791 = tpu.assume_multiple %squeeze3A_790, 8 : i32
    %slice3A_792 = vector.extract_strided_slice %mul3A_748 {offsets = [1], sizes = [1], strides = [1]} : vector<16xi32> to vector<1xi32>
    %squeeze3A_793 = vector.extract %slice3A_792[0] : i32 from vector<1xi32>
    %multiple_of3A_794 = tpu.assume_multiple %squeeze3A_793, 8 : i32
    %dma_start3A_795 = arith.constant 1 : i32
    %dma_start3A_796 = arith.constant 1 : i32
    %dma_start3A_797 = arith.constant 1 : i32
    %dma_start3A_798 = arith.constant 0 : i32
    %dma_start3A_799 = arith.constant 0 : i32
    %dma_start3A_800 = tpu.memref_slice %arg11[%dma_start3A_795, %dma_start3A_796, %dma_start3A_798, %dma_start3A_799] : memref<3x16x8x64xf32, #tpu.memory_space<vmem>> -> memref<1x1x8x64xf32, #tpu.memory_space<vmem>>
    %dma_start3A_801 = tpu.memref_squeeze %dma_start3A_800 : memref<1x1x8x64xf32, #tpu.memory_space<vmem>> -> memref<8x64xf32, #tpu.memory_space<vmem>>
    %dma_start3A_802 = arith.constant 0 : i32
    %dma_start3A_803 = tpu.memref_slice %arg4[%multiple_of3A_791, %dma_start3A_802] : memref<1000000x64xf32, #tpu.memory_space<hbm>> -> memref<8x64xf32, #tpu.memory_space<hbm>>
    %dma_start3A_804 = tpu.memref_slice %arg18[%dma_start3A_797] : memref<3x!tpu.dma_semaphore, #tpu.memory_space<semaphore_mem>> -> memref<1x!tpu.dma_semaphore, #tpu.memory_space<semaphore_mem>>
    %dma_start3A_805 = tpu.memref_squeeze %dma_start3A_804 : memref<1x!tpu.dma_semaphore, #tpu.memory_space<semaphore_mem>> -> memref<!tpu.dma_semaphore, #tpu.memory_space<semaphore_mem>>
    %dma_start3A_806 = arith.constant 0 : i32
    %dma_start3A_807 = arith.constant 0 : i32
    %dma_start3A_808 = tpu.memref_slice %arg11[%dma_start3A_795, %dma_start3A_796, %dma_start3A_806, %dma_start3A_807] : memref<3x16x8x64xf32, #tpu.memory_space<vmem>> -> memref<1x1x8x64xf32, #tpu.memory_space<vmem>>
    %dma_start3A_809 = tpu.memref_squeeze %dma_start3A_808 : memref<1x1x8x64xf32, #tpu.memory_space<vmem>> -> memref<8x64xf32, #tpu.memory_space<vmem>>
    %dma_start3A_810 = arith.constant 0 : i32
    %dma_start3A_811 = tpu.memref_slice %arg4[%multiple_of3A_791, %dma_start3A_810] : memref<1000000x64xf32, #tpu.memory_space<hbm>> -> memref<8x64xf32, #tpu.memory_space<hbm>>
    tpu.enqueue_dma source(%dma_start3A_811 : memref<8x64xf32, #tpu.memory_space<hbm>>) target(%dma_start3A_809 : memref<8x64xf32, #tpu.memory_space<vmem>>) target_semaphore(%dma_start3A_805 : memref<!tpu.dma_semaphore, #tpu.memory_space<semaphore_mem>>)
    %dma_start3A_812 = arith.constant 1 : i32
    %dma_start3A_813 = arith.constant 1 : i32
    %dma_start3A_814 = arith.constant 1 : i32
    %dma_start3A_815 = arith.constant 0 : i32
    %dma_start3A_816 = arith.constant 0 : i32
    %dma_start3A_817 = tpu.memref_slice %arg12[%dma_start3A_812, %dma_start3A_813, %dma_start3A_815, %dma_start3A_816] : memref<3x16x8x64xf32, #tpu.memory_space<vmem>> -> memref<1x1x8x64xf32, #tpu.memory_space<vmem>>
    %dma_start3A_818 = tpu.memref_squeeze %dma_start3A_817 : memref<1x1x8x64xf32, #tpu.memory_space<vmem>> -> memref<8x64xf32, #tpu.memory_space<vmem>>
    %dma_start3A_819 = arith.constant 0 : i32
    %dma_start3A_820 = tpu.memref_slice %arg4[%multiple_of3A_794, %dma_start3A_819] : memref<1000000x64xf32, #tpu.memory_space<hbm>> -> memref<8x64xf32, #tpu.memory_space<hbm>>
    %dma_start3A_821 = tpu.memref_slice %arg19[%dma_start3A_814] : memref<3x!tpu.dma_semaphore, #tpu.memory_space<semaphore_mem>> -> memref<1x!tpu.dma_semaphore, #tpu.memory_space<semaphore_mem>>
    %dma_start3A_822 = tpu.memref_squeeze %dma_start3A_821 : memref<1x!tpu.dma_semaphore, #tpu.memory_space<semaphore_mem>> -> memref<!tpu.dma_semaphore, #tpu.memory_space<semaphore_mem>>
    %dma_start3A_823 = arith.constant 0 : i32
    %dma_start3A_824 = arith.constant 0 : i32
    %dma_start3A_825 = tpu.memref_slice %arg12[%dma_start3A_812, %dma_start3A_813, %dma_start3A_823, %dma_start3A_824] : memref<3x16x8x64xf32, #tpu.memory_space<vmem>> -> memref<1x1x8x64xf32, #tpu.memory_space<vmem>>
    %dma_start3A_826 = tpu.memref_squeeze %dma_start3A_825 : memref<1x1x8x64xf32, #tpu.memory_space<vmem>> -> memref<8x64xf32, #tpu.memory_space<vmem>>
    %dma_start3A_827 = arith.constant 0 : i32
    %dma_start3A_828 = tpu.memref_slice %arg4[%multiple_of3A_794, %dma_start3A_827] : memref<1000000x64xf32, #tpu.memory_space<hbm>> -> memref<8x64xf32, #tpu.memory_space<hbm>>
    tpu.enqueue_dma source(%dma_start3A_828 : memref<8x64xf32, #tpu.memory_space<hbm>>) target(%dma_start3A_826 : memref<8x64xf32, #tpu.memory_space<vmem>>) target_semaphore(%dma_start3A_822 : memref<!tpu.dma_semaphore, #tpu.memory_space<semaphore_mem>>)
    %slice3A_829 = vector.extract_strided_slice %mul3A_740 {offsets = [2], sizes = [1], strides = [1]} : vector<16xi32> to vector<1xi32>
    %squeeze3A_830 = vector.extract %slice3A_829[0] : i32 from vector<1xi32>
    %multiple_of3A_831 = tpu.assume_multiple %squeeze3A_830, 8 : i32
    %slice3A_832 = vector.extract_strided_slice %mul3A_748 {offsets = [2], sizes = [1], strides = [1]} : vector<16xi32> to vector<1xi32>
    %squeeze3A_833 = vector.extract %slice3A_832[0] : i32 from vector<1xi32>
    %multiple_of3A_834 = tpu.assume_multiple %squeeze3A_833, 8 : i32
    %dma_start3A_835 = arith.constant 1 : i32
    %dma_start3A_836 = arith.constant 2 : i32
    %dma_start3A_837 = arith.constant 1 : i32
    %dma_start3A_838 = arith.constant 0 : i32
    %dma_start3A_839 = arith.constant 0 : i32
    %dma_start3A_840 = tpu.memref_slice %arg11[%dma_start3A_835, %dma_start3A_836, %dma_start3A_838, %dma_start3A_839] : memref<3x16x8x64xf32, #tpu.memory_space<vmem>> -> memref<1x1x8x64xf32, #tpu.memory_space<vmem>>
    %dma_start3A_841 = tpu.memref_squeeze %dma_start3A_840 : memref<1x1x8x64xf32, #tpu.memory_space<vmem>> -> memref<8x64xf32, #tpu.memory_space<vmem>>
    %dma_start3A_842 = arith.constant 0 : i32
    %dma_start3A_843 = tpu.memref_slice %arg4[%multiple_of3A_831, %dma_start3A_842] : memref<1000000x64xf32, #tpu.memory_space<hbm>> -> memref<8x64xf32, #tpu.memory_space<hbm>>
    %dma_start3A_844 = tpu.memref_slice %arg18[%dma_start3A_837] : memref<3x!tpu.dma_semaphore, #tpu.memory_space<semaphore_mem>> -> memref<1x!tpu.dma_semaphore, #tpu.memory_space<semaphore_mem>>
    %dma_start3A_845 = tpu.memref_squeeze %dma_start3A_844 : memref<1x!tpu.dma_semaphore, #tpu.memory_space<semaphore_mem>> -> memref<!tpu.dma_semaphore, #tpu.memory_space<semaphore_mem>>
    %dma_start3A_846 = arith.constant 0 : i32
    %dma_start3A_847 = arith.constant 0 : i32
    %dma_start3A_848 = tpu.memref_slice %arg11[%dma_start3A_835, %dma_start3A_836, %dma_start3A_846, %dma_start3A_847] : memref<3x16x8x64xf32, #tpu.memory_space<vmem>> -> memref<1x1x8x64xf32, #tpu.memory_space<vmem>>
    %dma_start3A_849 = tpu.memref_squeeze %dma_start3A_848 : memref<1x1x8x64xf32, #tpu.memory_space<vmem>> -> memref<8x64xf32, #tpu.memory_space<vmem>>
    %dma_start3A_850 = arith.constant 0 : i32
    %dma_start3A_851 = tpu.memref_slice %arg4[%multiple_of3A_831, %dma_start3A_850] : memref<1000000x64xf32, #tpu.memory_space<hbm>> -> memref<8x64xf32, #tpu.memory_space<hbm>>
    tpu.enqueue_dma source(%dma_start3A_851 : memref<8x64xf32, #tpu.memory_space<hbm>>) target(%dma_start3A_849 : memref<8x64xf32, #tpu.memory_space<vmem>>) target_semaphore(%dma_start3A_845 : memref<!tpu.dma_semaphore, #tpu.memory_space<semaphore_mem>>)
    %dma_start3A_852 = arith.constant 1 : i32
    %dma_start3A_853 = arith.constant 2 : i32
    %dma_start3A_854 = arith.constant 1 : i32
    %dma_start3A_855 = arith.constant 0 : i32
    %dma_start3A_856 = arith.constant 0 : i32
    %dma_start3A_857 = tpu.memref_slice %arg12[%dma_start3A_852, %dma_start3A_853, %dma_start3A_855, %dma_start3A_856] : memref<3x16x8x64xf32, #tpu.memory_space<vmem>> -> memref<1x1x8x64xf32, #tpu.memory_space<vmem>>
    %dma_start3A_858 = tpu.memref_squeeze %dma_start3A_857 : memref<1x1x8x64xf32, #tpu.memory_space<vmem>> -> memref<8x64xf32, #tpu.memory_space<vmem>>
    %dma_start3A_859 = arith.constant 0 : i32
    %dma_start3A_860 = tpu.memref_slice %arg4[%multiple_of3A_834, %dma_start3A_859] : memref<1000000x64xf32, #tpu.memory_space<hbm>> -> memref<8x64xf32, #tpu.memory_space<hbm>>
    %dma_start3A_861 = tpu.memref_slice %arg19[%dma_start3A_854] : memref<3x!tpu.dma_semaphore, #tpu.memory_space<semaphore_mem>> -> memref<1x!tpu.dma_semaphore, #tpu.memory_space<semaphore_mem>>
    %dma_start3A_862 = tpu.memref_squeeze %dma_start3A_861 : memref<1x!tpu.dma_semaphore, #tpu.memory_space<semaphore_mem>> -> memref<!tpu.dma_semaphore, #tpu.memory_space<semaphore_mem>>
    %dma_start3A_863 = arith.constant 0 : i32
    %dma_start3A_864 = arith.constant 0 : i32
    %dma_start3A_865 = tpu.memref_slice %arg12[%dma_start3A_852, %dma_start3A_853, %dma_start3A_863, %dma_start3A_864] : memref<3x16x8x64xf32, #tpu.memory_space<vmem>> -> memref<1x1x8x64xf32, #tpu.memory_space<vmem>>
    %dma_start3A_866 = tpu.memref_squeeze %dma_start3A_865 : memref<1x1x8x64xf32, #tpu.memory_space<vmem>> -> memref<8x64xf32, #tpu.memory_space<vmem>>
    %dma_start3A_867 = arith.constant 0 : i32
    %dma_start3A_868 = tpu.memref_slice %arg4[%multiple_of3A_834, %dma_start3A_867] : memref<1000000x64xf32, #tpu.memory_space<hbm>> -> memref<8x64xf32, #tpu.memory_space<hbm>>
    tpu.enqueue_dma source(%dma_start3A_868 : memref<8x64xf32, #tpu.memory_space<hbm>>) target(%dma_start3A_866 : memref<8x64xf32, #tpu.memory_space<vmem>>) target_semaphore(%dma_start3A_862 : memref<!tpu.dma_semaphore, #tpu.memory_space<semaphore_mem>>)
    %slice3A_869 = vector.extract_strided_slice %mul3A_740 {offsets = [3], sizes = [1], strides = [1]} : vector<16xi32> to vector<1xi32>
    %squeeze3A_870 = vector.extract %slice3A_869[0] : i32 from vector<1xi32>
    %multiple_of3A_871 = tpu.assume_multiple %squeeze3A_870, 8 : i32
    %slice3A_872 = vector.extract_strided_slice %mul3A_748 {offsets = [3], sizes = [1], strides = [1]} : vector<16xi32> to vector<1xi32>
    %squeeze3A_873 = vector.extract %slice3A_872[0] : i32 from vector<1xi32>
    %multiple_of3A_874 = tpu.assume_multiple %squeeze3A_873, 8 : i32
    %dma_start3A_875 = arith.constant 1 : i32
    %dma_start3A_876 = arith.constant 3 : i32
    %dma_start3A_877 = arith.constant 1 : i32
    %dma_start3A_878 = arith.constant 0 : i32
    %dma_start3A_879 = arith.constant 0 : i32
    %dma_start3A_880 = tpu.memref_slice %arg11[%dma_start3A_875, %dma_start3A_876, %dma_start3A_878, %dma_start3A_879] : memref<3x16x8x64xf32, #tpu.memory_space<vmem>> -> memref<1x1x8x64xf32, #tpu.memory_space<vmem>>
    %dma_start3A_881 = tpu.memref_squeeze %dma_start3A_880 : memref<1x1x8x64xf32, #tpu.memory_space<vmem>> -> memref<8x64xf32, #tpu.memory_space<vmem>>
    %dma_start3A_882 = arith.constant 0 : i32
    %dma_start3A_883 = tpu.memref_slice %arg4[%multiple_of3A_871, %dma_start3A_882] : memref<1000000x64xf32, #tpu.memory_space<hbm>> -> memref<8x64xf32, #tpu.memory_space<hbm>>
    %dma_start3A_884 = tpu.memref_slice %arg18[%dma_start3A_877] : memref<3x!tpu.dma_semaphore, #tpu.memory_space<semaphore_mem>> -> memref<1x!tpu.dma_semaphore, #tpu.memory_space<semaphore_mem>>
    %dma_start3A_885 = tpu.memref_squeeze %dma_start3A_884 : memref<1x!tpu.dma_semaphore, #tpu.memory_space<semaphore_mem>> -> memref<!tpu.dma_semaphore, #tpu.memory_space<semaphore_mem>>
    %dma_start3A_886 = arith.constant 0 : i32
    %dma_start3A_887 = arith.constant 0 : i32
    %dma_start3A_888 = tpu.memref_slice %arg11[%dma_start3A_875, %dma_start3A_876, %dma_start3A_886, %dma_start3A_887] : memref<3x16x8x64xf32, #tpu.memory_space<vmem>> -> memref<1x1x8x64xf32, #tpu.memory_space<vmem>>
    %dma_start3A_889 = tpu.memref_squeeze %dma_start3A_888 : memref<1x1x8x64xf32, #tpu.memory_space<vmem>> -> memref<8x64xf32, #tpu.memory_space<vmem>>
    %dma_start3A_890 = arith.constant 0 : i32
    %dma_start3A_891 = tpu.memref_slice %arg4[%multiple_of3A_871, %dma_start3A_890] : memref<1000000x64xf32, #tpu.memory_space<hbm>> -> memref<8x64xf32, #tpu.memory_space<hbm>>
    tpu.enqueue_dma source(%dma_start3A_891 : memref<8x64xf32, #tpu.memory_space<hbm>>) target(%dma_start3A_889 : memref<8x64xf32, #tpu.memory_space<vmem>>) target_semaphore(%dma_start3A_885 : memref<!tpu.dma_semaphore, #tpu.memory_space<semaphore_mem>>)
    %dma_start3A_892 = arith.constant 1 : i32
    %dma_start3A_893 = arith.constant 3 : i32
    %dma_start3A_894 = arith.constant 1 : i32
    %dma_start3A_895 = arith.constant 0 : i32
    %dma_start3A_896 = arith.constant 0 : i32
    %dma_start3A_897 = tpu.memref_slice %arg12[%dma_start3A_892, %dma_start3A_893, %dma_start3A_895, %dma_start3A_896] : memref<3x16x8x64xf32, #tpu.memory_space<vmem>> -> memref<1x1x8x64xf32, #tpu.memory_space<vmem>>
    %dma_start3A_898 = tpu.memref_squeeze %dma_start3A_897 : memref<1x1x8x64xf32, #tpu.memory_space<vmem>> -> memref<8x64xf32, #tpu.memory_space<vmem>>
    %dma_start3A_899 = arith.constant 0 : i32
    %dma_start3A_900 = tpu.memref_slice %arg4[%multiple_of3A_874, %dma_start3A_899] : memref<1000000x64xf32, #tpu.memory_space<hbm>> -> memref<8x64xf32, #tpu.memory_space<hbm>>
    %dma_start3A_901 = tpu.memref_slice %arg19[%dma_start3A_894] : memref<3x!tpu.dma_semaphore, #tpu.memory_space<semaphore_mem>> -> memref<1x!tpu.dma_semaphore, #tpu.memory_space<semaphore_mem>>
    %dma_start3A_902 = tpu.memref_squeeze %dma_start3A_901 : memref<1x!tpu.dma_semaphore, #tpu.memory_space<semaphore_mem>> -> memref<!tpu.dma_semaphore, #tpu.memory_space<semaphore_mem>>
    %dma_start3A_903 = arith.constant 0 : i32
    %dma_start3A_904 = arith.constant 0 : i32
    %dma_start3A_905 = tpu.memref_slice %arg12[%dma_start3A_892, %dma_start3A_893, %dma_start3A_903, %dma_start3A_904] : memref<3x16x8x64xf32, #tpu.memory_space<vmem>> -> memref<1x1x8x64xf32, #tpu.memory_space<vmem>>
    %dma_start3A_906 = tpu.memref_squeeze %dma_start3A_905 : memref<1x1x8x64xf32, #tpu.memory_space<vmem>> -> memref<8x64xf32, #tpu.memory_space<vmem>>
    %dma_start3A_907 = arith.constant 0 : i32
    %dma_start3A_908 = tpu.memref_slice %arg4[%multiple_of3A_874, %dma_start3A_907] : memref<1000000x64xf32, #tpu.memory_space<hbm>> -> memref<8x64xf32, #tpu.memory_space<hbm>>
    tpu.enqueue_dma source(%dma_start3A_908 : memref<8x64xf32, #tpu.memory_space<hbm>>) target(%dma_start3A_906 : memref<8x64xf32, #tpu.memory_space<vmem>>) target_semaphore(%dma_start3A_902 : memref<!tpu.dma_semaphore, #tpu.memory_space<semaphore_mem>>)
    %slice3A_909 = vector.extract_strided_slice %mul3A_740 {offsets = [4], sizes = [1], strides = [1]} : vector<16xi32> to vector<1xi32>
    %squeeze3A_910 = vector.extract %slice3A_909[0] : i32 from vector<1xi32>
    %multiple_of3A_911 = tpu.assume_multiple %squeeze3A_910, 8 : i32
    %slice3A_912 = vector.extract_strided_slice %mul3A_748 {offsets = [4], sizes = [1], strides = [1]} : vector<16xi32> to vector<1xi32>
    %squeeze3A_913 = vector.extract %slice3A_912[0] : i32 from vector<1xi32>
    %multiple_of3A_914 = tpu.assume_multiple %squeeze3A_913, 8 : i32
    %dma_start3A_915 = arith.constant 1 : i32
    %dma_start3A_916 = arith.constant 4 : i32
    %dma_start3A_917 = arith.constant 1 : i32
    %dma_start3A_918 = arith.constant 0 : i32
    %dma_start3A_919 = arith.constant 0 : i32
    %dma_start3A_920 = tpu.memref_slice %arg11[%dma_start3A_915, %dma_start3A_916, %dma_start3A_918, %dma_start3A_919] : memref<3x16x8x64xf32, #tpu.memory_space<vmem>> -> memref<1x1x8x64xf32, #tpu.memory_space<vmem>>
    %dma_start3A_921 = tpu.memref_squeeze %dma_start3A_920 : memref<1x1x8x64xf32, #tpu.memory_space<vmem>> -> memref<8x64xf32, #tpu.memory_space<vmem>>
    %dma_start3A_922 = arith.constant 0 : i32
    %dma_start3A_923 = tpu.memref_slice %arg4[%multiple_of3A_911, %dma_start3A_922] : memref<1000000x64xf32, #tpu.memory_space<hbm>> -> memref<8x64xf32, #tpu.memory_space<hbm>>
    %dma_start3A_924 = tpu.memref_slice %arg18[%dma_start3A_917] : memref<3x!tpu.dma_semaphore, #tpu.memory_space<semaphore_mem>> -> memref<1x!tpu.dma_semaphore, #tpu.memory_space<semaphore_mem>>
    %dma_start3A_925 = tpu.memref_squeeze %dma_start3A_924 : memref<1x!tpu.dma_semaphore, #tpu.memory_space<semaphore_mem>> -> memref<!tpu.dma_semaphore, #tpu.memory_space<semaphore_mem>>
    %dma_start3A_926 = arith.constant 0 : i32
    %dma_start3A_927 = arith.constant 0 : i32
    %dma_start3A_928 = tpu.memref_slice %arg11[%dma_start3A_915, %dma_start3A_916, %dma_start3A_926, %dma_start3A_927] : memref<3x16x8x64xf32, #tpu.memory_space<vmem>> -> memref<1x1x8x64xf32, #tpu.memory_space<vmem>>
    %dma_start3A_929 = tpu.memref_squeeze %dma_start3A_928 : memref<1x1x8x64xf32, #tpu.memory_space<vmem>> -> memref<8x64xf32, #tpu.memory_space<vmem>>
    %dma_start3A_930 = arith.constant 0 : i32
    %dma_start3A_931 = tpu.memref_slice %arg4[%multiple_of3A_911, %dma_start3A_930] : memref<1000000x64xf32, #tpu.memory_space<hbm>> -> memref<8x64xf32, #tpu.memory_space<hbm>>
    tpu.enqueue_dma source(%dma_start3A_931 : memref<8x64xf32, #tpu.memory_space<hbm>>) target(%dma_start3A_929 : memref<8x64xf32, #tpu.memory_space<vmem>>) target_semaphore(%dma_start3A_925 : memref<!tpu.dma_semaphore, #tpu.memory_space<semaphore_mem>>)
    %dma_start3A_932 = arith.constant 1 : i32
    %dma_start3A_933 = arith.constant 4 : i32
    %dma_start3A_934 = arith.constant 1 : i32
    %dma_start3A_935 = arith.constant 0 : i32
    %dma_start3A_936 = arith.constant 0 : i32
    %dma_start3A_937 = tpu.memref_slice %arg12[%dma_start3A_932, %dma_start3A_933, %dma_start3A_935, %dma_start3A_936] : memref<3x16x8x64xf32, #tpu.memory_space<vmem>> -> memref<1x1x8x64xf32, #tpu.memory_space<vmem>>
    %dma_start3A_938 = tpu.memref_squeeze %dma_start3A_937 : memref<1x1x8x64xf32, #tpu.memory_space<vmem>> -> memref<8x64xf32, #tpu.memory_space<vmem>>
    %dma_start3A_939 = arith.constant 0 : i32
    %dma_start3A_940 = tpu.memref_slice %arg4[%multiple_of3A_914, %dma_start3A_939] : memref<1000000x64xf32, #tpu.memory_space<hbm>> -> memref<8x64xf32, #tpu.memory_space<hbm>>
    %dma_start3A_941 = tpu.memref_slice %arg19[%dma_start3A_934] : memref<3x!tpu.dma_semaphore, #tpu.memory_space<semaphore_mem>> -> memref<1x!tpu.dma_semaphore, #tpu.memory_space<semaphore_mem>>
    %dma_start3A_942 = tpu.memref_squeeze %dma_start3A_941 : memref<1x!tpu.dma_semaphore, #tpu.memory_space<semaphore_mem>> -> memref<!tpu.dma_semaphore, #tpu.memory_space<semaphore_mem>>
    %dma_start3A_943 = arith.constant 0 : i32
    %dma_start3A_944 = arith.constant 0 : i32
    %dma_start3A_945 = tpu.memref_slice %arg12[%dma_start3A_932, %dma_start3A_933, %dma_start3A_943, %dma_start3A_944] : memref<3x16x8x64xf32, #tpu.memory_space<vmem>> -> memref<1x1x8x64xf32, #tpu.memory_space<vmem>>
    %dma_start3A_946 = tpu.memref_squeeze %dma_start3A_945 : memref<1x1x8x64xf32, #tpu.memory_space<vmem>> -> memref<8x64xf32, #tpu.memory_space<vmem>>
    %dma_start3A_947 = arith.constant 0 : i32
    %dma_start3A_948 = tpu.memref_slice %arg4[%multiple_of3A_914, %dma_start3A_947] : memref<1000000x64xf32, #tpu.memory_space<hbm>> -> memref<8x64xf32, #tpu.memory_space<hbm>>
    tpu.enqueue_dma source(%dma_start3A_948 : memref<8x64xf32, #tpu.memory_space<hbm>>) target(%dma_start3A_946 : memref<8x64xf32, #tpu.memory_space<vmem>>) target_semaphore(%dma_start3A_942 : memref<!tpu.dma_semaphore, #tpu.memory_space<semaphore_mem>>)
    %slice3A_949 = vector.extract_strided_slice %mul3A_740 {offsets = [5], sizes = [1], strides = [1]} : vector<16xi32> to vector<1xi32>
    %squeeze3A_950 = vector.extract %slice3A_949[0] : i32 from vector<1xi32>
    %multiple_of3A_951 = tpu.assume_multiple %squeeze3A_950, 8 : i32
    %slice3A_952 = vector.extract_strided_slice %mul3A_748 {offsets = [5], sizes = [1], strides = [1]} : vector<16xi32> to vector<1xi32>
    %squeeze3A_953 = vector.extract %slice3A_952[0] : i32 from vector<1xi32>
    %multiple_of3A_954 = tpu.assume_multiple %squeeze3A_953, 8 : i32
    %dma_start3A_955 = arith.constant 1 : i32
    %dma_start3A_956 = arith.constant 5 : i32
    %dma_start3A_957 = arith.constant 1 : i32
    %dma_start3A_958 = arith.constant 0 : i32
    %dma_start3A_959 = arith.constant 0 : i32
    %dma_start3A_960 = tpu.memref_slice %arg11[%dma_start3A_955, %dma_start3A_956, %dma_start3A_958, %dma_start3A_959] : memref<3x16x8x64xf32, #tpu.memory_space<vmem>> -> memref<1x1x8x64xf32, #tpu.memory_space<vmem>>
    %dma_start3A_961 = tpu.memref_squeeze %dma_start3A_960 : memref<1x1x8x64xf32, #tpu.memory_space<vmem>> -> memref<8x64xf32, #tpu.memory_space<vmem>>
    %dma_start3A_962 = arith.constant 0 : i32
    %dma_start3A_963 = tpu.memref_slice %arg4[%multiple_of3A_951, %dma_start3A_962] : memref<1000000x64xf32, #tpu.memory_space<hbm>> -> memref<8x64xf32, #tpu.memory_space<hbm>>
    %dma_start3A_964 = tpu.memref_slice %arg18[%dma_start3A_957] : memref<3x!tpu.dma_semaphore, #tpu.memory_space<semaphore_mem>> -> memref<1x!tpu.dma_semaphore, #tpu.memory_space<semaphore_mem>>
    %dma_start3A_965 = tpu.memref_squeeze %dma_start3A_964 : memref<1x!tpu.dma_semaphore, #tpu.memory_space<semaphore_mem>> -> memref<!tpu.dma_semaphore, #tpu.memory_space<semaphore_mem>>
    %dma_start3A_966 = arith.constant 0 : i32
    %dma_start3A_967 = arith.constant 0 : i32
    %dma_start3A_968 = tpu.memref_slice %arg11[%dma_start3A_955, %dma_start3A_956, %dma_start3A_966, %dma_start3A_967] : memref<3x16x8x64xf32, #tpu.memory_space<vmem>> -> memref<1x1x8x64xf32, #tpu.memory_space<vmem>>
    %dma_start3A_969 = tpu.memref_squeeze %dma_start3A_968 : memref<1x1x8x64xf32, #tpu.memory_space<vmem>> -> memref<8x64xf32, #tpu.memory_space<vmem>>
    %dma_start3A_970 = arith.constant 0 : i32
    %dma_start3A_971 = tpu.memref_slice %arg4[%multiple_of3A_951, %dma_start3A_970] : memref<1000000x64xf32, #tpu.memory_space<hbm>> -> memref<8x64xf32, #tpu.memory_space<hbm>>
    tpu.enqueue_dma source(%dma_start3A_971 : memref<8x64xf32, #tpu.memory_space<hbm>>) target(%dma_start3A_969 : memref<8x64xf32, #tpu.memory_space<vmem>>) target_semaphore(%dma_start3A_965 : memref<!tpu.dma_semaphore, #tpu.memory_space<semaphore_mem>>)
    %dma_start3A_972 = arith.constant 1 : i32
    %dma_start3A_973 = arith.constant 5 : i32
    %dma_start3A_974 = arith.constant 1 : i32
    %dma_start3A_975 = arith.constant 0 : i32
    %dma_start3A_976 = arith.constant 0 : i32
    %dma_start3A_977 = tpu.memref_slice %arg12[%dma_start3A_972, %dma_start3A_973, %dma_start3A_975, %dma_start3A_976] : memref<3x16x8x64xf32, #tpu.memory_space<vmem>> -> memref<1x1x8x64xf32, #tpu.memory_space<vmem>>
    %dma_start3A_978 = tpu.memref_squeeze %dma_start3A_977 : memref<1x1x8x64xf32, #tpu.memory_space<vmem>> -> memref<8x64xf32, #tpu.memory_space<vmem>>
    %dma_start3A_979 = arith.constant 0 : i32
    %dma_start3A_980 = tpu.memref_slice %arg4[%multiple_of3A_954, %dma_start3A_979] : memref<1000000x64xf32, #tpu.memory_space<hbm>> -> memref<8x64xf32, #tpu.memory_space<hbm>>
    %dma_start3A_981 = tpu.memref_slice %arg19[%dma_start3A_974] : memref<3x!tpu.dma_semaphore, #tpu.memory_space<semaphore_mem>> -> memref<1x!tpu.dma_semaphore, #tpu.memory_space<semaphore_mem>>
    %dma_start3A_982 = tpu.memref_squeeze %dma_start3A_981 : memref<1x!tpu.dma_semaphore, #tpu.memory_space<semaphore_mem>> -> memref<!tpu.dma_semaphore, #tpu.memory_space<semaphore_mem>>
    %dma_start3A_983 = arith.constant 0 : i32
    %dma_start3A_984 = arith.constant 0 : i32
    %dma_start3A_985 = tpu.memref_slice %arg12[%dma_start3A_972, %dma_start3A_973, %dma_start3A_983, %dma_start3A_984] : memref<3x16x8x64xf32, #tpu.memory_space<vmem>> -> memref<1x1x8x64xf32, #tpu.memory_space<vmem>>
    %dma_start3A_986 = tpu.memref_squeeze %dma_start3A_985 : memref<1x1x8x64xf32, #tpu.memory_space<vmem>> -> memref<8x64xf32, #tpu.memory_space<vmem>>
    %dma_start3A_987 = arith.constant 0 : i32
    %dma_start3A_988 = tpu.memref_slice %arg4[%multiple_of3A_954, %dma_start3A_987] : memref<1000000x64xf32, #tpu.memory_space<hbm>> -> memref<8x64xf32, #tpu.memory_space<hbm>>
    tpu.enqueue_dma source(%dma_start3A_988 : memref<8x64xf32, #tpu.memory_space<hbm>>) target(%dma_start3A_986 : memref<8x64xf32, #tpu.memory_space<vmem>>) target_semaphore(%dma_start3A_982 : memref<!tpu.dma_semaphore, #tpu.memory_space<semaphore_mem>>)
    %slice3A_989 = vector.extract_strided_slice %mul3A_740 {offsets = [6], sizes = [1], strides = [1]} : vector<16xi32> to vector<1xi32>
    %squeeze3A_990 = vector.extract %slice3A_989[0] : i32 from vector<1xi32>
    %multiple_of3A_991 = tpu.assume_multiple %squeeze3A_990, 8 : i32
    %slice3A_992 = vector.extract_strided_slice %mul3A_748 {offsets = [6], sizes = [1], strides = [1]} : vector<16xi32> to vector<1xi32>
    %squeeze3A_993 = vector.extract %slice3A_992[0] : i32 from vector<1xi32>
    %multiple_of3A_994 = tpu.assume_multiple %squeeze3A_993, 8 : i32
    %dma_start3A_995 = arith.constant 1 : i32
    %dma_start3A_996 = arith.constant 6 : i32
    %dma_start3A_997 = arith.constant 1 : i32
    %dma_start3A_998 = arith.constant 0 : i32
    %dma_start3A_999 = arith.constant 0 : i32
    %dma_start3A_1000 = tpu.memref_slice %arg11[%dma_start3A_995, %dma_start3A_996, %dma_start3A_998, %dma_start3A_999] : memref<3x16x8x64xf32, #tpu.memory_space<vmem>> -> memref<1x1x8x64xf32, #tpu.memory_space<vmem>>
    %dma_start3A_1001 = tpu.memref_squeeze %dma_start3A_1000 : memref<1x1x8x64xf32, #tpu.memory_space<vmem>> -> memref<8x64xf32, #tpu.memory_space<vmem>>
    %dma_start3A_1002 = arith.constant 0 : i32
    %dma_start3A_1003 = tpu.memref_slice %arg4[%multiple_of3A_991, %dma_start3A_1002] : memref<1000000x64xf32, #tpu.memory_space<hbm>> -> memref<8x64xf32, #tpu.memory_space<hbm>>
    %dma_start3A_1004 = tpu.memref_slice %arg18[%dma_start3A_997] : memref<3x!tpu.dma_semaphore, #tpu.memory_space<semaphore_mem>> -> memref<1x!tpu.dma_semaphore, #tpu.memory_space<semaphore_mem>>
    %dma_start3A_1005 = tpu.memref_squeeze %dma_start3A_1004 : memref<1x!tpu.dma_semaphore, #tpu.memory_space<semaphore_mem>> -> memref<!tpu.dma_semaphore, #tpu.memory_space<semaphore_mem>>
    %dma_start3A_1006 = arith.constant 0 : i32
    %dma_start3A_1007 = arith.constant 0 : i32
    %dma_start3A_1008 = tpu.memref_slice %arg11[%dma_start3A_995, %dma_start3A_996, %dma_start3A_1006, %dma_start3A_1007] : memref<3x16x8x64xf32, #tpu.memory_space<vmem>> -> memref<1x1x8x64xf32, #tpu.memory_space<vmem>>
    %dma_start3A_1009 = tpu.memref_squeeze %dma_start3A_1008 : memref<1x1x8x64xf32, #tpu.memory_space<vmem>> -> memref<8x64xf32, #tpu.memory_space<vmem>>
    %dma_start3A_1010 = arith.constant 0 : i32
    %dma_start3A_1011 = tpu.memref_slice %arg4[%multiple_of3A_991, %dma_start3A_1010] : memref<1000000x64xf32, #tpu.memory_space<hbm>> -> memref<8x64xf32, #tpu.memory_space<hbm>>
    tpu.enqueue_dma source(%dma_start3A_1011 : memref<8x64xf32, #tpu.memory_space<hbm>>) target(%dma_start3A_1009 : memref<8x64xf32, #tpu.memory_space<vmem>>) target_semaphore(%dma_start3A_1005 : memref<!tpu.dma_semaphore, #tpu.memory_space<semaphore_mem>>)
    %dma_start3A_1012 = arith.constant 1 : i32
    %dma_start3A_1013 = arith.constant 6 : i32
    %dma_start3A_1014 = arith.constant 1 : i32
    %dma_start3A_1015 = arith.constant 0 : i32
    %dma_start3A_1016 = arith.constant 0 : i32
    %dma_start3A_1017 = tpu.memref_slice %arg12[%dma_start3A_1012, %dma_start3A_1013, %dma_start3A_1015, %dma_start3A_1016] : memref<3x16x8x64xf32, #tpu.memory_space<vmem>> -> memref<1x1x8x64xf32, #tpu.memory_space<vmem>>
    %dma_start3A_1018 = tpu.memref_squeeze %dma_start3A_1017 : memref<1x1x8x64xf32, #tpu.memory_space<vmem>> -> memref<8x64xf32, #tpu.memory_space<vmem>>
    %dma_start3A_1019 = arith.constant 0 : i32
    %dma_start3A_1020 = tpu.memref_slice %arg4[%multiple_of3A_994, %dma_start3A_1019] : memref<1000000x64xf32, #tpu.memory_space<hbm>> -> memref<8x64xf32, #tpu.memory_space<hbm>>
    %dma_start3A_1021 = tpu.memref_slice %arg19[%dma_start3A_1014] : memref<3x!tpu.dma_semaphore, #tpu.memory_space<semaphore_mem>> -> memref<1x!tpu.dma_semaphore, #tpu.memory_space<semaphore_mem>>
    %dma_start3A_1022 = tpu.memref_squeeze %dma_start3A_1021 : memref<1x!tpu.dma_semaphore, #tpu.memory_space<semaphore_mem>> -> memref<!tpu.dma_semaphore, #tpu.memory_space<semaphore_mem>>
    %dma_start3A_1023 = arith.constant 0 : i32
    %dma_start3A_1024 = arith.constant 0 : i32
    %dma_start3A_1025 = tpu.memref_slice %arg12[%dma_start3A_1012, %dma_start3A_1013, %dma_start3A_1023, %dma_start3A_1024] : memref<3x16x8x64xf32, #tpu.memory_space<vmem>> -> memref<1x1x8x64xf32, #tpu.memory_space<vmem>>
    %dma_start3A_1026 = tpu.memref_squeeze %dma_start3A_1025 : memref<1x1x8x64xf32, #tpu.memory_space<vmem>> -> memref<8x64xf32, #tpu.memory_space<vmem>>
    %dma_start3A_1027 = arith.constant 0 : i32
    %dma_start3A_1028 = tpu.memref_slice %arg4[%multiple_of3A_994, %dma_start3A_1027] : memref<1000000x64xf32, #tpu.memory_space<hbm>> -> memref<8x64xf32, #tpu.memory_space<hbm>>
    tpu.enqueue_dma source(%dma_start3A_1028 : memref<8x64xf32, #tpu.memory_space<hbm>>) target(%dma_start3A_1026 : memref<8x64xf32, #tpu.memory_space<vmem>>) target_semaphore(%dma_start3A_1022 : memref<!tpu.dma_semaphore, #tpu.memory_space<semaphore_mem>>)
    %slice3A_1029 = vector.extract_strided_slice %mul3A_740 {offsets = [7], sizes = [1], strides = [1]} : vector<16xi32> to vector<1xi32>
    %squeeze3A_1030 = vector.extract %slice3A_1029[0] : i32 from vector<1xi32>
    %multiple_of3A_1031 = tpu.assume_multiple %squeeze3A_1030, 8 : i32
    %slice3A_1032 = vector.extract_strided_slice %mul3A_748 {offsets = [7], sizes = [1], strides = [1]} : vector<16xi32> to vector<1xi32>
    %squeeze3A_1033 = vector.extract %slice3A_1032[0] : i32 from vector<1xi32>
    %multiple_of3A_1034 = tpu.assume_multiple %squeeze3A_1033, 8 : i32
    %dma_start3A_1035 = arith.constant 1 : i32
    %dma_start3A_1036 = arith.constant 7 : i32
    %dma_start3A_1037 = arith.constant 1 : i32
    %dma_start3A_1038 = arith.constant 0 : i32
    %dma_start3A_1039 = arith.constant 0 : i32
    %dma_start3A_1040 = tpu.memref_slice %arg11[%dma_start3A_1035, %dma_start3A_1036, %dma_start3A_1038, %dma_start3A_1039] : memref<3x16x8x64xf32, #tpu.memory_space<vmem>> -> memref<1x1x8x64xf32, #tpu.memory_space<vmem>>
    %dma_start3A_1041 = tpu.memref_squeeze %dma_start3A_1040 : memref<1x1x8x64xf32, #tpu.memory_space<vmem>> -> memref<8x64xf32, #tpu.memory_space<vmem>>
    %dma_start3A_1042 = arith.constant 0 : i32
    %dma_start3A_1043 = tpu.memref_slice %arg4[%multiple_of3A_1031, %dma_start3A_1042] : memref<1000000x64xf32, #tpu.memory_space<hbm>> -> memref<8x64xf32, #tpu.memory_space<hbm>>
    %dma_start3A_1044 = tpu.memref_slice %arg18[%dma_start3A_1037] : memref<3x!tpu.dma_semaphore, #tpu.memory_space<semaphore_mem>> -> memref<1x!tpu.dma_semaphore, #tpu.memory_space<semaphore_mem>>
    %dma_start3A_1045 = tpu.memref_squeeze %dma_start3A_1044 : memref<1x!tpu.dma_semaphore, #tpu.memory_space<semaphore_mem>> -> memref<!tpu.dma_semaphore, #tpu.memory_space<semaphore_mem>>
    %dma_start3A_1046 = arith.constant 0 : i32
    %dma_start3A_1047 = arith.constant 0 : i32
    %dma_start3A_1048 = tpu.memref_slice %arg11[%dma_start3A_1035, %dma_start3A_1036, %dma_start3A_1046, %dma_start3A_1047] : memref<3x16x8x64xf32, #tpu.memory_space<vmem>> -> memref<1x1x8x64xf32, #tpu.memory_space<vmem>>
    %dma_start3A_1049 = tpu.memref_squeeze %dma_start3A_1048 : memref<1x1x8x64xf32, #tpu.memory_space<vmem>> -> memref<8x64xf32, #tpu.memory_space<vmem>>
    %dma_start3A_1050 = arith.constant 0 : i32
    %dma_start3A_1051 = tpu.memref_slice %arg4[%multiple_of3A_1031, %dma_start3A_1050] : memref<1000000x64xf32, #tpu.memory_space<hbm>> -> memref<8x64xf32, #tpu.memory_space<hbm>>
    tpu.enqueue_dma source(%dma_start3A_1051 : memref<8x64xf32, #tpu.memory_space<hbm>>) target(%dma_start3A_1049 : memref<8x64xf32, #tpu.memory_space<vmem>>) target_semaphore(%dma_start3A_1045 : memref<!tpu.dma_semaphore, #tpu.memory_space<semaphore_mem>>)
    %dma_start3A_1052 = arith.constant 1 : i32
    %dma_start3A_1053 = arith.constant 7 : i32
    %dma_start3A_1054 = arith.constant 1 : i32
    %dma_start3A_1055 = arith.constant 0 : i32
    %dma_start3A_1056 = arith.constant 0 : i32
    %dma_start3A_1057 = tpu.memref_slice %arg12[%dma_start3A_1052, %dma_start3A_1053, %dma_start3A_1055, %dma_start3A_1056] : memref<3x16x8x64xf32, #tpu.memory_space<vmem>> -> memref<1x1x8x64xf32, #tpu.memory_space<vmem>>
    %dma_start3A_1058 = tpu.memref_squeeze %dma_start3A_1057 : memref<1x1x8x64xf32, #tpu.memory_space<vmem>> -> memref<8x64xf32, #tpu.memory_space<vmem>>
    %dma_start3A_1059 = arith.constant 0 : i32
    %dma_start3A_1060 = tpu.memref_slice %arg4[%multiple_of3A_1034, %dma_start3A_1059] : memref<1000000x64xf32, #tpu.memory_space<hbm>> -> memref<8x64xf32, #tpu.memory_space<hbm>>
    %dma_start3A_1061 = tpu.memref_slice %arg19[%dma_start3A_1054] : memref<3x!tpu.dma_semaphore, #tpu.memory_space<semaphore_mem>> -> memref<1x!tpu.dma_semaphore, #tpu.memory_space<semaphore_mem>>
    %dma_start3A_1062 = tpu.memref_squeeze %dma_start3A_1061 : memref<1x!tpu.dma_semaphore, #tpu.memory_space<semaphore_mem>> -> memref<!tpu.dma_semaphore, #tpu.memory_space<semaphore_mem>>
    %dma_start3A_1063 = arith.constant 0 : i32
    %dma_start3A_1064 = arith.constant 0 : i32
    %dma_start3A_1065 = tpu.memref_slice %arg12[%dma_start3A_1052, %dma_start3A_1053, %dma_start3A_1063, %dma_start3A_1064] : memref<3x16x8x64xf32, #tpu.memory_space<vmem>> -> memref<1x1x8x64xf32, #tpu.memory_space<vmem>>
    %dma_start3A_1066 = tpu.memref_squeeze %dma_start3A_1065 : memref<1x1x8x64xf32, #tpu.memory_space<vmem>> -> memref<8x64xf32, #tpu.memory_space<vmem>>
    %dma_start3A_1067 = arith.constant 0 : i32
    %dma_start3A_1068 = tpu.memref_slice %arg4[%multiple_of3A_1034, %dma_start3A_1067] : memref<1000000x64xf32, #tpu.memory_space<hbm>> -> memref<8x64xf32, #tpu.memory_space<hbm>>
    tpu.enqueue_dma source(%dma_start3A_1068 : memref<8x64xf32, #tpu.memory_space<hbm>>) target(%dma_start3A_1066 : memref<8x64xf32, #tpu.memory_space<vmem>>) target_semaphore(%dma_start3A_1062 : memref<!tpu.dma_semaphore, #tpu.memory_space<semaphore_mem>>)
    %slice3A_1069 = vector.extract_strided_slice %mul3A_740 {offsets = [8], sizes = [1], strides = [1]} : vector<16xi32> to vector<1xi32>
    %squeeze3A_1070 = vector.extract %slice3A_1069[0] : i32 from vector<1xi32>
    %multiple_of3A_1071 = tpu.assume_multiple %squeeze3A_1070, 8 : i32
    %slice3A_1072 = vector.extract_strided_slice %mul3A_748 {offsets = [8], sizes = [1], strides = [1]} : vector<16xi32> to vector<1xi32>
    %squeeze3A_1073 = vector.extract %slice3A_1072[0] : i32 from vector<1xi32>
    %multiple_of3A_1074 = tpu.assume_multiple %squeeze3A_1073, 8 : i32
    %dma_start3A_1075 = arith.constant 1 : i32
    %dma_start3A_1076 = arith.constant 8 : i32
    %dma_start3A_1077 = arith.constant 1 : i32
    %dma_start3A_1078 = arith.constant 0 : i32
    %dma_start3A_1079 = arith.constant 0 : i32
    %dma_start3A_1080 = tpu.memref_slice %arg11[%dma_start3A_1075, %dma_start3A_1076, %dma_start3A_1078, %dma_start3A_1079] : memref<3x16x8x64xf32, #tpu.memory_space<vmem>> -> memref<1x1x8x64xf32, #tpu.memory_space<vmem>>
    %dma_start3A_1081 = tpu.memref_squeeze %dma_start3A_1080 : memref<1x1x8x64xf32, #tpu.memory_space<vmem>> -> memref<8x64xf32, #tpu.memory_space<vmem>>
    %dma_start3A_1082 = arith.constant 0 : i32
    %dma_start3A_1083 = tpu.memref_slice %arg4[%multiple_of3A_1071, %dma_start3A_1082] : memref<1000000x64xf32, #tpu.memory_space<hbm>> -> memref<8x64xf32, #tpu.memory_space<hbm>>
    %dma_start3A_1084 = tpu.memref_slice %arg18[%dma_start3A_1077] : memref<3x!tpu.dma_semaphore, #tpu.memory_space<semaphore_mem>> -> memref<1x!tpu.dma_semaphore, #tpu.memory_space<semaphore_mem>>
    %dma_start3A_1085 = tpu.memref_squeeze %dma_start3A_1084 : memref<1x!tpu.dma_semaphore, #tpu.memory_space<semaphore_mem>> -> memref<!tpu.dma_semaphore, #tpu.memory_space<semaphore_mem>>
    %dma_start3A_1086 = arith.constant 0 : i32
    %dma_start3A_1087 = arith.constant 0 : i32
    %dma_start3A_1088 = tpu.memref_slice %arg11[%dma_start3A_1075, %dma_start3A_1076, %dma_start3A_1086, %dma_start3A_1087] : memref<3x16x8x64xf32, #tpu.memory_space<vmem>> -> memref<1x1x8x64xf32, #tpu.memory_space<vmem>>
    %dma_start3A_1089 = tpu.memref_squeeze %dma_start3A_1088 : memref<1x1x8x64xf32, #tpu.memory_space<vmem>> -> memref<8x64xf32, #tpu.memory_space<vmem>>
    %dma_start3A_1090 = arith.constant 0 : i32
    %dma_start3A_1091 = tpu.memref_slice %arg4[%multiple_of3A_1071, %dma_start3A_1090] : memref<1000000x64xf32, #tpu.memory_space<hbm>> -> memref<8x64xf32, #tpu.memory_space<hbm>>
    tpu.enqueue_dma source(%dma_start3A_1091 : memref<8x64xf32, #tpu.memory_space<hbm>>) target(%dma_start3A_1089 : memref<8x64xf32, #tpu.memory_space<vmem>>) target_semaphore(%dma_start3A_1085 : memref<!tpu.dma_semaphore, #tpu.memory_space<semaphore_mem>>)
    %dma_start3A_1092 = arith.constant 1 : i32
    %dma_start3A_1093 = arith.constant 8 : i32
    %dma_start3A_1094 = arith.constant 1 : i32
    %dma_start3A_1095 = arith.constant 0 : i32
    %dma_start3A_1096 = arith.constant 0 : i32
    %dma_start3A_1097 = tpu.memref_slice %arg12[%dma_start3A_1092, %dma_start3A_1093, %dma_start3A_1095, %dma_start3A_1096] : memref<3x16x8x64xf32, #tpu.memory_space<vmem>> -> memref<1x1x8x64xf32, #tpu.memory_space<vmem>>
    %dma_start3A_1098 = tpu.memref_squeeze %dma_start3A_1097 : memref<1x1x8x64xf32, #tpu.memory_space<vmem>> -> memref<8x64xf32, #tpu.memory_space<vmem>>
    %dma_start3A_1099 = arith.constant 0 : i32
    %dma_start3A_1100 = tpu.memref_slice %arg4[%multiple_of3A_1074, %dma_start3A_1099] : memref<1000000x64xf32, #tpu.memory_space<hbm>> -> memref<8x64xf32, #tpu.memory_space<hbm>>
    %dma_start3A_1101 = tpu.memref_slice %arg19[%dma_start3A_1094] : memref<3x!tpu.dma_semaphore, #tpu.memory_space<semaphore_mem>> -> memref<1x!tpu.dma_semaphore, #tpu.memory_space<semaphore_mem>>
    %dma_start3A_1102 = tpu.memref_squeeze %dma_start3A_1101 : memref<1x!tpu.dma_semaphore, #tpu.memory_space<semaphore_mem>> -> memref<!tpu.dma_semaphore, #tpu.memory_space<semaphore_mem>>
    %dma_start3A_1103 = arith.constant 0 : i32
    %dma_start3A_1104 = arith.constant 0 : i32
    %dma_start3A_1105 = tpu.memref_slice %arg12[%dma_start3A_1092, %dma_start3A_1093, %dma_start3A_1103, %dma_start3A_1104] : memref<3x16x8x64xf32, #tpu.memory_space<vmem>> -> memref<1x1x8x64xf32, #tpu.memory_space<vmem>>
    %dma_start3A_1106 = tpu.memref_squeeze %dma_start3A_1105 : memref<1x1x8x64xf32, #tpu.memory_space<vmem>> -> memref<8x64xf32, #tpu.memory_space<vmem>>
    %dma_start3A_1107 = arith.constant 0 : i32
    %dma_start3A_1108 = tpu.memref_slice %arg4[%multiple_of3A_1074, %dma_start3A_1107] : memref<1000000x64xf32, #tpu.memory_space<hbm>> -> memref<8x64xf32, #tpu.memory_space<hbm>>
    tpu.enqueue_dma source(%dma_start3A_1108 : memref<8x64xf32, #tpu.memory_space<hbm>>) target(%dma_start3A_1106 : memref<8x64xf32, #tpu.memory_space<vmem>>) target_semaphore(%dma_start3A_1102 : memref<!tpu.dma_semaphore, #tpu.memory_space<semaphore_mem>>)
    %slice3A_1109 = vector.extract_strided_slice %mul3A_740 {offsets = [9], sizes = [1], strides = [1]} : vector<16xi32> to vector<1xi32>
    %squeeze3A_1110 = vector.extract %slice3A_1109[0] : i32 from vector<1xi32>
    %multiple_of3A_1111 = tpu.assume_multiple %squeeze3A_1110, 8 : i32
    %slice3A_1112 = vector.extract_strided_slice %mul3A_748 {offsets = [9], sizes = [1], strides = [1]} : vector<16xi32> to vector<1xi32>
    %squeeze3A_1113 = vector.extract %slice3A_1112[0] : i32 from vector<1xi32>
    %multiple_of3A_1114 = tpu.assume_multiple %squeeze3A_1113, 8 : i32
    %dma_start3A_1115 = arith.constant 1 : i32
    %dma_start3A_1116 = arith.constant 9 : i32
    %dma_start3A_1117 = arith.constant 1 : i32
    %dma_start3A_1118 = arith.constant 0 : i32
    %dma_start3A_1119 = arith.constant 0 : i32
    %dma_start3A_1120 = tpu.memref_slice %arg11[%dma_start3A_1115, %dma_start3A_1116, %dma_start3A_1118, %dma_start3A_1119] : memref<3x16x8x64xf32, #tpu.memory_space<vmem>> -> memref<1x1x8x64xf32, #tpu.memory_space<vmem>>
    %dma_start3A_1121 = tpu.memref_squeeze %dma_start3A_1120 : memref<1x1x8x64xf32, #tpu.memory_space<vmem>> -> memref<8x64xf32, #tpu.memory_space<vmem>>
    %dma_start3A_1122 = arith.constant 0 : i32
    %dma_start3A_1123 = tpu.memref_slice %arg4[%multiple_of3A_1111, %dma_start3A_1122] : memref<1000000x64xf32, #tpu.memory_space<hbm>> -> memref<8x64xf32, #tpu.memory_space<hbm>>
    %dma_start3A_1124 = tpu.memref_slice %arg18[%dma_start3A_1117] : memref<3x!tpu.dma_semaphore, #tpu.memory_space<semaphore_mem>> -> memref<1x!tpu.dma_semaphore, #tpu.memory_space<semaphore_mem>>
    %dma_start3A_1125 = tpu.memref_squeeze %dma_start3A_1124 : memref<1x!tpu.dma_semaphore, #tpu.memory_space<semaphore_mem>> -> memref<!tpu.dma_semaphore, #tpu.memory_space<semaphore_mem>>
    %dma_start3A_1126 = arith.constant 0 : i32
    %dma_start3A_1127 = arith.constant 0 : i32
    %dma_start3A_1128 = tpu.memref_slice %arg11[%dma_start3A_1115, %dma_start3A_1116, %dma_start3A_1126, %dma_start3A_1127] : memref<3x16x8x64xf32, #tpu.memory_space<vmem>> -> memref<1x1x8x64xf32, #tpu.memory_space<vmem>>
    %dma_start3A_1129 = tpu.memref_squeeze %dma_start3A_1128 : memref<1x1x8x64xf32, #tpu.memory_space<vmem>> -> memref<8x64xf32, #tpu.memory_space<vmem>>
    %dma_start3A_1130 = arith.constant 0 : i32
    %dma_start3A_1131 = tpu.memref_slice %arg4[%multiple_of3A_1111, %dma_start3A_1130] : memref<1000000x64xf32, #tpu.memory_space<hbm>> -> memref<8x64xf32, #tpu.memory_space<hbm>>
    tpu.enqueue_dma source(%dma_start3A_1131 : memref<8x64xf32, #tpu.memory_space<hbm>>) target(%dma_start3A_1129 : memref<8x64xf32, #tpu.memory_space<vmem>>) target_semaphore(%dma_start3A_1125 : memref<!tpu.dma_semaphore, #tpu.memory_space<semaphore_mem>>)
    %dma_start3A_1132 = arith.constant 1 : i32
    %dma_start3A_1133 = arith.constant 9 : i32
    %dma_start3A_1134 = arith.constant 1 : i32
    %dma_start3A_1135 = arith.constant 0 : i32
    %dma_start3A_1136 = arith.constant 0 : i32
    %dma_start3A_1137 = tpu.memref_slice %arg12[%dma_start3A_1132, %dma_start3A_1133, %dma_start3A_1135, %dma_start3A_1136] : memref<3x16x8x64xf32, #tpu.memory_space<vmem>> -> memref<1x1x8x64xf32, #tpu.memory_space<vmem>>
    %dma_start3A_1138 = tpu.memref_squeeze %dma_start3A_1137 : memref<1x1x8x64xf32, #tpu.memory_space<vmem>> -> memref<8x64xf32, #tpu.memory_space<vmem>>
    %dma_start3A_1139 = arith.constant 0 : i32
    %dma_start3A_1140 = tpu.memref_slice %arg4[%multiple_of3A_1114, %dma_start3A_1139] : memref<1000000x64xf32, #tpu.memory_space<hbm>> -> memref<8x64xf32, #tpu.memory_space<hbm>>
    %dma_start3A_1141 = tpu.memref_slice %arg19[%dma_start3A_1134] : memref<3x!tpu.dma_semaphore, #tpu.memory_space<semaphore_mem>> -> memref<1x!tpu.dma_semaphore, #tpu.memory_space<semaphore_mem>>
    %dma_start3A_1142 = tpu.memref_squeeze %dma_start3A_1141 : memref<1x!tpu.dma_semaphore, #tpu.memory_space<semaphore_mem>> -> memref<!tpu.dma_semaphore, #tpu.memory_space<semaphore_mem>>
    %dma_start3A_1143 = arith.constant 0 : i32
    %dma_start3A_1144 = arith.constant 0 : i32
    %dma_start3A_1145 = tpu.memref_slice %arg12[%dma_start3A_1132, %dma_start3A_1133, %dma_start3A_1143, %dma_start3A_1144] : memref<3x16x8x64xf32, #tpu.memory_space<vmem>> -> memref<1x1x8x64xf32, #tpu.memory_space<vmem>>
    %dma_start3A_1146 = tpu.memref_squeeze %dma_start3A_1145 : memref<1x1x8x64xf32, #tpu.memory_space<vmem>> -> memref<8x64xf32, #tpu.memory_space<vmem>>
    %dma_start3A_1147 = arith.constant 0 : i32
    %dma_start3A_1148 = tpu.memref_slice %arg4[%multiple_of3A_1114, %dma_start3A_1147] : memref<1000000x64xf32, #tpu.memory_space<hbm>> -> memref<8x64xf32, #tpu.memory_space<hbm>>
    tpu.enqueue_dma source(%dma_start3A_1148 : memref<8x64xf32, #tpu.memory_space<hbm>>) target(%dma_start3A_1146 : memref<8x64xf32, #tpu.memory_space<vmem>>) target_semaphore(%dma_start3A_1142 : memref<!tpu.dma_semaphore, #tpu.memory_space<semaphore_mem>>)
    %slice3A_1149 = vector.extract_strided_slice %mul3A_740 {offsets = [10], sizes = [1], strides = [1]} : vector<16xi32> to vector<1xi32>
    %squeeze3A_1150 = vector.extract %slice3A_1149[0] : i32 from vector<1xi32>
    %multiple_of3A_1151 = tpu.assume_multiple %squeeze3A_1150, 8 : i32
    %slice3A_1152 = vector.extract_strided_slice %mul3A_748 {offsets = [10], sizes = [1], strides = [1]} : vector<16xi32> to vector<1xi32>
    %squeeze3A_1153 = vector.extract %slice3A_1152[0] : i32 from vector<1xi32>
    %multiple_of3A_1154 = tpu.assume_multiple %squeeze3A_1153, 8 : i32
    %dma_start3A_1155 = arith.constant 1 : i32
    %dma_start3A_1156 = arith.constant 10 : i32
    %dma_start3A_1157 = arith.constant 1 : i32
    %dma_start3A_1158 = arith.constant 0 : i32
    %dma_start3A_1159 = arith.constant 0 : i32
    %dma_start3A_1160 = tpu.memref_slice %arg11[%dma_start3A_1155, %dma_start3A_1156, %dma_start3A_1158, %dma_start3A_1159] : memref<3x16x8x64xf32, #tpu.memory_space<vmem>> -> memref<1x1x8x64xf32, #tpu.memory_space<vmem>>
    %dma_start3A_1161 = tpu.memref_squeeze %dma_start3A_1160 : memref<1x1x8x64xf32, #tpu.memory_space<vmem>> -> memref<8x64xf32, #tpu.memory_space<vmem>>
    %dma_start3A_1162 = arith.constant 0 : i32
    %dma_start3A_1163 = tpu.memref_slice %arg4[%multiple_of3A_1151, %dma_start3A_1162] : memref<1000000x64xf32, #tpu.memory_space<hbm>> -> memref<8x64xf32, #tpu.memory_space<hbm>>
    %dma_start3A_1164 = tpu.memref_slice %arg18[%dma_start3A_1157] : memref<3x!tpu.dma_semaphore, #tpu.memory_space<semaphore_mem>> -> memref<1x!tpu.dma_semaphore, #tpu.memory_space<semaphore_mem>>
    %dma_start3A_1165 = tpu.memref_squeeze %dma_start3A_1164 : memref<1x!tpu.dma_semaphore, #tpu.memory_space<semaphore_mem>> -> memref<!tpu.dma_semaphore, #tpu.memory_space<semaphore_mem>>
    %dma_start3A_1166 = arith.constant 0 : i32
    %dma_start3A_1167 = arith.constant 0 : i32
    %dma_start3A_1168 = tpu.memref_slice %arg11[%dma_start3A_1155, %dma_start3A_1156, %dma_start3A_1166, %dma_start3A_1167] : memref<3x16x8x64xf32, #tpu.memory_space<vmem>> -> memref<1x1x8x64xf32, #tpu.memory_space<vmem>>
    %dma_start3A_1169 = tpu.memref_squeeze %dma_start3A_1168 : memref<1x1x8x64xf32, #tpu.memory_space<vmem>> -> memref<8x64xf32, #tpu.memory_space<vmem>>
    %dma_start3A_1170 = arith.constant 0 : i32
    %dma_start3A_1171 = tpu.memref_slice %arg4[%multiple_of3A_1151, %dma_start3A_1170] : memref<1000000x64xf32, #tpu.memory_space<hbm>> -> memref<8x64xf32, #tpu.memory_space<hbm>>
    tpu.enqueue_dma source(%dma_start3A_1171 : memref<8x64xf32, #tpu.memory_space<hbm>>) target(%dma_start3A_1169 : memref<8x64xf32, #tpu.memory_space<vmem>>) target_semaphore(%dma_start3A_1165 : memref<!tpu.dma_semaphore, #tpu.memory_space<semaphore_mem>>)
    %dma_start3A_1172 = arith.constant 1 : i32
    %dma_start3A_1173 = arith.constant 10 : i32
    %dma_start3A_1174 = arith.constant 1 : i32
    %dma_start3A_1175 = arith.constant 0 : i32
    %dma_start3A_1176 = arith.constant 0 : i32
    %dma_start3A_1177 = tpu.memref_slice %arg12[%dma_start3A_1172, %dma_start3A_1173, %dma_start3A_1175, %dma_start3A_1176] : memref<3x16x8x64xf32, #tpu.memory_space<vmem>> -> memref<1x1x8x64xf32, #tpu.memory_space<vmem>>
    %dma_start3A_1178 = tpu.memref_squeeze %dma_start3A_1177 : memref<1x1x8x64xf32, #tpu.memory_space<vmem>> -> memref<8x64xf32, #tpu.memory_space<vmem>>
    %dma_start3A_1179 = arith.constant 0 : i32
    %dma_start3A_1180 = tpu.memref_slice %arg4[%multiple_of3A_1154, %dma_start3A_1179] : memref<1000000x64xf32, #tpu.memory_space<hbm>> -> memref<8x64xf32, #tpu.memory_space<hbm>>
    %dma_start3A_1181 = tpu.memref_slice %arg19[%dma_start3A_1174] : memref<3x!tpu.dma_semaphore, #tpu.memory_space<semaphore_mem>> -> memref<1x!tpu.dma_semaphore, #tpu.memory_space<semaphore_mem>>
    %dma_start3A_1182 = tpu.memref_squeeze %dma_start3A_1181 : memref<1x!tpu.dma_semaphore, #tpu.memory_space<semaphore_mem>> -> memref<!tpu.dma_semaphore, #tpu.memory_space<semaphore_mem>>
    %dma_start3A_1183 = arith.constant 0 : i32
    %dma_start3A_1184 = arith.constant 0 : i32
    %dma_start3A_1185 = tpu.memref_slice %arg12[%dma_start3A_1172, %dma_start3A_1173, %dma_start3A_1183, %dma_start3A_1184] : memref<3x16x8x64xf32, #tpu.memory_space<vmem>> -> memref<1x1x8x64xf32, #tpu.memory_space<vmem>>
    %dma_start3A_1186 = tpu.memref_squeeze %dma_start3A_1185 : memref<1x1x8x64xf32, #tpu.memory_space<vmem>> -> memref<8x64xf32, #tpu.memory_space<vmem>>
    %dma_start3A_1187 = arith.constant 0 : i32
    %dma_start3A_1188 = tpu.memref_slice %arg4[%multiple_of3A_1154, %dma_start3A_1187] : memref<1000000x64xf32, #tpu.memory_space<hbm>> -> memref<8x64xf32, #tpu.memory_space<hbm>>
    tpu.enqueue_dma source(%dma_start3A_1188 : memref<8x64xf32, #tpu.memory_space<hbm>>) target(%dma_start3A_1186 : memref<8x64xf32, #tpu.memory_space<vmem>>) target_semaphore(%dma_start3A_1182 : memref<!tpu.dma_semaphore, #tpu.memory_space<semaphore_mem>>)
    %slice3A_1189 = vector.extract_strided_slice %mul3A_740 {offsets = [11], sizes = [1], strides = [1]} : vector<16xi32> to vector<1xi32>
    %squeeze3A_1190 = vector.extract %slice3A_1189[0] : i32 from vector<1xi32>
    %multiple_of3A_1191 = tpu.assume_multiple %squeeze3A_1190, 8 : i32
    %slice3A_1192 = vector.extract_strided_slice %mul3A_748 {offsets = [11], sizes = [1], strides = [1]} : vector<16xi32> to vector<1xi32>
    %squeeze3A_1193 = vector.extract %slice3A_1192[0] : i32 from vector<1xi32>
    %multiple_of3A_1194 = tpu.assume_multiple %squeeze3A_1193, 8 : i32
    %dma_start3A_1195 = arith.constant 1 : i32
    %dma_start3A_1196 = arith.constant 11 : i32
    %dma_start3A_1197 = arith.constant 1 : i32
    %dma_start3A_1198 = arith.constant 0 : i32
    %dma_start3A_1199 = arith.constant 0 : i32
    %dma_start3A_1200 = tpu.memref_slice %arg11[%dma_start3A_1195, %dma_start3A_1196, %dma_start3A_1198, %dma_start3A_1199] : memref<3x16x8x64xf32, #tpu.memory_space<vmem>> -> memref<1x1x8x64xf32, #tpu.memory_space<vmem>>
    %dma_start3A_1201 = tpu.memref_squeeze %dma_start3A_1200 : memref<1x1x8x64xf32, #tpu.memory_space<vmem>> -> memref<8x64xf32, #tpu.memory_space<vmem>>
    %dma_start3A_1202 = arith.constant 0 : i32
    %dma_start3A_1203 = tpu.memref_slice %arg4[%multiple_of3A_1191, %dma_start3A_1202] : memref<1000000x64xf32, #tpu.memory_space<hbm>> -> memref<8x64xf32, #tpu.memory_space<hbm>>
    %dma_start3A_1204 = tpu.memref_slice %arg18[%dma_start3A_1197] : memref<3x!tpu.dma_semaphore, #tpu.memory_space<semaphore_mem>> -> memref<1x!tpu.dma_semaphore, #tpu.memory_space<semaphore_mem>>
    %dma_start3A_1205 = tpu.memref_squeeze %dma_start3A_1204 : memref<1x!tpu.dma_semaphore, #tpu.memory_space<semaphore_mem>> -> memref<!tpu.dma_semaphore, #tpu.memory_space<semaphore_mem>>
    %dma_start3A_1206 = arith.constant 0 : i32
    %dma_start3A_1207 = arith.constant 0 : i32
    %dma_start3A_1208 = tpu.memref_slice %arg11[%dma_start3A_1195, %dma_start3A_1196, %dma_start3A_1206, %dma_start3A_1207] : memref<3x16x8x64xf32, #tpu.memory_space<vmem>> -> memref<1x1x8x64xf32, #tpu.memory_space<vmem>>
    %dma_start3A_1209 = tpu.memref_squeeze %dma_start3A_1208 : memref<1x1x8x64xf32, #tpu.memory_space<vmem>> -> memref<8x64xf32, #tpu.memory_space<vmem>>
    %dma_start3A_1210 = arith.constant 0 : i32
    %dma_start3A_1211 = tpu.memref_slice %arg4[%multiple_of3A_1191, %dma_start3A_1210] : memref<1000000x64xf32, #tpu.memory_space<hbm>> -> memref<8x64xf32, #tpu.memory_space<hbm>>
    tpu.enqueue_dma source(%dma_start3A_1211 : memref<8x64xf32, #tpu.memory_space<hbm>>) target(%dma_start3A_1209 : memref<8x64xf32, #tpu.memory_space<vmem>>) target_semaphore(%dma_start3A_1205 : memref<!tpu.dma_semaphore, #tpu.memory_space<semaphore_mem>>)
    %dma_start3A_1212 = arith.constant 1 : i32
    %dma_start3A_1213 = arith.constant 11 : i32
    %dma_start3A_1214 = arith.constant 1 : i32
    %dma_start3A_1215 = arith.constant 0 : i32
    %dma_start3A_1216 = arith.constant 0 : i32
    %dma_start3A_1217 = tpu.memref_slice %arg12[%dma_start3A_1212, %dma_start3A_1213, %dma_start3A_1215, %dma_start3A_1216] : memref<3x16x8x64xf32, #tpu.memory_space<vmem>> -> memref<1x1x8x64xf32, #tpu.memory_space<vmem>>
    %dma_start3A_1218 = tpu.memref_squeeze %dma_start3A_1217 : memref<1x1x8x64xf32, #tpu.memory_space<vmem>> -> memref<8x64xf32, #tpu.memory_space<vmem>>
    %dma_start3A_1219 = arith.constant 0 : i32
    %dma_start3A_1220 = tpu.memref_slice %arg4[%multiple_of3A_1194, %dma_start3A_1219] : memref<1000000x64xf32, #tpu.memory_space<hbm>> -> memref<8x64xf32, #tpu.memory_space<hbm>>
    %dma_start3A_1221 = tpu.memref_slice %arg19[%dma_start3A_1214] : memref<3x!tpu.dma_semaphore, #tpu.memory_space<semaphore_mem>> -> memref<1x!tpu.dma_semaphore, #tpu.memory_space<semaphore_mem>>
    %dma_start3A_1222 = tpu.memref_squeeze %dma_start3A_1221 : memref<1x!tpu.dma_semaphore, #tpu.memory_space<semaphore_mem>> -> memref<!tpu.dma_semaphore, #tpu.memory_space<semaphore_mem>>
    %dma_start3A_1223 = arith.constant 0 : i32
    %dma_start3A_1224 = arith.constant 0 : i32
    %dma_start3A_1225 = tpu.memref_slice %arg12[%dma_start3A_1212, %dma_start3A_1213, %dma_start3A_1223, %dma_start3A_1224] : memref<3x16x8x64xf32, #tpu.memory_space<vmem>> -> memref<1x1x8x64xf32, #tpu.memory_space<vmem>>
    %dma_start3A_1226 = tpu.memref_squeeze %dma_start3A_1225 : memref<1x1x8x64xf32, #tpu.memory_space<vmem>> -> memref<8x64xf32, #tpu.memory_space<vmem>>
    %dma_start3A_1227 = arith.constant 0 : i32
    %dma_start3A_1228 = tpu.memref_slice %arg4[%multiple_of3A_1194, %dma_start3A_1227] : memref<1000000x64xf32, #tpu.memory_space<hbm>> -> memref<8x64xf32, #tpu.memory_space<hbm>>
    tpu.enqueue_dma source(%dma_start3A_1228 : memref<8x64xf32, #tpu.memory_space<hbm>>) target(%dma_start3A_1226 : memref<8x64xf32, #tpu.memory_space<vmem>>) target_semaphore(%dma_start3A_1222 : memref<!tpu.dma_semaphore, #tpu.memory_space<semaphore_mem>>)
    %slice3A_1229 = vector.extract_strided_slice %mul3A_740 {offsets = [12], sizes = [1], strides = [1]} : vector<16xi32> to vector<1xi32>
    %squeeze3A_1230 = vector.extract %slice3A_1229[0] : i32 from vector<1xi32>
    %multiple_of3A_1231 = tpu.assume_multiple %squeeze3A_1230, 8 : i32
    %slice3A_1232 = vector.extract_strided_slice %mul3A_748 {offsets = [12], sizes = [1], strides = [1]} : vector<16xi32> to vector<1xi32>
    %squeeze3A_1233 = vector.extract %slice3A_1232[0] : i32 from vector<1xi32>
    %multiple_of3A_1234 = tpu.assume_multiple %squeeze3A_1233, 8 : i32
    %dma_start3A_1235 = arith.constant 1 : i32
    %dma_start3A_1236 = arith.constant 12 : i32
    %dma_start3A_1237 = arith.constant 1 : i32
    %dma_start3A_1238 = arith.constant 0 : i32
    %dma_start3A_1239 = arith.constant 0 : i32
    %dma_start3A_1240 = tpu.memref_slice %arg11[%dma_start3A_1235, %dma_start3A_1236, %dma_start3A_1238, %dma_start3A_1239] : memref<3x16x8x64xf32, #tpu.memory_space<vmem>> -> memref<1x1x8x64xf32, #tpu.memory_space<vmem>>
    %dma_start3A_1241 = tpu.memref_squeeze %dma_start3A_1240 : memref<1x1x8x64xf32, #tpu.memory_space<vmem>> -> memref<8x64xf32, #tpu.memory_space<vmem>>
    %dma_start3A_1242 = arith.constant 0 : i32
    %dma_start3A_1243 = tpu.memref_slice %arg4[%multiple_of3A_1231, %dma_start3A_1242] : memref<1000000x64xf32, #tpu.memory_space<hbm>> -> memref<8x64xf32, #tpu.memory_space<hbm>>
    %dma_start3A_1244 = tpu.memref_slice %arg18[%dma_start3A_1237] : memref<3x!tpu.dma_semaphore, #tpu.memory_space<semaphore_mem>> -> memref<1x!tpu.dma_semaphore, #tpu.memory_space<semaphore_mem>>
    %dma_start3A_1245 = tpu.memref_squeeze %dma_start3A_1244 : memref<1x!tpu.dma_semaphore, #tpu.memory_space<semaphore_mem>> -> memref<!tpu.dma_semaphore, #tpu.memory_space<semaphore_mem>>
    %dma_start3A_1246 = arith.constant 0 : i32
    %dma_start3A_1247 = arith.constant 0 : i32
    %dma_start3A_1248 = tpu.memref_slice %arg11[%dma_start3A_1235, %dma_start3A_1236, %dma_start3A_1246, %dma_start3A_1247] : memref<3x16x8x64xf32, #tpu.memory_space<vmem>> -> memref<1x1x8x64xf32, #tpu.memory_space<vmem>>
    %dma_start3A_1249 = tpu.memref_squeeze %dma_start3A_1248 : memref<1x1x8x64xf32, #tpu.memory_space<vmem>> -> memref<8x64xf32, #tpu.memory_space<vmem>>
    %dma_start3A_1250 = arith.constant 0 : i32
    %dma_start3A_1251 = tpu.memref_slice %arg4[%multiple_of3A_1231, %dma_start3A_1250] : memref<1000000x64xf32, #tpu.memory_space<hbm>> -> memref<8x64xf32, #tpu.memory_space<hbm>>
    tpu.enqueue_dma source(%dma_start3A_1251 : memref<8x64xf32, #tpu.memory_space<hbm>>) target(%dma_start3A_1249 : memref<8x64xf32, #tpu.memory_space<vmem>>) target_semaphore(%dma_start3A_1245 : memref<!tpu.dma_semaphore, #tpu.memory_space<semaphore_mem>>)
    %dma_start3A_1252 = arith.constant 1 : i32
    %dma_start3A_1253 = arith.constant 12 : i32
    %dma_start3A_1254 = arith.constant 1 : i32
    %dma_start3A_1255 = arith.constant 0 : i32
    %dma_start3A_1256 = arith.constant 0 : i32
    %dma_start3A_1257 = tpu.memref_slice %arg12[%dma_start3A_1252, %dma_start3A_1253, %dma_start3A_1255, %dma_start3A_1256] : memref<3x16x8x64xf32, #tpu.memory_space<vmem>> -> memref<1x1x8x64xf32, #tpu.memory_space<vmem>>
    %dma_start3A_1258 = tpu.memref_squeeze %dma_start3A_1257 : memref<1x1x8x64xf32, #tpu.memory_space<vmem>> -> memref<8x64xf32, #tpu.memory_space<vmem>>
    %dma_start3A_1259 = arith.constant 0 : i32
    %dma_start3A_1260 = tpu.memref_slice %arg4[%multiple_of3A_1234, %dma_start3A_1259] : memref<1000000x64xf32, #tpu.memory_space<hbm>> -> memref<8x64xf32, #tpu.memory_space<hbm>>
    %dma_start3A_1261 = tpu.memref_slice %arg19[%dma_start3A_1254] : memref<3x!tpu.dma_semaphore, #tpu.memory_space<semaphore_mem>> -> memref<1x!tpu.dma_semaphore, #tpu.memory_space<semaphore_mem>>
    %dma_start3A_1262 = tpu.memref_squeeze %dma_start3A_1261 : memref<1x!tpu.dma_semaphore, #tpu.memory_space<semaphore_mem>> -> memref<!tpu.dma_semaphore, #tpu.memory_space<semaphore_mem>>
    %dma_start3A_1263 = arith.constant 0 : i32
    %dma_start3A_1264 = arith.constant 0 : i32
    %dma_start3A_1265 = tpu.memref_slice %arg12[%dma_start3A_1252, %dma_start3A_1253, %dma_start3A_1263, %dma_start3A_1264] : memref<3x16x8x64xf32, #tpu.memory_space<vmem>> -> memref<1x1x8x64xf32, #tpu.memory_space<vmem>>
    %dma_start3A_1266 = tpu.memref_squeeze %dma_start3A_1265 : memref<1x1x8x64xf32, #tpu.memory_space<vmem>> -> memref<8x64xf32, #tpu.memory_space<vmem>>
    %dma_start3A_1267 = arith.constant 0 : i32
    %dma_start3A_1268 = tpu.memref_slice %arg4[%multiple_of3A_1234, %dma_start3A_1267] : memref<1000000x64xf32, #tpu.memory_space<hbm>> -> memref<8x64xf32, #tpu.memory_space<hbm>>
    tpu.enqueue_dma source(%dma_start3A_1268 : memref<8x64xf32, #tpu.memory_space<hbm>>) target(%dma_start3A_1266 : memref<8x64xf32, #tpu.memory_space<vmem>>) target_semaphore(%dma_start3A_1262 : memref<!tpu.dma_semaphore, #tpu.memory_space<semaphore_mem>>)
    %slice3A_1269 = vector.extract_strided_slice %mul3A_740 {offsets = [13], sizes = [1], strides = [1]} : vector<16xi32> to vector<1xi32>
    %squeeze3A_1270 = vector.extract %slice3A_1269[0] : i32 from vector<1xi32>
    %multiple_of3A_1271 = tpu.assume_multiple %squeeze3A_1270, 8 : i32
    %slice3A_1272 = vector.extract_strided_slice %mul3A_748 {offsets = [13], sizes = [1], strides = [1]} : vector<16xi32> to vector<1xi32>
    %squeeze3A_1273 = vector.extract %slice3A_1272[0] : i32 from vector<1xi32>
    %multiple_of3A_1274 = tpu.assume_multiple %squeeze3A_1273, 8 : i32
    %dma_start3A_1275 = arith.constant 1 : i32
    %dma_start3A_1276 = arith.constant 13 : i32
    %dma_start3A_1277 = arith.constant 1 : i32
    %dma_start3A_1278 = arith.constant 0 : i32
    %dma_start3A_1279 = arith.constant 0 : i32
    %dma_start3A_1280 = tpu.memref_slice %arg11[%dma_start3A_1275, %dma_start3A_1276, %dma_start3A_1278, %dma_start3A_1279] : memref<3x16x8x64xf32, #tpu.memory_space<vmem>> -> memref<1x1x8x64xf32, #tpu.memory_space<vmem>>
    %dma_start3A_1281 = tpu.memref_squeeze %dma_start3A_1280 : memref<1x1x8x64xf32, #tpu.memory_space<vmem>> -> memref<8x64xf32, #tpu.memory_space<vmem>>
    %dma_start3A_1282 = arith.constant 0 : i32
    %dma_start3A_1283 = tpu.memref_slice %arg4[%multiple_of3A_1271, %dma_start3A_1282] : memref<1000000x64xf32, #tpu.memory_space<hbm>> -> memref<8x64xf32, #tpu.memory_space<hbm>>
    %dma_start3A_1284 = tpu.memref_slice %arg18[%dma_start3A_1277] : memref<3x!tpu.dma_semaphore, #tpu.memory_space<semaphore_mem>> -> memref<1x!tpu.dma_semaphore, #tpu.memory_space<semaphore_mem>>
    %dma_start3A_1285 = tpu.memref_squeeze %dma_start3A_1284 : memref<1x!tpu.dma_semaphore, #tpu.memory_space<semaphore_mem>> -> memref<!tpu.dma_semaphore, #tpu.memory_space<semaphore_mem>>
    %dma_start3A_1286 = arith.constant 0 : i32
    %dma_start3A_1287 = arith.constant 0 : i32
    %dma_start3A_1288 = tpu.memref_slice %arg11[%dma_start3A_1275, %dma_start3A_1276, %dma_start3A_1286, %dma_start3A_1287] : memref<3x16x8x64xf32, #tpu.memory_space<vmem>> -> memref<1x1x8x64xf32, #tpu.memory_space<vmem>>
    %dma_start3A_1289 = tpu.memref_squeeze %dma_start3A_1288 : memref<1x1x8x64xf32, #tpu.memory_space<vmem>> -> memref<8x64xf32, #tpu.memory_space<vmem>>
    %dma_start3A_1290 = arith.constant 0 : i32
    %dma_start3A_1291 = tpu.memref_slice %arg4[%multiple_of3A_1271, %dma_start3A_1290] : memref<1000000x64xf32, #tpu.memory_space<hbm>> -> memref<8x64xf32, #tpu.memory_space<hbm>>
    tpu.enqueue_dma source(%dma_start3A_1291 : memref<8x64xf32, #tpu.memory_space<hbm>>) target(%dma_start3A_1289 : memref<8x64xf32, #tpu.memory_space<vmem>>) target_semaphore(%dma_start3A_1285 : memref<!tpu.dma_semaphore, #tpu.memory_space<semaphore_mem>>)
    %dma_start3A_1292 = arith.constant 1 : i32
    %dma_start3A_1293 = arith.constant 13 : i32
    %dma_start3A_1294 = arith.constant 1 : i32
    %dma_start3A_1295 = arith.constant 0 : i32
    %dma_start3A_1296 = arith.constant 0 : i32
    %dma_start3A_1297 = tpu.memref_slice %arg12[%dma_start3A_1292, %dma_start3A_1293, %dma_start3A_1295, %dma_start3A_1296] : memref<3x16x8x64xf32, #tpu.memory_space<vmem>> -> memref<1x1x8x64xf32, #tpu.memory_space<vmem>>
    %dma_start3A_1298 = tpu.memref_squeeze %dma_start3A_1297 : memref<1x1x8x64xf32, #tpu.memory_space<vmem>> -> memref<8x64xf32, #tpu.memory_space<vmem>>
    %dma_start3A_1299 = arith.constant 0 : i32
    %dma_start3A_1300 = tpu.memref_slice %arg4[%multiple_of3A_1274, %dma_start3A_1299] : memref<1000000x64xf32, #tpu.memory_space<hbm>> -> memref<8x64xf32, #tpu.memory_space<hbm>>
    %dma_start3A_1301 = tpu.memref_slice %arg19[%dma_start3A_1294] : memref<3x!tpu.dma_semaphore, #tpu.memory_space<semaphore_mem>> -> memref<1x!tpu.dma_semaphore, #tpu.memory_space<semaphore_mem>>
    %dma_start3A_1302 = tpu.memref_squeeze %dma_start3A_1301 : memref<1x!tpu.dma_semaphore, #tpu.memory_space<semaphore_mem>> -> memref<!tpu.dma_semaphore, #tpu.memory_space<semaphore_mem>>
    %dma_start3A_1303 = arith.constant 0 : i32
    %dma_start3A_1304 = arith.constant 0 : i32
    %dma_start3A_1305 = tpu.memref_slice %arg12[%dma_start3A_1292, %dma_start3A_1293, %dma_start3A_1303, %dma_start3A_1304] : memref<3x16x8x64xf32, #tpu.memory_space<vmem>> -> memref<1x1x8x64xf32, #tpu.memory_space<vmem>>
    %dma_start3A_1306 = tpu.memref_squeeze %dma_start3A_1305 : memref<1x1x8x64xf32, #tpu.memory_space<vmem>> -> memref<8x64xf32, #tpu.memory_space<vmem>>
    %dma_start3A_1307 = arith.constant 0 : i32
    %dma_start3A_1308 = tpu.memref_slice %arg4[%multiple_of3A_1274, %dma_start3A_1307] : memref<1000000x64xf32, #tpu.memory_space<hbm>> -> memref<8x64xf32, #tpu.memory_space<hbm>>
    tpu.enqueue_dma source(%dma_start3A_1308 : memref<8x64xf32, #tpu.memory_space<hbm>>) target(%dma_start3A_1306 : memref<8x64xf32, #tpu.memory_space<vmem>>) target_semaphore(%dma_start3A_1302 : memref<!tpu.dma_semaphore, #tpu.memory_space<semaphore_mem>>)
    %slice3A_1309 = vector.extract_strided_slice %mul3A_740 {offsets = [14], sizes = [1], strides = [1]} : vector<16xi32> to vector<1xi32>
    %squeeze3A_1310 = vector.extract %slice3A_1309[0] : i32 from vector<1xi32>
    %multiple_of3A_1311 = tpu.assume_multiple %squeeze3A_1310, 8 : i32
    %slice3A_1312 = vector.extract_strided_slice %mul3A_748 {offsets = [14], sizes = [1], strides = [1]} : vector<16xi32> to vector<1xi32>
    %squeeze3A_1313 = vector.extract %slice3A_1312[0] : i32 from vector<1xi32>
    %multiple_of3A_1314 = tpu.assume_multiple %squeeze3A_1313, 8 : i32
    %dma_start3A_1315 = arith.constant 1 : i32
    %dma_start3A_1316 = arith.constant 14 : i32
    %dma_start3A_1317 = arith.constant 1 : i32
    %dma_start3A_1318 = arith.constant 0 : i32
    %dma_start3A_1319 = arith.constant 0 : i32
    %dma_start3A_1320 = tpu.memref_slice %arg11[%dma_start3A_1315, %dma_start3A_1316, %dma_start3A_1318, %dma_start3A_1319] : memref<3x16x8x64xf32, #tpu.memory_space<vmem>> -> memref<1x1x8x64xf32, #tpu.memory_space<vmem>>
    %dma_start3A_1321 = tpu.memref_squeeze %dma_start3A_1320 : memref<1x1x8x64xf32, #tpu.memory_space<vmem>> -> memref<8x64xf32, #tpu.memory_space<vmem>>
    %dma_start3A_1322 = arith.constant 0 : i32
    %dma_start3A_1323 = tpu.memref_slice %arg4[%multiple_of3A_1311, %dma_start3A_1322] : memref<1000000x64xf32, #tpu.memory_space<hbm>> -> memref<8x64xf32, #tpu.memory_space<hbm>>
    %dma_start3A_1324 = tpu.memref_slice %arg18[%dma_start3A_1317] : memref<3x!tpu.dma_semaphore, #tpu.memory_space<semaphore_mem>> -> memref<1x!tpu.dma_semaphore, #tpu.memory_space<semaphore_mem>>
    %dma_start3A_1325 = tpu.memref_squeeze %dma_start3A_1324 : memref<1x!tpu.dma_semaphore, #tpu.memory_space<semaphore_mem>> -> memref<!tpu.dma_semaphore, #tpu.memory_space<semaphore_mem>>
    %dma_start3A_1326 = arith.constant 0 : i32
    %dma_start3A_1327 = arith.constant 0 : i32
    %dma_start3A_1328 = tpu.memref_slice %arg11[%dma_start3A_1315, %dma_start3A_1316, %dma_start3A_1326, %dma_start3A_1327] : memref<3x16x8x64xf32, #tpu.memory_space<vmem>> -> memref<1x1x8x64xf32, #tpu.memory_space<vmem>>
    %dma_start3A_1329 = tpu.memref_squeeze %dma_start3A_1328 : memref<1x1x8x64xf32, #tpu.memory_space<vmem>> -> memref<8x64xf32, #tpu.memory_space<vmem>>
    %dma_start3A_1330 = arith.constant 0 : i32
    %dma_start3A_1331 = tpu.memref_slice %arg4[%multiple_of3A_1311, %dma_start3A_1330] : memref<1000000x64xf32, #tpu.memory_space<hbm>> -> memref<8x64xf32, #tpu.memory_space<hbm>>
    tpu.enqueue_dma source(%dma_start3A_1331 : memref<8x64xf32, #tpu.memory_space<hbm>>) target(%dma_start3A_1329 : memref<8x64xf32, #tpu.memory_space<vmem>>) target_semaphore(%dma_start3A_1325 : memref<!tpu.dma_semaphore, #tpu.memory_space<semaphore_mem>>)
    %dma_start3A_1332 = arith.constant 1 : i32
    %dma_start3A_1333 = arith.constant 14 : i32
    %dma_start3A_1334 = arith.constant 1 : i32
    %dma_start3A_1335 = arith.constant 0 : i32
    %dma_start3A_1336 = arith.constant 0 : i32
    %dma_start3A_1337 = tpu.memref_slice %arg12[%dma_start3A_1332, %dma_start3A_1333, %dma_start3A_1335, %dma_start3A_1336] : memref<3x16x8x64xf32, #tpu.memory_space<vmem>> -> memref<1x1x8x64xf32, #tpu.memory_space<vmem>>
    %dma_start3A_1338 = tpu.memref_squeeze %dma_start3A_1337 : memref<1x1x8x64xf32, #tpu.memory_space<vmem>> -> memref<8x64xf32, #tpu.memory_space<vmem>>
    %dma_start3A_1339 = arith.constant 0 : i32
    %dma_start3A_1340 = tpu.memref_slice %arg4[%multiple_of3A_1314, %dma_start3A_1339] : memref<1000000x64xf32, #tpu.memory_space<hbm>> -> memref<8x64xf32, #tpu.memory_space<hbm>>
    %dma_start3A_1341 = tpu.memref_slice %arg19[%dma_start3A_1334] : memref<3x!tpu.dma_semaphore, #tpu.memory_space<semaphore_mem>> -> memref<1x!tpu.dma_semaphore, #tpu.memory_space<semaphore_mem>>
    %dma_start3A_1342 = tpu.memref_squeeze %dma_start3A_1341 : memref<1x!tpu.dma_semaphore, #tpu.memory_space<semaphore_mem>> -> memref<!tpu.dma_semaphore, #tpu.memory_space<semaphore_mem>>
    %dma_start3A_1343 = arith.constant 0 : i32
    %dma_start3A_1344 = arith.constant 0 : i32
    %dma_start3A_1345 = tpu.memref_slice %arg12[%dma_start3A_1332, %dma_start3A_1333, %dma_start3A_1343, %dma_start3A_1344] : memref<3x16x8x64xf32, #tpu.memory_space<vmem>> -> memref<1x1x8x64xf32, #tpu.memory_space<vmem>>
    %dma_start3A_1346 = tpu.memref_squeeze %dma_start3A_1345 : memref<1x1x8x64xf32, #tpu.memory_space<vmem>> -> memref<8x64xf32, #tpu.memory_space<vmem>>
    %dma_start3A_1347 = arith.constant 0 : i32
    %dma_start3A_1348 = tpu.memref_slice %arg4[%multiple_of3A_1314, %dma_start3A_1347] : memref<1000000x64xf32, #tpu.memory_space<hbm>> -> memref<8x64xf32, #tpu.memory_space<hbm>>
    tpu.enqueue_dma source(%dma_start3A_1348 : memref<8x64xf32, #tpu.memory_space<hbm>>) target(%dma_start3A_1346 : memref<8x64xf32, #tpu.memory_space<vmem>>) target_semaphore(%dma_start3A_1342 : memref<!tpu.dma_semaphore, #tpu.memory_space<semaphore_mem>>)
    %slice3A_1349 = vector.extract_strided_slice %mul3A_740 {offsets = [15], sizes = [1], strides = [1]} : vector<16xi32> to vector<1xi32>
    %squeeze3A_1350 = vector.extract %slice3A_1349[0] : i32 from vector<1xi32>
    %multiple_of3A_1351 = tpu.assume_multiple %squeeze3A_1350, 8 : i32
    %slice3A_1352 = vector.extract_strided_slice %mul3A_748 {offsets = [15], sizes = [1], strides = [1]} : vector<16xi32> to vector<1xi32>
    %squeeze3A_1353 = vector.extract %slice3A_1352[0] : i32 from vector<1xi32>
    %multiple_of3A_1354 = tpu.assume_multiple %squeeze3A_1353, 8 : i32
    %dma_start3A_1355 = arith.constant 1 : i32
    %dma_start3A_1356 = arith.constant 15 : i32
    %dma_start3A_1357 = arith.constant 1 : i32
    %dma_start3A_1358 = arith.constant 0 : i32
    %dma_start3A_1359 = arith.constant 0 : i32
    %dma_start3A_1360 = tpu.memref_slice %arg11[%dma_start3A_1355, %dma_start3A_1356, %dma_start3A_1358, %dma_start3A_1359] : memref<3x16x8x64xf32, #tpu.memory_space<vmem>> -> memref<1x1x8x64xf32, #tpu.memory_space<vmem>>
    %dma_start3A_1361 = tpu.memref_squeeze %dma_start3A_1360 : memref<1x1x8x64xf32, #tpu.memory_space<vmem>> -> memref<8x64xf32, #tpu.memory_space<vmem>>
    %dma_start3A_1362 = arith.constant 0 : i32
    %dma_start3A_1363 = tpu.memref_slice %arg4[%multiple_of3A_1351, %dma_start3A_1362] : memref<1000000x64xf32, #tpu.memory_space<hbm>> -> memref<8x64xf32, #tpu.memory_space<hbm>>
    %dma_start3A_1364 = tpu.memref_slice %arg18[%dma_start3A_1357] : memref<3x!tpu.dma_semaphore, #tpu.memory_space<semaphore_mem>> -> memref<1x!tpu.dma_semaphore, #tpu.memory_space<semaphore_mem>>
    %dma_start3A_1365 = tpu.memref_squeeze %dma_start3A_1364 : memref<1x!tpu.dma_semaphore, #tpu.memory_space<semaphore_mem>> -> memref<!tpu.dma_semaphore, #tpu.memory_space<semaphore_mem>>
    %dma_start3A_1366 = arith.constant 0 : i32
    %dma_start3A_1367 = arith.constant 0 : i32
    %dma_start3A_1368 = tpu.memref_slice %arg11[%dma_start3A_1355, %dma_start3A_1356, %dma_start3A_1366, %dma_start3A_1367] : memref<3x16x8x64xf32, #tpu.memory_space<vmem>> -> memref<1x1x8x64xf32, #tpu.memory_space<vmem>>
    %dma_start3A_1369 = tpu.memref_squeeze %dma_start3A_1368 : memref<1x1x8x64xf32, #tpu.memory_space<vmem>> -> memref<8x64xf32, #tpu.memory_space<vmem>>
    %dma_start3A_1370 = arith.constant 0 : i32
    %dma_start3A_1371 = tpu.memref_slice %arg4[%multiple_of3A_1351, %dma_start3A_1370] : memref<1000000x64xf32, #tpu.memory_space<hbm>> -> memref<8x64xf32, #tpu.memory_space<hbm>>
    tpu.enqueue_dma source(%dma_start3A_1371 : memref<8x64xf32, #tpu.memory_space<hbm>>) target(%dma_start3A_1369 : memref<8x64xf32, #tpu.memory_space<vmem>>) target_semaphore(%dma_start3A_1365 : memref<!tpu.dma_semaphore, #tpu.memory_space<semaphore_mem>>)
    %dma_start3A_1372 = arith.constant 1 : i32
    %dma_start3A_1373 = arith.constant 15 : i32
    %dma_start3A_1374 = arith.constant 1 : i32
    %dma_start3A_1375 = arith.constant 0 : i32
    %dma_start3A_1376 = arith.constant 0 : i32
    %dma_start3A_1377 = tpu.memref_slice %arg12[%dma_start3A_1372, %dma_start3A_1373, %dma_start3A_1375, %dma_start3A_1376] : memref<3x16x8x64xf32, #tpu.memory_space<vmem>> -> memref<1x1x8x64xf32, #tpu.memory_space<vmem>>
    %dma_start3A_1378 = tpu.memref_squeeze %dma_start3A_1377 : memref<1x1x8x64xf32, #tpu.memory_space<vmem>> -> memref<8x64xf32, #tpu.memory_space<vmem>>
    %dma_start3A_1379 = arith.constant 0 : i32
    %dma_start3A_1380 = tpu.memref_slice %arg4[%multiple_of3A_1354, %dma_start3A_1379] : memref<1000000x64xf32, #tpu.memory_space<hbm>> -> memref<8x64xf32, #tpu.memory_space<hbm>>
    %dma_start3A_1381 = tpu.memref_slice %arg19[%dma_start3A_1374] : memref<3x!tpu.dma_semaphore, #tpu.memory_space<semaphore_mem>> -> memref<1x!tpu.dma_semaphore, #tpu.memory_space<semaphore_mem>>
    %dma_start3A_1382 = tpu.memref_squeeze %dma_start3A_1381 : memref<1x!tpu.dma_semaphore, #tpu.memory_space<semaphore_mem>> -> memref<!tpu.dma_semaphore, #tpu.memory_space<semaphore_mem>>
    %dma_start3A_1383 = arith.constant 0 : i32
    %dma_start3A_1384 = arith.constant 0 : i32
    %dma_start3A_1385 = tpu.memref_slice %arg12[%dma_start3A_1372, %dma_start3A_1373, %dma_start3A_1383, %dma_start3A_1384] : memref<3x16x8x64xf32, #tpu.memory_space<vmem>> -> memref<1x1x8x64xf32, #tpu.memory_space<vmem>>
    %dma_start3A_1386 = tpu.memref_squeeze %dma_start3A_1385 : memref<1x1x8x64xf32, #tpu.memory_space<vmem>> -> memref<8x64xf32, #tpu.memory_space<vmem>>
    %dma_start3A_1387 = arith.constant 0 : i32
    %dma_start3A_1388 = tpu.memref_slice %arg4[%multiple_of3A_1354, %dma_start3A_1387] : memref<1000000x64xf32, #tpu.memory_space<hbm>> -> memref<8x64xf32, #tpu.memory_space<hbm>>
    tpu.enqueue_dma source(%dma_start3A_1388 : memref<8x64xf32, #tpu.memory_space<hbm>>) target(%dma_start3A_1386 : memref<8x64xf32, #tpu.memory_space<vmem>>) target_semaphore(%dma_start3A_1382 : memref<!tpu.dma_semaphore, #tpu.memory_space<semaphore_mem>>)
    %scan3A = arith.constant 0 : i32
    %scan3A_1389 = arith.constant 0 : i32
    %scan3A_1390 = arith.constant 32 : i32
    %scan3A_1391 = arith.addi %scan3A_1389, %scan3A_1390 : i32
    %scan3A_1392 = arith.constant 1 : i32
    %scan3A_1393 = scf.for %scan3A_1483 = %scan3A_1389 to %scan3A_1391 step %scan3A_1392 iter_args(%scan3A_1484 = %scan3A) -> (i32)  : i32 {
      %add3A_1485 = arith.constant 2 : i32
      %add3A_1486 = arith.addi %scan3A_1483, %add3A_1485 : i32
      %lt3A = arith.constant 32 : i32
      %lt3A_1487 = arith.cmpi slt, %add3A_1486, %lt3A : i32
      %convert_element_type3A = arith.extui %lt3A_1487 : i1 to i32
      %cond3A = arith.constant 0 : i32
      %cond3A_1488 = arith.cmpi ne, %convert_element_type3A, %cond3A : i32
      scf.if %cond3A_1488 {
        %add3A_1554 = arith.constant 2 : i32
        %add3A_1555 = arith.addi %scan3A_1483, %add3A_1554 : i32
        %add3A_1556 = arith.constant 2 : i32
        %add3A_1557 = arith.addi %scan3A_1483, %add3A_1556 : i32
        %jit3A_1558 = arith.constant 3 : i32
        %eq3A_1559 = arith.constant 0 : i32
        %eq3A_1560 = arith.cmpi eq, %jit3A_1558, %eq3A_1559 : i32
        %jit3A_1561 = arith.constant 1 : i32
        %select_n3A_1562 = arith.select %eq3A_1560, %jit3A_1561, %jit3A_1558 : i32
        %rem3A_1563 = arith.remsi %add3A_1557, %select_n3A_1562 : i32
        %ne3A_1564 = arith.constant 0 : i32
        %ne3A_1565 = arith.cmpi ne, %rem3A_1563, %ne3A_1564 : i32
        %lt3A_1566 = arith.constant 0 : i32
        %lt3A_1567 = arith.cmpi slt, %rem3A_1563, %lt3A_1566 : i32
        %lt3A_1568 = arith.constant 0 : i32
        %lt3A_1569 = arith.cmpi slt, %select_n3A_1562, %lt3A_1568 : i32
        %ne3A_1570 = arith.xori %lt3A_1567, %lt3A_1569 : i1
        %and3A_1571 = arith.andi %ne3A_1570, %ne3A_1565 : i1
        %add3A_1572 = arith.addi %rem3A_1563, %select_n3A_1562 : i32
        %select_n3A_1573 = arith.select %and3A_1571, %add3A_1572, %rem3A_1563 : i32
        %mul3A_1574 = arith.constant 16 : i32
        %mul3A_1575 = arith.muli %add3A_1555, %mul3A_1574 : i32
        %get3A_1576 = arith.index_cast %mul3A_1575 : i32 to index
        %get3A_1577 = tpu.vector_load %arg9[%get3A_1576] {strides = array<i32>} : memref<512xi32, #tpu.memory_space<vmem>>, vector<16xi32>,
        %shift_right_logical3A_1578 = arith.constant 3 : i32
        %shift_right_logical3A_1579 = vector.broadcast %shift_right_logical3A_1578 : i32 to vector<16xi32>
        %shift_right_logical3A_1580 = arith.shrui %get3A_1577, %shift_right_logical3A_1579 : vector<16xi32>
        %mul3A_1581 = arith.constant 8 : i32
        %mul3A_1582 = vector.broadcast %mul3A_1581 : i32 to vector<16xi32>
        %mul3A_1583 = arith.muli %shift_right_logical3A_1580, %mul3A_1582 : vector<16xi32>
        %get3A_1584 = arith.index_cast %mul3A_1575 : i32 to index
        %get3A_1585 = tpu.vector_load %arg10[%get3A_1584] {strides = array<i32>} : memref<512xi32, #tpu.memory_space<vmem>>, vector<16xi32>,
        %shift_right_logical3A_1586 = arith.constant 3 : i32
        %shift_right_logical3A_1587 = vector.broadcast %shift_right_logical3A_1586 : i32 to vector<16xi32>
        %shift_right_logical3A_1588 = arith.shrui %get3A_1585, %shift_right_logical3A_1587 : vector<16xi32>
        %mul3A_1589 = arith.constant 8 : i32
        %mul3A_1590 = vector.broadcast %mul3A_1589 : i32 to vector<16xi32>
        %mul3A_1591 = arith.muli %shift_right_logical3A_1588, %mul3A_1590 : vector<16xi32>
        %slice3A_1592 = vector.extract_strided_slice %mul3A_1583 {offsets = [0], sizes = [1], strides = [1]} : vector<16xi32> to vector<1xi32>
        %squeeze3A_1593 = vector.extract %slice3A_1592[0] : i32 from vector<1xi32>
        %multiple_of3A_1594 = tpu.assume_multiple %squeeze3A_1593, 8 : i32
        %slice3A_1595 = vector.extract_strided_slice %mul3A_1591 {offsets = [0], sizes = [1], strides = [1]} : vector<16xi32> to vector<1xi32>
        %squeeze3A_1596 = vector.extract %slice3A_1595[0] : i32 from vector<1xi32>
        %multiple_of3A_1597 = tpu.assume_multiple %squeeze3A_1596, 8 : i32
        %dma_start3A_1598 = arith.constant 0 : i32
        %dma_start3A_1599 = arith.constant 0 : i32
        %dma_start3A_1600 = arith.constant 0 : i32
        %dma_start3A_1601 = tpu.memref_slice %arg11[%select_n3A_1573, %dma_start3A_1598, %dma_start3A_1599, %dma_start3A_1600] : memref<3x16x8x64xf32, #tpu.memory_space<vmem>> -> memref<1x1x8x64xf32, #tpu.memory_space<vmem>>
        %dma_start3A_1602 = tpu.memref_squeeze %dma_start3A_1601 : memref<1x1x8x64xf32, #tpu.memory_space<vmem>> -> memref<8x64xf32, #tpu.memory_space<vmem>>
        %dma_start3A_1603 = arith.constant 0 : i32
        %dma_start3A_1604 = tpu.memref_slice %arg4[%multiple_of3A_1594, %dma_start3A_1603] : memref<1000000x64xf32, #tpu.memory_space<hbm>> -> memref<8x64xf32, #tpu.memory_space<hbm>>
        %dma_start3A_1605 = tpu.memref_slice %arg18[%select_n3A_1573] : memref<3x!tpu.dma_semaphore, #tpu.memory_space<semaphore_mem>> -> memref<1x!tpu.dma_semaphore, #tpu.memory_space<semaphore_mem>>
        %dma_start3A_1606 = tpu.memref_squeeze %dma_start3A_1605 : memref<1x!tpu.dma_semaphore, #tpu.memory_space<semaphore_mem>> -> memref<!tpu.dma_semaphore, #tpu.memory_space<semaphore_mem>>
        %dma_start3A_1607 = arith.constant 0 : i32
        %dma_start3A_1608 = arith.constant 0 : i32
        %dma_start3A_1609 = tpu.memref_slice %arg11[%select_n3A_1573, %dma_start3A_1598, %dma_start3A_1607, %dma_start3A_1608] : memref<3x16x8x64xf32, #tpu.memory_space<vmem>> -> memref<1x1x8x64xf32, #tpu.memory_space<vmem>>
        %dma_start3A_1610 = tpu.memref_squeeze %dma_start3A_1609 : memref<1x1x8x64xf32, #tpu.memory_space<vmem>> -> memref<8x64xf32, #tpu.memory_space<vmem>>
        %dma_start3A_1611 = arith.constant 0 : i32
        %dma_start3A_1612 = tpu.memref_slice %arg4[%multiple_of3A_1594, %dma_start3A_1611] : memref<1000000x64xf32, #tpu.memory_space<hbm>> -> memref<8x64xf32, #tpu.memory_space<hbm>>
        tpu.enqueue_dma source(%dma_start3A_1612 : memref<8x64xf32, #tpu.memory_space<hbm>>) target(%dma_start3A_1610 : memref<8x64xf32, #tpu.memory_space<vmem>>) target_semaphore(%dma_start3A_1606 : memref<!tpu.dma_semaphore, #tpu.memory_space<semaphore_mem>>)
        %dma_start3A_1613 = arith.constant 0 : i32
        %dma_start3A_1614 = arith.constant 0 : i32
        %dma_start3A_1615 = arith.constant 0 : i32
        %dma_start3A_1616 = tpu.memref_slice %arg12[%select_n3A_1573, %dma_start3A_1613, %dma_start3A_1614, %dma_start3A_1615] : memref<3x16x8x64xf32, #tpu.memory_space<vmem>> -> memref<1x1x8x64xf32, #tpu.memory_space<vmem>>
        %dma_start3A_1617 = tpu.memref_squeeze %dma_start3A_1616 : memref<1x1x8x64xf32, #tpu.memory_space<vmem>> -> memref<8x64xf32, #tpu.memory_space<vmem>>
        %dma_start3A_1618 = arith.constant 0 : i32
        %dma_start3A_1619 = tpu.memref_slice %arg4[%multiple_of3A_1597, %dma_start3A_1618] : memref<1000000x64xf32, #tpu.memory_space<hbm>> -> memref<8x64xf32, #tpu.memory_space<hbm>>
        %dma_start3A_1620 = tpu.memref_slice %arg19[%select_n3A_1573] : memref<3x!tpu.dma_semaphore, #tpu.memory_space<semaphore_mem>> -> memref<1x!tpu.dma_semaphore, #tpu.memory_space<semaphore_mem>>
        %dma_start3A_1621 = tpu.memref_squeeze %dma_start3A_1620 : memref<1x!tpu.dma_semaphore, #tpu.memory_space<semaphore_mem>> -> memref<!tpu.dma_semaphore, #tpu.memory_space<semaphore_mem>>
        %dma_start3A_1622 = arith.constant 0 : i32
        %dma_start3A_1623 = arith.constant 0 : i32
        %dma_start3A_1624 = tpu.memref_slice %arg12[%select_n3A_1573, %dma_start3A_1613, %dma_start3A_1622, %dma_start3A_1623] : memref<3x16x8x64xf32, #tpu.memory_space<vmem>> -> memref<1x1x8x64xf32, #tpu.memory_space<vmem>>
        %dma_start3A_1625 = tpu.memref_squeeze %dma_start3A_1624 : memref<1x1x8x64xf32, #tpu.memory_space<vmem>> -> memref<8x64xf32, #tpu.memory_space<vmem>>
        %dma_start3A_1626 = arith.constant 0 : i32
        %dma_start3A_1627 = tpu.memref_slice %arg4[%multiple_of3A_1597, %dma_start3A_1626] : memref<1000000x64xf32, #tpu.memory_space<hbm>> -> memref<8x64xf32, #tpu.memory_space<hbm>>
        tpu.enqueue_dma source(%dma_start3A_1627 : memref<8x64xf32, #tpu.memory_space<hbm>>) target(%dma_start3A_1625 : memref<8x64xf32, #tpu.memory_space<vmem>>) target_semaphore(%dma_start3A_1621 : memref<!tpu.dma_semaphore, #tpu.memory_space<semaphore_mem>>)
        %slice3A_1628 = vector.extract_strided_slice %mul3A_1583 {offsets = [1], sizes = [1], strides = [1]} : vector<16xi32> to vector<1xi32>
        %squeeze3A_1629 = vector.extract %slice3A_1628[0] : i32 from vector<1xi32>
        %multiple_of3A_1630 = tpu.assume_multiple %squeeze3A_1629, 8 : i32
        %slice3A_1631 = vector.extract_strided_slice %mul3A_1591 {offsets = [1], sizes = [1], strides = [1]} : vector<16xi32> to vector<1xi32>
        %squeeze3A_1632 = vector.extract %slice3A_1631[0] : i32 from vector<1xi32>
        %multiple_of3A_1633 = tpu.assume_multiple %squeeze3A_1632, 8 : i32
        %dma_start3A_1634 = arith.constant 1 : i32
        %dma_start3A_1635 = arith.constant 0 : i32
        %dma_start3A_1636 = arith.constant 0 : i32
        %dma_start3A_1637 = tpu.memref_slice %arg11[%select_n3A_1573, %dma_start3A_1634, %dma_start3A_1635, %dma_start3A_1636] : memref<3x16x8x64xf32, #tpu.memory_space<vmem>> -> memref<1x1x8x64xf32, #tpu.memory_space<vmem>>
        %dma_start3A_1638 = tpu.memref_squeeze %dma_start3A_1637 : memref<1x1x8x64xf32, #tpu.memory_space<vmem>> -> memref<8x64xf32, #tpu.memory_space<vmem>>
        %dma_start3A_1639 = arith.constant 0 : i32
        %dma_start3A_1640 = tpu.memref_slice %arg4[%multiple_of3A_1630, %dma_start3A_1639] : memref<1000000x64xf32, #tpu.memory_space<hbm>> -> memref<8x64xf32, #tpu.memory_space<hbm>>
        %dma_start3A_1641 = tpu.memref_slice %arg18[%select_n3A_1573] : memref<3x!tpu.dma_semaphore, #tpu.memory_space<semaphore_mem>> -> memref<1x!tpu.dma_semaphore, #tpu.memory_space<semaphore_mem>>
        %dma_start3A_1642 = tpu.memref_squeeze %dma_start3A_1641 : memref<1x!tpu.dma_semaphore, #tpu.memory_space<semaphore_mem>> -> memref<!tpu.dma_semaphore, #tpu.memory_space<semaphore_mem>>
        %dma_start3A_1643 = arith.constant 0 : i32
        %dma_start3A_1644 = arith.constant 0 : i32
        %dma_start3A_1645 = tpu.memref_slice %arg11[%select_n3A_1573, %dma_start3A_1634, %dma_start3A_1643, %dma_start3A_1644] : memref<3x16x8x64xf32, #tpu.memory_space<vmem>> -> memref<1x1x8x64xf32, #tpu.memory_space<vmem>>
        %dma_start3A_1646 = tpu.memref_squeeze %dma_start3A_1645 : memref<1x1x8x64xf32, #tpu.memory_space<vmem>> -> memref<8x64xf32, #tpu.memory_space<vmem>>
        %dma_start3A_1647 = arith.constant 0 : i32
        %dma_start3A_1648 = tpu.memref_slice %arg4[%multiple_of3A_1630, %dma_start3A_1647] : memref<1000000x64xf32, #tpu.memory_space<hbm>> -> memref<8x64xf32, #tpu.memory_space<hbm>>
        tpu.enqueue_dma source(%dma_start3A_1648 : memref<8x64xf32, #tpu.memory_space<hbm>>) target(%dma_start3A_1646 : memref<8x64xf32, #tpu.memory_space<vmem>>) target_semaphore(%dma_start3A_1642 : memref<!tpu.dma_semaphore, #tpu.memory_space<semaphore_mem>>)
        %dma_start3A_1649 = arith.constant 1 : i32
        %dma_start3A_1650 = arith.constant 0 : i32
        %dma_start3A_1651 = arith.constant 0 : i32
        %dma_start3A_1652 = tpu.memref_slice %arg12[%select_n3A_1573, %dma_start3A_1649, %dma_start3A_1650, %dma_start3A_1651] : memref<3x16x8x64xf32, #tpu.memory_space<vmem>> -> memref<1x1x8x64xf32, #tpu.memory_space<vmem>>
        %dma_start3A_1653 = tpu.memref_squeeze %dma_start3A_1652 : memref<1x1x8x64xf32, #tpu.memory_space<vmem>> -> memref<8x64xf32, #tpu.memory_space<vmem>>
        %dma_start3A_1654 = arith.constant 0 : i32
        %dma_start3A_1655 = tpu.memref_slice %arg4[%multiple_of3A_1633, %dma_start3A_1654] : memref<1000000x64xf32, #tpu.memory_space<hbm>> -> memref<8x64xf32, #tpu.memory_space<hbm>>
        %dma_start3A_1656 = tpu.memref_slice %arg19[%select_n3A_1573] : memref<3x!tpu.dma_semaphore, #tpu.memory_space<semaphore_mem>> -> memref<1x!tpu.dma_semaphore, #tpu.memory_space<semaphore_mem>>
        %dma_start3A_1657 = tpu.memref_squeeze %dma_start3A_1656 : memref<1x!tpu.dma_semaphore, #tpu.memory_space<semaphore_mem>> -> memref<!tpu.dma_semaphore, #tpu.memory_space<semaphore_mem>>
        %dma_start3A_1658 = arith.constant 0 : i32
        %dma_start3A_1659 = arith.constant 0 : i32
        %dma_start3A_1660 = tpu.memref_slice %arg12[%select_n3A_1573, %dma_start3A_1649, %dma_start3A_1658, %dma_start3A_1659] : memref<3x16x8x64xf32, #tpu.memory_space<vmem>> -> memref<1x1x8x64xf32, #tpu.memory_space<vmem>>
        %dma_start3A_1661 = tpu.memref_squeeze %dma_start3A_1660 : memref<1x1x8x64xf32, #tpu.memory_space<vmem>> -> memref<8x64xf32, #tpu.memory_space<vmem>>
        %dma_start3A_1662 = arith.constant 0 : i32
        %dma_start3A_1663 = tpu.memref_slice %arg4[%multiple_of3A_1633, %dma_start3A_1662] : memref<1000000x64xf32, #tpu.memory_space<hbm>> -> memref<8x64xf32, #tpu.memory_space<hbm>>
        tpu.enqueue_dma source(%dma_start3A_1663 : memref<8x64xf32, #tpu.memory_space<hbm>>) target(%dma_start3A_1661 : memref<8x64xf32, #tpu.memory_space<vmem>>) target_semaphore(%dma_start3A_1657 : memref<!tpu.dma_semaphore, #tpu.memory_space<semaphore_mem>>)
        %slice3A_1664 = vector.extract_strided_slice %mul3A_1583 {offsets = [2], sizes = [1], strides = [1]} : vector<16xi32> to vector<1xi32>
        %squeeze3A_1665 = vector.extract %slice3A_1664[0] : i32 from vector<1xi32>
        %multiple_of3A_1666 = tpu.assume_multiple %squeeze3A_1665, 8 : i32
        %slice3A_1667 = vector.extract_strided_slice %mul3A_1591 {offsets = [2], sizes = [1], strides = [1]} : vector<16xi32> to vector<1xi32>
        %squeeze3A_1668 = vector.extract %slice3A_1667[0] : i32 from vector<1xi32>
        %multiple_of3A_1669 = tpu.assume_multiple %squeeze3A_1668, 8 : i32
        %dma_start3A_1670 = arith.constant 2 : i32
        %dma_start3A_1671 = arith.constant 0 : i32
        %dma_start3A_1672 = arith.constant 0 : i32
        %dma_start3A_1673 = tpu.memref_slice %arg11[%select_n3A_1573, %dma_start3A_1670, %dma_start3A_1671, %dma_start3A_1672] : memref<3x16x8x64xf32, #tpu.memory_space<vmem>> -> memref<1x1x8x64xf32, #tpu.memory_space<vmem>>
        %dma_start3A_1674 = tpu.memref_squeeze %dma_start3A_1673 : memref<1x1x8x64xf32, #tpu.memory_space<vmem>> -> memref<8x64xf32, #tpu.memory_space<vmem>>
        %dma_start3A_1675 = arith.constant 0 : i32
        %dma_start3A_1676 = tpu.memref_slice %arg4[%multiple_of3A_1666, %dma_start3A_1675] : memref<1000000x64xf32, #tpu.memory_space<hbm>> -> memref<8x64xf32, #tpu.memory_space<hbm>>
        %dma_start3A_1677 = tpu.memref_slice %arg18[%select_n3A_1573] : memref<3x!tpu.dma_semaphore, #tpu.memory_space<semaphore_mem>> -> memref<1x!tpu.dma_semaphore, #tpu.memory_space<semaphore_mem>>
        %dma_start3A_1678 = tpu.memref_squeeze %dma_start3A_1677 : memref<1x!tpu.dma_semaphore, #tpu.memory_space<semaphore_mem>> -> memref<!tpu.dma_semaphore, #tpu.memory_space<semaphore_mem>>
        %dma_start3A_1679 = arith.constant 0 : i32
        %dma_start3A_1680 = arith.constant 0 : i32
        %dma_start3A_1681 = tpu.memref_slice %arg11[%select_n3A_1573, %dma_start3A_1670, %dma_start3A_1679, %dma_start3A_1680] : memref<3x16x8x64xf32, #tpu.memory_space<vmem>> -> memref<1x1x8x64xf32, #tpu.memory_space<vmem>>
        %dma_start3A_1682 = tpu.memref_squeeze %dma_start3A_1681 : memref<1x1x8x64xf32, #tpu.memory_space<vmem>> -> memref<8x64xf32, #tpu.memory_space<vmem>>
        %dma_start3A_1683 = arith.constant 0 : i32
        %dma_start3A_1684 = tpu.memref_slice %arg4[%multiple_of3A_1666, %dma_start3A_1683] : memref<1000000x64xf32, #tpu.memory_space<hbm>> -> memref<8x64xf32, #tpu.memory_space<hbm>>
        tpu.enqueue_dma source(%dma_start3A_1684 : memref<8x64xf32, #tpu.memory_space<hbm>>) target(%dma_start3A_1682 : memref<8x64xf32, #tpu.memory_space<vmem>>) target_semaphore(%dma_start3A_1678 : memref<!tpu.dma_semaphore, #tpu.memory_space<semaphore_mem>>)
        %dma_start3A_1685 = arith.constant 2 : i32
        %dma_start3A_1686 = arith.constant 0 : i32
        %dma_start3A_1687 = arith.constant 0 : i32
        %dma_start3A_1688 = tpu.memref_slice %arg12[%select_n3A_1573, %dma_start3A_1685, %dma_start3A_1686, %dma_start3A_1687] : memref<3x16x8x64xf32, #tpu.memory_space<vmem>> -> memref<1x1x8x64xf32, #tpu.memory_space<vmem>>
        %dma_start3A_1689 = tpu.memref_squeeze %dma_start3A_1688 : memref<1x1x8x64xf32, #tpu.memory_space<vmem>> -> memref<8x64xf32, #tpu.memory_space<vmem>>
        %dma_start3A_1690 = arith.constant 0 : i32
        %dma_start3A_1691 = tpu.memref_slice %arg4[%multiple_of3A_1669, %dma_start3A_1690] : memref<1000000x64xf32, #tpu.memory_space<hbm>> -> memref<8x64xf32, #tpu.memory_space<hbm>>
        %dma_start3A_1692 = tpu.memref_slice %arg19[%select_n3A_1573] : memref<3x!tpu.dma_semaphore, #tpu.memory_space<semaphore_mem>> -> memref<1x!tpu.dma_semaphore, #tpu.memory_space<semaphore_mem>>
        %dma_start3A_1693 = tpu.memref_squeeze %dma_start3A_1692 : memref<1x!tpu.dma_semaphore, #tpu.memory_space<semaphore_mem>> -> memref<!tpu.dma_semaphore, #tpu.memory_space<semaphore_mem>>
        %dma_start3A_1694 = arith.constant 0 : i32
        %dma_start3A_1695 = arith.constant 0 : i32
        %dma_start3A_1696 = tpu.memref_slice %arg12[%select_n3A_1573, %dma_start3A_1685, %dma_start3A_1694, %dma_start3A_1695] : memref<3x16x8x64xf32, #tpu.memory_space<vmem>> -> memref<1x1x8x64xf32, #tpu.memory_space<vmem>>
        %dma_start3A_1697 = tpu.memref_squeeze %dma_start3A_1696 : memref<1x1x8x64xf32, #tpu.memory_space<vmem>> -> memref<8x64xf32, #tpu.memory_space<vmem>>
        %dma_start3A_1698 = arith.constant 0 : i32
        %dma_start3A_1699 = tpu.memref_slice %arg4[%multiple_of3A_1669, %dma_start3A_1698] : memref<1000000x64xf32, #tpu.memory_space<hbm>> -> memref<8x64xf32, #tpu.memory_space<hbm>>
        tpu.enqueue_dma source(%dma_start3A_1699 : memref<8x64xf32, #tpu.memory_space<hbm>>) target(%dma_start3A_1697 : memref<8x64xf32, #tpu.memory_space<vmem>>) target_semaphore(%dma_start3A_1693 : memref<!tpu.dma_semaphore, #tpu.memory_space<semaphore_mem>>)
        %slice3A_1700 = vector.extract_strided_slice %mul3A_1583 {offsets = [3], sizes = [1], strides = [1]} : vector<16xi32> to vector<1xi32>
        %squeeze3A_1701 = vector.extract %slice3A_1700[0] : i32 from vector<1xi32>
        %multiple_of3A_1702 = tpu.assume_multiple %squeeze3A_1701, 8 : i32
        %slice3A_1703 = vector.extract_strided_slice %mul3A_1591 {offsets = [3], sizes = [1], strides = [1]} : vector<16xi32> to vector<1xi32>
        %squeeze3A_1704 = vector.extract %slice3A_1703[0] : i32 from vector<1xi32>
        %multiple_of3A_1705 = tpu.assume_multiple %squeeze3A_1704, 8 : i32
        %dma_start3A_1706 = arith.constant 3 : i32
        %dma_start3A_1707 = arith.constant 0 : i32
        %dma_start3A_1708 = arith.constant 0 : i32
        %dma_start3A_1709 = tpu.memref_slice %arg11[%select_n3A_1573, %dma_start3A_1706, %dma_start3A_1707, %dma_start3A_1708] : memref<3x16x8x64xf32, #tpu.memory_space<vmem>> -> memref<1x1x8x64xf32, #tpu.memory_space<vmem>>
        %dma_start3A_1710 = tpu.memref_squeeze %dma_start3A_1709 : memref<1x1x8x64xf32, #tpu.memory_space<vmem>> -> memref<8x64xf32, #tpu.memory_space<vmem>>
        %dma_start3A_1711 = arith.constant 0 : i32
        %dma_start3A_1712 = tpu.memref_slice %arg4[%multiple_of3A_1702, %dma_start3A_1711] : memref<1000000x64xf32, #tpu.memory_space<hbm>> -> memref<8x64xf32, #tpu.memory_space<hbm>>
        %dma_start3A_1713 = tpu.memref_slice %arg18[%select_n3A_1573] : memref<3x!tpu.dma_semaphore, #tpu.memory_space<semaphore_mem>> -> memref<1x!tpu.dma_semaphore, #tpu.memory_space<semaphore_mem>>
        %dma_start3A_1714 = tpu.memref_squeeze %dma_start3A_1713 : memref<1x!tpu.dma_semaphore, #tpu.memory_space<semaphore_mem>> -> memref<!tpu.dma_semaphore, #tpu.memory_space<semaphore_mem>>
        %dma_start3A_1715 = arith.constant 0 : i32
        %dma_start3A_1716 = arith.constant 0 : i32
        %dma_start3A_1717 = tpu.memref_slice %arg11[%select_n3A_1573, %dma_start3A_1706, %dma_start3A_1715, %dma_start3A_1716] : memref<3x16x8x64xf32, #tpu.memory_space<vmem>> -> memref<1x1x8x64xf32, #tpu.memory_space<vmem>>
        %dma_start3A_1718 = tpu.memref_squeeze %dma_start3A_1717 : memref<1x1x8x64xf32, #tpu.memory_space<vmem>> -> memref<8x64xf32, #tpu.memory_space<vmem>>
        %dma_start3A_1719 = arith.constant 0 : i32
        %dma_start3A_1720 = tpu.memref_slice %arg4[%multiple_of3A_1702, %dma_start3A_1719] : memref<1000000x64xf32, #tpu.memory_space<hbm>> -> memref<8x64xf32, #tpu.memory_space<hbm>>
        tpu.enqueue_dma source(%dma_start3A_1720 : memref<8x64xf32, #tpu.memory_space<hbm>>) target(%dma_start3A_1718 : memref<8x64xf32, #tpu.memory_space<vmem>>) target_semaphore(%dma_start3A_1714 : memref<!tpu.dma_semaphore, #tpu.memory_space<semaphore_mem>>)
        %dma_start3A_1721 = arith.constant 3 : i32
        %dma_start3A_1722 = arith.constant 0 : i32
        %dma_start3A_1723 = arith.constant 0 : i32
        %dma_start3A_1724 = tpu.memref_slice %arg12[%select_n3A_1573, %dma_start3A_1721, %dma_start3A_1722, %dma_start3A_1723] : memref<3x16x8x64xf32, #tpu.memory_space<vmem>> -> memref<1x1x8x64xf32, #tpu.memory_space<vmem>>
        %dma_start3A_1725 = tpu.memref_squeeze %dma_start3A_1724 : memref<1x1x8x64xf32, #tpu.memory_space<vmem>> -> memref<8x64xf32, #tpu.memory_space<vmem>>
        %dma_start3A_1726 = arith.constant 0 : i32
        %dma_start3A_1727 = tpu.memref_slice %arg4[%multiple_of3A_1705, %dma_start3A_1726] : memref<1000000x64xf32, #tpu.memory_space<hbm>> -> memref<8x64xf32, #tpu.memory_space<hbm>>
        %dma_start3A_1728 = tpu.memref_slice %arg19[%select_n3A_1573] : memref<3x!tpu.dma_semaphore, #tpu.memory_space<semaphore_mem>> -> memref<1x!tpu.dma_semaphore, #tpu.memory_space<semaphore_mem>>
        %dma_start3A_1729 = tpu.memref_squeeze %dma_start3A_1728 : memref<1x!tpu.dma_semaphore, #tpu.memory_space<semaphore_mem>> -> memref<!tpu.dma_semaphore, #tpu.memory_space<semaphore_mem>>
        %dma_start3A_1730 = arith.constant 0 : i32
        %dma_start3A_1731 = arith.constant 0 : i32
        %dma_start3A_1732 = tpu.memref_slice %arg12[%select_n3A_1573, %dma_start3A_1721, %dma_start3A_1730, %dma_start3A_1731] : memref<3x16x8x64xf32, #tpu.memory_space<vmem>> -> memref<1x1x8x64xf32, #tpu.memory_space<vmem>>
        %dma_start3A_1733 = tpu.memref_squeeze %dma_start3A_1732 : memref<1x1x8x64xf32, #tpu.memory_space<vmem>> -> memref<8x64xf32, #tpu.memory_space<vmem>>
        %dma_start3A_1734 = arith.constant 0 : i32
        %dma_start3A_1735 = tpu.memref_slice %arg4[%multiple_of3A_1705, %dma_start3A_1734] : memref<1000000x64xf32, #tpu.memory_space<hbm>> -> memref<8x64xf32, #tpu.memory_space<hbm>>
        tpu.enqueue_dma source(%dma_start3A_1735 : memref<8x64xf32, #tpu.memory_space<hbm>>) target(%dma_start3A_1733 : memref<8x64xf32, #tpu.memory_space<vmem>>) target_semaphore(%dma_start3A_1729 : memref<!tpu.dma_semaphore, #tpu.memory_space<semaphore_mem>>)
        %slice3A_1736 = vector.extract_strided_slice %mul3A_1583 {offsets = [4], sizes = [1], strides = [1]} : vector<16xi32> to vector<1xi32>
        %squeeze3A_1737 = vector.extract %slice3A_1736[0] : i32 from vector<1xi32>
        %multiple_of3A_1738 = tpu.assume_multiple %squeeze3A_1737, 8 : i32
        %slice3A_1739 = vector.extract_strided_slice %mul3A_1591 {offsets = [4], sizes = [1], strides = [1]} : vector<16xi32> to vector<1xi32>
        %squeeze3A_1740 = vector.extract %slice3A_1739[0] : i32 from vector<1xi32>
        %multiple_of3A_1741 = tpu.assume_multiple %squeeze3A_1740, 8 : i32
        %dma_start3A_1742 = arith.constant 4 : i32
        %dma_start3A_1743 = arith.constant 0 : i32
        %dma_start3A_1744 = arith.constant 0 : i32
        %dma_start3A_1745 = tpu.memref_slice %arg11[%select_n3A_1573, %dma_start3A_1742, %dma_start3A_1743, %dma_start3A_1744] : memref<3x16x8x64xf32, #tpu.memory_space<vmem>> -> memref<1x1x8x64xf32, #tpu.memory_space<vmem>>
        %dma_start3A_1746 = tpu.memref_squeeze %dma_start3A_1745 : memref<1x1x8x64xf32, #tpu.memory_space<vmem>> -> memref<8x64xf32, #tpu.memory_space<vmem>>
        %dma_start3A_1747 = arith.constant 0 : i32
        %dma_start3A_1748 = tpu.memref_slice %arg4[%multiple_of3A_1738, %dma_start3A_1747] : memref<1000000x64xf32, #tpu.memory_space<hbm>> -> memref<8x64xf32, #tpu.memory_space<hbm>>
        %dma_start3A_1749 = tpu.memref_slice %arg18[%select_n3A_1573] : memref<3x!tpu.dma_semaphore, #tpu.memory_space<semaphore_mem>> -> memref<1x!tpu.dma_semaphore, #tpu.memory_space<semaphore_mem>>
        %dma_start3A_1750 = tpu.memref_squeeze %dma_start3A_1749 : memref<1x!tpu.dma_semaphore, #tpu.memory_space<semaphore_mem>> -> memref<!tpu.dma_semaphore, #tpu.memory_space<semaphore_mem>>
        %dma_start3A_1751 = arith.constant 0 : i32
        %dma_start3A_1752 = arith.constant 0 : i32
        %dma_start3A_1753 = tpu.memref_slice %arg11[%select_n3A_1573, %dma_start3A_1742, %dma_start3A_1751, %dma_start3A_1752] : memref<3x16x8x64xf32, #tpu.memory_space<vmem>> -> memref<1x1x8x64xf32, #tpu.memory_space<vmem>>
        %dma_start3A_1754 = tpu.memref_squeeze %dma_start3A_1753 : memref<1x1x8x64xf32, #tpu.memory_space<vmem>> -> memref<8x64xf32, #tpu.memory_space<vmem>>
        %dma_start3A_1755 = arith.constant 0 : i32
        %dma_start3A_1756 = tpu.memref_slice %arg4[%multiple_of3A_1738, %dma_start3A_1755] : memref<1000000x64xf32, #tpu.memory_space<hbm>> -> memref<8x64xf32, #tpu.memory_space<hbm>>
        tpu.enqueue_dma source(%dma_start3A_1756 : memref<8x64xf32, #tpu.memory_space<hbm>>) target(%dma_start3A_1754 : memref<8x64xf32, #tpu.memory_space<vmem>>) target_semaphore(%dma_start3A_1750 : memref<!tpu.dma_semaphore, #tpu.memory_space<semaphore_mem>>)
        %dma_start3A_1757 = arith.constant 4 : i32
        %dma_start3A_1758 = arith.constant 0 : i32
        %dma_start3A_1759 = arith.constant 0 : i32
        %dma_start3A_1760 = tpu.memref_slice %arg12[%select_n3A_1573, %dma_start3A_1757, %dma_start3A_1758, %dma_start3A_1759] : memref<3x16x8x64xf32, #tpu.memory_space<vmem>> -> memref<1x1x8x64xf32, #tpu.memory_space<vmem>>
        %dma_start3A_1761 = tpu.memref_squeeze %dma_start3A_1760 : memref<1x1x8x64xf32, #tpu.memory_space<vmem>> -> memref<8x64xf32, #tpu.memory_space<vmem>>
        %dma_start3A_1762 = arith.constant 0 : i32
        %dma_start3A_1763 = tpu.memref_slice %arg4[%multiple_of3A_1741, %dma_start3A_1762] : memref<1000000x64xf32, #tpu.memory_space<hbm>> -> memref<8x64xf32, #tpu.memory_space<hbm>>
        %dma_start3A_1764 = tpu.memref_slice %arg19[%select_n3A_1573] : memref<3x!tpu.dma_semaphore, #tpu.memory_space<semaphore_mem>> -> memref<1x!tpu.dma_semaphore, #tpu.memory_space<semaphore_mem>>
        %dma_start3A_1765 = tpu.memref_squeeze %dma_start3A_1764 : memref<1x!tpu.dma_semaphore, #tpu.memory_space<semaphore_mem>> -> memref<!tpu.dma_semaphore, #tpu.memory_space<semaphore_mem>>
        %dma_start3A_1766 = arith.constant 0 : i32
        %dma_start3A_1767 = arith.constant 0 : i32
        %dma_start3A_1768 = tpu.memref_slice %arg12[%select_n3A_1573, %dma_start3A_1757, %dma_start3A_1766, %dma_start3A_1767] : memref<3x16x8x64xf32, #tpu.memory_space<vmem>> -> memref<1x1x8x64xf32, #tpu.memory_space<vmem>>
        %dma_start3A_1769 = tpu.memref_squeeze %dma_start3A_1768 : memref<1x1x8x64xf32, #tpu.memory_space<vmem>> -> memref<8x64xf32, #tpu.memory_space<vmem>>
        %dma_start3A_1770 = arith.constant 0 : i32
        %dma_start3A_1771 = tpu.memref_slice %arg4[%multiple_of3A_1741, %dma_start3A_1770] : memref<1000000x64xf32, #tpu.memory_space<hbm>> -> memref<8x64xf32, #tpu.memory_space<hbm>>
        tpu.enqueue_dma source(%dma_start3A_1771 : memref<8x64xf32, #tpu.memory_space<hbm>>) target(%dma_start3A_1769 : memref<8x64xf32, #tpu.memory_space<vmem>>) target_semaphore(%dma_start3A_1765 : memref<!tpu.dma_semaphore, #tpu.memory_space<semaphore_mem>>)
        %slice3A_1772 = vector.extract_strided_slice %mul3A_1583 {offsets = [5], sizes = [1], strides = [1]} : vector<16xi32> to vector<1xi32>
        %squeeze3A_1773 = vector.extract %slice3A_1772[0] : i32 from vector<1xi32>
        %multiple_of3A_1774 = tpu.assume_multiple %squeeze3A_1773, 8 : i32
        %slice3A_1775 = vector.extract_strided_slice %mul3A_1591 {offsets = [5], sizes = [1], strides = [1]} : vector<16xi32> to vector<1xi32>
        %squeeze3A_1776 = vector.extract %slice3A_1775[0] : i32 from vector<1xi32>
        %multiple_of3A_1777 = tpu.assume_multiple %squeeze3A_1776, 8 : i32
        %dma_start3A_1778 = arith.constant 5 : i32
        %dma_start3A_1779 = arith.constant 0 : i32
        %dma_start3A_1780 = arith.constant 0 : i32
        %dma_start3A_1781 = tpu.memref_slice %arg11[%select_n3A_1573, %dma_start3A_1778, %dma_start3A_1779, %dma_start3A_1780] : memref<3x16x8x64xf32, #tpu.memory_space<vmem>> -> memref<1x1x8x64xf32, #tpu.memory_space<vmem>>
        %dma_start3A_1782 = tpu.memref_squeeze %dma_start3A_1781 : memref<1x1x8x64xf32, #tpu.memory_space<vmem>> -> memref<8x64xf32, #tpu.memory_space<vmem>>
        %dma_start3A_1783 = arith.constant 0 : i32
        %dma_start3A_1784 = tpu.memref_slice %arg4[%multiple_of3A_1774, %dma_start3A_1783] : memref<1000000x64xf32, #tpu.memory_space<hbm>> -> memref<8x64xf32, #tpu.memory_space<hbm>>
        %dma_start3A_1785 = tpu.memref_slice %arg18[%select_n3A_1573] : memref<3x!tpu.dma_semaphore, #tpu.memory_space<semaphore_mem>> -> memref<1x!tpu.dma_semaphore, #tpu.memory_space<semaphore_mem>>
        %dma_start3A_1786 = tpu.memref_squeeze %dma_start3A_1785 : memref<1x!tpu.dma_semaphore, #tpu.memory_space<semaphore_mem>> -> memref<!tpu.dma_semaphore, #tpu.memory_space<semaphore_mem>>
        %dma_start3A_1787 = arith.constant 0 : i32
        %dma_start3A_1788 = arith.constant 0 : i32
        %dma_start3A_1789 = tpu.memref_slice %arg11[%select_n3A_1573, %dma_start3A_1778, %dma_start3A_1787, %dma_start3A_1788] : memref<3x16x8x64xf32, #tpu.memory_space<vmem>> -> memref<1x1x8x64xf32, #tpu.memory_space<vmem>>
        %dma_start3A_1790 = tpu.memref_squeeze %dma_start3A_1789 : memref<1x1x8x64xf32, #tpu.memory_space<vmem>> -> memref<8x64xf32, #tpu.memory_space<vmem>>
        %dma_start3A_1791 = arith.constant 0 : i32
        %dma_start3A_1792 = tpu.memref_slice %arg4[%multiple_of3A_1774, %dma_start3A_1791] : memref<1000000x64xf32, #tpu.memory_space<hbm>> -> memref<8x64xf32, #tpu.memory_space<hbm>>
        tpu.enqueue_dma source(%dma_start3A_1792 : memref<8x64xf32, #tpu.memory_space<hbm>>) target(%dma_start3A_1790 : memref<8x64xf32, #tpu.memory_space<vmem>>) target_semaphore(%dma_start3A_1786 : memref<!tpu.dma_semaphore, #tpu.memory_space<semaphore_mem>>)
        %dma_start3A_1793 = arith.constant 5 : i32
        %dma_start3A_1794 = arith.constant 0 : i32
        %dma_start3A_1795 = arith.constant 0 : i32
        %dma_start3A_1796 = tpu.memref_slice %arg12[%select_n3A_1573, %dma_start3A_1793, %dma_start3A_1794, %dma_start3A_1795] : memref<3x16x8x64xf32, #tpu.memory_space<vmem>> -> memref<1x1x8x64xf32, #tpu.memory_space<vmem>>
        %dma_start3A_1797 = tpu.memref_squeeze %dma_start3A_1796 : memref<1x1x8x64xf32, #tpu.memory_space<vmem>> -> memref<8x64xf32, #tpu.memory_space<vmem>>
        %dma_start3A_1798 = arith.constant 0 : i32
        %dma_start3A_1799 = tpu.memref_slice %arg4[%multiple_of3A_1777, %dma_start3A_1798] : memref<1000000x64xf32, #tpu.memory_space<hbm>> -> memref<8x64xf32, #tpu.memory_space<hbm>>
        %dma_start3A_1800 = tpu.memref_slice %arg19[%select_n3A_1573] : memref<3x!tpu.dma_semaphore, #tpu.memory_space<semaphore_mem>> -> memref<1x!tpu.dma_semaphore, #tpu.memory_space<semaphore_mem>>
        %dma_start3A_1801 = tpu.memref_squeeze %dma_start3A_1800 : memref<1x!tpu.dma_semaphore, #tpu.memory_space<semaphore_mem>> -> memref<!tpu.dma_semaphore, #tpu.memory_space<semaphore_mem>>
        %dma_start3A_1802 = arith.constant 0 : i32
        %dma_start3A_1803 = arith.constant 0 : i32
        %dma_start3A_1804 = tpu.memref_slice %arg12[%select_n3A_1573, %dma_start3A_1793, %dma_start3A_1802, %dma_start3A_1803] : memref<3x16x8x64xf32, #tpu.memory_space<vmem>> -> memref<1x1x8x64xf32, #tpu.memory_space<vmem>>
        %dma_start3A_1805 = tpu.memref_squeeze %dma_start3A_1804 : memref<1x1x8x64xf32, #tpu.memory_space<vmem>> -> memref<8x64xf32, #tpu.memory_space<vmem>>
        %dma_start3A_1806 = arith.constant 0 : i32
        %dma_start3A_1807 = tpu.memref_slice %arg4[%multiple_of3A_1777, %dma_start3A_1806] : memref<1000000x64xf32, #tpu.memory_space<hbm>> -> memref<8x64xf32, #tpu.memory_space<hbm>>
        tpu.enqueue_dma source(%dma_start3A_1807 : memref<8x64xf32, #tpu.memory_space<hbm>>) target(%dma_start3A_1805 : memref<8x64xf32, #tpu.memory_space<vmem>>) target_semaphore(%dma_start3A_1801 : memref<!tpu.dma_semaphore, #tpu.memory_space<semaphore_mem>>)
        %slice3A_1808 = vector.extract_strided_slice %mul3A_1583 {offsets = [6], sizes = [1], strides = [1]} : vector<16xi32> to vector<1xi32>
        %squeeze3A_1809 = vector.extract %slice3A_1808[0] : i32 from vector<1xi32>
        %multiple_of3A_1810 = tpu.assume_multiple %squeeze3A_1809, 8 : i32
        %slice3A_1811 = vector.extract_strided_slice %mul3A_1591 {offsets = [6], sizes = [1], strides = [1]} : vector<16xi32> to vector<1xi32>
        %squeeze3A_1812 = vector.extract %slice3A_1811[0] : i32 from vector<1xi32>
        %multiple_of3A_1813 = tpu.assume_multiple %squeeze3A_1812, 8 : i32
        %dma_start3A_1814 = arith.constant 6 : i32
        %dma_start3A_1815 = arith.constant 0 : i32
        %dma_start3A_1816 = arith.constant 0 : i32
        %dma_start3A_1817 = tpu.memref_slice %arg11[%select_n3A_1573, %dma_start3A_1814, %dma_start3A_1815, %dma_start3A_1816] : memref<3x16x8x64xf32, #tpu.memory_space<vmem>> -> memref<1x1x8x64xf32, #tpu.memory_space<vmem>>
        %dma_start3A_1818 = tpu.memref_squeeze %dma_start3A_1817 : memref<1x1x8x64xf32, #tpu.memory_space<vmem>> -> memref<8x64xf32, #tpu.memory_space<vmem>>
        %dma_start3A_1819 = arith.constant 0 : i32
        %dma_start3A_1820 = tpu.memref_slice %arg4[%multiple_of3A_1810, %dma_start3A_1819] : memref<1000000x64xf32, #tpu.memory_space<hbm>> -> memref<8x64xf32, #tpu.memory_space<hbm>>
        %dma_start3A_1821 = tpu.memref_slice %arg18[%select_n3A_1573] : memref<3x!tpu.dma_semaphore, #tpu.memory_space<semaphore_mem>> -> memref<1x!tpu.dma_semaphore, #tpu.memory_space<semaphore_mem>>
        %dma_start3A_1822 = tpu.memref_squeeze %dma_start3A_1821 : memref<1x!tpu.dma_semaphore, #tpu.memory_space<semaphore_mem>> -> memref<!tpu.dma_semaphore, #tpu.memory_space<semaphore_mem>>
        %dma_start3A_1823 = arith.constant 0 : i32
        %dma_start3A_1824 = arith.constant 0 : i32
        %dma_start3A_1825 = tpu.memref_slice %arg11[%select_n3A_1573, %dma_start3A_1814, %dma_start3A_1823, %dma_start3A_1824] : memref<3x16x8x64xf32, #tpu.memory_space<vmem>> -> memref<1x1x8x64xf32, #tpu.memory_space<vmem>>
        %dma_start3A_1826 = tpu.memref_squeeze %dma_start3A_1825 : memref<1x1x8x64xf32, #tpu.memory_space<vmem>> -> memref<8x64xf32, #tpu.memory_space<vmem>>
        %dma_start3A_1827 = arith.constant 0 : i32
        %dma_start3A_1828 = tpu.memref_slice %arg4[%multiple_of3A_1810, %dma_start3A_1827] : memref<1000000x64xf32, #tpu.memory_space<hbm>> -> memref<8x64xf32, #tpu.memory_space<hbm>>
        tpu.enqueue_dma source(%dma_start3A_1828 : memref<8x64xf32, #tpu.memory_space<hbm>>) target(%dma_start3A_1826 : memref<8x64xf32, #tpu.memory_space<vmem>>) target_semaphore(%dma_start3A_1822 : memref<!tpu.dma_semaphore, #tpu.memory_space<semaphore_mem>>)
        %dma_start3A_1829 = arith.constant 6 : i32
        %dma_start3A_1830 = arith.constant 0 : i32
        %dma_start3A_1831 = arith.constant 0 : i32
        %dma_start3A_1832 = tpu.memref_slice %arg12[%select_n3A_1573, %dma_start3A_1829, %dma_start3A_1830, %dma_start3A_1831] : memref<3x16x8x64xf32, #tpu.memory_space<vmem>> -> memref<1x1x8x64xf32, #tpu.memory_space<vmem>>
        %dma_start3A_1833 = tpu.memref_squeeze %dma_start3A_1832 : memref<1x1x8x64xf32, #tpu.memory_space<vmem>> -> memref<8x64xf32, #tpu.memory_space<vmem>>
        %dma_start3A_1834 = arith.constant 0 : i32
        %dma_start3A_1835 = tpu.memref_slice %arg4[%multiple_of3A_1813, %dma_start3A_1834] : memref<1000000x64xf32, #tpu.memory_space<hbm>> -> memref<8x64xf32, #tpu.memory_space<hbm>>
        %dma_start3A_1836 = tpu.memref_slice %arg19[%select_n3A_1573] : memref<3x!tpu.dma_semaphore, #tpu.memory_space<semaphore_mem>> -> memref<1x!tpu.dma_semaphore, #tpu.memory_space<semaphore_mem>>
        %dma_start3A_1837 = tpu.memref_squeeze %dma_start3A_1836 : memref<1x!tpu.dma_semaphore, #tpu.memory_space<semaphore_mem>> -> memref<!tpu.dma_semaphore, #tpu.memory_space<semaphore_mem>>
        %dma_start3A_1838 = arith.constant 0 : i32
        %dma_start3A_1839 = arith.constant 0 : i32
        %dma_start3A_1840 = tpu.memref_slice %arg12[%select_n3A_1573, %dma_start3A_1829, %dma_start3A_1838, %dma_start3A_1839] : memref<3x16x8x64xf32, #tpu.memory_space<vmem>> -> memref<1x1x8x64xf32, #tpu.memory_space<vmem>>
        %dma_start3A_1841 = tpu.memref_squeeze %dma_start3A_1840 : memref<1x1x8x64xf32, #tpu.memory_space<vmem>> -> memref<8x64xf32, #tpu.memory_space<vmem>>
        %dma_start3A_1842 = arith.constant 0 : i32
        %dma_start3A_1843 = tpu.memref_slice %arg4[%multiple_of3A_1813, %dma_start3A_1842] : memref<1000000x64xf32, #tpu.memory_space<hbm>> -> memref<8x64xf32, #tpu.memory_space<hbm>>
        tpu.enqueue_dma source(%dma_start3A_1843 : memref<8x64xf32, #tpu.memory_space<hbm>>) target(%dma_start3A_1841 : memref<8x64xf32, #tpu.memory_space<vmem>>) target_semaphore(%dma_start3A_1837 : memref<!tpu.dma_semaphore, #tpu.memory_space<semaphore_mem>>)
        %slice3A_1844 = vector.extract_strided_slice %mul3A_1583 {offsets = [7], sizes = [1], strides = [1]} : vector<16xi32> to vector<1xi32>
        %squeeze3A_1845 = vector.extract %slice3A_1844[0] : i32 from vector<1xi32>
        %multiple_of3A_1846 = tpu.assume_multiple %squeeze3A_1845, 8 : i32
        %slice3A_1847 = vector.extract_strided_slice %mul3A_1591 {offsets = [7], sizes = [1], strides = [1]} : vector<16xi32> to vector<1xi32>
        %squeeze3A_1848 = vector.extract %slice3A_1847[0] : i32 from vector<1xi32>
        %multiple_of3A_1849 = tpu.assume_multiple %squeeze3A_1848, 8 : i32
        %dma_start3A_1850 = arith.constant 7 : i32
        %dma_start3A_1851 = arith.constant 0 : i32
        %dma_start3A_1852 = arith.constant 0 : i32
        %dma_start3A_1853 = tpu.memref_slice %arg11[%select_n3A_1573, %dma_start3A_1850, %dma_start3A_1851, %dma_start3A_1852] : memref<3x16x8x64xf32, #tpu.memory_space<vmem>> -> memref<1x1x8x64xf32, #tpu.memory_space<vmem>>
        %dma_start3A_1854 = tpu.memref_squeeze %dma_start3A_1853 : memref<1x1x8x64xf32, #tpu.memory_space<vmem>> -> memref<8x64xf32, #tpu.memory_space<vmem>>
        %dma_start3A_1855 = arith.constant 0 : i32
        %dma_start3A_1856 = tpu.memref_slice %arg4[%multiple_of3A_1846, %dma_start3A_1855] : memref<1000000x64xf32, #tpu.memory_space<hbm>> -> memref<8x64xf32, #tpu.memory_space<hbm>>
        %dma_start3A_1857 = tpu.memref_slice %arg18[%select_n3A_1573] : memref<3x!tpu.dma_semaphore, #tpu.memory_space<semaphore_mem>> -> memref<1x!tpu.dma_semaphore, #tpu.memory_space<semaphore_mem>>
        %dma_start3A_1858 = tpu.memref_squeeze %dma_start3A_1857 : memref<1x!tpu.dma_semaphore, #tpu.memory_space<semaphore_mem>> -> memref<!tpu.dma_semaphore, #tpu.memory_space<semaphore_mem>>
        %dma_start3A_1859 = arith.constant 0 : i32
        %dma_start3A_1860 = arith.constant 0 : i32
        %dma_start3A_1861 = tpu.memref_slice %arg11[%select_n3A_1573, %dma_start3A_1850, %dma_start3A_1859, %dma_start3A_1860] : memref<3x16x8x64xf32, #tpu.memory_space<vmem>> -> memref<1x1x8x64xf32, #tpu.memory_space<vmem>>
        %dma_start3A_1862 = tpu.memref_squeeze %dma_start3A_1861 : memref<1x1x8x64xf32, #tpu.memory_space<vmem>> -> memref<8x64xf32, #tpu.memory_space<vmem>>
        %dma_start3A_1863 = arith.constant 0 : i32
        %dma_start3A_1864 = tpu.memref_slice %arg4[%multiple_of3A_1846, %dma_start3A_1863] : memref<1000000x64xf32, #tpu.memory_space<hbm>> -> memref<8x64xf32, #tpu.memory_space<hbm>>
        tpu.enqueue_dma source(%dma_start3A_1864 : memref<8x64xf32, #tpu.memory_space<hbm>>) target(%dma_start3A_1862 : memref<8x64xf32, #tpu.memory_space<vmem>>) target_semaphore(%dma_start3A_1858 : memref<!tpu.dma_semaphore, #tpu.memory_space<semaphore_mem>>)
        %dma_start3A_1865 = arith.constant 7 : i32
        %dma_start3A_1866 = arith.constant 0 : i32
        %dma_start3A_1867 = arith.constant 0 : i32
        %dma_start3A_1868 = tpu.memref_slice %arg12[%select_n3A_1573, %dma_start3A_1865, %dma_start3A_1866, %dma_start3A_1867] : memref<3x16x8x64xf32, #tpu.memory_space<vmem>> -> memref<1x1x8x64xf32, #tpu.memory_space<vmem>>
        %dma_start3A_1869 = tpu.memref_squeeze %dma_start3A_1868 : memref<1x1x8x64xf32, #tpu.memory_space<vmem>> -> memref<8x64xf32, #tpu.memory_space<vmem>>
        %dma_start3A_1870 = arith.constant 0 : i32
        %dma_start3A_1871 = tpu.memref_slice %arg4[%multiple_of3A_1849, %dma_start3A_1870] : memref<1000000x64xf32, #tpu.memory_space<hbm>> -> memref<8x64xf32, #tpu.memory_space<hbm>>
        %dma_start3A_1872 = tpu.memref_slice %arg19[%select_n3A_1573] : memref<3x!tpu.dma_semaphore, #tpu.memory_space<semaphore_mem>> -> memref<1x!tpu.dma_semaphore, #tpu.memory_space<semaphore_mem>>
        %dma_start3A_1873 = tpu.memref_squeeze %dma_start3A_1872 : memref<1x!tpu.dma_semaphore, #tpu.memory_space<semaphore_mem>> -> memref<!tpu.dma_semaphore, #tpu.memory_space<semaphore_mem>>
        %dma_start3A_1874 = arith.constant 0 : i32
        %dma_start3A_1875 = arith.constant 0 : i32
        %dma_start3A_1876 = tpu.memref_slice %arg12[%select_n3A_1573, %dma_start3A_1865, %dma_start3A_1874, %dma_start3A_1875] : memref<3x16x8x64xf32, #tpu.memory_space<vmem>> -> memref<1x1x8x64xf32, #tpu.memory_space<vmem>>
        %dma_start3A_1877 = tpu.memref_squeeze %dma_start3A_1876 : memref<1x1x8x64xf32, #tpu.memory_space<vmem>> -> memref<8x64xf32, #tpu.memory_space<vmem>>
        %dma_start3A_1878 = arith.constant 0 : i32
        %dma_start3A_1879 = tpu.memref_slice %arg4[%multiple_of3A_1849, %dma_start3A_1878] : memref<1000000x64xf32, #tpu.memory_space<hbm>> -> memref<8x64xf32, #tpu.memory_space<hbm>>
        tpu.enqueue_dma source(%dma_start3A_1879 : memref<8x64xf32, #tpu.memory_space<hbm>>) target(%dma_start3A_1877 : memref<8x64xf32, #tpu.memory_space<vmem>>) target_semaphore(%dma_start3A_1873 : memref<!tpu.dma_semaphore, #tpu.memory_space<semaphore_mem>>)
        %slice3A_1880 = vector.extract_strided_slice %mul3A_1583 {offsets = [8], sizes = [1], strides = [1]} : vector<16xi32> to vector<1xi32>
        %squeeze3A_1881 = vector.extract %slice3A_1880[0] : i32 from vector<1xi32>
        %multiple_of3A_1882 = tpu.assume_multiple %squeeze3A_1881, 8 : i32
        %slice3A_1883 = vector.extract_strided_slice %mul3A_1591 {offsets = [8], sizes = [1], strides = [1]} : vector<16xi32> to vector<1xi32>
        %squeeze3A_1884 = vector.extract %slice3A_1883[0] : i32 from vector<1xi32>
        %multiple_of3A_1885 = tpu.assume_multiple %squeeze3A_1884, 8 : i32
        %dma_start3A_1886 = arith.constant 8 : i32
        %dma_start3A_1887 = arith.constant 0 : i32
        %dma_start3A_1888 = arith.constant 0 : i32
        %dma_start3A_1889 = tpu.memref_slice %arg11[%select_n3A_1573, %dma_start3A_1886, %dma_start3A_1887, %dma_start3A_1888] : memref<3x16x8x64xf32, #tpu.memory_space<vmem>> -> memref<1x1x8x64xf32, #tpu.memory_space<vmem>>
        %dma_start3A_1890 = tpu.memref_squeeze %dma_start3A_1889 : memref<1x1x8x64xf32, #tpu.memory_space<vmem>> -> memref<8x64xf32, #tpu.memory_space<vmem>>
        %dma_start3A_1891 = arith.constant 0 : i32
        %dma_start3A_1892 = tpu.memref_slice %arg4[%multiple_of3A_1882, %dma_start3A_1891] : memref<1000000x64xf32, #tpu.memory_space<hbm>> -> memref<8x64xf32, #tpu.memory_space<hbm>>
        %dma_start3A_1893 = tpu.memref_slice %arg18[%select_n3A_1573] : memref<3x!tpu.dma_semaphore, #tpu.memory_space<semaphore_mem>> -> memref<1x!tpu.dma_semaphore, #tpu.memory_space<semaphore_mem>>
        %dma_start3A_1894 = tpu.memref_squeeze %dma_start3A_1893 : memref<1x!tpu.dma_semaphore, #tpu.memory_space<semaphore_mem>> -> memref<!tpu.dma_semaphore, #tpu.memory_space<semaphore_mem>>
        %dma_start3A_1895 = arith.constant 0 : i32
        %dma_start3A_1896 = arith.constant 0 : i32
        %dma_start3A_1897 = tpu.memref_slice %arg11[%select_n3A_1573, %dma_start3A_1886, %dma_start3A_1895, %dma_start3A_1896] : memref<3x16x8x64xf32, #tpu.memory_space<vmem>> -> memref<1x1x8x64xf32, #tpu.memory_space<vmem>>
        %dma_start3A_1898 = tpu.memref_squeeze %dma_start3A_1897 : memref<1x1x8x64xf32, #tpu.memory_space<vmem>> -> memref<8x64xf32, #tpu.memory_space<vmem>>
        %dma_start3A_1899 = arith.constant 0 : i32
        %dma_start3A_1900 = tpu.memref_slice %arg4[%multiple_of3A_1882, %dma_start3A_1899] : memref<1000000x64xf32, #tpu.memory_space<hbm>> -> memref<8x64xf32, #tpu.memory_space<hbm>>
        tpu.enqueue_dma source(%dma_start3A_1900 : memref<8x64xf32, #tpu.memory_space<hbm>>) target(%dma_start3A_1898 : memref<8x64xf32, #tpu.memory_space<vmem>>) target_semaphore(%dma_start3A_1894 : memref<!tpu.dma_semaphore, #tpu.memory_space<semaphore_mem>>)
        %dma_start3A_1901 = arith.constant 8 : i32
        %dma_start3A_1902 = arith.constant 0 : i32
        %dma_start3A_1903 = arith.constant 0 : i32
        %dma_start3A_1904 = tpu.memref_slice %arg12[%select_n3A_1573, %dma_start3A_1901, %dma_start3A_1902, %dma_start3A_1903] : memref<3x16x8x64xf32, #tpu.memory_space<vmem>> -> memref<1x1x8x64xf32, #tpu.memory_space<vmem>>
        %dma_start3A_1905 = tpu.memref_squeeze %dma_start3A_1904 : memref<1x1x8x64xf32, #tpu.memory_space<vmem>> -> memref<8x64xf32, #tpu.memory_space<vmem>>
        %dma_start3A_1906 = arith.constant 0 : i32
        %dma_start3A_1907 = tpu.memref_slice %arg4[%multiple_of3A_1885, %dma_start3A_1906] : memref<1000000x64xf32, #tpu.memory_space<hbm>> -> memref<8x64xf32, #tpu.memory_space<hbm>>
        %dma_start3A_1908 = tpu.memref_slice %arg19[%select_n3A_1573] : memref<3x!tpu.dma_semaphore, #tpu.memory_space<semaphore_mem>> -> memref<1x!tpu.dma_semaphore, #tpu.memory_space<semaphore_mem>>
        %dma_start3A_1909 = tpu.memref_squeeze %dma_start3A_1908 : memref<1x!tpu.dma_semaphore, #tpu.memory_space<semaphore_mem>> -> memref<!tpu.dma_semaphore, #tpu.memory_space<semaphore_mem>>
        %dma_start3A_1910 = arith.constant 0 : i32
        %dma_start3A_1911 = arith.constant 0 : i32
        %dma_start3A_1912 = tpu.memref_slice %arg12[%select_n3A_1573, %dma_start3A_1901, %dma_start3A_1910, %dma_start3A_1911] : memref<3x16x8x64xf32, #tpu.memory_space<vmem>> -> memref<1x1x8x64xf32, #tpu.memory_space<vmem>>
        %dma_start3A_1913 = tpu.memref_squeeze %dma_start3A_1912 : memref<1x1x8x64xf32, #tpu.memory_space<vmem>> -> memref<8x64xf32, #tpu.memory_space<vmem>>
        %dma_start3A_1914 = arith.constant 0 : i32
        %dma_start3A_1915 = tpu.memref_slice %arg4[%multiple_of3A_1885, %dma_start3A_1914] : memref<1000000x64xf32, #tpu.memory_space<hbm>> -> memref<8x64xf32, #tpu.memory_space<hbm>>
        tpu.enqueue_dma source(%dma_start3A_1915 : memref<8x64xf32, #tpu.memory_space<hbm>>) target(%dma_start3A_1913 : memref<8x64xf32, #tpu.memory_space<vmem>>) target_semaphore(%dma_start3A_1909 : memref<!tpu.dma_semaphore, #tpu.memory_space<semaphore_mem>>)
        %slice3A_1916 = vector.extract_strided_slice %mul3A_1583 {offsets = [9], sizes = [1], strides = [1]} : vector<16xi32> to vector<1xi32>
        %squeeze3A_1917 = vector.extract %slice3A_1916[0] : i32 from vector<1xi32>
        %multiple_of3A_1918 = tpu.assume_multiple %squeeze3A_1917, 8 : i32
        %slice3A_1919 = vector.extract_strided_slice %mul3A_1591 {offsets = [9], sizes = [1], strides = [1]} : vector<16xi32> to vector<1xi32>
        %squeeze3A_1920 = vector.extract %slice3A_1919[0] : i32 from vector<1xi32>
        %multiple_of3A_1921 = tpu.assume_multiple %squeeze3A_1920, 8 : i32
        %dma_start3A_1922 = arith.constant 9 : i32
        %dma_start3A_1923 = arith.constant 0 : i32
        %dma_start3A_1924 = arith.constant 0 : i32
        %dma_start3A_1925 = tpu.memref_slice %arg11[%select_n3A_1573, %dma_start3A_1922, %dma_start3A_1923, %dma_start3A_1924] : memref<3x16x8x64xf32, #tpu.memory_space<vmem>> -> memref<1x1x8x64xf32, #tpu.memory_space<vmem>>
        %dma_start3A_1926 = tpu.memref_squeeze %dma_start3A_1925 : memref<1x1x8x64xf32, #tpu.memory_space<vmem>> -> memref<8x64xf32, #tpu.memory_space<vmem>>
        %dma_start3A_1927 = arith.constant 0 : i32
        %dma_start3A_1928 = tpu.memref_slice %arg4[%multiple_of3A_1918, %dma_start3A_1927] : memref<1000000x64xf32, #tpu.memory_space<hbm>> -> memref<8x64xf32, #tpu.memory_space<hbm>>
        %dma_start3A_1929 = tpu.memref_slice %arg18[%select_n3A_1573] : memref<3x!tpu.dma_semaphore, #tpu.memory_space<semaphore_mem>> -> memref<1x!tpu.dma_semaphore, #tpu.memory_space<semaphore_mem>>
        %dma_start3A_1930 = tpu.memref_squeeze %dma_start3A_1929 : memref<1x!tpu.dma_semaphore, #tpu.memory_space<semaphore_mem>> -> memref<!tpu.dma_semaphore, #tpu.memory_space<semaphore_mem>>
        %dma_start3A_1931 = arith.constant 0 : i32
        %dma_start3A_1932 = arith.constant 0 : i32
        %dma_start3A_1933 = tpu.memref_slice %arg11[%select_n3A_1573, %dma_start3A_1922, %dma_start3A_1931, %dma_start3A_1932] : memref<3x16x8x64xf32, #tpu.memory_space<vmem>> -> memref<1x1x8x64xf32, #tpu.memory_space<vmem>>
        %dma_start3A_1934 = tpu.memref_squeeze %dma_start3A_1933 : memref<1x1x8x64xf32, #tpu.memory_space<vmem>> -> memref<8x64xf32, #tpu.memory_space<vmem>>
        %dma_start3A_1935 = arith.constant 0 : i32
        %dma_start3A_1936 = tpu.memref_slice %arg4[%multiple_of3A_1918, %dma_start3A_1935] : memref<1000000x64xf32, #tpu.memory_space<hbm>> -> memref<8x64xf32, #tpu.memory_space<hbm>>
        tpu.enqueue_dma source(%dma_start3A_1936 : memref<8x64xf32, #tpu.memory_space<hbm>>) target(%dma_start3A_1934 : memref<8x64xf32, #tpu.memory_space<vmem>>) target_semaphore(%dma_start3A_1930 : memref<!tpu.dma_semaphore, #tpu.memory_space<semaphore_mem>>)
        %dma_start3A_1937 = arith.constant 9 : i32
        %dma_start3A_1938 = arith.constant 0 : i32
        %dma_start3A_1939 = arith.constant 0 : i32
        %dma_start3A_1940 = tpu.memref_slice %arg12[%select_n3A_1573, %dma_start3A_1937, %dma_start3A_1938, %dma_start3A_1939] : memref<3x16x8x64xf32, #tpu.memory_space<vmem>> -> memref<1x1x8x64xf32, #tpu.memory_space<vmem>>
        %dma_start3A_1941 = tpu.memref_squeeze %dma_start3A_1940 : memref<1x1x8x64xf32, #tpu.memory_space<vmem>> -> memref<8x64xf32, #tpu.memory_space<vmem>>
        %dma_start3A_1942 = arith.constant 0 : i32
        %dma_start3A_1943 = tpu.memref_slice %arg4[%multiple_of3A_1921, %dma_start3A_1942] : memref<1000000x64xf32, #tpu.memory_space<hbm>> -> memref<8x64xf32, #tpu.memory_space<hbm>>
        %dma_start3A_1944 = tpu.memref_slice %arg19[%select_n3A_1573] : memref<3x!tpu.dma_semaphore, #tpu.memory_space<semaphore_mem>> -> memref<1x!tpu.dma_semaphore, #tpu.memory_space<semaphore_mem>>
        %dma_start3A_1945 = tpu.memref_squeeze %dma_start3A_1944 : memref<1x!tpu.dma_semaphore, #tpu.memory_space<semaphore_mem>> -> memref<!tpu.dma_semaphore, #tpu.memory_space<semaphore_mem>>
        %dma_start3A_1946 = arith.constant 0 : i32
        %dma_start3A_1947 = arith.constant 0 : i32
        %dma_start3A_1948 = tpu.memref_slice %arg12[%select_n3A_1573, %dma_start3A_1937, %dma_start3A_1946, %dma_start3A_1947] : memref<3x16x8x64xf32, #tpu.memory_space<vmem>> -> memref<1x1x8x64xf32, #tpu.memory_space<vmem>>
        %dma_start3A_1949 = tpu.memref_squeeze %dma_start3A_1948 : memref<1x1x8x64xf32, #tpu.memory_space<vmem>> -> memref<8x64xf32, #tpu.memory_space<vmem>>
        %dma_start3A_1950 = arith.constant 0 : i32
        %dma_start3A_1951 = tpu.memref_slice %arg4[%multiple_of3A_1921, %dma_start3A_1950] : memref<1000000x64xf32, #tpu.memory_space<hbm>> -> memref<8x64xf32, #tpu.memory_space<hbm>>
        tpu.enqueue_dma source(%dma_start3A_1951 : memref<8x64xf32, #tpu.memory_space<hbm>>) target(%dma_start3A_1949 : memref<8x64xf32, #tpu.memory_space<vmem>>) target_semaphore(%dma_start3A_1945 : memref<!tpu.dma_semaphore, #tpu.memory_space<semaphore_mem>>)
        %slice3A_1952 = vector.extract_strided_slice %mul3A_1583 {offsets = [10], sizes = [1], strides = [1]} : vector<16xi32> to vector<1xi32>
        %squeeze3A_1953 = vector.extract %slice3A_1952[0] : i32 from vector<1xi32>
        %multiple_of3A_1954 = tpu.assume_multiple %squeeze3A_1953, 8 : i32
        %slice3A_1955 = vector.extract_strided_slice %mul3A_1591 {offsets = [10], sizes = [1], strides = [1]} : vector<16xi32> to vector<1xi32>
        %squeeze3A_1956 = vector.extract %slice3A_1955[0] : i32 from vector<1xi32>
        %multiple_of3A_1957 = tpu.assume_multiple %squeeze3A_1956, 8 : i32
        %dma_start3A_1958 = arith.constant 10 : i32
        %dma_start3A_1959 = arith.constant 0 : i32
        %dma_start3A_1960 = arith.constant 0 : i32
        %dma_start3A_1961 = tpu.memref_slice %arg11[%select_n3A_1573, %dma_start3A_1958, %dma_start3A_1959, %dma_start3A_1960] : memref<3x16x8x64xf32, #tpu.memory_space<vmem>> -> memref<1x1x8x64xf32, #tpu.memory_space<vmem>>
        %dma_start3A_1962 = tpu.memref_squeeze %dma_start3A_1961 : memref<1x1x8x64xf32, #tpu.memory_space<vmem>> -> memref<8x64xf32, #tpu.memory_space<vmem>>
        %dma_start3A_1963 = arith.constant 0 : i32
        %dma_start3A_1964 = tpu.memref_slice %arg4[%multiple_of3A_1954, %dma_start3A_1963] : memref<1000000x64xf32, #tpu.memory_space<hbm>> -> memref<8x64xf32, #tpu.memory_space<hbm>>
        %dma_start3A_1965 = tpu.memref_slice %arg18[%select_n3A_1573] : memref<3x!tpu.dma_semaphore, #tpu.memory_space<semaphore_mem>> -> memref<1x!tpu.dma_semaphore, #tpu.memory_space<semaphore_mem>>
        %dma_start3A_1966 = tpu.memref_squeeze %dma_start3A_1965 : memref<1x!tpu.dma_semaphore, #tpu.memory_space<semaphore_mem>> -> memref<!tpu.dma_semaphore, #tpu.memory_space<semaphore_mem>>
        %dma_start3A_1967 = arith.constant 0 : i32
        %dma_start3A_1968 = arith.constant 0 : i32
        %dma_start3A_1969 = tpu.memref_slice %arg11[%select_n3A_1573, %dma_start3A_1958, %dma_start3A_1967, %dma_start3A_1968] : memref<3x16x8x64xf32, #tpu.memory_space<vmem>> -> memref<1x1x8x64xf32, #tpu.memory_space<vmem>>
        %dma_start3A_1970 = tpu.memref_squeeze %dma_start3A_1969 : memref<1x1x8x64xf32, #tpu.memory_space<vmem>> -> memref<8x64xf32, #tpu.memory_space<vmem>>
        %dma_start3A_1971 = arith.constant 0 : i32
        %dma_start3A_1972 = tpu.memref_slice %arg4[%multiple_of3A_1954, %dma_start3A_1971] : memref<1000000x64xf32, #tpu.memory_space<hbm>> -> memref<8x64xf32, #tpu.memory_space<hbm>>
        tpu.enqueue_dma source(%dma_start3A_1972 : memref<8x64xf32, #tpu.memory_space<hbm>>) target(%dma_start3A_1970 : memref<8x64xf32, #tpu.memory_space<vmem>>) target_semaphore(%dma_start3A_1966 : memref<!tpu.dma_semaphore, #tpu.memory_space<semaphore_mem>>)
        %dma_start3A_1973 = arith.constant 10 : i32
        %dma_start3A_1974 = arith.constant 0 : i32
        %dma_start3A_1975 = arith.constant 0 : i32
        %dma_start3A_1976 = tpu.memref_slice %arg12[%select_n3A_1573, %dma_start3A_1973, %dma_start3A_1974, %dma_start3A_1975] : memref<3x16x8x64xf32, #tpu.memory_space<vmem>> -> memref<1x1x8x64xf32, #tpu.memory_space<vmem>>
        %dma_start3A_1977 = tpu.memref_squeeze %dma_start3A_1976 : memref<1x1x8x64xf32, #tpu.memory_space<vmem>> -> memref<8x64xf32, #tpu.memory_space<vmem>>
        %dma_start3A_1978 = arith.constant 0 : i32
        %dma_start3A_1979 = tpu.memref_slice %arg4[%multiple_of3A_1957, %dma_start3A_1978] : memref<1000000x64xf32, #tpu.memory_space<hbm>> -> memref<8x64xf32, #tpu.memory_space<hbm>>
        %dma_start3A_1980 = tpu.memref_slice %arg19[%select_n3A_1573] : memref<3x!tpu.dma_semaphore, #tpu.memory_space<semaphore_mem>> -> memref<1x!tpu.dma_semaphore, #tpu.memory_space<semaphore_mem>>
        %dma_start3A_1981 = tpu.memref_squeeze %dma_start3A_1980 : memref<1x!tpu.dma_semaphore, #tpu.memory_space<semaphore_mem>> -> memref<!tpu.dma_semaphore, #tpu.memory_space<semaphore_mem>>
        %dma_start3A_1982 = arith.constant 0 : i32
        %dma_start3A_1983 = arith.constant 0 : i32
        %dma_start3A_1984 = tpu.memref_slice %arg12[%select_n3A_1573, %dma_start3A_1973, %dma_start3A_1982, %dma_start3A_1983] : memref<3x16x8x64xf32, #tpu.memory_space<vmem>> -> memref<1x1x8x64xf32, #tpu.memory_space<vmem>>
        %dma_start3A_1985 = tpu.memref_squeeze %dma_start3A_1984 : memref<1x1x8x64xf32, #tpu.memory_space<vmem>> -> memref<8x64xf32, #tpu.memory_space<vmem>>
        %dma_start3A_1986 = arith.constant 0 : i32
        %dma_start3A_1987 = tpu.memref_slice %arg4[%multiple_of3A_1957, %dma_start3A_1986] : memref<1000000x64xf32, #tpu.memory_space<hbm>> -> memref<8x64xf32, #tpu.memory_space<hbm>>
        tpu.enqueue_dma source(%dma_start3A_1987 : memref<8x64xf32, #tpu.memory_space<hbm>>) target(%dma_start3A_1985 : memref<8x64xf32, #tpu.memory_space<vmem>>) target_semaphore(%dma_start3A_1981 : memref<!tpu.dma_semaphore, #tpu.memory_space<semaphore_mem>>)
        %slice3A_1988 = vector.extract_strided_slice %mul3A_1583 {offsets = [11], sizes = [1], strides = [1]} : vector<16xi32> to vector<1xi32>
        %squeeze3A_1989 = vector.extract %slice3A_1988[0] : i32 from vector<1xi32>
        %multiple_of3A_1990 = tpu.assume_multiple %squeeze3A_1989, 8 : i32
        %slice3A_1991 = vector.extract_strided_slice %mul3A_1591 {offsets = [11], sizes = [1], strides = [1]} : vector<16xi32> to vector<1xi32>
        %squeeze3A_1992 = vector.extract %slice3A_1991[0] : i32 from vector<1xi32>
        %multiple_of3A_1993 = tpu.assume_multiple %squeeze3A_1992, 8 : i32
        %dma_start3A_1994 = arith.constant 11 : i32
        %dma_start3A_1995 = arith.constant 0 : i32
        %dma_start3A_1996 = arith.constant 0 : i32
        %dma_start3A_1997 = tpu.memref_slice %arg11[%select_n3A_1573, %dma_start3A_1994, %dma_start3A_1995, %dma_start3A_1996] : memref<3x16x8x64xf32, #tpu.memory_space<vmem>> -> memref<1x1x8x64xf32, #tpu.memory_space<vmem>>
        %dma_start3A_1998 = tpu.memref_squeeze %dma_start3A_1997 : memref<1x1x8x64xf32, #tpu.memory_space<vmem>> -> memref<8x64xf32, #tpu.memory_space<vmem>>
        %dma_start3A_1999 = arith.constant 0 : i32
        %dma_start3A_2000 = tpu.memref_slice %arg4[%multiple_of3A_1990, %dma_start3A_1999] : memref<1000000x64xf32, #tpu.memory_space<hbm>> -> memref<8x64xf32, #tpu.memory_space<hbm>>
        %dma_start3A_2001 = tpu.memref_slice %arg18[%select_n3A_1573] : memref<3x!tpu.dma_semaphore, #tpu.memory_space<semaphore_mem>> -> memref<1x!tpu.dma_semaphore, #tpu.memory_space<semaphore_mem>>
        %dma_start3A_2002 = tpu.memref_squeeze %dma_start3A_2001 : memref<1x!tpu.dma_semaphore, #tpu.memory_space<semaphore_mem>> -> memref<!tpu.dma_semaphore, #tpu.memory_space<semaphore_mem>>
        %dma_start3A_2003 = arith.constant 0 : i32
        %dma_start3A_2004 = arith.constant 0 : i32
        %dma_start3A_2005 = tpu.memref_slice %arg11[%select_n3A_1573, %dma_start3A_1994, %dma_start3A_2003, %dma_start3A_2004] : memref<3x16x8x64xf32, #tpu.memory_space<vmem>> -> memref<1x1x8x64xf32, #tpu.memory_space<vmem>>
        %dma_start3A_2006 = tpu.memref_squeeze %dma_start3A_2005 : memref<1x1x8x64xf32, #tpu.memory_space<vmem>> -> memref<8x64xf32, #tpu.memory_space<vmem>>
        %dma_start3A_2007 = arith.constant 0 : i32
        %dma_start3A_2008 = tpu.memref_slice %arg4[%multiple_of3A_1990, %dma_start3A_2007] : memref<1000000x64xf32, #tpu.memory_space<hbm>> -> memref<8x64xf32, #tpu.memory_space<hbm>>
        tpu.enqueue_dma source(%dma_start3A_2008 : memref<8x64xf32, #tpu.memory_space<hbm>>) target(%dma_start3A_2006 : memref<8x64xf32, #tpu.memory_space<vmem>>) target_semaphore(%dma_start3A_2002 : memref<!tpu.dma_semaphore, #tpu.memory_space<semaphore_mem>>)
        %dma_start3A_2009 = arith.constant 11 : i32
        %dma_start3A_2010 = arith.constant 0 : i32
        %dma_start3A_2011 = arith.constant 0 : i32
        %dma_start3A_2012 = tpu.memref_slice %arg12[%select_n3A_1573, %dma_start3A_2009, %dma_start3A_2010, %dma_start3A_2011] : memref<3x16x8x64xf32, #tpu.memory_space<vmem>> -> memref<1x1x8x64xf32, #tpu.memory_space<vmem>>
        %dma_start3A_2013 = tpu.memref_squeeze %dma_start3A_2012 : memref<1x1x8x64xf32, #tpu.memory_space<vmem>> -> memref<8x64xf32, #tpu.memory_space<vmem>>
        %dma_start3A_2014 = arith.constant 0 : i32
        %dma_start3A_2015 = tpu.memref_slice %arg4[%multiple_of3A_1993, %dma_start3A_2014] : memref<1000000x64xf32, #tpu.memory_space<hbm>> -> memref<8x64xf32, #tpu.memory_space<hbm>>
        %dma_start3A_2016 = tpu.memref_slice %arg19[%select_n3A_1573] : memref<3x!tpu.dma_semaphore, #tpu.memory_space<semaphore_mem>> -> memref<1x!tpu.dma_semaphore, #tpu.memory_space<semaphore_mem>>
        %dma_start3A_2017 = tpu.memref_squeeze %dma_start3A_2016 : memref<1x!tpu.dma_semaphore, #tpu.memory_space<semaphore_mem>> -> memref<!tpu.dma_semaphore, #tpu.memory_space<semaphore_mem>>
        %dma_start3A_2018 = arith.constant 0 : i32
        %dma_start3A_2019 = arith.constant 0 : i32
        %dma_start3A_2020 = tpu.memref_slice %arg12[%select_n3A_1573, %dma_start3A_2009, %dma_start3A_2018, %dma_start3A_2019] : memref<3x16x8x64xf32, #tpu.memory_space<vmem>> -> memref<1x1x8x64xf32, #tpu.memory_space<vmem>>
        %dma_start3A_2021 = tpu.memref_squeeze %dma_start3A_2020 : memref<1x1x8x64xf32, #tpu.memory_space<vmem>> -> memref<8x64xf32, #tpu.memory_space<vmem>>
        %dma_start3A_2022 = arith.constant 0 : i32
        %dma_start3A_2023 = tpu.memref_slice %arg4[%multiple_of3A_1993, %dma_start3A_2022] : memref<1000000x64xf32, #tpu.memory_space<hbm>> -> memref<8x64xf32, #tpu.memory_space<hbm>>
        tpu.enqueue_dma source(%dma_start3A_2023 : memref<8x64xf32, #tpu.memory_space<hbm>>) target(%dma_start3A_2021 : memref<8x64xf32, #tpu.memory_space<vmem>>) target_semaphore(%dma_start3A_2017 : memref<!tpu.dma_semaphore, #tpu.memory_space<semaphore_mem>>)
        %slice3A_2024 = vector.extract_strided_slice %mul3A_1583 {offsets = [12], sizes = [1], strides = [1]} : vector<16xi32> to vector<1xi32>
        %squeeze3A_2025 = vector.extract %slice3A_2024[0] : i32 from vector<1xi32>
        %multiple_of3A_2026 = tpu.assume_multiple %squeeze3A_2025, 8 : i32
        %slice3A_2027 = vector.extract_strided_slice %mul3A_1591 {offsets = [12], sizes = [1], strides = [1]} : vector<16xi32> to vector<1xi32>
        %squeeze3A_2028 = vector.extract %slice3A_2027[0] : i32 from vector<1xi32>
        %multiple_of3A_2029 = tpu.assume_multiple %squeeze3A_2028, 8 : i32
        %dma_start3A_2030 = arith.constant 12 : i32
        %dma_start3A_2031 = arith.constant 0 : i32
        %dma_start3A_2032 = arith.constant 0 : i32
        %dma_start3A_2033 = tpu.memref_slice %arg11[%select_n3A_1573, %dma_start3A_2030, %dma_start3A_2031, %dma_start3A_2032] : memref<3x16x8x64xf32, #tpu.memory_space<vmem>> -> memref<1x1x8x64xf32, #tpu.memory_space<vmem>>
        %dma_start3A_2034 = tpu.memref_squeeze %dma_start3A_2033 : memref<1x1x8x64xf32, #tpu.memory_space<vmem>> -> memref<8x64xf32, #tpu.memory_space<vmem>>
        %dma_start3A_2035 = arith.constant 0 : i32
        %dma_start3A_2036 = tpu.memref_slice %arg4[%multiple_of3A_2026, %dma_start3A_2035] : memref<1000000x64xf32, #tpu.memory_space<hbm>> -> memref<8x64xf32, #tpu.memory_space<hbm>>
        %dma_start3A_2037 = tpu.memref_slice %arg18[%select_n3A_1573] : memref<3x!tpu.dma_semaphore, #tpu.memory_space<semaphore_mem>> -> memref<1x!tpu.dma_semaphore, #tpu.memory_space<semaphore_mem>>
        %dma_start3A_2038 = tpu.memref_squeeze %dma_start3A_2037 : memref<1x!tpu.dma_semaphore, #tpu.memory_space<semaphore_mem>> -> memref<!tpu.dma_semaphore, #tpu.memory_space<semaphore_mem>>
        %dma_start3A_2039 = arith.constant 0 : i32
        %dma_start3A_2040 = arith.constant 0 : i32
        %dma_start3A_2041 = tpu.memref_slice %arg11[%select_n3A_1573, %dma_start3A_2030, %dma_start3A_2039, %dma_start3A_2040] : memref<3x16x8x64xf32, #tpu.memory_space<vmem>> -> memref<1x1x8x64xf32, #tpu.memory_space<vmem>>
        %dma_start3A_2042 = tpu.memref_squeeze %dma_start3A_2041 : memref<1x1x8x64xf32, #tpu.memory_space<vmem>> -> memref<8x64xf32, #tpu.memory_space<vmem>>
        %dma_start3A_2043 = arith.constant 0 : i32
        %dma_start3A_2044 = tpu.memref_slice %arg4[%multiple_of3A_2026, %dma_start3A_2043] : memref<1000000x64xf32, #tpu.memory_space<hbm>> -> memref<8x64xf32, #tpu.memory_space<hbm>>
        tpu.enqueue_dma source(%dma_start3A_2044 : memref<8x64xf32, #tpu.memory_space<hbm>>) target(%dma_start3A_2042 : memref<8x64xf32, #tpu.memory_space<vmem>>) target_semaphore(%dma_start3A_2038 : memref<!tpu.dma_semaphore, #tpu.memory_space<semaphore_mem>>)
        %dma_start3A_2045 = arith.constant 12 : i32
        %dma_start3A_2046 = arith.constant 0 : i32
        %dma_start3A_2047 = arith.constant 0 : i32
        %dma_start3A_2048 = tpu.memref_slice %arg12[%select_n3A_1573, %dma_start3A_2045, %dma_start3A_2046, %dma_start3A_2047] : memref<3x16x8x64xf32, #tpu.memory_space<vmem>> -> memref<1x1x8x64xf32, #tpu.memory_space<vmem>>
        %dma_start3A_2049 = tpu.memref_squeeze %dma_start3A_2048 : memref<1x1x8x64xf32, #tpu.memory_space<vmem>> -> memref<8x64xf32, #tpu.memory_space<vmem>>
        %dma_start3A_2050 = arith.constant 0 : i32
        %dma_start3A_2051 = tpu.memref_slice %arg4[%multiple_of3A_2029, %dma_start3A_2050] : memref<1000000x64xf32, #tpu.memory_space<hbm>> -> memref<8x64xf32, #tpu.memory_space<hbm>>
        %dma_start3A_2052 = tpu.memref_slice %arg19[%select_n3A_1573] : memref<3x!tpu.dma_semaphore, #tpu.memory_space<semaphore_mem>> -> memref<1x!tpu.dma_semaphore, #tpu.memory_space<semaphore_mem>>
        %dma_start3A_2053 = tpu.memref_squeeze %dma_start3A_2052 : memref<1x!tpu.dma_semaphore, #tpu.memory_space<semaphore_mem>> -> memref<!tpu.dma_semaphore, #tpu.memory_space<semaphore_mem>>
        %dma_start3A_2054 = arith.constant 0 : i32
        %dma_start3A_2055 = arith.constant 0 : i32
        %dma_start3A_2056 = tpu.memref_slice %arg12[%select_n3A_1573, %dma_start3A_2045, %dma_start3A_2054, %dma_start3A_2055] : memref<3x16x8x64xf32, #tpu.memory_space<vmem>> -> memref<1x1x8x64xf32, #tpu.memory_space<vmem>>
        %dma_start3A_2057 = tpu.memref_squeeze %dma_start3A_2056 : memref<1x1x8x64xf32, #tpu.memory_space<vmem>> -> memref<8x64xf32, #tpu.memory_space<vmem>>
        %dma_start3A_2058 = arith.constant 0 : i32
        %dma_start3A_2059 = tpu.memref_slice %arg4[%multiple_of3A_2029, %dma_start3A_2058] : memref<1000000x64xf32, #tpu.memory_space<hbm>> -> memref<8x64xf32, #tpu.memory_space<hbm>>
        tpu.enqueue_dma source(%dma_start3A_2059 : memref<8x64xf32, #tpu.memory_space<hbm>>) target(%dma_start3A_2057 : memref<8x64xf32, #tpu.memory_space<vmem>>) target_semaphore(%dma_start3A_2053 : memref<!tpu.dma_semaphore, #tpu.memory_space<semaphore_mem>>)
        %slice3A_2060 = vector.extract_strided_slice %mul3A_1583 {offsets = [13], sizes = [1], strides = [1]} : vector<16xi32> to vector<1xi32>
        %squeeze3A_2061 = vector.extract %slice3A_2060[0] : i32 from vector<1xi32>
        %multiple_of3A_2062 = tpu.assume_multiple %squeeze3A_2061, 8 : i32
        %slice3A_2063 = vector.extract_strided_slice %mul3A_1591 {offsets = [13], sizes = [1], strides = [1]} : vector<16xi32> to vector<1xi32>
        %squeeze3A_2064 = vector.extract %slice3A_2063[0] : i32 from vector<1xi32>
        %multiple_of3A_2065 = tpu.assume_multiple %squeeze3A_2064, 8 : i32
        %dma_start3A_2066 = arith.constant 13 : i32
        %dma_start3A_2067 = arith.constant 0 : i32
        %dma_start3A_2068 = arith.constant 0 : i32
        %dma_start3A_2069 = tpu.memref_slice %arg11[%select_n3A_1573, %dma_start3A_2066, %dma_start3A_2067, %dma_start3A_2068] : memref<3x16x8x64xf32, #tpu.memory_space<vmem>> -> memref<1x1x8x64xf32, #tpu.memory_space<vmem>>
        %dma_start3A_2070 = tpu.memref_squeeze %dma_start3A_2069 : memref<1x1x8x64xf32, #tpu.memory_space<vmem>> -> memref<8x64xf32, #tpu.memory_space<vmem>>
        %dma_start3A_2071 = arith.constant 0 : i32
        %dma_start3A_2072 = tpu.memref_slice %arg4[%multiple_of3A_2062, %dma_start3A_2071] : memref<1000000x64xf32, #tpu.memory_space<hbm>> -> memref<8x64xf32, #tpu.memory_space<hbm>>
        %dma_start3A_2073 = tpu.memref_slice %arg18[%select_n3A_1573] : memref<3x!tpu.dma_semaphore, #tpu.memory_space<semaphore_mem>> -> memref<1x!tpu.dma_semaphore, #tpu.memory_space<semaphore_mem>>
        %dma_start3A_2074 = tpu.memref_squeeze %dma_start3A_2073 : memref<1x!tpu.dma_semaphore, #tpu.memory_space<semaphore_mem>> -> memref<!tpu.dma_semaphore, #tpu.memory_space<semaphore_mem>>
        %dma_start3A_2075 = arith.constant 0 : i32
        %dma_start3A_2076 = arith.constant 0 : i32
        %dma_start3A_2077 = tpu.memref_slice %arg11[%select_n3A_1573, %dma_start3A_2066, %dma_start3A_2075, %dma_start3A_2076] : memref<3x16x8x64xf32, #tpu.memory_space<vmem>> -> memref<1x1x8x64xf32, #tpu.memory_space<vmem>>
        %dma_start3A_2078 = tpu.memref_squeeze %dma_start3A_2077 : memref<1x1x8x64xf32, #tpu.memory_space<vmem>> -> memref<8x64xf32, #tpu.memory_space<vmem>>
        %dma_start3A_2079 = arith.constant 0 : i32
        %dma_start3A_2080 = tpu.memref_slice %arg4[%multiple_of3A_2062, %dma_start3A_2079] : memref<1000000x64xf32, #tpu.memory_space<hbm>> -> memref<8x64xf32, #tpu.memory_space<hbm>>
        tpu.enqueue_dma source(%dma_start3A_2080 : memref<8x64xf32, #tpu.memory_space<hbm>>) target(%dma_start3A_2078 : memref<8x64xf32, #tpu.memory_space<vmem>>) target_semaphore(%dma_start3A_2074 : memref<!tpu.dma_semaphore, #tpu.memory_space<semaphore_mem>>)
        %dma_start3A_2081 = arith.constant 13 : i32
        %dma_start3A_2082 = arith.constant 0 : i32
        %dma_start3A_2083 = arith.constant 0 : i32
        %dma_start3A_2084 = tpu.memref_slice %arg12[%select_n3A_1573, %dma_start3A_2081, %dma_start3A_2082, %dma_start3A_2083] : memref<3x16x8x64xf32, #tpu.memory_space<vmem>> -> memref<1x1x8x64xf32, #tpu.memory_space<vmem>>
        %dma_start3A_2085 = tpu.memref_squeeze %dma_start3A_2084 : memref<1x1x8x64xf32, #tpu.memory_space<vmem>> -> memref<8x64xf32, #tpu.memory_space<vmem>>
        %dma_start3A_2086 = arith.constant 0 : i32
        %dma_start3A_2087 = tpu.memref_slice %arg4[%multiple_of3A_2065, %dma_start3A_2086] : memref<1000000x64xf32, #tpu.memory_space<hbm>> -> memref<8x64xf32, #tpu.memory_space<hbm>>
        %dma_start3A_2088 = tpu.memref_slice %arg19[%select_n3A_1573] : memref<3x!tpu.dma_semaphore, #tpu.memory_space<semaphore_mem>> -> memref<1x!tpu.dma_semaphore, #tpu.memory_space<semaphore_mem>>
        %dma_start3A_2089 = tpu.memref_squeeze %dma_start3A_2088 : memref<1x!tpu.dma_semaphore, #tpu.memory_space<semaphore_mem>> -> memref<!tpu.dma_semaphore, #tpu.memory_space<semaphore_mem>>
        %dma_start3A_2090 = arith.constant 0 : i32
        %dma_start3A_2091 = arith.constant 0 : i32
        %dma_start3A_2092 = tpu.memref_slice %arg12[%select_n3A_1573, %dma_start3A_2081, %dma_start3A_2090, %dma_start3A_2091] : memref<3x16x8x64xf32, #tpu.memory_space<vmem>> -> memref<1x1x8x64xf32, #tpu.memory_space<vmem>>
        %dma_start3A_2093 = tpu.memref_squeeze %dma_start3A_2092 : memref<1x1x8x64xf32, #tpu.memory_space<vmem>> -> memref<8x64xf32, #tpu.memory_space<vmem>>
        %dma_start3A_2094 = arith.constant 0 : i32
        %dma_start3A_2095 = tpu.memref_slice %arg4[%multiple_of3A_2065, %dma_start3A_2094] : memref<1000000x64xf32, #tpu.memory_space<hbm>> -> memref<8x64xf32, #tpu.memory_space<hbm>>
        tpu.enqueue_dma source(%dma_start3A_2095 : memref<8x64xf32, #tpu.memory_space<hbm>>) target(%dma_start3A_2093 : memref<8x64xf32, #tpu.memory_space<vmem>>) target_semaphore(%dma_start3A_2089 : memref<!tpu.dma_semaphore, #tpu.memory_space<semaphore_mem>>)
        %slice3A_2096 = vector.extract_strided_slice %mul3A_1583 {offsets = [14], sizes = [1], strides = [1]} : vector<16xi32> to vector<1xi32>
        %squeeze3A_2097 = vector.extract %slice3A_2096[0] : i32 from vector<1xi32>
        %multiple_of3A_2098 = tpu.assume_multiple %squeeze3A_2097, 8 : i32
        %slice3A_2099 = vector.extract_strided_slice %mul3A_1591 {offsets = [14], sizes = [1], strides = [1]} : vector<16xi32> to vector<1xi32>
        %squeeze3A_2100 = vector.extract %slice3A_2099[0] : i32 from vector<1xi32>
        %multiple_of3A_2101 = tpu.assume_multiple %squeeze3A_2100, 8 : i32
        %dma_start3A_2102 = arith.constant 14 : i32
        %dma_start3A_2103 = arith.constant 0 : i32
        %dma_start3A_2104 = arith.constant 0 : i32
        %dma_start3A_2105 = tpu.memref_slice %arg11[%select_n3A_1573, %dma_start3A_2102, %dma_start3A_2103, %dma_start3A_2104] : memref<3x16x8x64xf32, #tpu.memory_space<vmem>> -> memref<1x1x8x64xf32, #tpu.memory_space<vmem>>
        %dma_start3A_2106 = tpu.memref_squeeze %dma_start3A_2105 : memref<1x1x8x64xf32, #tpu.memory_space<vmem>> -> memref<8x64xf32, #tpu.memory_space<vmem>>
        %dma_start3A_2107 = arith.constant 0 : i32
        %dma_start3A_2108 = tpu.memref_slice %arg4[%multiple_of3A_2098, %dma_start3A_2107] : memref<1000000x64xf32, #tpu.memory_space<hbm>> -> memref<8x64xf32, #tpu.memory_space<hbm>>
        %dma_start3A_2109 = tpu.memref_slice %arg18[%select_n3A_1573] : memref<3x!tpu.dma_semaphore, #tpu.memory_space<semaphore_mem>> -> memref<1x!tpu.dma_semaphore, #tpu.memory_space<semaphore_mem>>
        %dma_start3A_2110 = tpu.memref_squeeze %dma_start3A_2109 : memref<1x!tpu.dma_semaphore, #tpu.memory_space<semaphore_mem>> -> memref<!tpu.dma_semaphore, #tpu.memory_space<semaphore_mem>>
        %dma_start3A_2111 = arith.constant 0 : i32
        %dma_start3A_2112 = arith.constant 0 : i32
        %dma_start3A_2113 = tpu.memref_slice %arg11[%select_n3A_1573, %dma_start3A_2102, %dma_start3A_2111, %dma_start3A_2112] : memref<3x16x8x64xf32, #tpu.memory_space<vmem>> -> memref<1x1x8x64xf32, #tpu.memory_space<vmem>>
        %dma_start3A_2114 = tpu.memref_squeeze %dma_start3A_2113 : memref<1x1x8x64xf32, #tpu.memory_space<vmem>> -> memref<8x64xf32, #tpu.memory_space<vmem>>
        %dma_start3A_2115 = arith.constant 0 : i32
        %dma_start3A_2116 = tpu.memref_slice %arg4[%multiple_of3A_2098, %dma_start3A_2115] : memref<1000000x64xf32, #tpu.memory_space<hbm>> -> memref<8x64xf32, #tpu.memory_space<hbm>>
        tpu.enqueue_dma source(%dma_start3A_2116 : memref<8x64xf32, #tpu.memory_space<hbm>>) target(%dma_start3A_2114 : memref<8x64xf32, #tpu.memory_space<vmem>>) target_semaphore(%dma_start3A_2110 : memref<!tpu.dma_semaphore, #tpu.memory_space<semaphore_mem>>)
        %dma_start3A_2117 = arith.constant 14 : i32
        %dma_start3A_2118 = arith.constant 0 : i32
        %dma_start3A_2119 = arith.constant 0 : i32
        %dma_start3A_2120 = tpu.memref_slice %arg12[%select_n3A_1573, %dma_start3A_2117, %dma_start3A_2118, %dma_start3A_2119] : memref<3x16x8x64xf32, #tpu.memory_space<vmem>> -> memref<1x1x8x64xf32, #tpu.memory_space<vmem>>
        %dma_start3A_2121 = tpu.memref_squeeze %dma_start3A_2120 : memref<1x1x8x64xf32, #tpu.memory_space<vmem>> -> memref<8x64xf32, #tpu.memory_space<vmem>>
        %dma_start3A_2122 = arith.constant 0 : i32
        %dma_start3A_2123 = tpu.memref_slice %arg4[%multiple_of3A_2101, %dma_start3A_2122] : memref<1000000x64xf32, #tpu.memory_space<hbm>> -> memref<8x64xf32, #tpu.memory_space<hbm>>
        %dma_start3A_2124 = tpu.memref_slice %arg19[%select_n3A_1573] : memref<3x!tpu.dma_semaphore, #tpu.memory_space<semaphore_mem>> -> memref<1x!tpu.dma_semaphore, #tpu.memory_space<semaphore_mem>>
        %dma_start3A_2125 = tpu.memref_squeeze %dma_start3A_2124 : memref<1x!tpu.dma_semaphore, #tpu.memory_space<semaphore_mem>> -> memref<!tpu.dma_semaphore, #tpu.memory_space<semaphore_mem>>
        %dma_start3A_2126 = arith.constant 0 : i32
        %dma_start3A_2127 = arith.constant 0 : i32
        %dma_start3A_2128 = tpu.memref_slice %arg12[%select_n3A_1573, %dma_start3A_2117, %dma_start3A_2126, %dma_start3A_2127] : memref<3x16x8x64xf32, #tpu.memory_space<vmem>> -> memref<1x1x8x64xf32, #tpu.memory_space<vmem>>
        %dma_start3A_2129 = tpu.memref_squeeze %dma_start3A_2128 : memref<1x1x8x64xf32, #tpu.memory_space<vmem>> -> memref<8x64xf32, #tpu.memory_space<vmem>>
        %dma_start3A_2130 = arith.constant 0 : i32
        %dma_start3A_2131 = tpu.memref_slice %arg4[%multiple_of3A_2101, %dma_start3A_2130] : memref<1000000x64xf32, #tpu.memory_space<hbm>> -> memref<8x64xf32, #tpu.memory_space<hbm>>
        tpu.enqueue_dma source(%dma_start3A_2131 : memref<8x64xf32, #tpu.memory_space<hbm>>) target(%dma_start3A_2129 : memref<8x64xf32, #tpu.memory_space<vmem>>) target_semaphore(%dma_start3A_2125 : memref<!tpu.dma_semaphore, #tpu.memory_space<semaphore_mem>>)
        %slice3A_2132 = vector.extract_strided_slice %mul3A_1583 {offsets = [15], sizes = [1], strides = [1]} : vector<16xi32> to vector<1xi32>
        %squeeze3A_2133 = vector.extract %slice3A_2132[0] : i32 from vector<1xi32>
        %multiple_of3A_2134 = tpu.assume_multiple %squeeze3A_2133, 8 : i32
        %slice3A_2135 = vector.extract_strided_slice %mul3A_1591 {offsets = [15], sizes = [1], strides = [1]} : vector<16xi32> to vector<1xi32>
        %squeeze3A_2136 = vector.extract %slice3A_2135[0] : i32 from vector<1xi32>
        %multiple_of3A_2137 = tpu.assume_multiple %squeeze3A_2136, 8 : i32
        %dma_start3A_2138 = arith.constant 15 : i32
        %dma_start3A_2139 = arith.constant 0 : i32
        %dma_start3A_2140 = arith.constant 0 : i32
        %dma_start3A_2141 = tpu.memref_slice %arg11[%select_n3A_1573, %dma_start3A_2138, %dma_start3A_2139, %dma_start3A_2140] : memref<3x16x8x64xf32, #tpu.memory_space<vmem>> -> memref<1x1x8x64xf32, #tpu.memory_space<vmem>>
        %dma_start3A_2142 = tpu.memref_squeeze %dma_start3A_2141 : memref<1x1x8x64xf32, #tpu.memory_space<vmem>> -> memref<8x64xf32, #tpu.memory_space<vmem>>
        %dma_start3A_2143 = arith.constant 0 : i32
        %dma_start3A_2144 = tpu.memref_slice %arg4[%multiple_of3A_2134, %dma_start3A_2143] : memref<1000000x64xf32, #tpu.memory_space<hbm>> -> memref<8x64xf32, #tpu.memory_space<hbm>>
        %dma_start3A_2145 = tpu.memref_slice %arg18[%select_n3A_1573] : memref<3x!tpu.dma_semaphore, #tpu.memory_space<semaphore_mem>> -> memref<1x!tpu.dma_semaphore, #tpu.memory_space<semaphore_mem>>
        %dma_start3A_2146 = tpu.memref_squeeze %dma_start3A_2145 : memref<1x!tpu.dma_semaphore, #tpu.memory_space<semaphore_mem>> -> memref<!tpu.dma_semaphore, #tpu.memory_space<semaphore_mem>>
        %dma_start3A_2147 = arith.constant 0 : i32
        %dma_start3A_2148 = arith.constant 0 : i32
        %dma_start3A_2149 = tpu.memref_slice %arg11[%select_n3A_1573, %dma_start3A_2138, %dma_start3A_2147, %dma_start3A_2148] : memref<3x16x8x64xf32, #tpu.memory_space<vmem>> -> memref<1x1x8x64xf32, #tpu.memory_space<vmem>>
        %dma_start3A_2150 = tpu.memref_squeeze %dma_start3A_2149 : memref<1x1x8x64xf32, #tpu.memory_space<vmem>> -> memref<8x64xf32, #tpu.memory_space<vmem>>
        %dma_start3A_2151 = arith.constant 0 : i32
        %dma_start3A_2152 = tpu.memref_slice %arg4[%multiple_of3A_2134, %dma_start3A_2151] : memref<1000000x64xf32, #tpu.memory_space<hbm>> -> memref<8x64xf32, #tpu.memory_space<hbm>>
        tpu.enqueue_dma source(%dma_start3A_2152 : memref<8x64xf32, #tpu.memory_space<hbm>>) target(%dma_start3A_2150 : memref<8x64xf32, #tpu.memory_space<vmem>>) target_semaphore(%dma_start3A_2146 : memref<!tpu.dma_semaphore, #tpu.memory_space<semaphore_mem>>)
        %dma_start3A_2153 = arith.constant 15 : i32
        %dma_start3A_2154 = arith.constant 0 : i32
        %dma_start3A_2155 = arith.constant 0 : i32
        %dma_start3A_2156 = tpu.memref_slice %arg12[%select_n3A_1573, %dma_start3A_2153, %dma_start3A_2154, %dma_start3A_2155] : memref<3x16x8x64xf32, #tpu.memory_space<vmem>> -> memref<1x1x8x64xf32, #tpu.memory_space<vmem>>
        %dma_start3A_2157 = tpu.memref_squeeze %dma_start3A_2156 : memref<1x1x8x64xf32, #tpu.memory_space<vmem>> -> memref<8x64xf32, #tpu.memory_space<vmem>>
        %dma_start3A_2158 = arith.constant 0 : i32
        %dma_start3A_2159 = tpu.memref_slice %arg4[%multiple_of3A_2137, %dma_start3A_2158] : memref<1000000x64xf32, #tpu.memory_space<hbm>> -> memref<8x64xf32, #tpu.memory_space<hbm>>
        %dma_start3A_2160 = tpu.memref_slice %arg19[%select_n3A_1573] : memref<3x!tpu.dma_semaphore, #tpu.memory_space<semaphore_mem>> -> memref<1x!tpu.dma_semaphore, #tpu.memory_space<semaphore_mem>>
        %dma_start3A_2161 = tpu.memref_squeeze %dma_start3A_2160 : memref<1x!tpu.dma_semaphore, #tpu.memory_space<semaphore_mem>> -> memref<!tpu.dma_semaphore, #tpu.memory_space<semaphore_mem>>
        %dma_start3A_2162 = arith.constant 0 : i32
        %dma_start3A_2163 = arith.constant 0 : i32
        %dma_start3A_2164 = tpu.memref_slice %arg12[%select_n3A_1573, %dma_start3A_2153, %dma_start3A_2162, %dma_start3A_2163] : memref<3x16x8x64xf32, #tpu.memory_space<vmem>> -> memref<1x1x8x64xf32, #tpu.memory_space<vmem>>
        %dma_start3A_2165 = tpu.memref_squeeze %dma_start3A_2164 : memref<1x1x8x64xf32, #tpu.memory_space<vmem>> -> memref<8x64xf32, #tpu.memory_space<vmem>>
        %dma_start3A_2166 = arith.constant 0 : i32
        %dma_start3A_2167 = tpu.memref_slice %arg4[%multiple_of3A_2137, %dma_start3A_2166] : memref<1000000x64xf32, #tpu.memory_space<hbm>> -> memref<8x64xf32, #tpu.memory_space<hbm>>
        tpu.enqueue_dma source(%dma_start3A_2167 : memref<8x64xf32, #tpu.memory_space<hbm>>) target(%dma_start3A_2165 : memref<8x64xf32, #tpu.memory_space<vmem>>) target_semaphore(%dma_start3A_2161 : memref<!tpu.dma_semaphore, #tpu.memory_space<semaphore_mem>>)
      } else {
      }
      %jit3A = arith.constant 3 : i32
      %eq3A = arith.constant 0 : i32
      %eq3A_1489 = arith.cmpi eq, %jit3A, %eq3A : i32
      %jit3A_1490 = arith.constant 1 : i32
      %select_n3A = arith.select %eq3A_1489, %jit3A_1490, %jit3A : i32
      %rem3A = arith.remsi %scan3A_1483, %select_n3A : i32
      %ne3A = arith.constant 0 : i32
      %ne3A_1491 = arith.cmpi ne, %rem3A, %ne3A : i32
      %lt3A_1492 = arith.constant 0 : i32
      %lt3A_1493 = arith.cmpi slt, %rem3A, %lt3A_1492 : i32
      %lt3A_1494 = arith.constant 0 : i32
      %lt3A_1495 = arith.cmpi slt, %select_n3A, %lt3A_1494 : i32
      %ne3A_1496 = arith.xori %lt3A_1493, %lt3A_1495 : i1
      %and3A = arith.andi %ne3A_1496, %ne3A_1491 : i1
      %add3A_1497 = arith.addi %rem3A, %select_n3A : i32
      %select_n3A_1498 = arith.select %and3A, %add3A_1497, %rem3A : i32
      %scan3A_1499 = arith.constant 0 : i32
      %scan3A_1500 = arith.constant 0 : i32
      %scan3A_1501 = arith.constant 16 : i32
      %scan3A_1502 = arith.addi %scan3A_1500, %scan3A_1501 : i32
      %scan3A_1503 = arith.constant 1 : i32
      %scan3A_1504 = scf.for %scan3A_1554 = %scan3A_1500 to %scan3A_1502 step %scan3A_1503 iter_args(%scan3A_1555 = %scan3A_1499) -> (i32)  : i32 {
        %dma_wait3A_1556 = arith.constant 0 : i32
        %dma_wait3A_1557 = arith.constant 0 : i32
        %dma_wait3A_1558 = tpu.memref_slice %arg11[%select_n3A_1498, %scan3A_1554, %dma_wait3A_1556, %dma_wait3A_1557] : memref<3x16x8x64xf32, #tpu.memory_space<vmem>> -> memref<1x1x8x64xf32, #tpu.memory_space<vmem>>
        %dma_wait3A_1559 = tpu.memref_squeeze %dma_wait3A_1558 : memref<1x1x8x64xf32, #tpu.memory_space<vmem>> -> memref<8x64xf32, #tpu.memory_space<vmem>>
        %dma_wait3A_1560 = arith.constant 0 : i32
        %dma_wait3A_1561 = arith.constant 0 : i32
        %dma_wait3A_1562 = tpu.memref_slice %arg4[%dma_wait3A_1560, %dma_wait3A_1561] : memref<1000000x64xf32, #tpu.memory_space<hbm>> -> memref<8x64xf32, #tpu.memory_space<hbm>>
        %dma_wait3A_1563 = tpu.memref_slice %arg18[%select_n3A_1498] : memref<3x!tpu.dma_semaphore, #tpu.memory_space<semaphore_mem>> -> memref<1x!tpu.dma_semaphore, #tpu.memory_space<semaphore_mem>>
        %dma_wait3A_1564 = tpu.memref_squeeze %dma_wait3A_1563 : memref<1x!tpu.dma_semaphore, #tpu.memory_space<semaphore_mem>> -> memref<!tpu.dma_semaphore, #tpu.memory_space<semaphore_mem>>
        %dma_wait3A_1565 = arith.constant 0 : i32
        %dma_wait3A_1566 = arith.constant 0 : i32
        %dma_wait3A_1567 = tpu.memref_slice %arg11[%select_n3A_1498, %scan3A_1554, %dma_wait3A_1565, %dma_wait3A_1566] : memref<3x16x8x64xf32, #tpu.memory_space<vmem>> -> memref<1x1x8x64xf32, #tpu.memory_space<vmem>>
        %dma_wait3A_1568 = tpu.memref_squeeze %dma_wait3A_1567 : memref<1x1x8x64xf32, #tpu.memory_space<vmem>> -> memref<8x64xf32, #tpu.memory_space<vmem>>
        %dma_wait3A_1569 = arith.constant 0 : i32
        %dma_wait3A_1570 = arith.constant 0 : i32
        %dma_wait3A_1571 = tpu.memref_slice %arg4[%dma_wait3A_1569, %dma_wait3A_1570] : memref<1000000x64xf32, #tpu.memory_space<hbm>> -> memref<8x64xf32, #tpu.memory_space<hbm>>
        tpu.wait_dma2 semaphore(%dma_wait3A_1564 : memref<!tpu.dma_semaphore, #tpu.memory_space<semaphore_mem>>) src(%dma_wait3A_1571 : memref<8x64xf32, #tpu.memory_space<hbm>>) dst(%dma_wait3A_1568 : memref<8x64xf32, #tpu.memory_space<vmem>>)
        %dma_wait3A_1572 = arith.constant 0 : i32
        %dma_wait3A_1573 = arith.constant 0 : i32
        %dma_wait3A_1574 = tpu.memref_slice %arg12[%select_n3A_1498, %scan3A_1554, %dma_wait3A_1572, %dma_wait3A_1573] : memref<3x16x8x64xf32, #tpu.memory_space<vmem>> -> memref<1x1x8x64xf32, #tpu.memory_space<vmem>>
        %dma_wait3A_1575 = tpu.memref_squeeze %dma_wait3A_1574 : memref<1x1x8x64xf32, #tpu.memory_space<vmem>> -> memref<8x64xf32, #tpu.memory_space<vmem>>
        %dma_wait3A_1576 = arith.constant 0 : i32
        %dma_wait3A_1577 = arith.constant 0 : i32
        %dma_wait3A_1578 = tpu.memref_slice %arg4[%dma_wait3A_1576, %dma_wait3A_1577] : memref<1000000x64xf32, #tpu.memory_space<hbm>> -> memref<8x64xf32, #tpu.memory_space<hbm>>
        %dma_wait3A_1579 = tpu.memref_slice %arg19[%select_n3A_1498] : memref<3x!tpu.dma_semaphore, #tpu.memory_space<semaphore_mem>> -> memref<1x!tpu.dma_semaphore, #tpu.memory_space<semaphore_mem>>
        %dma_wait3A_1580 = tpu.memref_squeeze %dma_wait3A_1579 : memref<1x!tpu.dma_semaphore, #tpu.memory_space<semaphore_mem>> -> memref<!tpu.dma_semaphore, #tpu.memory_space<semaphore_mem>>
        %dma_wait3A_1581 = arith.constant 0 : i32
        %dma_wait3A_1582 = arith.constant 0 : i32
        %dma_wait3A_1583 = tpu.memref_slice %arg12[%select_n3A_1498, %scan3A_1554, %dma_wait3A_1581, %dma_wait3A_1582] : memref<3x16x8x64xf32, #tpu.memory_space<vmem>> -> memref<1x1x8x64xf32, #tpu.memory_space<vmem>>
        %dma_wait3A_1584 = tpu.memref_squeeze %dma_wait3A_1583 : memref<1x1x8x64xf32, #tpu.memory_space<vmem>> -> memref<8x64xf32, #tpu.memory_space<vmem>>
        %dma_wait3A_1585 = arith.constant 0 : i32
        %dma_wait3A_1586 = arith.constant 0 : i32
        %dma_wait3A_1587 = tpu.memref_slice %arg4[%dma_wait3A_1585, %dma_wait3A_1586] : memref<1000000x64xf32, #tpu.memory_space<hbm>> -> memref<8x64xf32, #tpu.memory_space<hbm>>
        tpu.wait_dma2 semaphore(%dma_wait3A_1580 : memref<!tpu.dma_semaphore, #tpu.memory_space<semaphore_mem>>) src(%dma_wait3A_1587 : memref<8x64xf32, #tpu.memory_space<hbm>>) dst(%dma_wait3A_1584 : memref<8x64xf32, #tpu.memory_space<vmem>>)
        %scan3A_1588 = arith.constant 0 : i32
        scf.yield %scan3A_1588 : i32
      }
      %scan3A_1505 = arith.constant 16 : i32
      %jit3A_1506 = arith.constant 3 : i32
      %eq3A_1507 = arith.constant 0 : i32
      %eq3A_1508 = arith.cmpi eq, %jit3A_1506, %eq3A_1507 : i32
      %jit3A_1509 = arith.constant 1 : i32
      %select_n3A_1510 = arith.select %eq3A_1508, %jit3A_1509, %jit3A_1506 : i32
      %rem3A_1511 = arith.remsi %scan3A_1483, %select_n3A_1510 : i32
      %ne3A_1512 = arith.constant 0 : i32
      %ne3A_1513 = arith.cmpi ne, %rem3A_1511, %ne3A_1512 : i32
      %lt3A_1514 = arith.constant 0 : i32
      %lt3A_1515 = arith.cmpi slt, %rem3A_1511, %lt3A_1514 : i32
      %lt3A_1516 = arith.constant 0 : i32
      %lt3A_1517 = arith.cmpi slt, %select_n3A_1510, %lt3A_1516 : i32
      %ne3A_1518 = arith.xori %lt3A_1515, %lt3A_1517 : i1
      %and3A_1519 = arith.andi %ne3A_1518, %ne3A_1513 : i1
      %add3A_1520 = arith.addi %rem3A_1511, %select_n3A_1510 : i32
      %select_n3A_1521 = arith.select %and3A_1519, %add3A_1520, %rem3A_1511 : i32
      %scan3A_1522 = arith.constant 0 : i32
      %scan3A_1523 = arith.constant 0 : i32
      %mul3A_1524 = arith.constant 16 : i32
      %mul3A_1525 = arith.muli %scan3A_1483, %mul3A_1524 : i32
      %mul3A_1526 = arith.constant 16 : i32
      %mul3A_1527 = arith.muli %scan3A_1523, %mul3A_1526 : i32
      %add3A_1528 = arith.addi %mul3A_1525, %mul3A_1527 : i32
      %mul3A_1529 = arith.constant 16 : i32
      %mul3A_1530 = arith.muli %scan3A_1523, %mul3A_1529 : i32
      %add3A_1531 = vector.broadcast %mul3A_1530 : i32 to vector<16xi32>
      %add3A_1532 = arith.addi %add3A_1531, %iota3A : vector<16xi32>
      %get3A_1533 = arith.index_cast %add3A_1528 : i32 to index
      %get3A_1534 = tpu.vector_load %arg9[%get3A_1533] {strides = array<i32>} : memref<512xi32, #tpu.memory_space<vmem>>, vector<16xi32>,
      %and3A_1535 = arith.constant 7 : i32
      %and3A_1536 = vector.broadcast %and3A_1535 : i32 to vector<16xi32>
      %and3A_1537 = arith.andi %get3A_1534, %and3A_1536 : vector<16xi32>
      %get3A_1538 = arith.index_cast %add3A_1528 : i32 to index
      %get3A_1539 = tpu.vector_load %arg10[%get3A_1538] {strides = array<i32>} : memref<512xi32, #tpu.memory_space<vmem>>, vector<16xi32>,
      %and3A_1540 = arith.constant 7 : i32
      %and3A_1541 = vector.broadcast %and3A_1540 : i32 to vector<16xi32>
      %and3A_1542 = arith.andi %get3A_1539, %and3A_1541 : vector<16xi32>
      %broadcast_in_dim3A = arith.constant 0.000000e+00 : f32
      %broadcast_in_dim3A_1543 = vector.broadcast %broadcast_in_dim3A : f32 to vector<16xf32>
      %scan3A_1544 = arith.constant 0 : i32
      %scan3A_1545 = arith.constant 64 : i32
      %scan3A_1546 = arith.addi %scan3A_1544, %scan3A_1545 : i32
      %scan3A_1547 = arith.constant 8 : i32
      %scan3A_1548 = scf.for %scan3A_1554 = %scan3A_1544 to %scan3A_1546 step %scan3A_1547 iter_args(%scan3A_1555 = %broadcast_in_dim3A_1543) -> (vector<16xf32>)  : i32 {
        %broadcast_in_dim3A_1556 = arith.constant 0 : i32
        %broadcast_in_dim3A_1557 = vector.broadcast %broadcast_in_dim3A_1556 : i32 to vector<16xi32>
        %add3A_1558 = vector.broadcast %scan3A_1554 : i32 to vector<16xi32>
        %add3A_1559 = arith.addi %broadcast_in_dim3A_1557, %add3A_1558 : vector<16xi32>
        %gather3A = arith.constant 0 : i32
        %gather3A_1560 = arith.constant 0 : i32
        %gather3A_1561 = arith.constant 0 : i32
        %gather3A_1562 = tpu.memref_slice %arg11[%select_n3A_1521, %gather3A, %gather3A_1560, %gather3A_1561] : memref<3x16x8x64xf32, #tpu.memory_space<vmem>> -> memref<1x16x8x64xf32, #tpu.memory_space<vmem>>
        %gather3A_1563 = tpu.memref_squeeze %gather3A_1562 : memref<1x16x8x64xf32, #tpu.memory_space<vmem>> -> memref<16x8x64xf32, #tpu.memory_space<vmem>>
        %gather3A_1564 = tpu.vector_load_idx %gather3A_1563[%add3A_1532, %and3A_1537, %add3A_1559] : memref<16x8x64xf32, #tpu.memory_space<vmem>>[vector<16xi32>, vector<16xi32>, vector<16xi32>], vector<16xf32>,
        %gather3A_1565 = arith.constant 0 : i32
        %gather3A_1566 = arith.constant 0 : i32
        %gather3A_1567 = arith.constant 0 : i32
        %gather3A_1568 = tpu.memref_slice %arg12[%select_n3A_1521, %gather3A_1565, %gather3A_1566, %gather3A_1567] : memref<3x16x8x64xf32, #tpu.memory_space<vmem>> -> memref<1x16x8x64xf32, #tpu.memory_space<vmem>>
        %gather3A_1569 = tpu.memref_squeeze %gather3A_1568 : memref<1x16x8x64xf32, #tpu.memory_space<vmem>> -> memref<16x8x64xf32, #tpu.memory_space<vmem>>
        %gather3A_1570 = tpu.vector_load_idx %gather3A_1569[%add3A_1532, %and3A_1542, %add3A_1559] : memref<16x8x64xf32, #tpu.memory_space<vmem>>[vector<16xi32>, vector<16xi32>, vector<16xi32>], vector<16xf32>,
        %mul3A_1571 = arith.mulf %gather3A_1564, %gather3A_1570 : vector<16xf32>
        %add3A_1572 = arith.addf %scan3A_1555, %mul3A_1571 : vector<16xf32>
        %scan3A_1573 = arith.constant 1 : i32
        %scan3A_1574 = arith.addi %scan3A_1554, %scan3A_1573 : i32
        %broadcast_in_dim3A_1575 = arith.constant 0 : i32
        %broadcast_in_dim3A_1576 = vector.broadcast %broadcast_in_dim3A_1575 : i32 to vector<16xi32>
        %add3A_1577 = vector.broadcast %scan3A_1574 : i32 to vector<16xi32>
        %add3A_1578 = arith.addi %broadcast_in_dim3A_1576, %add3A_1577 : vector<16xi32>
        %gather3A_1579 = arith.constant 0 : i32
        %gather3A_1580 = arith.constant 0 : i32
        %gather3A_1581 = arith.constant 0 : i32
        %gather3A_1582 = tpu.memref_slice %arg11[%select_n3A_1521, %gather3A_1579, %gather3A_1580, %gather3A_1581] : memref<3x16x8x64xf32, #tpu.memory_space<vmem>> -> memref<1x16x8x64xf32, #tpu.memory_space<vmem>>
        %gather3A_1583 = tpu.memref_squeeze %gather3A_1582 : memref<1x16x8x64xf32, #tpu.memory_space<vmem>> -> memref<16x8x64xf32, #tpu.memory_space<vmem>>
        %gather3A_1584 = tpu.vector_load_idx %gather3A_1583[%add3A_1532, %and3A_1537, %add3A_1578] : memref<16x8x64xf32, #tpu.memory_space<vmem>>[vector<16xi32>, vector<16xi32>, vector<16xi32>], vector<16xf32>,
        %gather3A_1585 = arith.constant 0 : i32
        %gather3A_1586 = arith.constant 0 : i32
        %gather3A_1587 = arith.constant 0 : i32
        %gather3A_1588 = tpu.memref_slice %arg12[%select_n3A_1521, %gather3A_1585, %gather3A_1586, %gather3A_1587] : memref<3x16x8x64xf32, #tpu.memory_space<vmem>> -> memref<1x16x8x64xf32, #tpu.memory_space<vmem>>
        %gather3A_1589 = tpu.memref_squeeze %gather3A_1588 : memref<1x16x8x64xf32, #tpu.memory_space<vmem>> -> memref<16x8x64xf32, #tpu.memory_space<vmem>>
        %gather3A_1590 = tpu.vector_load_idx %gather3A_1589[%add3A_1532, %and3A_1542, %add3A_1578] : memref<16x8x64xf32, #tpu.memory_space<vmem>>[vector<16xi32>, vector<16xi32>, vector<16xi32>], vector<16xf32>,
        %mul3A_1591 = arith.mulf %gather3A_1584, %gather3A_1590 : vector<16xf32>
        %add3A_1592 = arith.addf %add3A_1572, %mul3A_1591 : vector<16xf32>
        %scan3A_1593 = arith.constant 2 : i32
        %scan3A_1594 = arith.addi %scan3A_1554, %scan3A_1593 : i32
        %broadcast_in_dim3A_1595 = arith.constant 0 : i32
        %broadcast_in_dim3A_1596 = vector.broadcast %broadcast_in_dim3A_1595 : i32 to vector<16xi32>
        %add3A_1597 = vector.broadcast %scan3A_1594 : i32 to vector<16xi32>
        %add3A_1598 = arith.addi %broadcast_in_dim3A_1596, %add3A_1597 : vector<16xi32>
        %gather3A_1599 = arith.constant 0 : i32
        %gather3A_1600 = arith.constant 0 : i32
        %gather3A_1601 = arith.constant 0 : i32
        %gather3A_1602 = tpu.memref_slice %arg11[%select_n3A_1521, %gather3A_1599, %gather3A_1600, %gather3A_1601] : memref<3x16x8x64xf32, #tpu.memory_space<vmem>> -> memref<1x16x8x64xf32, #tpu.memory_space<vmem>>
        %gather3A_1603 = tpu.memref_squeeze %gather3A_1602 : memref<1x16x8x64xf32, #tpu.memory_space<vmem>> -> memref<16x8x64xf32, #tpu.memory_space<vmem>>
        %gather3A_1604 = tpu.vector_load_idx %gather3A_1603[%add3A_1532, %and3A_1537, %add3A_1598] : memref<16x8x64xf32, #tpu.memory_space<vmem>>[vector<16xi32>, vector<16xi32>, vector<16xi32>], vector<16xf32>,
        %gather3A_1605 = arith.constant 0 : i32
        %gather3A_1606 = arith.constant 0 : i32
        %gather3A_1607 = arith.constant 0 : i32
        %gather3A_1608 = tpu.memref_slice %arg12[%select_n3A_1521, %gather3A_1605, %gather3A_1606, %gather3A_1607] : memref<3x16x8x64xf32, #tpu.memory_space<vmem>> -> memref<1x16x8x64xf32, #tpu.memory_space<vmem>>
        %gather3A_1609 = tpu.memref_squeeze %gather3A_1608 : memref<1x16x8x64xf32, #tpu.memory_space<vmem>> -> memref<16x8x64xf32, #tpu.memory_space<vmem>>
        %gather3A_1610 = tpu.vector_load_idx %gather3A_1609[%add3A_1532, %and3A_1542, %add3A_1598] : memref<16x8x64xf32, #tpu.memory_space<vmem>>[vector<16xi32>, vector<16xi32>, vector<16xi32>], vector<16xf32>,
        %mul3A_1611 = arith.mulf %gather3A_1604, %gather3A_1610 : vector<16xf32>
        %add3A_1612 = arith.addf %add3A_1592, %mul3A_1611 : vector<16xf32>
        %scan3A_1613 = arith.constant 3 : i32
        %scan3A_1614 = arith.addi %scan3A_1554, %scan3A_1613 : i32
        %broadcast_in_dim3A_1615 = arith.constant 0 : i32
        %broadcast_in_dim3A_1616 = vector.broadcast %broadcast_in_dim3A_1615 : i32 to vector<16xi32>
        %add3A_1617 = vector.broadcast %scan3A_1614 : i32 to vector<16xi32>
        %add3A_1618 = arith.addi %broadcast_in_dim3A_1616, %add3A_1617 : vector<16xi32>
        %gather3A_1619 = arith.constant 0 : i32
        %gather3A_1620 = arith.constant 0 : i32
        %gather3A_1621 = arith.constant 0 : i32
        %gather3A_1622 = tpu.memref_slice %arg11[%select_n3A_1521, %gather3A_1619, %gather3A_1620, %gather3A_1621] : memref<3x16x8x64xf32, #tpu.memory_space<vmem>> -> memref<1x16x8x64xf32, #tpu.memory_space<vmem>>
        %gather3A_1623 = tpu.memref_squeeze %gather3A_1622 : memref<1x16x8x64xf32, #tpu.memory_space<vmem>> -> memref<16x8x64xf32, #tpu.memory_space<vmem>>
        %gather3A_1624 = tpu.vector_load_idx %gather3A_1623[%add3A_1532, %and3A_1537, %add3A_1618] : memref<16x8x64xf32, #tpu.memory_space<vmem>>[vector<16xi32>, vector<16xi32>, vector<16xi32>], vector<16xf32>,
        %gather3A_1625 = arith.constant 0 : i32
        %gather3A_1626 = arith.constant 0 : i32
        %gather3A_1627 = arith.constant 0 : i32
        %gather3A_1628 = tpu.memref_slice %arg12[%select_n3A_1521, %gather3A_1625, %gather3A_1626, %gather3A_1627] : memref<3x16x8x64xf32, #tpu.memory_space<vmem>> -> memref<1x16x8x64xf32, #tpu.memory_space<vmem>>
        %gather3A_1629 = tpu.memref_squeeze %gather3A_1628 : memref<1x16x8x64xf32, #tpu.memory_space<vmem>> -> memref<16x8x64xf32, #tpu.memory_space<vmem>>
        %gather3A_1630 = tpu.vector_load_idx %gather3A_1629[%add3A_1532, %and3A_1542, %add3A_1618] : memref<16x8x64xf32, #tpu.memory_space<vmem>>[vector<16xi32>, vector<16xi32>, vector<16xi32>], vector<16xf32>,
        %mul3A_1631 = arith.mulf %gather3A_1624, %gather3A_1630 : vector<16xf32>
        %add3A_1632 = arith.addf %add3A_1612, %mul3A_1631 : vector<16xf32>
        %scan3A_1633 = arith.constant 4 : i32
        %scan3A_1634 = arith.addi %scan3A_1554, %scan3A_1633 : i32
        %broadcast_in_dim3A_1635 = arith.constant 0 : i32
        %broadcast_in_dim3A_1636 = vector.broadcast %broadcast_in_dim3A_1635 : i32 to vector<16xi32>
        %add3A_1637 = vector.broadcast %scan3A_1634 : i32 to vector<16xi32>
        %add3A_1638 = arith.addi %broadcast_in_dim3A_1636, %add3A_1637 : vector<16xi32>
        %gather3A_1639 = arith.constant 0 : i32
        %gather3A_1640 = arith.constant 0 : i32
        %gather3A_1641 = arith.constant 0 : i32
        %gather3A_1642 = tpu.memref_slice %arg11[%select_n3A_1521, %gather3A_1639, %gather3A_1640, %gather3A_1641] : memref<3x16x8x64xf32, #tpu.memory_space<vmem>> -> memref<1x16x8x64xf32, #tpu.memory_space<vmem>>
        %gather3A_1643 = tpu.memref_squeeze %gather3A_1642 : memref<1x16x8x64xf32, #tpu.memory_space<vmem>> -> memref<16x8x64xf32, #tpu.memory_space<vmem>>
        %gather3A_1644 = tpu.vector_load_idx %gather3A_1643[%add3A_1532, %and3A_1537, %add3A_1638] : memref<16x8x64xf32, #tpu.memory_space<vmem>>[vector<16xi32>, vector<16xi32>, vector<16xi32>], vector<16xf32>,
        %gather3A_1645 = arith.constant 0 : i32
        %gather3A_1646 = arith.constant 0 : i32
        %gather3A_1647 = arith.constant 0 : i32
        %gather3A_1648 = tpu.memref_slice %arg12[%select_n3A_1521, %gather3A_1645, %gather3A_1646, %gather3A_1647] : memref<3x16x8x64xf32, #tpu.memory_space<vmem>> -> memref<1x16x8x64xf32, #tpu.memory_space<vmem>>
        %gather3A_1649 = tpu.memref_squeeze %gather3A_1648 : memref<1x16x8x64xf32, #tpu.memory_space<vmem>> -> memref<16x8x64xf32, #tpu.memory_space<vmem>>
        %gather3A_1650 = tpu.vector_load_idx %gather3A_1649[%add3A_1532, %and3A_1542, %add3A_1638] : memref<16x8x64xf32, #tpu.memory_space<vmem>>[vector<16xi32>, vector<16xi32>, vector<16xi32>], vector<16xf32>,
        %mul3A_1651 = arith.mulf %gather3A_1644, %gather3A_1650 : vector<16xf32>
        %add3A_1652 = arith.addf %add3A_1632, %mul3A_1651 : vector<16xf32>
        %scan3A_1653 = arith.constant 5 : i32
        %scan3A_1654 = arith.addi %scan3A_1554, %scan3A_1653 : i32
        %broadcast_in_dim3A_1655 = arith.constant 0 : i32
        %broadcast_in_dim3A_1656 = vector.broadcast %broadcast_in_dim3A_1655 : i32 to vector<16xi32>
        %add3A_1657 = vector.broadcast %scan3A_1654 : i32 to vector<16xi32>
        %add3A_1658 = arith.addi %broadcast_in_dim3A_1656, %add3A_1657 : vector<16xi32>
        %gather3A_1659 = arith.constant 0 : i32
        %gather3A_1660 = arith.constant 0 : i32
        %gather3A_1661 = arith.constant 0 : i32
        %gather3A_1662 = tpu.memref_slice %arg11[%select_n3A_1521, %gather3A_1659, %gather3A_1660, %gather3A_1661] : memref<3x16x8x64xf32, #tpu.memory_space<vmem>> -> memref<1x16x8x64xf32, #tpu.memory_space<vmem>>
        %gather3A_1663 = tpu.memref_squeeze %gather3A_1662 : memref<1x16x8x64xf32, #tpu.memory_space<vmem>> -> memref<16x8x64xf32, #tpu.memory_space<vmem>>
        %gather3A_1664 = tpu.vector_load_idx %gather3A_1663[%add3A_1532, %and3A_1537, %add3A_1658] : memref<16x8x64xf32, #tpu.memory_space<vmem>>[vector<16xi32>, vector<16xi32>, vector<16xi32>], vector<16xf32>,
        %gather3A_1665 = arith.constant 0 : i32
        %gather3A_1666 = arith.constant 0 : i32
        %gather3A_1667 = arith.constant 0 : i32
        %gather3A_1668 = tpu.memref_slice %arg12[%select_n3A_1521, %gather3A_1665, %gather3A_1666, %gather3A_1667] : memref<3x16x8x64xf32, #tpu.memory_space<vmem>> -> memref<1x16x8x64xf32, #tpu.memory_space<vmem>>
        %gather3A_1669 = tpu.memref_squeeze %gather3A_1668 : memref<1x16x8x64xf32, #tpu.memory_space<vmem>> -> memref<16x8x64xf32, #tpu.memory_space<vmem>>
        %gather3A_1670 = tpu.vector_load_idx %gather3A_1669[%add3A_1532, %and3A_1542, %add3A_1658] : memref<16x8x64xf32, #tpu.memory_space<vmem>>[vector<16xi32>, vector<16xi32>, vector<16xi32>], vector<16xf32>,
        %mul3A_1671 = arith.mulf %gather3A_1664, %gather3A_1670 : vector<16xf32>
        %add3A_1672 = arith.addf %add3A_1652, %mul3A_1671 : vector<16xf32>
        %scan3A_1673 = arith.constant 6 : i32
        %scan3A_1674 = arith.addi %scan3A_1554, %scan3A_1673 : i32
        %broadcast_in_dim3A_1675 = arith.constant 0 : i32
        %broadcast_in_dim3A_1676 = vector.broadcast %broadcast_in_dim3A_1675 : i32 to vector<16xi32>
        %add3A_1677 = vector.broadcast %scan3A_1674 : i32 to vector<16xi32>
        %add3A_1678 = arith.addi %broadcast_in_dim3A_1676, %add3A_1677 : vector<16xi32>
        %gather3A_1679 = arith.constant 0 : i32
        %gather3A_1680 = arith.constant 0 : i32
        %gather3A_1681 = arith.constant 0 : i32
        %gather3A_1682 = tpu.memref_slice %arg11[%select_n3A_1521, %gather3A_1679, %gather3A_1680, %gather3A_1681] : memref<3x16x8x64xf32, #tpu.memory_space<vmem>> -> memref<1x16x8x64xf32, #tpu.memory_space<vmem>>
        %gather3A_1683 = tpu.memref_squeeze %gather3A_1682 : memref<1x16x8x64xf32, #tpu.memory_space<vmem>> -> memref<16x8x64xf32, #tpu.memory_space<vmem>>
        %gather3A_1684 = tpu.vector_load_idx %gather3A_1683[%add3A_1532, %and3A_1537, %add3A_1678] : memref<16x8x64xf32, #tpu.memory_space<vmem>>[vector<16xi32>, vector<16xi32>, vector<16xi32>], vector<16xf32>,
        %gather3A_1685 = arith.constant 0 : i32
        %gather3A_1686 = arith.constant 0 : i32
        %gather3A_1687 = arith.constant 0 : i32
        %gather3A_1688 = tpu.memref_slice %arg12[%select_n3A_1521, %gather3A_1685, %gather3A_1686, %gather3A_1687] : memref<3x16x8x64xf32, #tpu.memory_space<vmem>> -> memref<1x16x8x64xf32, #tpu.memory_space<vmem>>
        %gather3A_1689 = tpu.memref_squeeze %gather3A_1688 : memref<1x16x8x64xf32, #tpu.memory_space<vmem>> -> memref<16x8x64xf32, #tpu.memory_space<vmem>>
        %gather3A_1690 = tpu.vector_load_idx %gather3A_1689[%add3A_1532, %and3A_1542, %add3A_1678] : memref<16x8x64xf32, #tpu.memory_space<vmem>>[vector<16xi32>, vector<16xi32>, vector<16xi32>], vector<16xf32>,
        %mul3A_1691 = arith.mulf %gather3A_1684, %gather3A_1690 : vector<16xf32>
        %add3A_1692 = arith.addf %add3A_1672, %mul3A_1691 : vector<16xf32>
        %scan3A_1693 = arith.constant 7 : i32
        %scan3A_1694 = arith.addi %scan3A_1554, %scan3A_1693 : i32
        %broadcast_in_dim3A_1695 = arith.constant 0 : i32
        %broadcast_in_dim3A_1696 = vector.broadcast %broadcast_in_dim3A_1695 : i32 to vector<16xi32>
        %add3A_1697 = vector.broadcast %scan3A_1694 : i32 to vector<16xi32>
        %add3A_1698 = arith.addi %broadcast_in_dim3A_1696, %add3A_1697 : vector<16xi32>
        %gather3A_1699 = arith.constant 0 : i32
        %gather3A_1700 = arith.constant 0 : i32
        %gather3A_1701 = arith.constant 0 : i32
        %gather3A_1702 = tpu.memref_slice %arg11[%select_n3A_1521, %gather3A_1699, %gather3A_1700, %gather3A_1701] : memref<3x16x8x64xf32, #tpu.memory_space<vmem>> -> memref<1x16x8x64xf32, #tpu.memory_space<vmem>>
        %gather3A_1703 = tpu.memref_squeeze %gather3A_1702 : memref<1x16x8x64xf32, #tpu.memory_space<vmem>> -> memref<16x8x64xf32, #tpu.memory_space<vmem>>
        %gather3A_1704 = tpu.vector_load_idx %gather3A_1703[%add3A_1532, %and3A_1537, %add3A_1698] : memref<16x8x64xf32, #tpu.memory_space<vmem>>[vector<16xi32>, vector<16xi32>, vector<16xi32>], vector<16xf32>,
        %gather3A_1705 = arith.constant 0 : i32
        %gather3A_1706 = arith.constant 0 : i32
        %gather3A_1707 = arith.constant 0 : i32
        %gather3A_1708 = tpu.memref_slice %arg12[%select_n3A_1521, %gather3A_1705, %gather3A_1706, %gather3A_1707] : memref<3x16x8x64xf32, #tpu.memory_space<vmem>> -> memref<1x16x8x64xf32, #tpu.memory_space<vmem>>
        %gather3A_1709 = tpu.memref_squeeze %gather3A_1708 : memref<1x16x8x64xf32, #tpu.memory_space<vmem>> -> memref<16x8x64xf32, #tpu.memory_space<vmem>>
        %gather3A_1710 = tpu.vector_load_idx %gather3A_1709[%add3A_1532, %and3A_1542, %add3A_1698] : memref<16x8x64xf32, #tpu.memory_space<vmem>>[vector<16xi32>, vector<16xi32>, vector<16xi32>], vector<16xf32>,
        %mul3A_1711 = arith.mulf %gather3A_1704, %gather3A_1710 : vector<16xf32>
        %add3A_1712 = arith.addf %add3A_1692, %mul3A_1711 : vector<16xf32>
        scf.yield %add3A_1712 : vector<16xf32>
      }
      %scan3A_1549 = arith.constant 64 : i32
      %swap3A = arith.index_cast %add3A_1528 : i32 to index
      %swap3A_1550 = tpu.vector_load %arg16[%swap3A] {strides = array<i32>} : memref<512xf32, #tpu.memory_space<vmem>>, vector<16xf32>,
      tpu.vector_store %arg16[%swap3A], %scan3A_1548 {strides = array<i32>} : memref<512xf32, #tpu.memory_space<vmem>>, vector<16xf32>,
      %scan3A_1551 = arith.constant 0 : i32
      %scan3A_1552 = arith.constant 1 : i32
      %scan3A_1553 = arith.constant 0 : i32
      scf.yield %scan3A_1553 : i32
    }
    %scan3A_1394 = arith.constant 32 : i32
    %dma_wait3A = arith.constant 0 : i32
    %dma_wait3A_1395 = arith.constant 0 : i32
    %dma_wait3A_1396 = tpu.memref_slice %arg13[%dma_wait3A_1395] : memref<512xf32, #tpu.memory_space<vmem>> -> memref<128xf32, #tpu.memory_space<vmem>>
    %dma_wait3A_1397 = arith.constant 0 : i32
    %dma_wait3A_1398 = tpu.memref_slice %arg9[%dma_wait3A_1397] : memref<512xi32, #tpu.memory_space<vmem>> -> memref<128xi32, #tpu.memory_space<vmem>>
    %dma_wait3A_1399 = arith.constant 0 : i32
    %dma_wait3A_1400 = tpu.memref_slice %arg5[%dma_wait3A, %dma_wait3A_1399] : memref<1x1000000xf32, #tpu.memory_space<hbm>> -> memref<1x1000000xf32, #tpu.memory_space<hbm>>
    %dma_wait3A_1401 = tpu.memref_squeeze %dma_wait3A_1400 : memref<1x1000000xf32, #tpu.memory_space<hbm>> -> memref<1000000xf32, #tpu.memory_space<hbm>>
    %dma_wait3A_1402 = arith.constant 0 : i32
    %dma_wait3A_1403 = tpu.memref_slice %dma_wait3A_1401[%dma_wait3A_1402] : memref<1000000xf32, #tpu.memory_space<hbm>> -> memref<1000000xf32, #tpu.memory_space<hbm>>
    tpu.wait_indirect_dma semaphore(%arg17 : memref<!tpu.dma_semaphore, #tpu.memory_space<semaphore_mem>>) src(%dma_wait3A_1403 : memref<1000000xf32, #tpu.memory_space<hbm>>) dst(%dma_wait3A_1396 : memref<128xf32, #tpu.memory_space<vmem>>)
    %dma_wait3A_1404 = arith.constant 0 : i32
    %dma_wait3A_1405 = arith.constant 0 : i32
    %dma_wait3A_1406 = tpu.memref_slice %arg14[%dma_wait3A_1405] : memref<512xf32, #tpu.memory_space<vmem>> -> memref<128xf32, #tpu.memory_space<vmem>>
    %dma_wait3A_1407 = arith.constant 0 : i32
    %dma_wait3A_1408 = tpu.memref_slice %arg10[%dma_wait3A_1407] : memref<512xi32, #tpu.memory_space<vmem>> -> memref<128xi32, #tpu.memory_space<vmem>>
    %dma_wait3A_1409 = arith.constant 0 : i32
    %dma_wait3A_1410 = tpu.memref_slice %arg6[%dma_wait3A_1404, %dma_wait3A_1409] : memref<1x1000000xf32, #tpu.memory_space<hbm>> -> memref<1x1000000xf32, #tpu.memory_space<hbm>>
    %dma_wait3A_1411 = tpu.memref_squeeze %dma_wait3A_1410 : memref<1x1000000xf32, #tpu.memory_space<hbm>> -> memref<1000000xf32, #tpu.memory_space<hbm>>
    %dma_wait3A_1412 = arith.constant 0 : i32
    %dma_wait3A_1413 = tpu.memref_slice %dma_wait3A_1411[%dma_wait3A_1412] : memref<1000000xf32, #tpu.memory_space<hbm>> -> memref<1000000xf32, #tpu.memory_space<hbm>>
    tpu.wait_indirect_dma semaphore(%arg17 : memref<!tpu.dma_semaphore, #tpu.memory_space<semaphore_mem>>) src(%dma_wait3A_1413 : memref<1000000xf32, #tpu.memory_space<hbm>>) dst(%dma_wait3A_1406 : memref<128xf32, #tpu.memory_space<vmem>>)
    %dma_wait3A_1414 = arith.constant 0 : i32
    %dma_wait3A_1415 = arith.constant 128 : i32
    %dma_wait3A_1416 = tpu.memref_slice %arg13[%dma_wait3A_1415] : memref<512xf32, #tpu.memory_space<vmem>> -> memref<128xf32, #tpu.memory_space<vmem>>
    %dma_wait3A_1417 = arith.constant 128 : i32
    %dma_wait3A_1418 = tpu.memref_slice %arg9[%dma_wait3A_1417] : memref<512xi32, #tpu.memory_space<vmem>> -> memref<128xi32, #tpu.memory_space<vmem>>
    %dma_wait3A_1419 = arith.constant 0 : i32
    %dma_wait3A_1420 = tpu.memref_slice %arg5[%dma_wait3A_1414, %dma_wait3A_1419] : memref<1x1000000xf32, #tpu.memory_space<hbm>> -> memref<1x1000000xf32, #tpu.memory_space<hbm>>
    %dma_wait3A_1421 = tpu.memref_squeeze %dma_wait3A_1420 : memref<1x1000000xf32, #tpu.memory_space<hbm>> -> memref<1000000xf32, #tpu.memory_space<hbm>>
    %dma_wait3A_1422 = arith.constant 0 : i32
    %dma_wait3A_1423 = tpu.memref_slice %dma_wait3A_1421[%dma_wait3A_1422] : memref<1000000xf32, #tpu.memory_space<hbm>> -> memref<1000000xf32, #tpu.memory_space<hbm>>
    tpu.wait_indirect_dma semaphore(%arg17 : memref<!tpu.dma_semaphore, #tpu.memory_space<semaphore_mem>>) src(%dma_wait3A_1423 : memref<1000000xf32, #tpu.memory_space<hbm>>) dst(%dma_wait3A_1416 : memref<128xf32, #tpu.memory_space<vmem>>)
    %dma_wait3A_1424 = arith.constant 0 : i32
    %dma_wait3A_1425 = arith.constant 128 : i32
    %dma_wait3A_1426 = tpu.memref_slice %arg14[%dma_wait3A_1425] : memref<512xf32, #tpu.memory_space<vmem>> -> memref<128xf32, #tpu.memory_space<vmem>>
    %dma_wait3A_1427 = arith.constant 128 : i32
    %dma_wait3A_1428 = tpu.memref_slice %arg10[%dma_wait3A_1427] : memref<512xi32, #tpu.memory_space<vmem>> -> memref<128xi32, #tpu.memory_space<vmem>>
    %dma_wait3A_1429 = arith.constant 0 : i32
    %dma_wait3A_1430 = tpu.memref_slice %arg6[%dma_wait3A_1424, %dma_wait3A_1429] : memref<1x1000000xf32, #tpu.memory_space<hbm>> -> memref<1x1000000xf32, #tpu.memory_space<hbm>>
    %dma_wait3A_1431 = tpu.memref_squeeze %dma_wait3A_1430 : memref<1x1000000xf32, #tpu.memory_space<hbm>> -> memref<1000000xf32, #tpu.memory_space<hbm>>
    %dma_wait3A_1432 = arith.constant 0 : i32
    %dma_wait3A_1433 = tpu.memref_slice %dma_wait3A_1431[%dma_wait3A_1432] : memref<1000000xf32, #tpu.memory_space<hbm>> -> memref<1000000xf32, #tpu.memory_space<hbm>>
    tpu.wait_indirect_dma semaphore(%arg17 : memref<!tpu.dma_semaphore, #tpu.memory_space<semaphore_mem>>) src(%dma_wait3A_1433 : memref<1000000xf32, #tpu.memory_space<hbm>>) dst(%dma_wait3A_1426 : memref<128xf32, #tpu.memory_space<vmem>>)
    %dma_wait3A_1434 = arith.constant 0 : i32
    %dma_wait3A_1435 = arith.constant 256 : i32
    %dma_wait3A_1436 = tpu.memref_slice %arg13[%dma_wait3A_1435] : memref<512xf32, #tpu.memory_space<vmem>> -> memref<128xf32, #tpu.memory_space<vmem>>
    %dma_wait3A_1437 = arith.constant 256 : i32
    %dma_wait3A_1438 = tpu.memref_slice %arg9[%dma_wait3A_1437] : memref<512xi32, #tpu.memory_space<vmem>> -> memref<128xi32, #tpu.memory_space<vmem>>
    %dma_wait3A_1439 = arith.constant 0 : i32
    %dma_wait3A_1440 = tpu.memref_slice %arg5[%dma_wait3A_1434, %dma_wait3A_1439] : memref<1x1000000xf32, #tpu.memory_space<hbm>> -> memref<1x1000000xf32, #tpu.memory_space<hbm>>
    %dma_wait3A_1441 = tpu.memref_squeeze %dma_wait3A_1440 : memref<1x1000000xf32, #tpu.memory_space<hbm>> -> memref<1000000xf32, #tpu.memory_space<hbm>>
    %dma_wait3A_1442 = arith.constant 0 : i32
    %dma_wait3A_1443 = tpu.memref_slice %dma_wait3A_1441[%dma_wait3A_1442] : memref<1000000xf32, #tpu.memory_space<hbm>> -> memref<1000000xf32, #tpu.memory_space<hbm>>
    tpu.wait_indirect_dma semaphore(%arg17 : memref<!tpu.dma_semaphore, #tpu.memory_space<semaphore_mem>>) src(%dma_wait3A_1443 : memref<1000000xf32, #tpu.memory_space<hbm>>) dst(%dma_wait3A_1436 : memref<128xf32, #tpu.memory_space<vmem>>)
    %dma_wait3A_1444 = arith.constant 0 : i32
    %dma_wait3A_1445 = arith.constant 256 : i32
    %dma_wait3A_1446 = tpu.memref_slice %arg14[%dma_wait3A_1445] : memref<512xf32, #tpu.memory_space<vmem>> -> memref<128xf32, #tpu.memory_space<vmem>>
    %dma_wait3A_1447 = arith.constant 256 : i32
    %dma_wait3A_1448 = tpu.memref_slice %arg10[%dma_wait3A_1447] : memref<512xi32, #tpu.memory_space<vmem>> -> memref<128xi32, #tpu.memory_space<vmem>>
    %dma_wait3A_1449 = arith.constant 0 : i32
    %dma_wait3A_1450 = tpu.memref_slice %arg6[%dma_wait3A_1444, %dma_wait3A_1449] : memref<1x1000000xf32, #tpu.memory_space<hbm>> -> memref<1x1000000xf32, #tpu.memory_space<hbm>>
    %dma_wait3A_1451 = tpu.memref_squeeze %dma_wait3A_1450 : memref<1x1000000xf32, #tpu.memory_space<hbm>> -> memref<1000000xf32, #tpu.memory_space<hbm>>
    %dma_wait3A_1452 = arith.constant 0 : i32
    %dma_wait3A_1453 = tpu.memref_slice %dma_wait3A_1451[%dma_wait3A_1452] : memref<1000000xf32, #tpu.memory_space<hbm>> -> memref<1000000xf32, #tpu.memory_space<hbm>>
    tpu.wait_indirect_dma semaphore(%arg17 : memref<!tpu.dma_semaphore, #tpu.memory_space<semaphore_mem>>) src(%dma_wait3A_1453 : memref<1000000xf32, #tpu.memory_space<hbm>>) dst(%dma_wait3A_1446 : memref<128xf32, #tpu.memory_space<vmem>>)
    %dma_wait3A_1454 = arith.constant 0 : i32
    %dma_wait3A_1455 = arith.constant 384 : i32
    %dma_wait3A_1456 = tpu.memref_slice %arg13[%dma_wait3A_1455] : memref<512xf32, #tpu.memory_space<vmem>> -> memref<128xf32, #tpu.memory_space<vmem>>
    %dma_wait3A_1457 = arith.constant 384 : i32
    %dma_wait3A_1458 = tpu.memref_slice %arg9[%dma_wait3A_1457] : memref<512xi32, #tpu.memory_space<vmem>> -> memref<128xi32, #tpu.memory_space<vmem>>
    %dma_wait3A_1459 = arith.constant 0 : i32
    %dma_wait3A_1460 = tpu.memref_slice %arg5[%dma_wait3A_1454, %dma_wait3A_1459] : memref<1x1000000xf32, #tpu.memory_space<hbm>> -> memref<1x1000000xf32, #tpu.memory_space<hbm>>
    %dma_wait3A_1461 = tpu.memref_squeeze %dma_wait3A_1460 : memref<1x1000000xf32, #tpu.memory_space<hbm>> -> memref<1000000xf32, #tpu.memory_space<hbm>>
    %dma_wait3A_1462 = arith.constant 0 : i32
    %dma_wait3A_1463 = tpu.memref_slice %dma_wait3A_1461[%dma_wait3A_1462] : memref<1000000xf32, #tpu.memory_space<hbm>> -> memref<1000000xf32, #tpu.memory_space<hbm>>
    tpu.wait_indirect_dma semaphore(%arg17 : memref<!tpu.dma_semaphore, #tpu.memory_space<semaphore_mem>>) src(%dma_wait3A_1463 : memref<1000000xf32, #tpu.memory_space<hbm>>) dst(%dma_wait3A_1456 : memref<128xf32, #tpu.memory_space<vmem>>)
    %dma_wait3A_1464 = arith.constant 0 : i32
    %dma_wait3A_1465 = arith.constant 384 : i32
    %dma_wait3A_1466 = tpu.memref_slice %arg14[%dma_wait3A_1465] : memref<512xf32, #tpu.memory_space<vmem>> -> memref<128xf32, #tpu.memory_space<vmem>>
    %dma_wait3A_1467 = arith.constant 384 : i32
    %dma_wait3A_1468 = tpu.memref_slice %arg10[%dma_wait3A_1467] : memref<512xi32, #tpu.memory_space<vmem>> -> memref<128xi32, #tpu.memory_space<vmem>>
    %dma_wait3A_1469 = arith.constant 0 : i32
    %dma_wait3A_1470 = tpu.memref_slice %arg6[%dma_wait3A_1464, %dma_wait3A_1469] : memref<1x1000000xf32, #tpu.memory_space<hbm>> -> memref<1x1000000xf32, #tpu.memory_space<hbm>>
    %dma_wait3A_1471 = tpu.memref_squeeze %dma_wait3A_1470 : memref<1x1000000xf32, #tpu.memory_space<hbm>> -> memref<1000000xf32, #tpu.memory_space<hbm>>
    %dma_wait3A_1472 = arith.constant 0 : i32
    %dma_wait3A_1473 = tpu.memref_slice %dma_wait3A_1471[%dma_wait3A_1472] : memref<1000000xf32, #tpu.memory_space<hbm>> -> memref<1000000xf32, #tpu.memory_space<hbm>>
    tpu.wait_indirect_dma semaphore(%arg17 : memref<!tpu.dma_semaphore, #tpu.memory_space<semaphore_mem>>) src(%dma_wait3A_1473 : memref<1000000xf32, #tpu.memory_space<hbm>>) dst(%dma_wait3A_1466 : memref<128xf32, #tpu.memory_space<vmem>>)
    %get3A_1474 = arith.constant 0 : index
    %get3A_1475 = tpu.vector_load %arg15[%get3A_1474] {strides = array<i32>} : memref<16xf32, #tpu.memory_space<vmem>>, vector<16xf32>,
    %scan3A_1476 = arith.constant 0 : i32
    %scan3A_1477 = arith.constant 0 : i32
    %scan3A_1478 = arith.constant 32 : i32
    %scan3A_1479 = arith.addi %scan3A_1477, %scan3A_1478 : i32
    %scan3A_1480 = arith.constant 1 : i32
    %scan3A_1481 = scf.for %scan3A_1483 = %scan3A_1477 to %scan3A_1479 step %scan3A_1480 iter_args(%scan3A_1484 = %scan3A_1476) -> (i32)  : i32 {
      %mul3A_1485 = arith.constant 16 : i32
      %mul3A_1486 = arith.muli %scan3A_1483, %mul3A_1485 : i32
      %get3A_1487 = arith.index_cast %mul3A_1486 : i32 to index
      %get3A_1488 = tpu.vector_load %arg16[%get3A_1487] {strides = array<i32>} : memref<512xf32, #tpu.memory_space<vmem>>, vector<16xf32>,
      %get3A_1489 = arith.index_cast %mul3A_1486 : i32 to index
      %get3A_1490 = tpu.vector_load %arg13[%get3A_1489] {strides = array<i32>} : memref<512xf32, #tpu.memory_space<vmem>>, vector<16xf32>,
      %add3A_1491 = arith.addf %get3A_1488, %get3A_1490 : vector<16xf32>
      %get3A_1492 = arith.index_cast %mul3A_1486 : i32 to index
      %get3A_1493 = tpu.vector_load %arg14[%get3A_1492] {strides = array<i32>} : memref<512xf32, #tpu.memory_space<vmem>>, vector<16xf32>,
      %add3A_1494 = arith.addf %add3A_1491, %get3A_1493 : vector<16xf32>
      %add3A_1495 = arith.addf %add3A_1494, %get3A_1475 : vector<16xf32>
      %swap3A = arith.index_cast %mul3A_1486 : i32 to index
      %swap3A_1496 = tpu.vector_load %arg16[%swap3A] {strides = array<i32>} : memref<512xf32, #tpu.memory_space<vmem>>, vector<16xf32>,
      tpu.vector_store %arg16[%swap3A], %add3A_1495 {strides = array<i32>} : memref<512xf32, #tpu.memory_space<vmem>>, vector<16xf32>,
      %scan3A_1497 = arith.constant 0 : i32
      scf.yield %scan3A_1497 : i32
    }
    %scan3A_1482 = arith.constant 32 : i32
    "tpu.region"() ({
      %run_scoped3A = tpu.sem_alloc : memref<!tpu.dma_semaphore, #tpu.memory_space<semaphore_mem>>
      %dma_start3A_1483 = tpu.memref_slice %arg8[%mul3A_2] : memref<16384xf32, #tpu.memory_space<hbm>> -> memref<512xf32, #tpu.memory_space<hbm>>
      %dma_start3A_1484 = tpu.memref_slice %arg8[%mul3A_2] : memref<16384xf32, #tpu.memory_space<hbm>> -> memref<512xf32, #tpu.memory_space<hbm>>
      tpu.enqueue_dma source(%arg16 : memref<512xf32, #tpu.memory_space<vmem>>) target(%dma_start3A_1484 : memref<512xf32, #tpu.memory_space<hbm>>) target_semaphore(%run_scoped3A : memref<!tpu.dma_semaphore, #tpu.memory_space<semaphore_mem>>)
      %dma_wait3A_1485 = tpu.memref_slice %arg8[%mul3A_2] : memref<16384xf32, #tpu.memory_space<hbm>> -> memref<512xf32, #tpu.memory_space<hbm>>
      %dma_wait3A_1486 = tpu.memref_slice %arg8[%mul3A_2] : memref<16384xf32, #tpu.memory_space<hbm>> -> memref<512xf32, #tpu.memory_space<hbm>>
      tpu.wait_dma2 semaphore(%run_scoped3A : memref<!tpu.dma_semaphore, #tpu.memory_space<semaphore_mem>>) src(%arg16 : memref<512xf32, #tpu.memory_space<vmem>>) dst(%dma_wait3A_1486 : memref<512xf32, #tpu.memory_space<hbm>>)
      tpu.yield
    }) : () -> ()
    return
  }
}

</mosaic_0001>

<sc_bundles>
// kernel: _run.3.cloned.1.call-start
scs
__scs_entry_jumppad:
0x0: {  	(pc) =	sbr.rel $0x88, $3  }
0x1: {  	(tag) =	ssettag $0x0;
	lr =	simm.s32 $0x1  }
0x2: {  	[smem:$0x3F9B] =	sst lr;
	_ =	strace $0xD0000000  }
0x3: {  	_ = 	snop  }
0x4: {  	_ = 	snop  }
0x5: {  	_ = 	snop  }
0x6: {  	_ = 	snop  }
0x7: {  	_ = 	snop  }
__scs_overlays_trampoline_lowered:
0x8: {  	[smem:$0x3FAA] =	sst s0  }
0x9: {  	[smem:$0x3FAB] =	sst s1  }
0xa: {  	[smem:$0x3FAC] =	sst s2  }
0xb: {  	[smem:$0x3FAD] =	sst s3  }
0xc: {  	[smem:$0x3FAE] =	sst s4  }
0xd: {  	[smem:$0x3FAF] =	sst s5  }
0xe: {  	[smem:$0x3FB0] =	sst s6  }
0xf: {  	[smem:$0x3FB1] =	sst s7  }
0x10: {  	[smem:$0x3FB2] =	sst s8  }
0x11: {  	[smem:$0x3FB3] =	sst s9;
	s0 =	simm.s32 @!p0 $0x0  }
0x12: {  	s1 =	sld [smem:$0x3F99];
	s0 =	simm.s32 @p0 $0x1  }
0x13: {  	[smem:$0x3FB4] =	sst s0;
	s0 =	simm.s32 @!p1 $0x0  }
0x14: {  	s2 =	sld [smem:$0x3F98];
	s0 =	simm.s32 @p1 $0x1  }
0x15: {  	[smem:$0x3FB5] =	sst s0;
	s0 =	simm.s32 @!p2 $0x0  }
0x16: {  	s3 =	sld [smem:$0x3FDB];
	s0 =	simm.s32 @p2 $0x1  }
0x17: {  	s4 =	simm.s32 $0x1BF5;
	[smem:$0x3FB7] =	sst s0  }
0x18: {  	s0 =	sld [smem:$0x3F9A];
	_ =	swait.ge [sflag:s4], $0x0  }
0x19: {  	s7 =	sld [smem:$0x3F9B]  }
0x1a: {  	s8 =	sadd.s32 $0xFFFFE003, lr  }
0x1b: {  	s9 =	sadd.s32 $0xFFFFFEF7, lr;
	s5 =	simm.s32 $0xFFFFFFFF;
	p2 =	slt.u32 s8, $0xFFFFF086  }
0x1c: {  	p1 =	slt.u32 s9, $0xF7A;
	s5 =	simm.s32 @!p2 $0x0  }
0x1d: {  	s5 =	simm.s32 @p1 $0x1;
	p0 =	seq.s32 s7, s2  }
0x1e: {  	s7 =	smul.u32 @!p0 $0xF7A, s2;
	p2 =	seq.s32 @!p0 s5, $0x0  }
0x1f: {  	s9 =	smul.u32 $0xF7A, s1;
	s8 =	simm.s32 @!p0 $0x1BF5;
	p2 =	por !p2, p0  }
0x20: {  	[sflag:s8] =	ssyncset.s32 @!p0 $0xFFFFF086;
	s6 =	sadd.s32 @!p0 s3, s7;
	s7 =	simm.s32 @!p0 $0x108  }
0x21: {  	s3 =	sadd.s32 s3, s9;
	s6 =	sadd.s32 @!p0 $0x88, s6;
	s7 =	simm.s32 @p2 $0x1082  }
0x22: {  	[simem:s7], [sflag:s8] =	dma.local @!p0 [hbm:s6], $0xF7A  }
0x23: {  	s9 =	sor.u32 $0xD0000000, s2;
	s6 =	simm.s32 $0x108;
	_ =	swait.ge @!p0 [sflag:s8], $0x0  }
0x24: {  	s3 =	sadd.s32 $0x88, s3;
	s6 =	simm.s32 @!p1 $0x1082;
	[sflag:s4] =	ssyncset.s32 $0xFFFFF086  }
0x25: {  	[simem:s6], [sflag:s4] =	dma.local [hbm:s3], $0xF7A  }
0x26: {  	[smem:$0x3F9B] =	sst s1;
	(tag) =	ssettag s2;
	_ =	strace s9  }
0x27: {  	s1 =	sld [smem:$0x3FAB]  }
0x28: {  	s2 =	sld [smem:$0x3FAC]  }
0x29: {  	s4 =	sld [smem:$0x3FAE]  }
0x2a: {  	p0 =	seq.s32 s5, $0x0;
	s5 =	sld [smem:$0x3FAF]  }
0x2b: {  	s6 =	sld [smem:$0x3FB0]  }
0x2c: {  	s7 =	sld [smem:$0x3FB1]  }
0x2d: {  	s3 =	simm.s32 $0x108;
	s8 =	sld [smem:$0x3FB2]  }
0x2e: {  	s3 =	simm.s32 @!p0 $0x1082;
	s9 =	sld [smem:$0x3FB3]  }
0x2f: {  	lr =	sadd.s32 s0, s3;
	s0 =	sld [smem:$0x3FAA]  }
0x30: {  	s3 =	sld [smem:$0x3FAD]  }
0x31: {  	[smem:$0x3FB6] =	sst s10  }
0x32: {  	s10 =	sld [smem:$0x3FB4];
	_ =	sdelay $0x3  }
0x33: {  	p0 =	seq.s32 s10, $0x1;
	s10 =	sld [smem:$0x3FB6];
	_ =	sdelay $0x3  }
0x34: {  	[smem:$0x3FB6] =	sst s10  }
0x35: {  	s10 =	sld [smem:$0x3FB5];
	_ =	sdelay $0x3  }
0x36: {  	p1 =	seq.s32 s10, $0x1;
	s10 =	sld [smem:$0x3FB6];
	_ =	sdelay $0x3  }
0x37: {  	[smem:$0x3FB6] =	sst s10  }
0x38: {  	s10 =	sld [smem:$0x3FB7]  }
0x39: {  	_ = 	snop;
	(pc) =	sbr.ind lr, $3  }
0x3a: {  	_ = 	snop  }
0x3b: {  	_ = 	snop  }
0x3c: {  	p2 =	seq.s32 s10, $0x1;
	s10 =	sld [smem:$0x3FB6]  }
0x3d: {  	_ =	shalt  }
0x3e: {  	_ =	shalt  }
0x3f: {  	_ =	shalt  }
0x40: {  	_ =	shalt  }
0x41: {  	_ =	shalt  }
0x42: {  	_ =	shalt  }
0x43: {  	_ =	shalt  }
0x44: {  	_ =	shalt  }
0x45: {  	_ =	shalt  }
0x46: {  	_ =	shalt  }
0x47: {  	_ =	shalt  }
0x48: {  	_ =	shalt  }
0x49: {  	_ =	shalt  }
0x4a: {  	_ =	shalt  }
0x4b: {  	_ =	shalt  }
0x4c: {  	_ =	shalt  }
0x4d: {  	_ =	shalt  }
0x4e: {  	_ =	shalt  }
0x4f: {  	_ =	shalt  }
0x50: {  	_ =	shalt  }
0x51: {  	_ =	shalt  }
0x52: {  	_ =	shalt  }
0x53: {  	_ =	shalt  }
0x54: {  	_ =	shalt  }
0x55: {  	_ =	shalt  }
0x56: {  	_ =	shalt  }
0x57: {  	_ =	shalt  }
0x58: {  	_ =	shalt  }
0x59: {  	_ =	shalt  }
0x5a: {  	_ =	shalt  }
0x5b: {  	_ =	shalt  }
0x5c: {  	_ =	shalt  }
0x5d: {  	_ =	shalt  }
0x5e: {  	_ =	shalt  }
0x5f: {  	_ =	shalt  }
0x60: {  	_ =	shalt  }
0x61: {  	_ =	shalt  }
0x62: {  	_ =	shalt  }
0x63: {  	_ =	shalt  }
0x64: {  	_ =	shalt  }
0x65: {  	_ =	shalt  }
0x66: {  	_ =	shalt  }
0x67: {  	_ =	shalt  }
0x68: {  	_ =	shalt  }
0x69: {  	_ =	shalt  }
0x6a: {  	_ =	shalt  }
0x6b: {  	_ =	shalt  }
0x6c: {  	_ =	shalt  }
0x6d: {  	_ =	shalt  }
0x6e: {  	_ =	shalt  }
0x6f: {  	_ =	shalt  }
0x70: {  	_ =	shalt  }
0x71: {  	_ =	shalt  }
0x72: {  	_ =	shalt  }
0x73: {  	_ =	shalt  }
0x74: {  	_ =	shalt  }
0x75: {  	_ =	shalt  }
0x76: {  	_ =	shalt  }
0x77: {  	_ =	shalt  }
0x78: {  	_ =	shalt  }
0x79: {  	_ =	shalt  }
0x7a: {  	_ =	shalt  }
0x7b: {  	_ =	shalt  }
0x7c: {  	_ =	shalt  }
0x7d: {  	_ =	shalt  }
0x7e: {  	_ =	shalt  }
0x7f: {  	_ =	shalt  }
0x80: {  	_ =	shalt  }
0x81: {  	_ =	shalt  }
0x82: {  	_ =	shalt  }
0x83: {  	_ =	shalt  }
0x84: {  	_ =	shalt  }
0x85: {  	_ =	shalt  }
0x86: {  	_ =	shalt  }
0x87: {  	_ =	shalt  }
.Lfunc_end0:
.L_simem_size_0:
called_computation_lowered:
.L_overlay_start_0:
0x88: {  	s2 =	sld [smem:$0x3FD9]  }
0x89: {  	s3 =	sld [smem:$0x3FFE];
	_ =	sdelay $0x1  }
0x8a: {  	s1 =	srdreg.scid  }
0x8b: {  	s0 =	sand.u32 $0x1, s1  }
0x8c: {  	s17 =	sshll.u32 s0, $0xA;
	s2 =	sadd.s32 s3, s2  }
0x8d: {  	s2 =	sadd.s32 s2, s17  }
0x8e: {  	[smem:$0x3FC2] =	sst s2  }
0x8f: {  	_ = 	snop  }
0x90: {  	s2 =	sld [smem:$0x3FC9]  }
0x91: {  	s18 =	sld [smem:$0x3FC8]  }
0x92: {  	s4 =	sld [smem:$0x3FC6]  }
0x93: {  	s5 =	sld [smem:$0x3FC5]  }
0x94: {  	s6 =	sld [smem:$0x3FC4]  }
0x95: {  	s7 =	sld [smem:$0x3FD0];
	(tm) =	ssettm $0x1  }
0x96: {  	s8 =	sld [smem:$0x3FFB];
	_ =	sdelay $0x3  }
0x97: {  	_ =	strace s8  }
0x98: {  	s8 =	sld [smem:$0x3FFC];
	_ =	sdelay $0x3  }
0x99: {  	_ =	strace s8  }
0x9a: {  	s8 =	sld [smem:$0x3FFD];
	_ =	sdelay $0x3  }
0x9b: {  	_ =	strace s8  }
0x9c: {  	_ =	strace $0x8FFFFFFF  }
0x9d: {  	s19 =	sld [smem:$0x3FDB];
	_ =	sdelay $0x1  }
0x9e: {  	s9 =	simm.s32 $_scs_section_size  }
0x9f: {  	s10 =	simm.s32 $_size__tile_overlayer_lowered;
	s11 =	simm.s32 $_tile_overlayer_lowered  }
0xa0: {  	s22 =	simm.s32 $0x1BFF;
	s21 =	sshll.u32 s11, $0x1;
	s8 =	sadd.s32 s9, s19  }
0xa1: {  	s12 =	simm.s32 $0x0;
	s20 =	sshll.u32 s10, $0x1;
	s10 =	sadd.s32 s21, s8  }
0xa2: {  	[timem:s12], [sflag:s22] =	dma.local [hbm:s10], s20  }
0xa3: {  	_ =	swait.ge [sflag:s22], s20  }
0xa4: {  	s9 =	ssub.s32 $0x0, s20;
	[sflag:s22] =	ssyncset.done $0x0  }
0xa5: {  	[sflag:s22] =	ssyncadd.s32 s9;
	_ =	sdelay $0x1  }
0xa6: {  	s23 =	simm.s32 $0x1B8B  }
0xa7: {  	_ =	swait.ge [sflag:s23], $0x1  }
0xa8: {  	[sflag:s23] =	ssyncset.done $0x0  }
0xa9: {  	s25 =	simm.s32 $0x1B8E;
	s24 =	sld [smem:$0x3FFE];
	[sflag:s23] =	ssyncadd.s32 $0xFFFFFFFF  }
0xaa: {  	s26 =	simm.s32 $execute0_lowered;
	[smem:$0x3FD2] =	sst s25  }
0xab: {  	s10 =	sshll.u32 s26, $0x1;
	_ =	strace $0x80000046;
	[dreg:$0x1] =	wrdreg $0xFFFFFFFF  }
0xac: {  	s28 =	simm.s32 $_size_execute0_lowered;
	s8 =	sadd.s32 s8, s10;
	[dreg:$0x0] =	wrdreg $0x0  }
0xad: {  	s10 =	sshll.u32 s28, $0x1;
	[dreg:$0x2] =	wrdreg s8  }
0xae: {  	[dreg:$0x3] =	wrdreg s10  }
0xaf: {  	[dreg:$0x4] =	wrdreg $0xC0  }
0xb0: {  	_ =	task [dreg:s12], $0x5FFFF  }
0xb1: {  	[dreg:$0x1] =	wrdreg $0xFFFFFFFF  }
0xb2: {  	[dreg:$0x0] =	wrdreg $0x60  }
0xb3: {  	[dreg:$0x2] =	wrdreg s2  }
0xb4: {  	[dreg:$0x3] =	wrdreg s18  }
0xb5: {  	[dreg:$0x4] =	wrdreg s24  }
0xb6: {  	[dreg:$0x5] =	wrdreg s4  }
0xb7: {  	[dreg:$0x6] =	wrdreg s5  }
0xb8: {  	[dreg:$0x7] =	wrdreg s6  }
0xb9: {  	[dreg:$0x8] =	wrdreg s7  }
0xba: {  	[dreg:$0x9] =	wrdreg $0x9  }
0xbb: {  	_ =	task.clear_ibuf [dreg:s12], $0xAFFFF;
	_ =	strace $0x90000046  }
0xbc: {  	s29 =	simm.s32 $0x9;
	_ =	strace $0x80000048  }
0xbd: {  	_ =	swait.ge [sflag:s29], $0x1  }
0xbe: {  	[sflag:s29] =	ssyncadd.s32 $0xFFFFFFFF  }
0xbf: {  	_ =	strace $0x90000048  }
0xc0: {  	_ =	sfence  }
0xc1: {  	s30 =	sld [smem:$0x0];
	_ =	sdelay $0x2  }
0xc2: {  	s31 =	sshll.u32 s1, $0xD;
	s1 =	sshrl.u32 s1, $0x2  }
0xc3: {  	s3 =	sand.u32 $0x4000, s31;
	s1 =	sadd.s32 s1, s30  }
0xc4: {  	s0 =	sor.u32 s3, s0;
	s1 =	sshll.u32 s1, $0x11  }
0xc5: {  	s0 =	sor.u32 s1, s0  }
0xc6: {  	s0 =	sadd.s32 $0x8F2B, s0  }
0xc7: {  	[sflag:s0] =	ssyncadd.remote.s32 $0x1  }
0xc8: {  	_ =	sfence.sel $0xFFFF  }
0xc9: {  	[dreg:$0x0] =	wrdreg $0xFFFFFFFF;
	(pc) =	sbr.abs _section_cstart, $3  }
0xca: {  	[dreg:$0x1] =	wrdreg $0xFFFFFFFF  }
0xcb: {  	_ =	task.clear_ibuf [dreg:s12], $0x2FFFF;
	_ =	strace $0x9FFFFFFF  }
0xcc: {  	(tm) =	ssettm $0x7FFFFFFF  }
0xcd: {  	_ =	shalt  }
tec
execute0_lowered:
.L_overlay_start_1:
0x0: {  	(tag) =	ssettag $0x1  }
0x1: {  	s0 =	rddreg [dreg:$0x0]  }
0x2: {  	s3 =	rddreg [dreg:$0x1]  }
0x3: {  	s4 =	rddreg [dreg:$0x2]  }
0x4: {  	s1 =	rddreg [dreg:$0x3]  }
0x5: {  	s2 =	rddreg [dreg:$0x4]  }
0x6: {  	s9 =	rddreg [dreg:$0x6];
	s5 =	simm.s32 $0x0;
	s6 =	srdreg.scid  }
0x7: {  	s8 =	stileid.u32;
	s12 =	simm.s32 $0x200;
	s14 =	simm.s32 $0x80  }
0x8: {  	s23 =	simm.s32 $0x13000;
	s24 =	simm.s32 $0x7400;
	s25 =	simm.s32 $0x13400  }
0x9: {  	s28 =	simm.s32 $0x13800;
	s29 =	simm.s32 $0x7C00;
	s30 =	simm.s32 $0x13C00  }
0xa: {  	s31 =	simm.s32 $0x8000;
	s13 =	simm.s32 $0x0;
	s6 =	sand.u32 $0x1, s6  }
0xb: {  	[smem:$0x7FF] =	sst s5;
	s8 =	sshll.u32 s8, $0x7;
	s7 =	ssub.s32 $0x2, s6  }
0xc: {  	s6 =	sshll.u32 s6, $0x6;
	_ =	strace $0x80000047;
	s10 =	sshrl.u32 s7, $0x1  }
0xd: {  	s11 =	sor.u32 s6, s8;
	s6 =	sadd.s32 $0x400, s4;
	s4 =	simm.s32 $0x1  }
0xe: {  	s26 =	ssub.s32 s7, s10;
	s7 =	sadd.s32 s0, s11;
	s8 =	sadd.s32 s3, s11  }
0xf: {  	v0 =	vlaneseq.u32;
	s9 =	sadd.s32 s9, s11;
	s11 =	simm.s32 $0x8;
	s0 =	simm.s32 $0x14000  }
0x10: {  	v0 =	vmul.u32 $0x400, v0;
	s3 =	simm.s32 $0x18880;
	s10 =	smax.u32 s26, $0x1;
	s26 =	simm.s32 $0x7800  }
.LBB2_1:
0x11: {  	[tilespmem:s5], [sflag:$0x8] =	stream.linear.gather [hbm4b:s7+s5], $0x200, $0x38;
	[tilespmem:$0x18A80] =	vst v63  }
0x12: {  	_ =	swait.ge [sflag:s11], $0x200  }
0x13: {  	[sflag:s11] =	ssyncset.done $0x0  }
0x14: {  	[sflag:s11] =	ssyncadd.s32 $0xFFFFFE00  }
0x15: {  	[tilespmem:s12], [sflag:$0x8] =	stream.linear.gather [hbm4b:s8+s5], $0x200, $0x38;
	[tilespmem:$0x18A80] =	vst v63  }
0x16: {  	_ =	swait.ge [sflag:s11], $0x200  }
0x17: {  	[sflag:s11] =	ssyncset.done $0x0  }
0x18: {  	[sflag:s11] =	ssyncadd.s32 $0xFFFFFE00  }
0x19: {  	s16 =	simm.s32 $0x18800;
	s15 =	rddreg [dreg:$0x5]  }
0x1a: {  	[tilespmem:s16], [sflag:$0x8] =	stream.linear.gather [hbm4b:s15+s5], $0x80, $0x38;
	[tilespmem:$0x18A80] =	vst v63  }
0x1b: {  	_ =	swait.ge [sflag:s11], $0x80  }
0x1c: {  	[sflag:s11] =	ssyncset.done $0x0  }
0x1d: {  	s18 =	simm.s32 $0x18400;
	[sflag:s11] =	ssyncadd.s32 $0xFFFFFF80  }
0x1e: {  	[tilespmem:s18], [sflag:$0x1] =	stream.indirect.gather [hbm4b:s1+s14], $0x1, s5, s14, $0xb8;
	[tilespmem:$0x18A80] =	vst v63  }
0x1f: {  	s19 =	simm.s32 $0x18600  }
0x20: {  	[tilespmem:s19], [sflag:$0x1] =	stream.indirect.gather [hbm4b:s2+s14], $0x1, s12, s14, $0xb8;
	[tilespmem:$0x18A80] =	vst v63  }
0x21: {  	s20 =	simm.s32 $0x18480  }
0x22: {  	[tilespmem:s20], [sflag:$0x1] =	stream.indirect.gather [hbm4b:s1+s14], $0x1, s14, s14, $0xb8;
	[tilespmem:$0x18A80] =	vst v63  }
0x23: {  	s21 =	simm.s32 $0x280;
	s22 =	simm.s32 $0x18680  }
0x24: {  	[tilespmem:s22], [sflag:$0x1] =	stream.indirect.gather [hbm4b:s2+s14], $0x1, s21, s14, $0xb8;
	[tilespmem:$0x18A80] =	vst v63  }
0x25: {  	s17 =	simm.s32 $0x100;
	s18 =	simm.s32 $0x18500  }
0x26: {  	[tilespmem:s18], [sflag:$0x1] =	stream.indirect.gather [hbm4b:s1+s14], $0x1, s17, s14, $0xb8;
	[tilespmem:$0x18A80] =	vst v63  }
0x27: {  	s19 =	simm.s32 $0x300;
	s20 =	simm.s32 $0x18700  }
0x28: {  	[tilespmem:s20], [sflag:$0x1] =	stream.indirect.gather [hbm4b:s2+s14], $0x1, s19, s14, $0xb8;
	[tilespmem:$0x18A80] =	vst v63  }
0x29: {  	s21 =	simm.s32 $0x180;
	s22 =	simm.s32 $0x18580  }
0x2a: {  	[tilespmem:s22], [sflag:$0x1] =	stream.indirect.gather [hbm4b:s1+s14], $0x1, s21, s14, $0xb8;
	[tilespmem:$0x18A80] =	vst v63  }
0x2b: {  	s17 =	simm.s32 $0x380;
	s18 =	simm.s32 $0x18780  }
0x2c: {  	[tilespmem:s18], [sflag:$0x1] =	stream.indirect.gather [hbm4b:s2+s14], $0x1, s17, s14, $0xb8;
	[tilespmem:$0x18A80] =	vst v63  }
0x2d: {  	v1 =	vld [tilespmem:$0x0];
	_ =	sdelay $0x1  }
0x2e: {  	v2 =	vld [tilespmem:$0x200];
	_ =	sdelay $0x2  }
0x2f: {  	v1 =	vand.u32 $0xFFFFFFF8, v1  }
0x30: {  	v1 =	vshll.u32 v1, $0x4  }
0x31: {  	v2 =	vand.u32 $0xFFFFFFF8, v2;
	v1 =	vadd.s32 s6, v1  }
0x32: {  	v2 =	vshll.u32 v2, $0x4;
	(v2sf) =	vpush v1, $0x0  }
0x33: {  	v2 =	vadd.s32 s6, v2  }
0x34: {  	(v2sf) =	vpush v2, $0x0;
	_ =	sdelay $0x1  }
0x35: {  	(v2sf) =	vpush v1, $0x1;
	_ =	sdelay $0x1  }
0x36: {  	(v2sf) =	vpush v2, $0x1;
	_ =	sdelay $0x1  }
0x37: {  	(v2sf) =	vpush v1, $0x2;
	_ =	sdelay $0x1  }
0x38: {  	(v2sf) =	vpush v2, $0x2;
	_ =	sdelay $0x1  }
0x39: {  	(v2sf) =	vpush v1, $0x3;
	_ =	sdelay $0x1  }
0x3a: {  	(v2sf) =	vpush v2, $0x3  }
0x3b: {  	s20 =	simm.s32 $0x400;
	s19 =	spop (v2sf)  }
0x3c: {  	(v2sf) =	vpush v1, $0x4;
	[tilespmem:s20], [sflag:$0x2] =	stream.linear.gather [hbm4b:s19+s5], $0x400, $0x38;
	[tilespmem:$0x18A80] =	vst v63  }
0x3d: {  	s22 =	simm.s32 $0xC400;
	s21 =	spop (v2sf)  }
0x3e: {  	(v2sf) =	vpush v2, $0x4;
	[tilespmem:s22], [sflag:$0x5] =	stream.linear.gather [hbm4b:s21+s5], $0x400, $0x38;
	[tilespmem:$0x18A80] =	vst v63  }
0x3f: {  	s18 =	simm.s32 $0x800;
	s17 =	spop (v2sf)  }
0x40: {  	(v2sf) =	vpush v1, $0x5;
	[tilespmem:s18], [sflag:$0x2] =	stream.linear.gather [hbm4b:s17+s5], $0x400, $0x38;
	[tilespmem:$0x18A80] =	vst v63  }
0x41: {  	s20 =	simm.s32 $0xC800;
	s19 =	spop (v2sf)  }
0x42: {  	(v2sf) =	vpush v2, $0x5;
	[tilespmem:s20], [sflag:$0x5] =	stream.linear.gather [hbm4b:s19+s5], $0x400, $0x38;
	[tilespmem:$0x18A80] =	vst v63  }
0x43: {  	s22 =	simm.s32 $0xC00;
	s21 =	spop (v2sf)  }
0x44: {  	(v2sf) =	vpush v1, $0x6;
	[tilespmem:s22], [sflag:$0x2] =	stream.linear.gather [hbm4b:s21+s5], $0x400, $0x38;
	[tilespmem:$0x18A80] =	vst v63  }
0x45: {  	s17 =	spop (v2sf);
	s18 =	simm.s32 $0xCC00  }
0x46: {  	(v2sf) =	vpush v2, $0x6;
	[tilespmem:s18], [sflag:$0x5] =	stream.linear.gather [hbm4b:s17+s5], $0x400, $0x38;
	[tilespmem:$0x18A80] =	vst v63  }
0x47: {  	s19 =	spop (v2sf);
	s20 =	simm.s32 $0x1000  }
0x48: {  	(v2sf) =	vpush v1, $0x7;
	[tilespmem:s20], [sflag:$0x2] =	stream.linear.gather [hbm4b:s19+s5], $0x400, $0x38;
	[tilespmem:$0x18A80] =	vst v63  }
0x49: {  	s21 =	spop (v2sf);
	s22 =	simm.s32 $0xD000  }
0x4a: {  	(v2sf) =	vpush v2, $0x7;
	[tilespmem:s22], [sflag:$0x5] =	stream.linear.gather [hbm4b:s21+s5], $0x400, $0x38;
	[tilespmem:$0x18A80] =	vst v63  }
0x4b: {  	s18 =	simm.s32 $0x1400;
	s17 =	spop (v2sf)  }
0x4c: {  	(v2sf) =	vpush v1, $0x8;
	[tilespmem:s18], [sflag:$0x2] =	stream.linear.gather [hbm4b:s17+s5], $0x400, $0x38;
	[tilespmem:$0x18A80] =	vst v63  }
0x4d: {  	s20 =	simm.s32 $0xD400;
	s19 =	spop (v2sf)  }
0x4e: {  	(v2sf) =	vpush v2, $0x8;
	[tilespmem:s20], [sflag:$0x5] =	stream.linear.gather [hbm4b:s19+s5], $0x400, $0x38;
	[tilespmem:$0x18A80] =	vst v63  }
0x4f: {  	s22 =	simm.s32 $0x1800;
	s21 =	spop (v2sf)  }
0x50: {  	(v2sf) =	vpush v1, $0x9;
	[tilespmem:s22], [sflag:$0x2] =	stream.linear.gather [hbm4b:s21+s5], $0x400, $0x38;
	[tilespmem:$0x18A80] =	vst v63  }
0x51: {  	s18 =	simm.s32 $0xD800;
	s17 =	spop (v2sf)  }
0x52: {  	(v2sf) =	vpush v2, $0x9;
	[tilespmem:s18], [sflag:$0x5] =	stream.linear.gather [hbm4b:s17+s5], $0x400, $0x38;
	[tilespmem:$0x18A80] =	vst v63  }
0x53: {  	s19 =	spop (v2sf);
	s20 =	simm.s32 $0x1C00  }
0x54: {  	(v2sf) =	vpush v1, $0xA;
	[tilespmem:s20], [sflag:$0x2] =	stream.linear.gather [hbm4b:s19+s5], $0x400, $0x38;
	[tilespmem:$0x18A80] =	vst v63  }
0x55: {  	s21 =	spop (v2sf);
	s22 =	simm.s32 $0xDC00  }
0x56: {  	(v2sf) =	vpush v2, $0xA;
	[tilespmem:s22], [sflag:$0x5] =	stream.linear.gather [hbm4b:s21+s5], $0x400, $0x38;
	[tilespmem:$0x18A80] =	vst v63  }
0x57: {  	s17 =	spop (v2sf);
	s18 =	simm.s32 $0x2000  }
0x58: {  	(v2sf) =	vpush v1, $0xB;
	[tilespmem:s18], [sflag:$0x2] =	stream.linear.gather [hbm4b:s17+s5], $0x400, $0x38;
	[tilespmem:$0x18A80] =	vst v63  }
0x59: {  	s19 =	spop (v2sf);
	s20 =	simm.s32 $0xE000  }
0x5a: {  	(v2sf) =	vpush v2, $0xB;
	[tilespmem:s20], [sflag:$0x5] =	stream.linear.gather [hbm4b:s19+s5], $0x400, $0x38;
	[tilespmem:$0x18A80] =	vst v63  }
0x5b: {  	s22 =	simm.s32 $0x2400;
	s21 =	spop (v2sf)  }
0x5c: {  	(v2sf) =	vpush v1, $0xC;
	[tilespmem:s22], [sflag:$0x2] =	stream.linear.gather [hbm4b:s21+s5], $0x400, $0x38;
	[tilespmem:$0x18A80] =	vst v63  }
0x5d: {  	s18 =	simm.s32 $0xE400;
	s17 =	spop (v2sf)  }
0x5e: {  	(v2sf) =	vpush v2, $0xC;
	[tilespmem:s18], [sflag:$0x5] =	stream.linear.gather [hbm4b:s17+s5], $0x400, $0x38;
	[tilespmem:$0x18A80] =	vst v63  }
0x5f: {  	s20 =	simm.s32 $0x2800;
	s19 =	spop (v2sf)  }
0x60: {  	(v2sf) =	vpush v1, $0xD;
	[tilespmem:s20], [sflag:$0x2] =	stream.linear.gather [hbm4b:s19+s5], $0x400, $0x38;
	[tilespmem:$0x18A80] =	vst v63  }
0x61: {  	s21 =	spop (v2sf);
	s22 =	simm.s32 $0xE800  }
0x62: {  	(v2sf) =	vpush v2, $0xD;
	[tilespmem:s22], [sflag:$0x5] =	stream.linear.gather [hbm4b:s21+s5], $0x400, $0x38;
	[tilespmem:$0x18A80] =	vst v63  }
0x63: {  	s17 =	spop (v2sf);
	s18 =	simm.s32 $0x2C00  }
0x64: {  	(v2sf) =	vpush v1, $0xE;
	[tilespmem:s18], [sflag:$0x2] =	stream.linear.gather [hbm4b:s17+s5], $0x400, $0x38;
	[tilespmem:$0x18A80] =	vst v63  }
0x65: {  	s19 =	spop (v2sf);
	s20 =	simm.s32 $0xEC00  }
0x66: {  	(v2sf) =	vpush v2, $0xE;
	[tilespmem:s20], [sflag:$0x5] =	stream.linear.gather [hbm4b:s19+s5], $0x400, $0x38;
	[tilespmem:$0x18A80] =	vst v63  }
0x67: {  	s21 =	spop (v2sf);
	s22 =	simm.s32 $0x3000  }
0x68: {  	(v2sf) =	vpush v1, $0xF;
	[tilespmem:s22], [sflag:$0x2] =	stream.linear.gather [hbm4b:s21+s5], $0x400, $0x38;
	[tilespmem:$0x18A80] =	vst v63  }
0x69: {  	s17 =	spop (v2sf);
	s18 =	simm.s32 $0xF000  }
0x6a: {  	(v2sf) =	vpush v2, $0xF;
	[tilespmem:s18], [sflag:$0x5] =	stream.linear.gather [hbm4b:s17+s5], $0x400, $0x38;
	[tilespmem:$0x18A80] =	vst v63  }
0x6b: {  	s20 =	simm.s32 $0x3400;
	s19 =	spop (v2sf)  }
0x6c: {  	[tilespmem:s20], [sflag:$0x2] =	stream.linear.gather [hbm4b:s19+s5], $0x400, $0x38;
	[tilespmem:$0x18A80] =	vst v63  }
0x6d: {  	s22 =	simm.s32 $0xF400;
	s21 =	spop (v2sf)  }
0x6e: {  	[tilespmem:s22], [sflag:$0x5] =	stream.linear.gather [hbm4b:s21+s5], $0x400, $0x38;
	[tilespmem:$0x18A80] =	vst v63  }
0x6f: {  	s17 =	spop (v2sf);
	s18 =	simm.s32 $0x3800  }
0x70: {  	[tilespmem:s18], [sflag:$0x2] =	stream.linear.gather [hbm4b:s17+s5], $0x400, $0x38;
	[tilespmem:$0x18A80] =	vst v63  }
0x71: {  	s19 =	spop (v2sf);
	s20 =	simm.s32 $0xF800  }
0x72: {  	[tilespmem:s20], [sflag:$0x5] =	stream.linear.gather [hbm4b:s19+s5], $0x400, $0x38;
	[tilespmem:$0x18A80] =	vst v63  }
0x73: {  	s21 =	spop (v2sf);
	s22 =	simm.s32 $0x3C00  }
0x74: {  	[tilespmem:s22], [sflag:$0x2] =	stream.linear.gather [hbm4b:s21+s5], $0x400, $0x38;
	[tilespmem:$0x18A80] =	vst v63  }
0x75: {  	s17 =	spop (v2sf);
	s18 =	simm.s32 $0xFC00  }
0x76: {  	[tilespmem:s18], [sflag:$0x5] =	stream.linear.gather [hbm4b:s17+s5], $0x400, $0x38;
	[tilespmem:$0x18A80] =	vst v63  }
0x77: {  	s19 =	spop (v2sf);
	s20 =	simm.s32 $0x4000  }
0x78: {  	[tilespmem:s20], [sflag:$0x2] =	stream.linear.gather [hbm4b:s19+s5], $0x400, $0x38;
	[tilespmem:$0x18A80] =	vst v63  }
0x79: {  	s21 =	spop (v2sf);
	s22 =	simm.s32 $0x10000  }
0x7a: {  	[tilespmem:s22], [sflag:$0x5] =	stream.linear.gather [hbm4b:s21+s5], $0x400, $0x38;
	[tilespmem:$0x18A80] =	vst v63  }
0x7b: {  	v1 =	vld [tilespmem:$0x10];
	_ =	sdelay $0x1  }
0x7c: {  	v2 =	vld [tilespmem:$0x210];
	_ =	sdelay $0x2  }
0x7d: {  	v1 =	vand.u32 $0xFFFFFFF8, v1  }
0x7e: {  	v1 =	vshll.u32 v1, $0x4  }
0x7f: {  	v2 =	vand.u32 $0xFFFFFFF8, v2;
	v1 =	vadd.s32 s6, v1  }
0x80: {  	v2 =	vshll.u32 v2, $0x4;
	(v2sf) =	vpush v1, $0x0  }
0x81: {  	v2 =	vadd.s32 s6, v2  }
0x82: {  	(v2sf) =	vpush v2, $0x0;
	_ =	sdelay $0x1  }
0x83: {  	(v2sf) =	vpush v1, $0x1;
	_ =	sdelay $0x1  }
0x84: {  	(v2sf) =	vpush v2, $0x1;
	_ =	sdelay $0x1  }
0x85: {  	(v2sf) =	vpush v1, $0x2;
	_ =	sdelay $0x1  }
0x86: {  	(v2sf) =	vpush v2, $0x2;
	_ =	sdelay $0x1  }
0x87: {  	(v2sf) =	vpush v1, $0x3;
	_ =	sdelay $0x1  }
0x88: {  	(v2sf) =	vpush v2, $0x3  }
0x89: {  	s18 =	simm.s32 $0x4400;
	s17 =	spop (v2sf)  }
0x8a: {  	(v2sf) =	vpush v1, $0x4;
	[tilespmem:s18], [sflag:$0x3] =	stream.linear.gather [hbm4b:s17+s5], $0x400, $0x38;
	[tilespmem:$0x18A80] =	vst v63  }
0x8b: {  	s20 =	simm.s32 $0x10400;
	s19 =	spop (v2sf)  }
0x8c: {  	(v2sf) =	vpush v2, $0x4;
	[tilespmem:s20], [sflag:$0x6] =	stream.linear.gather [hbm4b:s19+s5], $0x400, $0x38;
	[tilespmem:$0x18A80] =	vst v63  }
0x8d: {  	s22 =	simm.s32 $0x4800;
	s21 =	spop (v2sf)  }
0x8e: {  	(v2sf) =	vpush v1, $0x5;
	[tilespmem:s22], [sflag:$0x3] =	stream.linear.gather [hbm4b:s21+s5], $0x400, $0x38;
	[tilespmem:$0x18A80] =	vst v63  }
0x8f: {  	s18 =	simm.s32 $0x10800;
	s17 =	spop (v2sf)  }
0x90: {  	(v2sf) =	vpush v2, $0x5;
	[tilespmem:s18], [sflag:$0x6] =	stream.linear.gather [hbm4b:s17+s5], $0x400, $0x38;
	[tilespmem:$0x18A80] =	vst v63  }
0x91: {  	s20 =	simm.s32 $0x4C00;
	s19 =	spop (v2sf)  }
0x92: {  	(v2sf) =	vpush v1, $0x6;
	[tilespmem:s20], [sflag:$0x3] =	stream.linear.gather [hbm4b:s19+s5], $0x400, $0x38;
	[tilespmem:$0x18A80] =	vst v63  }
0x93: {  	s21 =	spop (v2sf);
	s22 =	simm.s32 $0x10C00  }
0x94: {  	(v2sf) =	vpush v2, $0x6;
	[tilespmem:s22], [sflag:$0x6] =	stream.linear.gather [hbm4b:s21+s5], $0x400, $0x38;
	[tilespmem:$0x18A80] =	vst v63  }
0x95: {  	s17 =	spop (v2sf);
	s18 =	simm.s32 $0x5000  }
0x96: {  	(v2sf) =	vpush v1, $0x7;
	[tilespmem:s18], [sflag:$0x3] =	stream.linear.gather [hbm4b:s17+s5], $0x400, $0x38;
	[tilespmem:$0x18A80] =	vst v63  }
0x97: {  	s19 =	spop (v2sf);
	s20 =	simm.s32 $0x11000  }
0x98: {  	(v2sf) =	vpush v2, $0x7;
	[tilespmem:s20], [sflag:$0x6] =	stream.linear.gather [hbm4b:s19+s5], $0x400, $0x38;
	[tilespmem:$0x18A80] =	vst v63  }
0x99: {  	s22 =	simm.s32 $0x5400;
	s21 =	spop (v2sf)  }
0x9a: {  	(v2sf) =	vpush v1, $0x8;
	[tilespmem:s22], [sflag:$0x3] =	stream.linear.gather [hbm4b:s21+s5], $0x400, $0x38;
	[tilespmem:$0x18A80] =	vst v63  }
0x9b: {  	s18 =	simm.s32 $0x11400;
	s17 =	spop (v2sf)  }
0x9c: {  	(v2sf) =	vpush v2, $0x8;
	[tilespmem:s18], [sflag:$0x6] =	stream.linear.gather [hbm4b:s17+s5], $0x400, $0x38;
	[tilespmem:$0x18A80] =	vst v63  }
0x9d: {  	s20 =	simm.s32 $0x5800;
	s19 =	spop (v2sf)  }
0x9e: {  	(v2sf) =	vpush v1, $0x9;
	[tilespmem:s20], [sflag:$0x3] =	stream.linear.gather [hbm4b:s19+s5], $0x400, $0x38;
	[tilespmem:$0x18A80] =	vst v63  }
0x9f: {  	s22 =	simm.s32 $0x11800;
	s21 =	spop (v2sf)  }
0xa0: {  	(v2sf) =	vpush v2, $0x9;
	[tilespmem:s22], [sflag:$0x6] =	stream.linear.gather [hbm4b:s21+s5], $0x400, $0x38;
	[tilespmem:$0x18A80] =	vst v63  }
0xa1: {  	s17 =	spop (v2sf);
	s18 =	simm.s32 $0x5C00  }
0xa2: {  	(v2sf) =	vpush v1, $0xA;
	[tilespmem:s18], [sflag:$0x3] =	stream.linear.gather [hbm4b:s17+s5], $0x400, $0x38;
	[tilespmem:$0x18A80] =	vst v63  }
0xa3: {  	s19 =	spop (v2sf);
	s20 =	simm.s32 $0x11C00  }
0xa4: {  	(v2sf) =	vpush v2, $0xA;
	[tilespmem:s20], [sflag:$0x6] =	stream.linear.gather [hbm4b:s19+s5], $0x400, $0x38;
	[tilespmem:$0x18A80] =	vst v63  }
0xa5: {  	s21 =	spop (v2sf);
	s22 =	simm.s32 $0x6000  }
0xa6: {  	(v2sf) =	vpush v1, $0xB;
	[tilespmem:s22], [sflag:$0x3] =	stream.linear.gather [hbm4b:s21+s5], $0x400, $0x38;
	[tilespmem:$0x18A80] =	vst v63  }
0xa7: {  	s17 =	spop (v2sf);
	s18 =	simm.s32 $0x12000  }
0xa8: {  	(v2sf) =	vpush v2, $0xB;
	[tilespmem:s18], [sflag:$0x6] =	stream.linear.gather [hbm4b:s17+s5], $0x400, $0x38;
	[tilespmem:$0x18A80] =	vst v63  }
0xa9: {  	s20 =	simm.s32 $0x6400;
	s19 =	spop (v2sf)  }
0xaa: {  	(v2sf) =	vpush v1, $0xC;
	[tilespmem:s20], [sflag:$0x3] =	stream.linear.gather [hbm4b:s19+s5], $0x400, $0x38;
	[tilespmem:$0x18A80] =	vst v63  }
0xab: {  	s22 =	simm.s32 $0x12400;
	s21 =	spop (v2sf)  }
0xac: {  	(v2sf) =	vpush v2, $0xC;
	[tilespmem:s22], [sflag:$0x6] =	stream.linear.gather [hbm4b:s21+s5], $0x400, $0x38;
	[tilespmem:$0x18A80] =	vst v63  }
0xad: {  	s18 =	simm.s32 $0x6800;
	s17 =	spop (v2sf)  }
0xae: {  	(v2sf) =	vpush v1, $0xD;
	[tilespmem:s18], [sflag:$0x3] =	stream.linear.gather [hbm4b:s17+s5], $0x400, $0x38;
	[tilespmem:$0x18A80] =	vst v63  }
0xaf: {  	s19 =	spop (v2sf);
	s20 =	simm.s32 $0x12800  }
0xb0: {  	(v2sf) =	vpush v2, $0xD;
	[tilespmem:s20], [sflag:$0x6] =	stream.linear.gather [hbm4b:s19+s5], $0x400, $0x38;
	[tilespmem:$0x18A80] =	vst v63  }
0xb1: {  	s21 =	spop (v2sf);
	s22 =	simm.s32 $0x6C00  }
0xb2: {  	(v2sf) =	vpush v1, $0xE;
	[tilespmem:s22], [sflag:$0x3] =	stream.linear.gather [hbm4b:s21+s5], $0x400, $0x38;
	[tilespmem:$0x18A80] =	vst v63  }
0xb3: {  	s17 =	spop (v2sf);
	s18 =	simm.s32 $0x12C00  }
0xb4: {  	(v2sf) =	vpush v2, $0xE;
	[tilespmem:s18], [sflag:$0x6] =	stream.linear.gather [hbm4b:s17+s5], $0x400, $0x38;
	[tilespmem:$0x18A80] =	vst v63  }
0xb5: {  	s19 =	spop (v2sf);
	s20 =	simm.s32 $0x7000  }
0xb6: {  	(v2sf) =	vpush v1, $0xF;
	[tilespmem:s20], [sflag:$0x3] =	stream.linear.gather [hbm4b:s19+s5], $0x400, $0x38;
	[tilespmem:$0x18A80] =	vst v63  }
0xb7: {  	s21 =	spop (v2sf)  }
0xb8: {  	(v2sf) =	vpush v2, $0xF;
	[tilespmem:s23], [sflag:$0x6] =	stream.linear.gather [hbm4b:s21+s5], $0x400, $0x38;
	[tilespmem:$0x18A80] =	vst v63  }
0xb9: {  	s22 =	spop (v2sf)  }
0xba: {  	[tilespmem:s24], [sflag:$0x3] =	stream.linear.gather [hbm4b:s22+s5], $0x400, $0x38;
	[tilespmem:$0x18A80] =	vst v63  }
0xbb: {  	s16 =	spop (v2sf)  }
0xbc: {  	[tilespmem:s25], [sflag:$0x6] =	stream.linear.gather [hbm4b:s16+s5], $0x400, $0x38;
	[tilespmem:$0x18A80] =	vst v63  }
0xbd: {  	s17 =	spop (v2sf)  }
0xbe: {  	[tilespmem:s26], [sflag:$0x3] =	stream.linear.gather [hbm4b:s17+s5], $0x400, $0x38;
	[tilespmem:$0x18A80] =	vst v63  }
0xbf: {  	s18 =	spop (v2sf)  }
0xc0: {  	[tilespmem:s28], [sflag:$0x6] =	stream.linear.gather [hbm4b:s18+s5], $0x400, $0x38;
	[tilespmem:$0x18A80] =	vst v63  }
0xc1: {  	s19 =	spop (v2sf)  }
0xc2: {  	[tilespmem:s29], [sflag:$0x3] =	stream.linear.gather [hbm4b:s19+s5], $0x400, $0x38;
	[tilespmem:$0x18A80] =	vst v63  }
0xc3: {  	s20 =	spop (v2sf)  }
0xc4: {  	[tilespmem:s30], [sflag:$0x6] =	stream.linear.gather [hbm4b:s20+s5], $0x400, $0x38;
	[tilespmem:$0x18A80] =	vst v63  }
0xc5: {  	s21 =	spop (v2sf)  }
0xc6: {  	[tilespmem:s31], [sflag:$0x3] =	stream.linear.gather [hbm4b:s21+s5], $0x400, $0x38;
	[tilespmem:$0x18A80] =	vst v63  }
0xc7: {  	s15 =	simm.s32 $0x0;
	s22 =	spop (v2sf)  }
0xc8: {  	[tilespmem:s0], [sflag:$0x6] =	stream.linear.gather [hbm4b:s22+s5], $0x400, $0x38;
	[tilespmem:$0x18A80] =	vst v63  }
.LBB2_2:
0xc9: {  	p0 =	sgt.u32 s15, $0x1D  }
.Ltmp0:
0xca: {  	_ = 	snop;
	(pc) =	sbr.rel @p0 .LBB2_4-.Ltmp0, $1  }
0xcb: {  	_ =	sdelay $0x3  }
0xcc: {  	s16 =	sadd.s32 $0x2, s15  }
0xcd: {  	s17 =	sshll.u32 s16, $0x4  }
0xce: {  	v1 =	vld [tilespmem:s17+$0x0];
	_ =	sdelay $0x1  }
0xcf: {  	v2 =	vld [tilespmem:s17+$0x200];
	_ =	sdelay $0x2  }
0xd0: {  	v1 =	vand.u32 $0xFFFFFFF8, v1  }
0xd1: {  	v1 =	vshll.u32 v1, $0x4  }
0xd2: {  	v2 =	vand.u32 $0xFFFFFFF8, v2;
	v1 =	vadd.s32 s6, v1  }
0xd3: {  	v2 =	vshll.u32 v2, $0x4;
	(v2sf) =	vpush v1, $0x0  }
0xd4: {  	v2 =	vadd.s32 s6, v2  }
0xd5: {  	(v2sf) =	vpush v2, $0x0;
	_ =	sdelay $0x1  }
0xd6: {  	(v2sf) =	vpush v1, $0x1;
	_ =	sdelay $0x1  }
0xd7: {  	s20 =	smul.u32 $0xAB, s16;
	(v2sf) =	vpush v2, $0x1;
	_ =	sdelay $0x1  }
0xd8: {  	s17 =	sshrl.u32 s20, $0x9;
	(v2sf) =	vpush v1, $0x2  }
0xd9: {  	s17 =	sand.u32 $0x7F, s17  }
0xda: {  	s17 =	smul.u32 $0x3, s17;
	(v2sf) =	vpush v2, $0x2;
	_ =	sdelay $0x1  }
0xdb: {  	s16 =	ssub.s32 s16, s17;
	(v2sf) =	vpush v1, $0x3  }
0xdc: {  	s18 =	sand.u32 $0xFF, s16  }
0xdd: {  	s16 =	sshll.u32 s18, $0xE;
	(v2sf) =	vpush v2, $0x3  }
0xde: {  	s17 =	sadd.s32 $0x2, s18;
	s19 =	sor.u32 $0x400, s16;
	s20 =	spop (v2sf)  }
0xdf: {  	(v2sf) =	vpush v1, $0x4;
	[tilespmem:s19], [sflag:s17] =	stream.linear.gather [hbm4b:s20+s5], $0x400, $0x38;
	[tilespmem:$0x18A80] =	vst v63  }
0xe0: {  	s18 =	sadd.s32 $0x5, s18;
	s21 =	sadd.s32 $0xC400, s16;
	s22 =	spop (v2sf)  }
0xe1: {  	(v2sf) =	vpush v2, $0x4;
	[tilespmem:s21], [sflag:s18] =	stream.linear.gather [hbm4b:s22+s5], $0x400, $0x38;
	[tilespmem:$0x18A80] =	vst v63  }
0xe2: {  	s21 =	sor.u32 $0x800, s16;
	s22 =	spop (v2sf)  }
0xe3: {  	(v2sf) =	vpush v1, $0x5;
	[tilespmem:s21], [sflag:s17] =	stream.linear.gather [hbm4b:s22+s5], $0x400, $0x38;
	[tilespmem:$0x18A80] =	vst v63  }
0xe4: {  	s21 =	sadd.s32 $0xC800, s16;
	s22 =	spop (v2sf)  }
0xe5: {  	(v2sf) =	vpush v2, $0x5;
	[tilespmem:s21], [sflag:s18] =	stream.linear.gather [hbm4b:s22+s5], $0x400, $0x38;
	[tilespmem:$0x18A80] =	vst v63  }
0xe6: {  	s21 =	sor.u32 $0xC00, s16;
	s22 =	spop (v2sf)  }
0xe7: {  	(v2sf) =	vpush v1, $0x6;
	[tilespmem:s21], [sflag:s17] =	stream.linear.gather [hbm4b:s22+s5], $0x400, $0x38;
	[tilespmem:$0x18A80] =	vst v63  }
0xe8: {  	s21 =	sadd.s32 $0xCC00, s16;
	s22 =	spop (v2sf)  }
0xe9: {  	(v2sf) =	vpush v2, $0x6;
	[tilespmem:s21], [sflag:s18] =	stream.linear.gather [hbm4b:s22+s5], $0x400, $0x38;
	[tilespmem:$0x18A80] =	vst v63  }
0xea: {  	s21 =	sor.u32 $0x1000, s16;
	s22 =	spop (v2sf)  }
0xeb: {  	(v2sf) =	vpush v1, $0x7;
	[tilespmem:s21], [sflag:s17] =	stream.linear.gather [hbm4b:s22+s5], $0x400, $0x38;
	[tilespmem:$0x18A80] =	vst v63  }
0xec: {  	s21 =	sadd.s32 $0xD000, s16;
	s22 =	spop (v2sf)  }
0xed: {  	(v2sf) =	vpush v2, $0x7;
	[tilespmem:s21], [sflag:s18] =	stream.linear.gather [hbm4b:s22+s5], $0x400, $0x38;
	[tilespmem:$0x18A80] =	vst v63  }
0xee: {  	s21 =	sor.u32 $0x1400, s16;
	s22 =	spop (v2sf)  }
0xef: {  	(v2sf) =	vpush v1, $0x8;
	[tilespmem:s21], [sflag:s17] =	stream.linear.gather [hbm4b:s22+s5], $0x400, $0x38;
	[tilespmem:$0x18A80] =	vst v63  }
0xf0: {  	s21 =	sadd.s32 $0xD400, s16;
	s22 =	spop (v2sf)  }
0xf1: {  	(v2sf) =	vpush v2, $0x8;
	[tilespmem:s21], [sflag:s18] =	stream.linear.gather [hbm4b:s22+s5], $0x400, $0x38;
	[tilespmem:$0x18A80] =	vst v63  }
0xf2: {  	s21 =	sor.u32 $0x1800, s16;
	s22 =	spop (v2sf)  }
0xf3: {  	(v2sf) =	vpush v1, $0x9;
	[tilespmem:s21], [sflag:s17] =	stream.linear.gather [hbm4b:s22+s5], $0x400, $0x38;
	[tilespmem:$0x18A80] =	vst v63  }
0xf4: {  	s21 =	sadd.s32 $0xD800, s16;
	s22 =	spop (v2sf)  }
0xf5: {  	(v2sf) =	vpush v2, $0x9;
	[tilespmem:s21], [sflag:s18] =	stream.linear.gather [hbm4b:s22+s5], $0x400, $0x38;
	[tilespmem:$0x18A80] =	vst v63  }
0xf6: {  	s21 =	sor.u32 $0x1C00, s16;
	s22 =	spop (v2sf)  }
0xf7: {  	(v2sf) =	vpush v1, $0xA;
	[tilespmem:s21], [sflag:s17] =	stream.linear.gather [hbm4b:s22+s5], $0x400, $0x38;
	[tilespmem:$0x18A80] =	vst v63  }
0xf8: {  	s21 =	sadd.s32 $0xDC00, s16;
	s22 =	spop (v2sf)  }
0xf9: {  	(v2sf) =	vpush v2, $0xA;
	[tilespmem:s21], [sflag:s18] =	stream.linear.gather [hbm4b:s22+s5], $0x400, $0x38;
	[tilespmem:$0x18A80] =	vst v63  }
0xfa: {  	s21 =	sor.u32 $0x2000, s16;
	s22 =	spop (v2sf)  }
0xfb: {  	(v2sf) =	vpush v1, $0xB;
	[tilespmem:s21], [sflag:s17] =	stream.linear.gather [hbm4b:s22+s5], $0x400, $0x38;
	[tilespmem:$0x18A80] =	vst v63  }
0xfc: {  	s21 =	sadd.s32 $0xE000, s16;
	s22 =	spop (v2sf)  }
0xfd: {  	(v2sf) =	vpush v2, $0xB;
	[tilespmem:s21], [sflag:s18] =	stream.linear.gather [hbm4b:s22+s5], $0x400, $0x38;
	[tilespmem:$0x18A80] =	vst v63  }
0xfe: {  	s21 =	sor.u32 $0x2400, s16;
	s22 =	spop (v2sf)  }
0xff: {  	(v2sf) =	vpush v1, $0xC;
	[tilespmem:s21], [sflag:s17] =	stream.linear.gather [hbm4b:s22+s5], $0x400, $0x38;
	[tilespmem:$0x18A80] =	vst v63  }
0x100: {  	s21 =	sadd.s32 $0xE400, s16;
	s22 =	spop (v2sf)  }
0x101: {  	(v2sf) =	vpush v2, $0xC;
	[tilespmem:s21], [sflag:s18] =	stream.linear.gather [hbm4b:s22+s5], $0x400, $0x38;
	[tilespmem:$0x18A80] =	vst v63  }
0x102: {  	s21 =	sor.u32 $0x2800, s16;
	s22 =	spop (v2sf)  }
0x103: {  	(v2sf) =	vpush v1, $0xD;
	[tilespmem:s21], [sflag:s17] =	stream.linear.gather [hbm4b:s22+s5], $0x400, $0x38;
	[tilespmem:$0x18A80] =	vst v63  }
0x104: {  	s21 =	sadd.s32 $0xE800, s16;
	s22 =	spop (v2sf)  }
0x105: {  	(v2sf) =	vpush v2, $0xD;
	[tilespmem:s21], [sflag:s18] =	stream.linear.gather [hbm4b:s22+s5], $0x400, $0x38;
	[tilespmem:$0x18A80] =	vst v63  }
0x106: {  	s21 =	sor.u32 $0x2C00, s16;
	s22 =	spop (v2sf)  }
0x107: {  	(v2sf) =	vpush v1, $0xE;
	[tilespmem:s21], [sflag:s17] =	stream.linear.gather [hbm4b:s22+s5], $0x400, $0x38;
	[tilespmem:$0x18A80] =	vst v63  }
0x108: {  	s21 =	sadd.s32 $0xEC00, s16;
	s22 =	spop (v2sf)  }
0x109: {  	(v2sf) =	vpush v2, $0xE;
	[tilespmem:s21], [sflag:s18] =	stream.linear.gather [hbm4b:s22+s5], $0x400, $0x38;
	[tilespmem:$0x18A80] =	vst v63  }
0x10a: {  	s21 =	sor.u32 $0x3000, s16;
	s22 =	spop (v2sf)  }
0x10b: {  	(v2sf) =	vpush v1, $0xF;
	[tilespmem:s21], [sflag:s17] =	stream.linear.gather [hbm4b:s22+s5], $0x400, $0x38;
	[tilespmem:$0x18A80] =	vst v63  }
0x10c: {  	s21 =	sadd.s32 $0xF000, s16;
	s22 =	spop (v2sf)  }
0x10d: {  	(v2sf) =	vpush v2, $0xF;
	[tilespmem:s21], [sflag:s18] =	stream.linear.gather [hbm4b:s22+s5], $0x400, $0x38;
	[tilespmem:$0x18A80] =	vst v63  }
0x10e: {  	s21 =	spop (v2sf);
	s22 =	sor.u32 $0x3400, s16  }
0x10f: {  	[tilespmem:s22], [sflag:s17] =	stream.linear.gather [hbm4b:s21+s5], $0x400, $0x38;
	[tilespmem:$0x18A80] =	vst v63  }
0x110: {  	s21 =	spop (v2sf);
	s22 =	sadd.s32 $0xF400, s16  }
0x111: {  	[tilespmem:s22], [sflag:s18] =	stream.linear.gather [hbm4b:s21+s5], $0x400, $0x38;
	[tilespmem:$0x18A80] =	vst v63  }
0x112: {  	s21 =	spop (v2sf);
	s22 =	sor.u32 $0x3800, s16  }
0x113: {  	[tilespmem:s22], [sflag:s17] =	stream.linear.gather [hbm4b:s21+s5], $0x400, $0x38;
	[tilespmem:$0x18A80] =	vst v63  }
0x114: {  	s21 =	spop (v2sf);
	s22 =	sadd.s32 $0xF800, s16  }
0x115: {  	[tilespmem:s22], [sflag:s18] =	stream.linear.gather [hbm4b:s21+s5], $0x400, $0x38;
	[tilespmem:$0x18A80] =	vst v63  }
0x116: {  	s21 =	spop (v2sf);
	s22 =	sor.u32 $0x3C00, s16  }
0x117: {  	[tilespmem:s22], [sflag:s17] =	stream.linear.gather [hbm4b:s21+s5], $0x400, $0x38;
	[tilespmem:$0x18A80] =	vst v63  }
0x118: {  	s21 =	spop (v2sf);
	s22 =	sadd.s32 $0xFC00, s16  }
0x119: {  	[tilespmem:s22], [sflag:s18] =	stream.linear.gather [hbm4b:s21+s5], $0x400, $0x38;
	[tilespmem:$0x18A80] =	vst v63  }
0x11a: {  	s20 =	spop (v2sf);
	s21 =	sadd.s32 $0x4000, s16  }
0x11b: {  	[tilespmem:s21], [sflag:s17] =	stream.linear.gather [hbm4b:s20+s5], $0x400, $0x38;
	[tilespmem:$0x18A80] =	vst v63  }
0x11c: {  	s16 =	sor.u32 $0x10000, s16;
	s22 =	spop (v2sf)  }
0x11d: {  	[tilespmem:s16], [sflag:s18] =	stream.linear.gather [hbm4b:s22+s5], $0x400, $0x38;
	[tilespmem:$0x18A80] =	vst v63  }
.LBB2_4:
0x11e: {  	s16 =	smul.u32 $0xAB, s15;
	_ =	sdelay $0x1  }
0x11f: {  	s16 =	sshrl.u32 s16, $0x9  }
0x120: {  	s16 =	sand.u32 $0x7F, s16  }
0x121: {  	s16 =	smul.u32 $0x3, s16;
	_ =	sdelay $0x1  }
0x122: {  	s16 =	ssub.s32 s15, s16  }
0x123: {  	s17 =	sand.u32 $0xFF, s16  }
0x124: {  	s16 =	sadd.s32 $0x2, s17  }
0x125: {  	_ =	swait.ge [sflag:s16], $0x400  }
0x126: {  	[sflag:s16] =	ssyncset.done $0x0  }
0x127: {  	s18 =	sadd.s32 $0x5, s17;
	[sflag:s16] =	ssyncadd.s32 $0xFFFFFC00  }
0x128: {  	_ =	swait.ge [sflag:s18], $0x400  }
0x129: {  	[sflag:s18] =	ssyncset.done $0x0  }
0x12a: {  	[sflag:s18] =	ssyncadd.s32 $0xFFFFFC00  }
0x12b: {  	_ =	swait.ge [sflag:s16], $0x400  }
0x12c: {  	[sflag:s16] =	ssyncset.done $0x0  }
0x12d: {  	[sflag:s16] =	ssyncadd.s32 $0xFFFFFC00  }
0x12e: {  	_ =	swait.ge [sflag:s18], $0x400  }
0x12f: {  	[sflag:s18] =	ssyncset.done $0x0  }
0x130: {  	[sflag:s18] =	ssyncadd.s32 $0xFFFFFC00  }
0x131: {  	_ =	swait.ge [sflag:s16], $0x400  }
0x132: {  	[sflag:s16] =	ssyncset.done $0x0  }
0x133: {  	[sflag:s16] =	ssyncadd.s32 $0xFFFFFC00  }
0x134: {  	_ =	swait.ge [sflag:s18], $0x400  }
0x135: {  	[sflag:s18] =	ssyncset.done $0x0  }
0x136: {  	[sflag:s18] =	ssyncadd.s32 $0xFFFFFC00  }
0x137: {  	_ =	swait.ge [sflag:s16], $0x400  }
0x138: {  	[sflag:s16] =	ssyncset.done $0x0  }
0x139: {  	[sflag:s16] =	ssyncadd.s32 $0xFFFFFC00  }
0x13a: {  	_ =	swait.ge [sflag:s18], $0x400  }
0x13b: {  	[sflag:s18] =	ssyncset.done $0x0  }
0x13c: {  	[sflag:s18] =	ssyncadd.s32 $0xFFFFFC00  }
0x13d: {  	_ =	swait.ge [sflag:s16], $0x400  }
0x13e: {  	[sflag:s16] =	ssyncset.done $0x0  }
0x13f: {  	[sflag:s16] =	ssyncadd.s32 $0xFFFFFC00  }
0x140: {  	_ =	swait.ge [sflag:s18], $0x400  }
0x141: {  	[sflag:s18] =	ssyncset.done $0x0  }
0x142: {  	[sflag:s18] =	ssyncadd.s32 $0xFFFFFC00  }
0x143: {  	_ =	swait.ge [sflag:s16], $0x400  }
0x144: {  	[sflag:s16] =	ssyncset.done $0x0  }
0x145: {  	[sflag:s16] =	ssyncadd.s32 $0xFFFFFC00  }
0x146: {  	_ =	swait.ge [sflag:s18], $0x400  }
0x147: {  	[sflag:s18] =	ssyncset.done $0x0  }
0x148: {  	[sflag:s18] =	ssyncadd.s32 $0xFFFFFC00  }
0x149: {  	_ =	swait.ge [sflag:s16], $0x400  }
0x14a: {  	[sflag:s16] =	ssyncset.done $0x0  }
0x14b: {  	[sflag:s16] =	ssyncadd.s32 $0xFFFFFC00  }
0x14c: {  	_ =	swait.ge [sflag:s18], $0x400  }
0x14d: {  	[sflag:s18] =	ssyncset.done $0x0  }
0x14e: {  	[sflag:s18] =	ssyncadd.s32 $0xFFFFFC00  }
0x14f: {  	_ =	swait.ge [sflag:s16], $0x400  }
0x150: {  	[sflag:s16] =	ssyncset.done $0x0  }
0x151: {  	[sflag:s16] =	ssyncadd.s32 $0xFFFFFC00  }
0x152: {  	_ =	swait.ge [sflag:s18], $0x400  }
0x153: {  	[sflag:s18] =	ssyncset.done $0x0  }
0x154: {  	[sflag:s18] =	ssyncadd.s32 $0xFFFFFC00  }
0x155: {  	_ =	swait.ge [sflag:s16], $0x400  }
0x156: {  	[sflag:s16] =	ssyncset.done $0x0  }
0x157: {  	[sflag:s16] =	ssyncadd.s32 $0xFFFFFC00  }
0x158: {  	_ =	swait.ge [sflag:s18], $0x400  }
0x159: {  	[sflag:s18] =	ssyncset.done $0x0  }
0x15a: {  	[sflag:s18] =	ssyncadd.s32 $0xFFFFFC00  }
0x15b: {  	_ =	swait.ge [sflag:s16], $0x400  }
0x15c: {  	[sflag:s16] =	ssyncset.done $0x0  }
0x15d: {  	[sflag:s16] =	ssyncadd.s32 $0xFFFFFC00  }
0x15e: {  	_ =	swait.ge [sflag:s18], $0x400  }
0x15f: {  	[sflag:s18] =	ssyncset.done $0x0  }
0x160: {  	[sflag:s18] =	ssyncadd.s32 $0xFFFFFC00  }
0x161: {  	_ =	swait.ge [sflag:s16], $0x400  }
0x162: {  	[sflag:s16] =	ssyncset.done $0x0  }
0x163: {  	[sflag:s16] =	ssyncadd.s32 $0xFFFFFC00  }
0x164: {  	_ =	swait.ge [sflag:s18], $0x400  }
0x165: {  	[sflag:s18] =	ssyncset.done $0x0  }
0x166: {  	[sflag:s18] =	ssyncadd.s32 $0xFFFFFC00  }
0x167: {  	_ =	swait.ge [sflag:s16], $0x400  }
0x168: {  	[sflag:s16] =	ssyncset.done $0x0  }
0x169: {  	[sflag:s16] =	ssyncadd.s32 $0xFFFFFC00  }
0x16a: {  	_ =	swait.ge [sflag:s18], $0x400  }
0x16b: {  	[sflag:s18] =	ssyncset.done $0x0  }
0x16c: {  	[sflag:s18] =	ssyncadd.s32 $0xFFFFFC00  }
0x16d: {  	_ =	swait.ge [sflag:s16], $0x400  }
0x16e: {  	[sflag:s16] =	ssyncset.done $0x0  }
0x16f: {  	[sflag:s16] =	ssyncadd.s32 $0xFFFFFC00  }
0x170: {  	_ =	swait.ge [sflag:s18], $0x400  }
0x171: {  	[sflag:s18] =	ssyncset.done $0x0  }
0x172: {  	[sflag:s18] =	ssyncadd.s32 $0xFFFFFC00  }
0x173: {  	_ =	swait.ge [sflag:s16], $0x400  }
0x174: {  	[sflag:s16] =	ssyncset.done $0x0  }
0x175: {  	[sflag:s16] =	ssyncadd.s32 $0xFFFFFC00  }
0x176: {  	_ =	swait.ge [sflag:s18], $0x400  }
0x177: {  	[sflag:s18] =	ssyncset.done $0x0  }
0x178: {  	[sflag:s18] =	ssyncadd.s32 $0xFFFFFC00  }
0x179: {  	_ =	swait.ge [sflag:s16], $0x400  }
0x17a: {  	[sflag:s16] =	ssyncset.done $0x0  }
0x17b: {  	[sflag:s16] =	ssyncadd.s32 $0xFFFFFC00  }
0x17c: {  	_ =	swait.ge [sflag:s18], $0x400  }
0x17d: {  	[sflag:s18] =	ssyncset.done $0x0  }
0x17e: {  	[sflag:s18] =	ssyncadd.s32 $0xFFFFFC00  }
0x17f: {  	_ =	swait.ge [sflag:s16], $0x400  }
0x180: {  	[sflag:s16] =	ssyncset.done $0x0  }
0x181: {  	[sflag:s16] =	ssyncadd.s32 $0xFFFFFC00  }
0x182: {  	_ =	swait.ge [sflag:s18], $0x400  }
0x183: {  	[sflag:s18] =	ssyncset.done $0x0  }
0x184: {  	s16 =	sshll.u32 s15, $0x4;
	[sflag:s18] =	ssyncadd.s32 $0xFFFFFC00  }
0x185: {  	v1 =	vld [tilespmem:s16+$0x0]  }
0x186: {  	v2 =	vld [tilespmem:s16+$0x200];
	_ =	sdelay $0x2  }
0x187: {  	s21 =	simm.s32 $0x0;
	s22 =	simm.s32 $0x1  }
0x188: {  	v3 =	vmov s21;
	v5 =	vmov s22  }
0x189: {  	v3 =	vand.u32 $0x78, v3;
	v1 =	vshll.u32 v1, $0x7;
	v2 =	vshll.u32 v2, $0x7  }
0x18a: {  	v3 =	vbroadcast v3, $0x0;
	v1 =	vand.u32 $0x380, v1;
	v4 =	vand.u32 $0x380, v2  }
0x18b: {  	s19 =	simm.s32 $0x2;
	v2 =	vor.u32 v0, v1;
	v1 =	vor.u32 v0, v4;
	v4 =	vand.u32 $0x79, v5  }
0x18c: {  	v5 =	vmov s19;
	v6 =	vor.u32 v2, v3;
	v4 =	vbroadcast v4, $0x0  }
0x18d: {  	s20 =	simm.s32 $0x3;
	v5 =	vand.u32 $0x7A, v5;
	v3 =	vor.u32 v1, v3  }
0x18e: {  	v7 =	vmov s20;
	v5 =	vbroadcast v5, $0x0;
	v8 =	vor.u32 v2, v4  }
0x18f: {  	v7 =	vand.u32 $0x7B, v7;
	s21 =	sshll.u32 s17, $0xE;
	s19 =	simm.s32 $0x4;
	v4 =	vor.u32 v1, v4  }
0x190: {  	v7 =	vbroadcast v7, $0x0;
	s17 =	sor.u32 $0x400, s21;
	v9 =	vmov s19;
	v10 =	vor.u32 v2, v5  }
0x191: {  	s22 =	simm.s32 $0x5;
	s18 =	sadd.s32 $0xC400, s21;
	v9 =	vand.u32 $0x7C, v9;
	v5 =	vor.u32 v1, v5;
	v6 =	vld.idx.msk [tilespmem:v6+s17+$0x0], $0xffff  }
0x192: {  	v11 =	vmov s22;
	v12 =	vor.u32 v2, v7;
	v9 =	vbroadcast v9, $0x0;
	v3 =	vld.idx.msk [tilespmem:v3+s18+$0x0], $0xffff  }
0x193: {  	s20 =	simm.s32 $0x6;
	v11 =	vand.u32 $0x7D, v11;
	v7 =	vor.u32 v1, v7;
	v13 =	vld.idx.msk [tilespmem:v8+s17+$0x0], $0xffff  }
0x194: {  	v15 =	vor.u32 v2, v9;
	v14 =	vld.idx.msk [tilespmem:v4+s18+$0x0], $0xffff;
	v8 =	vbroadcast v11, $0x0;
	v4 =	vmov s20  }
0x195: {  	s21 =	simm.s32 $0x7;
	v9 =	vor.u32 v1, v9;
	v17 =	vld.idx.msk [tilespmem:v10+s17+$0x0], $0xffff;
	v4 =	vand.u32 $0x7E, v4  }
0x196: {  	v19 =	vld.idx.msk [tilespmem:v5+s18+$0x0], $0xffff;
	v10 =	vmov s21;
	v16 =	vor.u32 v2, v8;
	v5 =	vbroadcast v4, $0x0  }
0x197: {  	v18 =	vimm.f32 $0.0e+00;
	v4 =	vld.idx.msk [tilespmem:v12+s17+$0x0], $0xffff;
	v20 =	vor.u32 v1, v8;
	v10 =	vand.u32 $0x7F, v10  }
0x198: {  	s19 =	simm.s32 $0x8;
	s20 =	simm.s32 $0xD;
	v8 =	vld.idx.msk [tilespmem:v7+s18+$0x0], $0xffff;
	v21 =	vmul.f32 v3, v6;
	v22 =	vbroadcast v10, $0x0;
	v11 =	vor.u32 v2, v5  }
0x199: {  	v23 =	vmov s19;
	v3 =	vmov s20;
	v6 =	vld.idx.msk [tilespmem:v15+s17+$0x0], $0xffff;
	v12 =	vor.u32 v1, v5  }
0x19a: {  	s22 =	simm.s32 $0xB;
	s21 =	simm.s32 $0xC;
	v10 =	vld.idx.msk [tilespmem:v9+s18+$0x0], $0xffff;
	v15 =	vadd.f32 v21, v18;
	v63 =	vmul.f32 v14, v13;
	v13 =	vor.u32 v2, v22  }
0x19b: {  	v9 =	vmov s22;
	v5 =	vmov s21;
	v14 =	vor.u32 v1, v22;
	v7 =	vld.idx.msk [tilespmem:v16+s17+$0x0], $0xffff  }
0x19c: {  	s22 =	simm.s32 $0xA;
	s20 =	simm.s32 $0x10;
	s21 =	simm.s32 $0x9;
	v18 =	vand.u32 $0x78, v23;
	v17 =	vmul.f32 v19, v17;
	v16 =	vadd.f32 v63, v15;
	v15 =	vld.idx.msk [tilespmem:v20+s18+$0x0], $0xffff  }
.LBB2_5:
0x19d: {  	p0 =	slt.u32 s20, $0x38;
	v18 =	vbroadcast v18, $0x0;
	v19 =	vmov s21;
	v20 =	vmov s22;
	v11 =	vld.idx.msk [tilespmem:v11+s17+$0x0], $0xffff  }
0x19e: {  	v4 =	vmul.f32 v8, v4;
	v19 =	vand.u32 $0x79, v19;
	v16 =	vadd.f32 v17, v16;
	v8 =	vld.idx.msk [tilespmem:v12+s18+$0x0], $0xffff  }
0x19f: {  	v12 =	vor.u32 v2, v18;
	v17 =	vbroadcast v19, $0x0;
	v19 =	vand.u32 $0x7A, v20;
	v13 =	vld.idx.msk [tilespmem:v13+s17+$0x0], $0xffff  }
0x1a0: {  	v18 =	vor.u32 v1, v18;
	v6 =	vmul.f32 v10, v6;
	v4 =	vadd.f32 v4, v16;
	v10 =	vld.idx.msk [tilespmem:v14+s18+$0x0], $0xffff  }
0x1a1: {  	v9 =	vand.u32 $0x7B, v9;
	v16 =	vbroadcast v19, $0x0;
	v14 =	vor.u32 v2, v17  }
0x1a2: {  	v17 =	vor.u32 v1, v17;
	v4 =	vadd.f32 v6, v4;
	v6 =	vmul.f32 v15, v7  }
0x1a3: {  	v5 =	vand.u32 $0x7C, v5;
	v9 =	vbroadcast v9, $0x0;
	v7 =	vor.u32 v2, v16  }
0x1a4: {  	v15 =	vor.u32 v1, v16;
	v12 =	vld.idx.msk [tilespmem:v12+s17+$0x0], $0xffff;
	v4 =	vadd.f32 v6, v4;
	v6 =	vmul.f32 v8, v11  }
0x1a5: {  	v3 =	vand.u32 $0x7D, v3;
	v5 =	vbroadcast v5, $0x0;
	v11 =	vor.u32 v2, v9;
	v8 =	vld.idx.msk [tilespmem:v18+s18+$0x0], $0xffff  }
0x1a6: {  	s21 =	sadd.s32 $0x6, s19;
	v9 =	vor.u32 v1, v9;
	v14 =	vld.idx.msk [tilespmem:v14+s17+$0x0], $0xffff;
	v4 =	vadd.f32 v6, v4;
	v6 =	vmul.f32 v10, v13  }
0x1a7: {  	v3 =	vbroadcast v3, $0x0;
	v16 =	vmov s21;
	v13 =	vor.u32 v2, v5;
	v10 =	vld.idx.msk [tilespmem:v17+s18+$0x0], $0xffff  }
0x1a8: {  	s21 =	sadd.s32 $0x7, s19;
	s19 =	smov.u32 s20;
	v5 =	vor.u32 v1, v5;
	v17 =	vld.idx.msk [tilespmem:v7+s17+$0x0], $0xffff;
	v7 =	vand.u32 $0x7E, v16;
	v16 =	vadd.f32 v6, v4  }
0x1a9: {  	v18 =	vor.u32 v2, v3;
	v6 =	vmov s21;
	v15 =	vld.idx.msk [tilespmem:v15+s18+$0x0], $0xffff;
	v7 =	vbroadcast v7, $0x0  }
0x1aa: {  	v19 =	vor.u32 v1, v3;
	v3 =	vand.u32 $0x7F, v6;
	v4 =	vld.idx.msk [tilespmem:v11+s17+$0x0], $0xffff  }
.Ltmp1:
0x1ab: {  	s21 =	sadd.s32 $0x5, s20;
	v20 =	vmul.f32 v8, v12;
	v21 =	vbroadcast v3, $0x0;
	v8 =	vld.idx.msk [tilespmem:v9+s18+$0x0], $0xffff;
	v11 =	vor.u32 v2, v7;
	(pc) =	sbr.rel @p0 .LBB2_5-.Ltmp1, $4  }
0x1ac: {  	v22 =	vmov s20;
	v3 =	vmov s21;
	v12 =	vor.u32 v1, v7;
	v6 =	vld.idx.msk [tilespmem:v13+s17+$0x0], $0xffff  }
0x1ad: {  	s22 =	sadd.s32 $0x4, s20;
	s21 =	sadd.s32 $0x3, s20;
	v16 =	vadd.f32 v20, v16;
	v20 =	vmul.f32 v10, v14;
	v13 =	vor.u32 v2, v21;
	v10 =	vld.idx.msk [tilespmem:v5+s18+$0x0], $0xffff  }
0x1ae: {  	v9 =	vmov s21;
	v14 =	vor.u32 v1, v21;
	v5 =	vmov s22;
	v7 =	vld.idx.msk [tilespmem:v18+s17+$0x0], $0xffff  }
0x1af: {  	s20 =	sadd.s32 $0x8, s20;
	s21 =	sadd.s32 $0x1, s19;
	s22 =	sadd.s32 $0x2, s19;
	v18 =	vand.u32 $0x78, v22;
	v16 =	vadd.f32 v20, v16;
	v17 =	vmul.f32 v15, v17;
	v15 =	vld.idx.msk [tilespmem:v19+s18+$0x0], $0xffff  }
0x1b0: {  	_ = 	snop  }
0x1b1: {  	v18 =	vbroadcast v18, $0x0;
	v19 =	vmov s21;
	v20 =	vmov s22  }
0x1b2: {  	v4 =	vmul.f32 v8, v4;
	v9 =	vand.u32 $0x7B, v9;
	v19 =	vand.u32 $0x79, v19  }
0x1b3: {  	v5 =	vand.u32 $0x7C, v5;
	v38 =	vor.u32 v2, v18;
	v39 =	vbroadcast v19, $0x0  }
0x1b4: {  	v11 =	vld.idx.msk [tilespmem:v11+s17+$0x0], $0xffff;
	v16 =	vadd.f32 v17, v16;
	v40 =	vand.u32 $0x7A, v20;
	v18 =	vor.u32 v1, v18  }
0x1b5: {  	v37 =	vld.idx.msk [tilespmem:v12+s18+$0x0], $0xffff;
	v3 =	vand.u32 $0x7D, v3;
	v43 =	vbroadcast v40, $0x0;
	v42 =	vor.u32 v2, v39  }
0x1b6: {  	v13 =	vld.idx.msk [tilespmem:v13+s17+$0x0], $0xffff;
	v6 =	vmul.f32 v10, v6;
	v4 =	vadd.f32 v4, v16;
	v17 =	vor.u32 v1, v39  }
0x1b7: {  	v41 =	vld.idx.msk [tilespmem:v14+s18+$0x0], $0xffff;
	v9 =	vbroadcast v9, $0x0;
	v5 =	vbroadcast v5, $0x0;
	v45 =	vor.u32 v2, v43  }
0x1b8: {  	s20 =	sadd.s32 $0x6, s19;
	v44 =	vmul.f32 v15, v7;
	v46 =	vor.u32 v1, v43;
	v4 =	vadd.f32 v6, v4;
	v12 =	vld.idx.msk [tilespmem:v38+s17+$0x0], $0xffff  }
0x1b9: {  	v3 =	vbroadcast v3, $0x0;
	v53 =	vmov s20;
	v49 =	vor.u32 v2, v9;
	v48 =	vld.idx.msk [tilespmem:v18+s18+$0x0], $0xffff  }
0x1ba: {  	s22 =	sadd.s32 $0x7, s19;
	v9 =	vor.u32 v1, v9;
	v47 =	vmul.f32 v37, v11;
	v4 =	vadd.f32 v44, v4;
	v14 =	vld.idx.msk [tilespmem:v42+s17+$0x0], $0xffff  }
0x1bb: {  	v56 =	vmov s22;
	v52 =	vor.u32 v2, v5;
	v5 =	vor.u32 v1, v5;
	v51 =	vld.idx.msk [tilespmem:v17+s18+$0x0], $0xffff  }
0x1bc: {  	v16 =	vand.u32 $0x7E, v53;
	v50 =	vmul.f32 v41, v13;
	v4 =	vadd.f32 v47, v4;
	v7 =	vld.idx.msk [tilespmem:v45+s17+$0x0], $0xffff  }
0x1bd: {  	v55 =	vor.u32 v2, v3;
	v3 =	vor.u32 v1, v3;
	v16 =	vbroadcast v16, $0x0;
	v54 =	vld.idx.msk [tilespmem:v46+s18+$0x0], $0xffff  }
0x1be: {  	v11 =	vld.idx.msk [tilespmem:v49+s17+$0x0], $0xffff;
	v17 =	vand.u32 $0x7F, v56;
	v4 =	vadd.f32 v50, v4;
	v8 =	vmul.f32 v48, v12  }
0x1bf: {  	v57 =	vor.u32 v2, v16;
	v9 =	vld.idx.msk [tilespmem:v9+s18+$0x0], $0xffff;
	v17 =	vbroadcast v17, $0x0  }
0x1c0: {  	v16 =	vor.u32 v1, v16;
	v13 =	vld.idx.msk [tilespmem:v52+s17+$0x0], $0xffff;
	v4 =	vadd.f32 v8, v4;
	v58 =	vmul.f32 v51, v14  }
0x1c1: {  	v5 =	vld.idx.msk [tilespmem:v5+s18+$0x0], $0xffff;
	v2 =	vor.u32 v2, v17  }
0x1c2: {  	v59 =	vld.idx.msk [tilespmem:v55+s17+$0x0], $0xffff;
	v1 =	vor.u32 v1, v17;
	v6 =	vmul.f32 v54, v7;
	v4 =	vadd.f32 v58, v4  }
0x1c3: {  	v3 =	vld.idx.msk [tilespmem:v3+s18+$0x0], $0xffff  }
0x1c4: {  	v60 =	vld.idx.msk [tilespmem:v57+s17+$0x0], $0xffff;
	v61 =	vmul.f32 v9, v11;
	v4 =	vadd.f32 v6, v4  }
0x1c5: {  	v62 =	vld.idx.msk [tilespmem:v16+s18+$0x0], $0xffff  }
0x1c6: {  	v5 =	vmul.f32 v5, v13;
	v2 =	vld.idx.msk [tilespmem:v2+s17+$0x0], $0xffff;
	v4 =	vadd.f32 v61, v4  }
0x1c7: {  	v1 =	vld.idx.msk [tilespmem:v1+s18+$0x0], $0xffff  }
0x1c8: {  	v3 =	vmul.f32 v3, v59;
	v4 =	vadd.f32 v5, v4;
	_ =	sdelay $0x1  }
0x1c9: {  	s15 =	sadd.s32 $0x1, s15;
	v63 =	vmul.f32 v62, v60;
	v3 =	vadd.f32 v3, v4  }
0x1ca: {  	p0 =	sne.s32 s15, $0x20  }
.Ltmp2:
0x1cb: {  	v1 =	vmul.f32 v1, v2;
	v3 =	vadd.f32 v63, v3;
	(pc) =	sbr.rel @p0 .LBB2_2-.Ltmp2, $3  }
0x1cc: {  	_ = 	snop  }
0x1cd: {  	v1 =	vadd.f32 v1, v3;
	_ =	sdelay $0x1  }
0x1ce: {  	[tilespmem:s16+$0x18880] =	vst v1  }
0x1cf: {  	_ =	swait.ge [sflag:s4], $0x80  }
0x1d0: {  	[sflag:s4] =	ssyncset.done $0x0  }
0x1d1: {  	[sflag:s4] =	ssyncadd.s32 $0xFFFFFF80  }
0x1d2: {  	_ =	swait.ge [sflag:s4], $0x80  }
0x1d3: {  	[sflag:s4] =	ssyncset.done $0x0  }
0x1d4: {  	[sflag:s4] =	ssyncadd.s32 $0xFFFFFF80  }
0x1d5: {  	_ =	swait.ge [sflag:s4], $0x80  }
0x1d6: {  	[sflag:s4] =	ssyncset.done $0x0  }
0x1d7: {  	[sflag:s4] =	ssyncadd.s32 $0xFFFFFF80  }
0x1d8: {  	_ =	swait.ge [sflag:s4], $0x80  }
0x1d9: {  	[sflag:s4] =	ssyncset.done $0x0  }
0x1da: {  	[sflag:s4] =	ssyncadd.s32 $0xFFFFFF80  }
0x1db: {  	_ =	swait.ge [sflag:s4], $0x80  }
0x1dc: {  	[sflag:s4] =	ssyncset.done $0x0  }
0x1dd: {  	[sflag:s4] =	ssyncadd.s32 $0xFFFFFF80  }
0x1de: {  	_ =	swait.ge [sflag:s4], $0x80  }
0x1df: {  	[sflag:s4] =	ssyncset.done $0x0  }
0x1e0: {  	[sflag:s4] =	ssyncadd.s32 $0xFFFFFF80  }
0x1e1: {  	_ =	swait.ge [sflag:s4], $0x80  }
0x1e2: {  	[sflag:s4] =	ssyncset.done $0x0  }
0x1e3: {  	[sflag:s4] =	ssyncadd.s32 $0xFFFFFF80  }
0x1e4: {  	_ =	swait.ge [sflag:s4], $0x80  }
0x1e5: {  	[sflag:s4] =	ssyncset.done $0x0  }
0x1e6: {  	[sflag:s4] =	ssyncadd.s32 $0xFFFFFF80  }
0x1e7: {  	s15 =	simm.s32 $0x0;
	v1 =	vld [tilespmem:$0x18800]  }
0x1e8: {  	s16 =	simm.s32 $0x40;
	v2 =	vld [tilespmem:s15+$0x18400]  }
.LBB2_8:
0x1e9: {  	p0 =	sne.s32 s16, $0x7C0;
	v3 =	vld [tilespmem:s15+$0x18880];
	_ =	sdelay $0x1  }
0x1ea: {  	v4 =	vld [tilespmem:s15+$0x18600];
	_ =	sdelay $0x2  }
0x1eb: {  	v2 =	vadd.f32 v2, v3;
	_ =	sdelay $0x1  }
.Ltmp3:
0x1ec: {  	v2 =	vadd.f32 v4, v2;
	(pc) =	sbr.rel @p0 .LBB2_8-.Ltmp3, $4  }
0x1ed: {  	_ = 	snop  }
0x1ee: {  	v3 =	vadd.f32 v2, v1  }
0x1ef: {  	s17 =	sshra.s32 s16, $0x2  }
0x1f0: {  	s16 =	sadd.s32 $0x40, s16;
	v2 =	vld [tilespmem:s17+$0x18400];
	[tilespmem:s15+$0x18880] =	vst v3;
	s15 =	smov.u32 s17  }
0x1f1: {  	v3 =	vld [tilespmem:s15+$0x18880];
	_ =	sdelay $0x1  }
0x1f2: {  	v4 =	vld [tilespmem:s15+$0x18600];
	_ =	sdelay $0x2  }
0x1f3: {  	v2 =	vadd.f32 v2, v3;
	_ =	sdelay $0x1  }
0x1f4: {  	v2 =	vadd.f32 v4, v2;
	_ =	sdelay $0x1  }
0x1f5: {  	s13 =	sadd.s32 $0x1, s13;
	v1 =	vadd.f32 v2, v1  }
0x1f6: {  	p0 =	sne.s32 s13, s10  }
.Ltmp4:
0x1f7: {  	[tilespmem:s15+$0x18880] =	vst v1;
	(pc) =	sbr.rel @p0 .LBB2_1-.Ltmp4, $4  }
0x1f8: {  	[hbm4b:s9+s5] =	stream.linear.scatter [tilespmem:s3], [sflag:$0x8], $0x200, $0x38;
	[tilespmem:$0x18A80] =	vst v63  }
0x1f9: {  	_ =	swait.ge [sflag:s11], $0x200  }
0x1fa: {  	[sflag:s11] =	ssyncset.done $0x0  }
0x1fb: {  	[sflag:s11] =	ssyncadd.s32 $0xFFFFFE00  }
0x1fc: {  	_ =	sfence.sel $0x180000  }
0x1fd: {  	[bflag:$0x0] =	sbarrier.arrive $0xFFFF  }
0x1fe: {  	_ =	strace $0x90000047  }
0x1ff: {  	s0 =	stileid.u32;
	[bflag:$0x2] =	sbarrier.arrive $0xFFFF  }
0x200: {  	p0 =	sne.s32 s0, $0x0;
	s0 =	rddreg [dreg:$0x7]  }
0x201: {  	s0 =	sadd.s32 @!p0 $0x100000, s0  }
0x202: {  	[sflag:s0] =	ssyncadd.tile.s32 @!p0 $0x1;
	_ =	shalt  }
.Lfunc_end2:
_tile_overlayer_lowered:
.L_overlay_start_2:
0x203: {  	(tag) =	ssettag $0x2  }
0x204: {  	s0 =	rddreg [dreg:$0x0];
	s2 =	stileid.u32  }
0x205: {  	s1 =	rddreg [dreg:$0x1];
	p0 =	sne.s32 s2, $0x0  }
0x206: {  	s3 =	rddreg [dreg:$0x2];
	[bflag:$0x3] =	sbarrier.arrive $0xFFFF;
	s2 =	simm.s32 @!p0 $0x1C08  }
0x207: {  	[timem:s3], [sflag:s2] =	dma.local @!p0 [hbm:s0], s1  }
0x208: {  	s0 =	simm.s32 @!p0 $0x8  }
0x209: {  	_ =	swait.ge @!p0 [sflag:s0], s1  }
0x20a: {  	s1 =	ssub.s32 @!p0 $0x0, s1;
	[sflag:s0] =	ssyncset.done @!p0 $0x0  }
0x20b: {  	[sflag:s0] =	ssyncadd.s32 @!p0 s1  }
0x20c: {  	[bflag:$0x3] =	sbarrier.arrive $0xFFFF  }
0x20d: {  	_ =	shalt  }

</sc_bundles>
